<compile_context>
chip_gen: v7x
topology: tpu7x:2x2x1
jax: 0.10.2.dev20260603
libtpu: 0.0.44.dev20260713+nightly
codegen_flags: <defaults>
</compile_context>

<pallas_src>
import jax
import jax.numpy as jnp
from jax import lax
from jax.experimental import pallas as pl
from jax.experimental.pallas import tpu as pltpu
from jax.experimental.pallas import tpu_sc as plsc

N = 10000
NPAD = 10112
E = 320000
CHUNK = 128
C = 72
NSC = 2
NSUB = 16
NTILES = NSC * NSUB
NCH = 140
EPT = NCH * C
EPAD = EPT * NTILES
EALLOC = EPAD + 2 * C
STRIPE = NPAD // NSUB


_PIECES = [(k * CHUNK, min(CHUNK, STRIPE - k * CHUNK))
           for k in range((STRIPE + CHUNK - 1) // CHUNK)]


def _make_edge_scatter(d, nch0=NCH, nch1=NCH):
    mesh = plsc.VectorSubcoreMesh(core_axis_name="c", subcore_axis_name="s")
    out_type = [jax.ShapeDtypeStruct((NSC, NPAD, d), jnp.float32)]
    scratch = [
        pltpu.VMEM_SHARED((NPAD, d), jnp.float32),
        [pltpu.VMEM((C,), jnp.int32) for _ in range(4)],
        [pltpu.VMEM((C,), jnp.int32) for _ in range(4)],
        [pltpu.VMEM((C, d), jnp.float32) for _ in range(2)],
        pltpu.VMEM((CHUNK, d), jnp.float32),
        pltpu.SemaphoreType.DMA,
        [pltpu.SemaphoreType.DMA for _ in range(2)],
        [pltpu.SemaphoreType.DMA for _ in range(4)],
    ]

    def body(y, srcp, dstp, zrows, out, acc, sidx, didx, rows, zbuf,
             semg, sems, semi):
        c = lax.axis_index("c")
        s = lax.axis_index("s")
        wid = c * NSUB + s
        r0 = s * STRIPE
        pltpu.sync_copy(zrows.at[pl.ds(0, CHUNK)], zbuf)
        for off, ln in _PIECES:
            pltpu.sync_copy(zbuf.at[pl.ds(0, ln)], acc.at[pl.ds(r0 + off, ln)])
        plsc.subcore_barrier()

        base = jnp.where(c == 0, s * (C * nch0),
                         NSUB * C * nch0 + s * (C * nch1))
        nquad = jnp.where(c == 0, nch0 // 4, nch1 // 4)

        def issue_idx(p, chunk):
            b = base + chunk * C
            pltpu.async_copy(srcp.at[pl.ds(b, C)], sidx[p], semi[p])
            pltpu.async_copy(dstp.at[pl.ds(b, C)], didx[p], semi[p])

        def wait_idx(p):
            pltpu.make_async_copy(srcp.at[pl.ds(0, C)], sidx[p], semi[p]).wait()
            pltpu.make_async_copy(dstp.at[pl.ds(0, C)], didx[p], semi[p]).wait()

        def wait_scat(x):
            pltpu.make_async_copy(rows[x], acc.at[didx[0]], sems[x]).wait()

        for p in range(4):
            issue_idx(p, p)

        def quad(k, carry):
            for j in range(4):
                cix = 4 * k + j
                x = j % 2
                if j >= 2:
                    wait_scat(x)
                    issue_idx(j - 2, cix + 2)
                else:
                    @pl.when(k > 0)
                    def _():
                        wait_scat(x)
                        issue_idx(j + 2, cix + 2)
                wait_idx(j)
                pltpu.async_copy(y.at[sidx[j]], rows[x], semg).wait()
                pltpu.async_copy(rows[x], acc.at[didx[j]], sems[x], add=True)
            return carry

        lax.fori_loop(0, nquad, quad, 0)
        wait_scat(0)
        wait_scat(1)
        wait_idx(0)
        wait_idx(1)
        plsc.subcore_barrier()

        for off, ln in _PIECES:
            pltpu.sync_copy(acc.at[pl.ds(r0 + off, ln)], zbuf.at[pl.ds(0, ln)])
            pltpu.sync_copy(zbuf.at[pl.ds(0, ln)],
                            out.at[c, pl.ds(r0 + off, ln)])

    return pl.kernel(body, out_type=out_type, mesh=mesh, scratch_types=scratch)


CW = 128


def _make_cnt_kernel():
    mesh = plsc.VectorSubcoreMesh(core_axis_name="c", subcore_axis_name="s")
    out_type = [jax.ShapeDtypeStruct((NSC, NPAD, CW), jnp.float32)]
    scratch = [
        pltpu.VMEM_SHARED((NPAD, CW), jnp.float32),
        [pltpu.VMEM((C,), jnp.int32) for _ in range(4)],
        pltpu.VMEM((C, CW), jnp.float32),
        pltpu.VMEM((CHUNK, CW), jnp.float32),
        [pltpu.SemaphoreType.DMA for _ in range(4)],
        [pltpu.SemaphoreType.DMA for _ in range(2)],
    ]

    def body(dstp, z16, ones_in, cnt_out, acc16, didx, ones_v, b16,
             semi, sems):
        c = lax.axis_index("c")
        s = lax.axis_index("s")
        wid = c * NSUB + s
        r0 = s * STRIPE
        pltpu.sync_copy(z16.at[pl.ds(0, CHUNK)], b16)
        for off, ln in _PIECES:
            pltpu.sync_copy(b16.at[pl.ds(0, ln)], acc16.at[pl.ds(r0 + off, ln)])
        pltpu.sync_copy(ones_in, ones_v)
        plsc.subcore_barrier()

        base = wid * EPT

        def issue_idx(p, chunk):
            pltpu.async_copy(dstp.at[pl.ds(base + chunk * C, C)],
                             didx[p], semi[p])

        def wait_idx(p):
            pltpu.make_async_copy(dstp.at[pl.ds(0, C)], didx[p],
                                  semi[p]).wait()

        def wait_scat(x):
            pltpu.make_async_copy(ones_v, acc16.at[didx[0]], sems[x]).wait()

        for p in range(4):
            issue_idx(p, p)

        def quad(k, carry):
            for j in range(4):
                cix = 4 * k + j
                x = j % 2
                if j >= 2:
                    wait_scat(x)
                    issue_idx(j - 2, cix + 2)
                else:
                    @pl.when(k > 0)
                    def _():
                        wait_scat(x)
                        issue_idx(j + 2, cix + 2)
                wait_idx(j)
                pltpu.async_copy(ones_v, acc16.at[didx[j]], sems[x], add=True)
            return carry

        lax.fori_loop(0, NCH // 4, quad, 0)
        wait_scat(0)
        wait_scat(1)
        wait_idx(0)
        wait_idx(1)
        plsc.subcore_barrier()

        for off, ln in _PIECES:
            pltpu.sync_copy(acc16.at[pl.ds(r0 + off, ln)], b16.at[pl.ds(0, ln)])
            pltpu.sync_copy(b16.at[pl.ds(0, ln)],
                            cnt_out.at[c, pl.ds(r0 + off, ln)])

    return pl.kernel(body, out_type=out_type, mesh=mesh, scratch_types=scratch)


def _softplus(x):
    return jnp.maximum(x, 0.0) + jnp.log(1.0 + jnp.exp(-jnp.abs(x)))


def _mish(x):
    return x * jnp.tanh(_softplus(x))


def _tc_prep_body(x_ref, wl_ref, wr_ref, bl_ref, y_ref, z_ref):
    xx = x_ref[...]
    y_ref[...] = jnp.dot(xx, wl_ref[...], preferred_element_type=jnp.float32)
    z_ref[...] = (jnp.dot(xx, wr_ref[...], preferred_element_type=jnp.float32)
                  + bl_ref[...])


def _norm_act(s_ref, c_ref, z_ref, g_ref, b_ref):
    s = s_ref[...]
    cc = c_ref[...]
    cnt = cc[0, :N, :1] + cc[1, :N, :1]
    h = (s[0, :N] + s[1, :N]) / jnp.maximum(cnt, 1.0) + z_ref[...]
    m = jnp.mean(h, axis=0, keepdims=True)
    v = jnp.mean((h - m) ** 2, axis=0, keepdims=True)
    return (h - m) * lax.rsqrt(v + 1e-5) * g_ref[...] + b_ref[...]


def _tc_mid_body(s_ref, c_ref, z_ref, g_ref, b_ref, wl_ref, wr_ref, bl_ref,
                 y_ref, z2_ref):
    a = _mish(_norm_act(s_ref, c_ref, z_ref, g_ref, b_ref))
    y_ref[...] = jnp.dot(a, wl_ref[...], preferred_element_type=jnp.float32)
    z2_ref[...] = (jnp.dot(a, wr_ref[...], preferred_element_type=jnp.float32)
                   + bl_ref[...])


def _tc_fin_body(s_ref, c_ref, z_ref, g_ref, b_ref,
                 pw1_ref, pb1_ref, pw2_ref, pb2_ref,
                 aw1_ref, ab1_ref, aw2_ref, ab2_ref,
                 pred_ref, emb_ref, aux_ref):
    s = s_ref[...]
    cc = c_ref[...]
    cnt = cc[0, :N, :1] + cc[1, :N, :1]
    h = (s[0, :N, :64] + s[1, :N, :64]) / jnp.maximum(cnt, 1.0) + z_ref[...]
    m = jnp.mean(h, axis=0, keepdims=True)
    v = jnp.mean((h - m) ** 2, axis=0, keepdims=True)
    emb = (h - m) * lax.rsqrt(v + 1e-5) * g_ref[...] + b_ref[...]
    emb_ref[...] = emb
    t = _mish(jnp.dot(emb, pw1_ref[...], preferred_element_type=jnp.float32)
              + pb1_ref[...])
    pred_ref[...] = (jnp.dot(t, pw2_ref[...], preferred_element_type=jnp.float32)
                     + pb2_ref[...])
    u = _mish(jnp.dot(emb, aw1_ref[...], preferred_element_type=jnp.float32)
              + ab1_ref[...])
    aux_ref[...] = (jnp.dot(u, aw2_ref[...], preferred_element_type=jnp.float32)
                    + ab2_ref[...])


def _f32(*shape):
    return jax.ShapeDtypeStruct(shape, jnp.float32)


def kernel(x, edge_index, conv0_Wl, conv0_bl, conv0_Wr, bn0_g, bn0_b,
           conv1_Wl, conv1_bl, conv1_Wr, bn1_g, bn1_b,
           conv2_Wl, conv2_bl, conv2_Wr, bn2_g, bn2_b,
           pred_W1, pred_b1, pred_W2, pred_b2,
           aux_W1, aux_b1, aux_W2, aux_b2):
    src = edge_index[0].astype(jnp.int32)
    dst = edge_index[1].astype(jnp.int32)
    pad = EALLOC - E
    src_p = jnp.concatenate([src, jnp.zeros((pad,), jnp.int32)])
    dst_p = jnp.concatenate([dst, jnp.full((pad,), N, jnp.int32)])
    z128 = jnp.zeros((NPAD, 128), jnp.float32)
    zcw = jnp.zeros((NPAD, CW), jnp.float32)
    onescw = jnp.ones((C, CW), jnp.float32)

    scat = _make_edge_scatter(128, nch0=200, nch1=80)
    cntk = _make_cnt_kernel()

    (c0,) = cntk(dst_p, zcw, onescw)

    y0, z0 = pl.pallas_call(
        _tc_prep_body,
        out_shape=[_f32(N, 128), _f32(N, 128)],
    )(x, conv0_Wl.T, conv0_Wr.T, conv0_bl[None, :])

    (s0,) = scat(y0, src_p, dst_p, z128)

    y1, z1 = pl.pallas_call(
        _tc_mid_body,
        out_shape=[_f32(N, 128), _f32(N, 128)],
    )(s0, c0, z0, bn0_g[None, :], bn0_b[None, :], conv1_Wl.T, conv1_Wr.T,
      conv1_bl[None, :])

    (s1,) = scat(y1, src_p, dst_p, z128)

    wl2T_pad = jnp.pad(conv2_Wl.T, ((0, 0), (0, 64)))
    y2, z2 = pl.pallas_call(
        _tc_mid_body,
        out_shape=[_f32(N, 128), _f32(N, 64)],
    )(s1, c0, z1, bn1_g[None, :], bn1_b[None, :], wl2T_pad, conv2_Wr.T,
      conv2_bl[None, :])

    (s2,) = scat(y2, src_p, dst_p, z128)

    pred, emb, aux = pl.pallas_call(
        _tc_fin_body,
        out_shape=[_f32(N, 1), _f32(N, 64), _f32(N, 1)],
    )(s2, c0, z2, bn2_g[None, :], bn2_b[None, :],
      pred_W1.T, pred_b1[None, :], pred_W2.T, pred_b2[None, :],
      aux_W1.T, aux_b1[None, :], aux_W2.T, aux_b2[None, :])

    return (pred, emb, aux)

# --- scband reference (transcript-rebuilt; emitter-appended) ---
"""Pipeline reference for scband-survival-gnn-32134945309202 (READ-ONLY COPY).

The authoritative reference and input builder live on the scoring server;
editing this copy changes nothing except your own understanding.
"""

import jax, jax.numpy as jnp
import numpy as np

N = 10000
E = 320000
D_IN = 128
D_HID = 128
D_OUT = 64


def mish(x):
    return x * jnp.tanh(jax.nn.softplus(x))


def sage_conv(x, src, dst, Wl, bl, Wr):
    n = x.shape[0]
    msg = jnp.take(x, src, axis=0)
    agg = jax.ops.segment_sum(msg, dst, num_segments=n)
    cnt = jax.ops.segment_sum(jnp.ones((src.shape[0],), dtype=x.dtype), dst, num_segments=n)
    agg = agg / jnp.clip(cnt, 1.0)[:, None]
    return agg @ Wl.T + bl + x @ Wr.T


def batch_norm(x, g, b, eps=1e-5):
    m = jnp.mean(x, axis=0)
    v = jnp.mean((x - m) ** 2, axis=0)
    return (x - m) / jnp.sqrt(v + eps) * g + b


def setup_inputs(seed: int = 0):
    key = jax.random.key(seed)
    ks = jax.random.split(key, 24)

    def xavier(k, shape):
        fan_out, fan_in = shape
        std = (2.0 / (fan_in + fan_out)) ** 0.5
        return jax.random.normal(k, shape, dtype=jnp.float32) * std

    inp = {}
    inp['x'] = jax.random.normal(ks[0], (N, D_IN), dtype=jnp.float32)
    inp['edge_index'] = jax.random.randint(ks[1], (2, E), 0, N)
    dims = [(D_HID, D_IN), (D_HID, D_HID), (D_OUT, D_HID)]
    j = 2
    for i, (o, ic) in enumerate(dims):
        inp[f'conv{i}_Wl'] = xavier(ks[j], (o, ic)); j += 1
        inp[f'conv{i}_bl'] = jnp.zeros((o,), dtype=jnp.float32)
        inp[f'conv{i}_Wr'] = xavier(ks[j], (o, ic)); j += 1
        inp[f'bn{i}_g'] = jnp.ones((o,), dtype=jnp.float32)
        inp[f'bn{i}_b'] = jnp.zeros((o,), dtype=jnp.float32)
    inp['pred_W1'] = xavier(ks[j], (D_HID, D_OUT)); j += 1
    inp['pred_b1'] = jnp.zeros((D_HID,), dtype=jnp.float32)
    inp['pred_W2'] = xavier(ks[j], (1, D_HID)); j += 1
    inp['pred_b2'] = jnp.zeros((1,), dtype=jnp.float32)
    inp['aux_W1'] = xavier(ks[j], (D_HID // 2, D_OUT)); j += 1
    inp['aux_b1'] = jnp.zeros((D_HID // 2,), dtype=jnp.float32)
    inp['aux_W2'] = xavier(ks[j], (1, D_HID // 2)); j += 1
    inp['aux_b2'] = jnp.zeros((1,), dtype=jnp.float32)
    return inp


def reference(x, edge_index, conv0_Wl, conv0_bl, conv0_Wr, bn0_g, bn0_b,
              conv1_Wl, conv1_bl, conv1_Wr, bn1_g, bn1_b,
              conv2_Wl, conv2_bl, conv2_Wr, bn2_g, bn2_b,
              pred_W1, pred_b1, pred_W2, pred_b2,
              aux_W1, aux_b1, aux_W2, aux_b2):
    src, dst = edge_index[0], edge_index[1]
    h = sage_conv(x, src, dst, conv0_Wl, conv0_bl, conv0_Wr)
    h = mish(batch_norm(h, bn0_g, bn0_b))
    h = sage_conv(h, src, dst, conv1_Wl, conv1_bl, conv1_Wr)
    h = mish(batch_norm(h, bn1_g, bn1_b))
    h = sage_conv(h, src, dst, conv2_Wl, conv2_bl, conv2_Wr)
    emb = batch_norm(h, bn2_g, bn2_b)
    pred = mish(emb @ pred_W1.T + pred_b1) @ pred_W2.T + pred_b2
    aux = mish(emb @ aux_W1.T + aux_b1) @ aux_W2.T + aux_b2
    return (pred, emb, aux)

if __name__ == "__main__":
    import jax
    _d = setup_inputs()
    print(jax.jit(kernel)(*tuple(_d.values())))

</pallas_src>

<mosaic_0001>
#map = affine_map<(d0, d1) -> (0, 0)>
#map1 = affine_map<(d0, d1) -> (0)>
#map2 = affine_map<(d0, d1) -> (0, 0, 0)>
module attributes {stable_mosaic.version = 14 : i64} {
  func.func @body(%arg0: i32, %arg1: i32, %arg2: memref<10000x128xf32, #tpu.memory_space<hbm>>, %arg3: memref<322704xi32, #tpu.memory_space<hbm>>, %arg4: memref<322704xi32, #tpu.memory_space<hbm>>, %arg5: memref<10112x128xf32, #tpu.memory_space<hbm>>, %arg6: memref<2x10112x128xf32, #tpu.memory_space<hbm>>, %arg7: memref<10112x128xf32, #tpu.memory_space<vmem_shared>>, %arg8: memref<72xi32, #tpu.memory_space<vmem>>, %arg9: memref<72xi32, #tpu.memory_space<vmem>>, %arg10: memref<72xi32, #tpu.memory_space<vmem>>, %arg11: memref<72xi32, #tpu.memory_space<vmem>>, %arg12: memref<72xi32, #tpu.memory_space<vmem>>, %arg13: memref<72xi32, #tpu.memory_space<vmem>>, %arg14: memref<72xi32, #tpu.memory_space<vmem>>, %arg15: memref<72xi32, #tpu.memory_space<vmem>>, %arg16: memref<72x128xf32, #tpu.memory_space<vmem>>, %arg17: memref<72x128xf32, #tpu.memory_space<vmem>>, %arg18: memref<128x128xf32, #tpu.memory_space<vmem>>, %arg19: memref<!tpu.dma_semaphore, #tpu.memory_space<semaphore_mem>>, %arg20: memref<!tpu.dma_semaphore, #tpu.memory_space<semaphore_mem>>, %arg21: memref<!tpu.dma_semaphore, #tpu.memory_space<semaphore_mem>>, %arg22: memref<!tpu.dma_semaphore, #tpu.memory_space<semaphore_mem>>, %arg23: memref<!tpu.dma_semaphore, #tpu.memory_space<semaphore_mem>>, %arg24: memref<!tpu.dma_semaphore, #tpu.memory_space<semaphore_mem>>, %arg25: memref<!tpu.dma_semaphore, #tpu.memory_space<semaphore_mem>>) attributes {dimension_semantics = [#tpu.dimension_semantics<core_parallel>, #tpu.dimension_semantics<subcore_parallel>], iteration_bounds = array<i64: 2, 16>, scalar_prefetch = 0 : i64, scratch_operands = 19 : i64, tpu.core_type = #tpu.core_type<sc_vector_subcore>, window_params = [{transform_indices = #map}, {transform_indices = #map1}, {transform_indices = #map1}, {transform_indices = #map}, {transform_indices = #map2}]} {
    %mul3A = arith.constant 16 : i32
    %mul3A_0 = arith.muli %arg0, %mul3A : i32
    %add3A = arith.addi %mul3A_0, %arg1 : i32
    %mul3A_1 = arith.constant 632 : i32
    %mul3A_2 = arith.muli %arg1, %mul3A_1 : i32
    "tpu.region"() ({
      %run_scoped3A = tpu.sem_alloc : memref<!tpu.dma_semaphore, #tpu.memory_space<semaphore_mem>>
      %dma_start3A_98 = arith.constant 0 : i32
      %dma_start3A_99 = arith.constant 0 : i32
      %dma_start3A_100 = tpu.memref_slice %arg5[%dma_start3A_98, %dma_start3A_99] : memref<10112x128xf32, #tpu.memory_space<hbm>> -> memref<128x128xf32, #tpu.memory_space<hbm>>
      %dma_start3A_101 = arith.constant 0 : i32
      %dma_start3A_102 = arith.constant 0 : i32
      %dma_start3A_103 = tpu.memref_slice %arg5[%dma_start3A_101, %dma_start3A_102] : memref<10112x128xf32, #tpu.memory_space<hbm>> -> memref<128x128xf32, #tpu.memory_space<hbm>>
      tpu.enqueue_dma source(%dma_start3A_103 : memref<128x128xf32, #tpu.memory_space<hbm>>) target(%arg18 : memref<128x128xf32, #tpu.memory_space<vmem>>) target_semaphore(%run_scoped3A : memref<!tpu.dma_semaphore, #tpu.memory_space<semaphore_mem>>)
      %dma_wait3A_104 = arith.constant 0 : i32
      %dma_wait3A_105 = arith.constant 0 : i32
      %dma_wait3A_106 = tpu.memref_slice %arg5[%dma_wait3A_104, %dma_wait3A_105] : memref<10112x128xf32, #tpu.memory_space<hbm>> -> memref<128x128xf32, #tpu.memory_space<hbm>>
      %dma_wait3A_107 = arith.constant 0 : i32
      %dma_wait3A_108 = arith.constant 0 : i32
      %dma_wait3A_109 = tpu.memref_slice %arg5[%dma_wait3A_107, %dma_wait3A_108] : memref<10112x128xf32, #tpu.memory_space<hbm>> -> memref<128x128xf32, #tpu.memory_space<hbm>>
      tpu.wait_dma2 semaphore(%run_scoped3A : memref<!tpu.dma_semaphore, #tpu.memory_space<semaphore_mem>>) src(%dma_wait3A_109 : memref<128x128xf32, #tpu.memory_space<hbm>>) dst(%arg18 : memref<128x128xf32, #tpu.memory_space<vmem>>)
      tpu.yield
    }) : () -> ()
    %add3A_3 = arith.constant 0 : i32
    %add3A_4 = arith.addi %mul3A_2, %add3A_3 : i32
    "tpu.region"() ({
      %run_scoped3A = tpu.sem_alloc : memref<!tpu.dma_semaphore, #tpu.memory_space<semaphore_mem>>
      %dma_start3A_98 = arith.constant 0 : i32
      %dma_start3A_99 = arith.constant 0 : i32
      %dma_start3A_100 = tpu.memref_slice %arg18[%dma_start3A_98, %dma_start3A_99] : memref<128x128xf32, #tpu.memory_space<vmem>> -> memref<128x128xf32, #tpu.memory_space<vmem>>
      %dma_start3A_101 = arith.constant 0 : i32
      %dma_start3A_102 = tpu.memref_slice %arg7[%add3A_4, %dma_start3A_101] : memref<10112x128xf32, #tpu.memory_space<vmem_shared>> -> memref<128x128xf32, #tpu.memory_space<vmem_shared>>
      %dma_start3A_103 = arith.constant 0 : i32
      %dma_start3A_104 = tpu.memref_slice %arg7[%add3A_4, %dma_start3A_103] : memref<10112x128xf32, #tpu.memory_space<vmem_shared>> -> memref<128x128xf32, #tpu.memory_space<vmem_shared>>
      %dma_start3A_105 = arith.constant 0 : i32
      %dma_start3A_106 = arith.constant 0 : i32
      %dma_start3A_107 = tpu.memref_slice %arg18[%dma_start3A_105, %dma_start3A_106] : memref<128x128xf32, #tpu.memory_space<vmem>> -> memref<128x128xf32, #tpu.memory_space<vmem>>
      tpu.enqueue_dma source(%dma_start3A_107 : memref<128x128xf32, #tpu.memory_space<vmem>>) target(%dma_start3A_104 : memref<128x128xf32, #tpu.memory_space<vmem_shared>>) target_semaphore(%run_scoped3A : memref<!tpu.dma_semaphore, #tpu.memory_space<semaphore_mem>>)
      %dma_wait3A_108 = arith.constant 0 : i32
      %dma_wait3A_109 = arith.constant 0 : i32
      %dma_wait3A_110 = tpu.memref_slice %arg18[%dma_wait3A_108, %dma_wait3A_109] : memref<128x128xf32, #tpu.memory_space<vmem>> -> memref<128x128xf32, #tpu.memory_space<vmem>>
      %dma_wait3A_111 = arith.constant 0 : i32
      %dma_wait3A_112 = tpu.memref_slice %arg7[%add3A_4, %dma_wait3A_111] : memref<10112x128xf32, #tpu.memory_space<vmem_shared>> -> memref<128x128xf32, #tpu.memory_space<vmem_shared>>
      %dma_wait3A_113 = arith.constant 0 : i32
      %dma_wait3A_114 = tpu.memref_slice %arg7[%add3A_4, %dma_wait3A_113] : memref<10112x128xf32, #tpu.memory_space<vmem_shared>> -> memref<128x128xf32, #tpu.memory_space<vmem_shared>>
      %dma_wait3A_115 = arith.constant 0 : i32
      %dma_wait3A_116 = arith.constant 0 : i32
      %dma_wait3A_117 = tpu.memref_slice %arg18[%dma_wait3A_115, %dma_wait3A_116] : memref<128x128xf32, #tpu.memory_space<vmem>> -> memref<128x128xf32, #tpu.memory_space<vmem>>
      tpu.wait_dma2 semaphore(%run_scoped3A : memref<!tpu.dma_semaphore, #tpu.memory_space<semaphore_mem>>) src(%dma_wait3A_117 : memref<128x128xf32, #tpu.memory_space<vmem>>) dst(%dma_wait3A_114 : memref<128x128xf32, #tpu.memory_space<vmem_shared>>)
      tpu.yield
    }) : () -> ()
    %add3A_5 = arith.constant 128 : i32
    %add3A_6 = arith.addi %mul3A_2, %add3A_5 : i32
    "tpu.region"() ({
      %run_scoped3A = tpu.sem_alloc : memref<!tpu.dma_semaphore, #tpu.memory_space<semaphore_mem>>
      %dma_start3A_98 = arith.constant 0 : i32
      %dma_start3A_99 = arith.constant 0 : i32
      %dma_start3A_100 = tpu.memref_slice %arg18[%dma_start3A_98, %dma_start3A_99] : memref<128x128xf32, #tpu.memory_space<vmem>> -> memref<128x128xf32, #tpu.memory_space<vmem>>
      %dma_start3A_101 = arith.constant 0 : i32
      %dma_start3A_102 = tpu.memref_slice %arg7[%add3A_6, %dma_start3A_101] : memref<10112x128xf32, #tpu.memory_space<vmem_shared>> -> memref<128x128xf32, #tpu.memory_space<vmem_shared>>
      %dma_start3A_103 = arith.constant 0 : i32
      %dma_start3A_104 = tpu.memref_slice %arg7[%add3A_6, %dma_start3A_103] : memref<10112x128xf32, #tpu.memory_space<vmem_shared>> -> memref<128x128xf32, #tpu.memory_space<vmem_shared>>
      %dma_start3A_105 = arith.constant 0 : i32
      %dma_start3A_106 = arith.constant 0 : i32
      %dma_start3A_107 = tpu.memref_slice %arg18[%dma_start3A_105, %dma_start3A_106] : memref<128x128xf32, #tpu.memory_space<vmem>> -> memref<128x128xf32, #tpu.memory_space<vmem>>
      tpu.enqueue_dma source(%dma_start3A_107 : memref<128x128xf32, #tpu.memory_space<vmem>>) target(%dma_start3A_104 : memref<128x128xf32, #tpu.memory_space<vmem_shared>>) target_semaphore(%run_scoped3A : memref<!tpu.dma_semaphore, #tpu.memory_space<semaphore_mem>>)
      %dma_wait3A_108 = arith.constant 0 : i32
      %dma_wait3A_109 = arith.constant 0 : i32
      %dma_wait3A_110 = tpu.memref_slice %arg18[%dma_wait3A_108, %dma_wait3A_109] : memref<128x128xf32, #tpu.memory_space<vmem>> -> memref<128x128xf32, #tpu.memory_space<vmem>>
      %dma_wait3A_111 = arith.constant 0 : i32
      %dma_wait3A_112 = tpu.memref_slice %arg7[%add3A_6, %dma_wait3A_111] : memref<10112x128xf32, #tpu.memory_space<vmem_shared>> -> memref<128x128xf32, #tpu.memory_space<vmem_shared>>
      %dma_wait3A_113 = arith.constant 0 : i32
      %dma_wait3A_114 = tpu.memref_slice %arg7[%add3A_6, %dma_wait3A_113] : memref<10112x128xf32, #tpu.memory_space<vmem_shared>> -> memref<128x128xf32, #tpu.memory_space<vmem_shared>>
      %dma_wait3A_115 = arith.constant 0 : i32
      %dma_wait3A_116 = arith.constant 0 : i32
      %dma_wait3A_117 = tpu.memref_slice %arg18[%dma_wait3A_115, %dma_wait3A_116] : memref<128x128xf32, #tpu.memory_space<vmem>> -> memref<128x128xf32, #tpu.memory_space<vmem>>
      tpu.wait_dma2 semaphore(%run_scoped3A : memref<!tpu.dma_semaphore, #tpu.memory_space<semaphore_mem>>) src(%dma_wait3A_117 : memref<128x128xf32, #tpu.memory_space<vmem>>) dst(%dma_wait3A_114 : memref<128x128xf32, #tpu.memory_space<vmem_shared>>)
      tpu.yield
    }) : () -> ()
    %add3A_7 = arith.constant 256 : i32
    %add3A_8 = arith.addi %mul3A_2, %add3A_7 : i32
    "tpu.region"() ({
      %run_scoped3A = tpu.sem_alloc : memref<!tpu.dma_semaphore, #tpu.memory_space<semaphore_mem>>
      %dma_start3A_98 = arith.constant 0 : i32
      %dma_start3A_99 = arith.constant 0 : i32
      %dma_start3A_100 = tpu.memref_slice %arg18[%dma_start3A_98, %dma_start3A_99] : memref<128x128xf32, #tpu.memory_space<vmem>> -> memref<128x128xf32, #tpu.memory_space<vmem>>
      %dma_start3A_101 = arith.constant 0 : i32
      %dma_start3A_102 = tpu.memref_slice %arg7[%add3A_8, %dma_start3A_101] : memref<10112x128xf32, #tpu.memory_space<vmem_shared>> -> memref<128x128xf32, #tpu.memory_space<vmem_shared>>
      %dma_start3A_103 = arith.constant 0 : i32
      %dma_start3A_104 = tpu.memref_slice %arg7[%add3A_8, %dma_start3A_103] : memref<10112x128xf32, #tpu.memory_space<vmem_shared>> -> memref<128x128xf32, #tpu.memory_space<vmem_shared>>
      %dma_start3A_105 = arith.constant 0 : i32
      %dma_start3A_106 = arith.constant 0 : i32
      %dma_start3A_107 = tpu.memref_slice %arg18[%dma_start3A_105, %dma_start3A_106] : memref<128x128xf32, #tpu.memory_space<vmem>> -> memref<128x128xf32, #tpu.memory_space<vmem>>
      tpu.enqueue_dma source(%dma_start3A_107 : memref<128x128xf32, #tpu.memory_space<vmem>>) target(%dma_start3A_104 : memref<128x128xf32, #tpu.memory_space<vmem_shared>>) target_semaphore(%run_scoped3A : memref<!tpu.dma_semaphore, #tpu.memory_space<semaphore_mem>>)
      %dma_wait3A_108 = arith.constant 0 : i32
      %dma_wait3A_109 = arith.constant 0 : i32
      %dma_wait3A_110 = tpu.memref_slice %arg18[%dma_wait3A_108, %dma_wait3A_109] : memref<128x128xf32, #tpu.memory_space<vmem>> -> memref<128x128xf32, #tpu.memory_space<vmem>>
      %dma_wait3A_111 = arith.constant 0 : i32
      %dma_wait3A_112 = tpu.memref_slice %arg7[%add3A_8, %dma_wait3A_111] : memref<10112x128xf32, #tpu.memory_space<vmem_shared>> -> memref<128x128xf32, #tpu.memory_space<vmem_shared>>
      %dma_wait3A_113 = arith.constant 0 : i32
      %dma_wait3A_114 = tpu.memref_slice %arg7[%add3A_8, %dma_wait3A_113] : memref<10112x128xf32, #tpu.memory_space<vmem_shared>> -> memref<128x128xf32, #tpu.memory_space<vmem_shared>>
      %dma_wait3A_115 = arith.constant 0 : i32
      %dma_wait3A_116 = arith.constant 0 : i32
      %dma_wait3A_117 = tpu.memref_slice %arg18[%dma_wait3A_115, %dma_wait3A_116] : memref<128x128xf32, #tpu.memory_space<vmem>> -> memref<128x128xf32, #tpu.memory_space<vmem>>
      tpu.wait_dma2 semaphore(%run_scoped3A : memref<!tpu.dma_semaphore, #tpu.memory_space<semaphore_mem>>) src(%dma_wait3A_117 : memref<128x128xf32, #tpu.memory_space<vmem>>) dst(%dma_wait3A_114 : memref<128x128xf32, #tpu.memory_space<vmem_shared>>)
      tpu.yield
    }) : () -> ()
    %add3A_9 = arith.constant 384 : i32
    %add3A_10 = arith.addi %mul3A_2, %add3A_9 : i32
    "tpu.region"() ({
      %run_scoped3A = tpu.sem_alloc : memref<!tpu.dma_semaphore, #tpu.memory_space<semaphore_mem>>
      %dma_start3A_98 = arith.constant 0 : i32
      %dma_start3A_99 = arith.constant 0 : i32
      %dma_start3A_100 = tpu.memref_slice %arg18[%dma_start3A_98, %dma_start3A_99] : memref<128x128xf32, #tpu.memory_space<vmem>> -> memref<128x128xf32, #tpu.memory_space<vmem>>
      %dma_start3A_101 = arith.constant 0 : i32
      %dma_start3A_102 = tpu.memref_slice %arg7[%add3A_10, %dma_start3A_101] : memref<10112x128xf32, #tpu.memory_space<vmem_shared>> -> memref<128x128xf32, #tpu.memory_space<vmem_shared>>
      %dma_start3A_103 = arith.constant 0 : i32
      %dma_start3A_104 = tpu.memref_slice %arg7[%add3A_10, %dma_start3A_103] : memref<10112x128xf32, #tpu.memory_space<vmem_shared>> -> memref<128x128xf32, #tpu.memory_space<vmem_shared>>
      %dma_start3A_105 = arith.constant 0 : i32
      %dma_start3A_106 = arith.constant 0 : i32
      %dma_start3A_107 = tpu.memref_slice %arg18[%dma_start3A_105, %dma_start3A_106] : memref<128x128xf32, #tpu.memory_space<vmem>> -> memref<128x128xf32, #tpu.memory_space<vmem>>
      tpu.enqueue_dma source(%dma_start3A_107 : memref<128x128xf32, #tpu.memory_space<vmem>>) target(%dma_start3A_104 : memref<128x128xf32, #tpu.memory_space<vmem_shared>>) target_semaphore(%run_scoped3A : memref<!tpu.dma_semaphore, #tpu.memory_space<semaphore_mem>>)
      %dma_wait3A_108 = arith.constant 0 : i32
      %dma_wait3A_109 = arith.constant 0 : i32
      %dma_wait3A_110 = tpu.memref_slice %arg18[%dma_wait3A_108, %dma_wait3A_109] : memref<128x128xf32, #tpu.memory_space<vmem>> -> memref<128x128xf32, #tpu.memory_space<vmem>>
      %dma_wait3A_111 = arith.constant 0 : i32
      %dma_wait3A_112 = tpu.memref_slice %arg7[%add3A_10, %dma_wait3A_111] : memref<10112x128xf32, #tpu.memory_space<vmem_shared>> -> memref<128x128xf32, #tpu.memory_space<vmem_shared>>
      %dma_wait3A_113 = arith.constant 0 : i32
      %dma_wait3A_114 = tpu.memref_slice %arg7[%add3A_10, %dma_wait3A_113] : memref<10112x128xf32, #tpu.memory_space<vmem_shared>> -> memref<128x128xf32, #tpu.memory_space<vmem_shared>>
      %dma_wait3A_115 = arith.constant 0 : i32
      %dma_wait3A_116 = arith.constant 0 : i32
      %dma_wait3A_117 = tpu.memref_slice %arg18[%dma_wait3A_115, %dma_wait3A_116] : memref<128x128xf32, #tpu.memory_space<vmem>> -> memref<128x128xf32, #tpu.memory_space<vmem>>
      tpu.wait_dma2 semaphore(%run_scoped3A : memref<!tpu.dma_semaphore, #tpu.memory_space<semaphore_mem>>) src(%dma_wait3A_117 : memref<128x128xf32, #tpu.memory_space<vmem>>) dst(%dma_wait3A_114 : memref<128x128xf32, #tpu.memory_space<vmem_shared>>)
      tpu.yield
    }) : () -> ()
    %add3A_11 = arith.constant 512 : i32
    %add3A_12 = arith.addi %mul3A_2, %add3A_11 : i32
    "tpu.region"() ({
      %run_scoped3A = tpu.sem_alloc : memref<!tpu.dma_semaphore, #tpu.memory_space<semaphore_mem>>
      %dma_start3A_98 = arith.constant 0 : i32
      %dma_start3A_99 = arith.constant 0 : i32
      %dma_start3A_100 = tpu.memref_slice %arg18[%dma_start3A_98, %dma_start3A_99] : memref<128x128xf32, #tpu.memory_space<vmem>> -> memref<120x128xf32, #tpu.memory_space<vmem>>
      %dma_start3A_101 = arith.constant 0 : i32
      %dma_start3A_102 = tpu.memref_slice %arg7[%add3A_12, %dma_start3A_101] : memref<10112x128xf32, #tpu.memory_space<vmem_shared>> -> memref<120x128xf32, #tpu.memory_space<vmem_shared>>
      %dma_start3A_103 = arith.constant 0 : i32
      %dma_start3A_104 = tpu.memref_slice %arg7[%add3A_12, %dma_start3A_103] : memref<10112x128xf32, #tpu.memory_space<vmem_shared>> -> memref<120x128xf32, #tpu.memory_space<vmem_shared>>
      %dma_start3A_105 = arith.constant 0 : i32
      %dma_start3A_106 = arith.constant 0 : i32
      %dma_start3A_107 = tpu.memref_slice %arg18[%dma_start3A_105, %dma_start3A_106] : memref<128x128xf32, #tpu.memory_space<vmem>> -> memref<120x128xf32, #tpu.memory_space<vmem>>
      tpu.enqueue_dma source(%dma_start3A_107 : memref<120x128xf32, #tpu.memory_space<vmem>>) target(%dma_start3A_104 : memref<120x128xf32, #tpu.memory_space<vmem_shared>>) target_semaphore(%run_scoped3A : memref<!tpu.dma_semaphore, #tpu.memory_space<semaphore_mem>>)
      %dma_wait3A_108 = arith.constant 0 : i32
      %dma_wait3A_109 = arith.constant 0 : i32
      %dma_wait3A_110 = tpu.memref_slice %arg18[%dma_wait3A_108, %dma_wait3A_109] : memref<128x128xf32, #tpu.memory_space<vmem>> -> memref<120x128xf32, #tpu.memory_space<vmem>>
      %dma_wait3A_111 = arith.constant 0 : i32
      %dma_wait3A_112 = tpu.memref_slice %arg7[%add3A_12, %dma_wait3A_111] : memref<10112x128xf32, #tpu.memory_space<vmem_shared>> -> memref<120x128xf32, #tpu.memory_space<vmem_shared>>
      %dma_wait3A_113 = arith.constant 0 : i32
      %dma_wait3A_114 = tpu.memref_slice %arg7[%add3A_12, %dma_wait3A_113] : memref<10112x128xf32, #tpu.memory_space<vmem_shared>> -> memref<120x128xf32, #tpu.memory_space<vmem_shared>>
      %dma_wait3A_115 = arith.constant 0 : i32
      %dma_wait3A_116 = arith.constant 0 : i32
      %dma_wait3A_117 = tpu.memref_slice %arg18[%dma_wait3A_115, %dma_wait3A_116] : memref<128x128xf32, #tpu.memory_space<vmem>> -> memref<120x128xf32, #tpu.memory_space<vmem>>
      tpu.wait_dma2 semaphore(%run_scoped3A : memref<!tpu.dma_semaphore, #tpu.memory_space<semaphore_mem>>) src(%dma_wait3A_117 : memref<120x128xf32, #tpu.memory_space<vmem>>) dst(%dma_wait3A_114 : memref<120x128xf32, #tpu.memory_space<vmem_shared>>)
      tpu.yield
    }) : () -> ()
    %barrier3A = arith.constant 0 : index
    tpu.barrier barrier_id(%barrier3A)
    %eq3A = arith.constant 0 : i32
    %eq3A_13 = arith.cmpi eq, %arg0, %eq3A : i32
    %mul3A_14 = arith.constant 14400 : i32
    %mul3A_15 = arith.muli %arg1, %mul3A_14 : i32
    %mul3A_16 = arith.constant 5760 : i32
    %mul3A_17 = arith.muli %arg1, %mul3A_16 : i32
    %add3A_18 = arith.constant 230400 : i32
    %add3A_19 = arith.addi %add3A_18, %mul3A_17 : i32
    %select_n3A = arith.select %eq3A_13, %mul3A_15, %add3A_19 : i32
    %eq3A_20 = arith.constant 0 : i32
    %eq3A_21 = arith.cmpi eq, %arg0, %eq3A_20 : i32
    %jit3A = arith.constant 50 : i32
    %jit3A_22 = arith.constant 20 : i32
    %select_n3A_23 = arith.select %eq3A_21, %jit3A, %jit3A_22 : i32
    %add3A_24 = arith.constant 0 : i32
    %add3A_25 = arith.addi %select_n3A, %add3A_24 : i32
    %dma_start3A = tpu.memref_slice %arg3[%add3A_25] : memref<322704xi32, #tpu.memory_space<hbm>> -> memref<72xi32, #tpu.memory_space<hbm>>
    %dma_start3A_26 = tpu.memref_slice %arg3[%add3A_25] : memref<322704xi32, #tpu.memory_space<hbm>> -> memref<72xi32, #tpu.memory_space<hbm>>
    tpu.enqueue_dma source(%dma_start3A_26 : memref<72xi32, #tpu.memory_space<hbm>>) target(%arg8 : memref<72xi32, #tpu.memory_space<vmem>>) target_semaphore(%arg22 : memref<!tpu.dma_semaphore, #tpu.memory_space<semaphore_mem>>)
    %dma_start3A_27 = tpu.memref_slice %arg4[%add3A_25] : memref<322704xi32, #tpu.memory_space<hbm>> -> memref<72xi32, #tpu.memory_space<hbm>>
    %dma_start3A_28 = tpu.memref_slice %arg4[%add3A_25] : memref<322704xi32, #tpu.memory_space<hbm>> -> memref<72xi32, #tpu.memory_space<hbm>>
    tpu.enqueue_dma source(%dma_start3A_28 : memref<72xi32, #tpu.memory_space<hbm>>) target(%arg12 : memref<72xi32, #tpu.memory_space<vmem>>) target_semaphore(%arg22 : memref<!tpu.dma_semaphore, #tpu.memory_space<semaphore_mem>>)
    %add3A_29 = arith.constant 72 : i32
    %add3A_30 = arith.addi %select_n3A, %add3A_29 : i32
    %dma_start3A_31 = tpu.memref_slice %arg3[%add3A_30] : memref<322704xi32, #tpu.memory_space<hbm>> -> memref<72xi32, #tpu.memory_space<hbm>>
    %dma_start3A_32 = tpu.memref_slice %arg3[%add3A_30] : memref<322704xi32, #tpu.memory_space<hbm>> -> memref<72xi32, #tpu.memory_space<hbm>>
    tpu.enqueue_dma source(%dma_start3A_32 : memref<72xi32, #tpu.memory_space<hbm>>) target(%arg9 : memref<72xi32, #tpu.memory_space<vmem>>) target_semaphore(%arg23 : memref<!tpu.dma_semaphore, #tpu.memory_space<semaphore_mem>>)
    %dma_start3A_33 = tpu.memref_slice %arg4[%add3A_30] : memref<322704xi32, #tpu.memory_space<hbm>> -> memref<72xi32, #tpu.memory_space<hbm>>
    %dma_start3A_34 = tpu.memref_slice %arg4[%add3A_30] : memref<322704xi32, #tpu.memory_space<hbm>> -> memref<72xi32, #tpu.memory_space<hbm>>
    tpu.enqueue_dma source(%dma_start3A_34 : memref<72xi32, #tpu.memory_space<hbm>>) target(%arg13 : memref<72xi32, #tpu.memory_space<vmem>>) target_semaphore(%arg23 : memref<!tpu.dma_semaphore, #tpu.memory_space<semaphore_mem>>)
    %add3A_35 = arith.constant 144 : i32
    %add3A_36 = arith.addi %select_n3A, %add3A_35 : i32
    %dma_start3A_37 = tpu.memref_slice %arg3[%add3A_36] : memref<322704xi32, #tpu.memory_space<hbm>> -> memref<72xi32, #tpu.memory_space<hbm>>
    %dma_start3A_38 = tpu.memref_slice %arg3[%add3A_36] : memref<322704xi32, #tpu.memory_space<hbm>> -> memref<72xi32, #tpu.memory_space<hbm>>
    tpu.enqueue_dma source(%dma_start3A_38 : memref<72xi32, #tpu.memory_space<hbm>>) target(%arg10 : memref<72xi32, #tpu.memory_space<vmem>>) target_semaphore(%arg24 : memref<!tpu.dma_semaphore, #tpu.memory_space<semaphore_mem>>)
    %dma_start3A_39 = tpu.memref_slice %arg4[%add3A_36] : memref<322704xi32, #tpu.memory_space<hbm>> -> memref<72xi32, #tpu.memory_space<hbm>>
    %dma_start3A_40 = tpu.memref_slice %arg4[%add3A_36] : memref<322704xi32, #tpu.memory_space<hbm>> -> memref<72xi32, #tpu.memory_space<hbm>>
    tpu.enqueue_dma source(%dma_start3A_40 : memref<72xi32, #tpu.memory_space<hbm>>) target(%arg14 : memref<72xi32, #tpu.memory_space<vmem>>) target_semaphore(%arg24 : memref<!tpu.dma_semaphore, #tpu.memory_space<semaphore_mem>>)
    %add3A_41 = arith.constant 216 : i32
    %add3A_42 = arith.addi %select_n3A, %add3A_41 : i32
    %dma_start3A_43 = tpu.memref_slice %arg3[%add3A_42] : memref<322704xi32, #tpu.memory_space<hbm>> -> memref<72xi32, #tpu.memory_space<hbm>>
    %dma_start3A_44 = tpu.memref_slice %arg3[%add3A_42] : memref<322704xi32, #tpu.memory_space<hbm>> -> memref<72xi32, #tpu.memory_space<hbm>>
    tpu.enqueue_dma source(%dma_start3A_44 : memref<72xi32, #tpu.memory_space<hbm>>) target(%arg11 : memref<72xi32, #tpu.memory_space<vmem>>) target_semaphore(%arg25 : memref<!tpu.dma_semaphore, #tpu.memory_space<semaphore_mem>>)
    %dma_start3A_45 = tpu.memref_slice %arg4[%add3A_42] : memref<322704xi32, #tpu.memory_space<hbm>> -> memref<72xi32, #tpu.memory_space<hbm>>
    %dma_start3A_46 = tpu.memref_slice %arg4[%add3A_42] : memref<322704xi32, #tpu.memory_space<hbm>> -> memref<72xi32, #tpu.memory_space<hbm>>
    tpu.enqueue_dma source(%dma_start3A_46 : memref<72xi32, #tpu.memory_space<hbm>>) target(%arg15 : memref<72xi32, #tpu.memory_space<vmem>>) target_semaphore(%arg25 : memref<!tpu.dma_semaphore, #tpu.memory_space<semaphore_mem>>)
    %while3A = arith.constant 0 : i32
    %while3A_47 = arith.constant 0 : i32
    %while3A_48 = arith.subi %select_n3A_23, %while3A_47 : i32
    %while3A_49 = arith.addi %while3A_47, %while3A_48 : i32
    %while3A_50 = arith.constant 1 : i32
    %while3A_51 = arith.divsi %while3A_48, %while3A_50 : i32
    %while3A_52 = arith.muli %while3A_51, %while3A_50 : i32
    %while3A_53 = arith.addi %while3A_47, %while3A_52 : i32
    %while3A_54 = arith.constant 1 : i32
    scf.for %while3A_98 = %while3A_47 to %while3A_53 step %while3A_54  : i32 {
      %mul3A_99 = arith.constant 4 : i32
      %mul3A_100 = arith.muli %mul3A_99, %while3A_98 : i32
      %add3A_101 = arith.constant 0 : i32
      %add3A_102 = arith.addi %mul3A_100, %add3A_101 : i32
      %gt3A = arith.constant 0 : i32
      %gt3A_103 = arith.cmpi sgt, %while3A_98, %gt3A : i32
      %convert_element_type3A = arith.extui %gt3A_103 : i1 to i32
      %cond3A = arith.constant 0 : i32
      %cond3A_104 = arith.cmpi ne, %convert_element_type3A, %cond3A : i32
      scf.if %cond3A_104 {
        %dma_wait3A_214 = arith.constant 0 : i32
        %dma_wait3A_215 = arith.constant 0 : i32
        %dma_wait3A_216 = tpu.memref_slice %arg7[%dma_wait3A_214, %dma_wait3A_215] : memref<10112x128xf32, #tpu.memory_space<vmem_shared>> -> memref<10112x128xf32, #tpu.memory_space<vmem_shared>>
        tpu.wait_indirect_dma semaphore(%arg20 : memref<!tpu.dma_semaphore, #tpu.memory_space<semaphore_mem>>) src(%arg16 : memref<72x128xf32, #tpu.memory_space<vmem>>) dst(%dma_wait3A_216 : memref<10112x128xf32, #tpu.memory_space<vmem_shared>>)
        %add3A_217 = arith.constant 2 : i32
        %add3A_218 = arith.addi %add3A_102, %add3A_217 : i32
        %mul3A_219 = arith.constant 72 : i32
        %mul3A_220 = arith.muli %add3A_218, %mul3A_219 : i32
        %add3A_221 = arith.addi %select_n3A, %mul3A_220 : i32
        %dma_start3A_222 = tpu.memref_slice %arg3[%add3A_221] : memref<322704xi32, #tpu.memory_space<hbm>> -> memref<72xi32, #tpu.memory_space<hbm>>
        %dma_start3A_223 = tpu.memref_slice %arg3[%add3A_221] : memref<322704xi32, #tpu.memory_space<hbm>> -> memref<72xi32, #tpu.memory_space<hbm>>
        tpu.enqueue_dma source(%dma_start3A_223 : memref<72xi32, #tpu.memory_space<hbm>>) target(%arg10 : memref<72xi32, #tpu.memory_space<vmem>>) target_semaphore(%arg24 : memref<!tpu.dma_semaphore, #tpu.memory_space<semaphore_mem>>)
        %dma_start3A_224 = tpu.memref_slice %arg4[%add3A_221] : memref<322704xi32, #tpu.memory_space<hbm>> -> memref<72xi32, #tpu.memory_space<hbm>>
        %dma_start3A_225 = tpu.memref_slice %arg4[%add3A_221] : memref<322704xi32, #tpu.memory_space<hbm>> -> memref<72xi32, #tpu.memory_space<hbm>>
        tpu.enqueue_dma source(%dma_start3A_225 : memref<72xi32, #tpu.memory_space<hbm>>) target(%arg14 : memref<72xi32, #tpu.memory_space<vmem>>) target_semaphore(%arg24 : memref<!tpu.dma_semaphore, #tpu.memory_space<semaphore_mem>>)
      } else {
      }
      %dma_wait3A_105 = arith.constant 0 : i32
      %dma_wait3A_106 = tpu.memref_slice %arg3[%dma_wait3A_105] : memref<322704xi32, #tpu.memory_space<hbm>> -> memref<72xi32, #tpu.memory_space<hbm>>
      %dma_wait3A_107 = arith.constant 0 : i32
      %dma_wait3A_108 = tpu.memref_slice %arg3[%dma_wait3A_107] : memref<322704xi32, #tpu.memory_space<hbm>> -> memref<72xi32, #tpu.memory_space<hbm>>
      tpu.wait_dma2 semaphore(%arg22 : memref<!tpu.dma_semaphore, #tpu.memory_space<semaphore_mem>>) src(%dma_wait3A_108 : memref<72xi32, #tpu.memory_space<hbm>>) dst(%arg8 : memref<72xi32, #tpu.memory_space<vmem>>)
      %dma_wait3A_109 = arith.constant 0 : i32
      %dma_wait3A_110 = tpu.memref_slice %arg4[%dma_wait3A_109] : memref<322704xi32, #tpu.memory_space<hbm>> -> memref<72xi32, #tpu.memory_space<hbm>>
      %dma_wait3A_111 = arith.constant 0 : i32
      %dma_wait3A_112 = tpu.memref_slice %arg4[%dma_wait3A_111] : memref<322704xi32, #tpu.memory_space<hbm>> -> memref<72xi32, #tpu.memory_space<hbm>>
      tpu.wait_dma2 semaphore(%arg22 : memref<!tpu.dma_semaphore, #tpu.memory_space<semaphore_mem>>) src(%dma_wait3A_112 : memref<72xi32, #tpu.memory_space<hbm>>) dst(%arg12 : memref<72xi32, #tpu.memory_space<vmem>>)
      %dma_start3A_113 = arith.constant 0 : i32
      %dma_start3A_114 = arith.constant 0 : i32
      %dma_start3A_115 = tpu.memref_slice %arg2[%dma_start3A_113, %dma_start3A_114] : memref<10000x128xf32, #tpu.memory_space<hbm>> -> memref<10000x128xf32, #tpu.memory_space<hbm>>
      tpu.enqueue_indirect_dma source(%dma_start3A_115 : memref<10000x128xf32, #tpu.memory_space<hbm>>) target(%arg16 : memref<72x128xf32, #tpu.memory_space<vmem>>) offsets(%arg8 : memref<72xi32, #tpu.memory_space<vmem>>) semaphore(%arg19 : memref<!tpu.dma_semaphore, #tpu.memory_space<semaphore_mem>>)
      %dma_wait3A_116 = arith.constant 0 : i32
      %dma_wait3A_117 = arith.constant 0 : i32
      %dma_wait3A_118 = tpu.memref_slice %arg2[%dma_wait3A_116, %dma_wait3A_117] : memref<10000x128xf32, #tpu.memory_space<hbm>> -> memref<10000x128xf32, #tpu.memory_space<hbm>>
      tpu.wait_indirect_dma semaphore(%arg19 : memref<!tpu.dma_semaphore, #tpu.memory_space<semaphore_mem>>) src(%dma_wait3A_118 : memref<10000x128xf32, #tpu.memory_space<hbm>>) dst(%arg16 : memref<72x128xf32, #tpu.memory_space<vmem>>)
      %dma_start3A_119 = arith.constant 0 : i32
      %dma_start3A_120 = arith.constant 0 : i32
      %dma_start3A_121 = tpu.memref_slice %arg7[%dma_start3A_119, %dma_start3A_120] : memref<10112x128xf32, #tpu.memory_space<vmem_shared>> -> memref<10112x128xf32, #tpu.memory_space<vmem_shared>>
      tpu.enqueue_indirect_dma source(%arg16 : memref<72x128xf32, #tpu.memory_space<vmem>>) target(%dma_start3A_121 : memref<10112x128xf32, #tpu.memory_space<vmem_shared>>) offsets(%arg12 : memref<72xi32, #tpu.memory_space<vmem>>) semaphore(%arg20 : memref<!tpu.dma_semaphore, #tpu.memory_space<semaphore_mem>>) {add = true}
      %mul3A_122 = arith.constant 4 : i32
      %mul3A_123 = arith.muli %mul3A_122, %while3A_98 : i32
      %add3A_124 = arith.constant 1 : i32
      %add3A_125 = arith.addi %mul3A_123, %add3A_124 : i32
      %gt3A_126 = arith.constant 0 : i32
      %gt3A_127 = arith.cmpi sgt, %while3A_98, %gt3A_126 : i32
      %convert_element_type3A_128 = arith.extui %gt3A_127 : i1 to i32
      %cond3A_129 = arith.constant 0 : i32
      %cond3A_130 = arith.cmpi ne, %convert_element_type3A_128, %cond3A_129 : i32
      scf.if %cond3A_130 {
        %dma_wait3A_214 = arith.constant 0 : i32
        %dma_wait3A_215 = arith.constant 0 : i32
        %dma_wait3A_216 = tpu.memref_slice %arg7[%dma_wait3A_214, %dma_wait3A_215] : memref<10112x128xf32, #tpu.memory_space<vmem_shared>> -> memref<10112x128xf32, #tpu.memory_space<vmem_shared>>
        tpu.wait_indirect_dma semaphore(%arg21 : memref<!tpu.dma_semaphore, #tpu.memory_space<semaphore_mem>>) src(%arg17 : memref<72x128xf32, #tpu.memory_space<vmem>>) dst(%dma_wait3A_216 : memref<10112x128xf32, #tpu.memory_space<vmem_shared>>)
        %add3A_217 = arith.constant 2 : i32
        %add3A_218 = arith.addi %add3A_125, %add3A_217 : i32
        %mul3A_219 = arith.constant 72 : i32
        %mul3A_220 = arith.muli %add3A_218, %mul3A_219 : i32
        %add3A_221 = arith.addi %select_n3A, %mul3A_220 : i32
        %dma_start3A_222 = tpu.memref_slice %arg3[%add3A_221] : memref<322704xi32, #tpu.memory_space<hbm>> -> memref<72xi32, #tpu.memory_space<hbm>>
        %dma_start3A_223 = tpu.memref_slice %arg3[%add3A_221] : memref<322704xi32, #tpu.memory_space<hbm>> -> memref<72xi32, #tpu.memory_space<hbm>>
        tpu.enqueue_dma source(%dma_start3A_223 : memref<72xi32, #tpu.memory_space<hbm>>) target(%arg11 : memref<72xi32, #tpu.memory_space<vmem>>) target_semaphore(%arg25 : memref<!tpu.dma_semaphore, #tpu.memory_space<semaphore_mem>>)
        %dma_start3A_224 = tpu.memref_slice %arg4[%add3A_221] : memref<322704xi32, #tpu.memory_space<hbm>> -> memref<72xi32, #tpu.memory_space<hbm>>
        %dma_start3A_225 = tpu.memref_slice %arg4[%add3A_221] : memref<322704xi32, #tpu.memory_space<hbm>> -> memref<72xi32, #tpu.memory_space<hbm>>
        tpu.enqueue_dma source(%dma_start3A_225 : memref<72xi32, #tpu.memory_space<hbm>>) target(%arg15 : memref<72xi32, #tpu.memory_space<vmem>>) target_semaphore(%arg25 : memref<!tpu.dma_semaphore, #tpu.memory_space<semaphore_mem>>)
      } else {
      }
      %dma_wait3A_131 = arith.constant 0 : i32
      %dma_wait3A_132 = tpu.memref_slice %arg3[%dma_wait3A_131] : memref<322704xi32, #tpu.memory_space<hbm>> -> memref<72xi32, #tpu.memory_space<hbm>>
      %dma_wait3A_133 = arith.constant 0 : i32
      %dma_wait3A_134 = tpu.memref_slice %arg3[%dma_wait3A_133] : memref<322704xi32, #tpu.memory_space<hbm>> -> memref<72xi32, #tpu.memory_space<hbm>>
      tpu.wait_dma2 semaphore(%arg23 : memref<!tpu.dma_semaphore, #tpu.memory_space<semaphore_mem>>) src(%dma_wait3A_134 : memref<72xi32, #tpu.memory_space<hbm>>) dst(%arg9 : memref<72xi32, #tpu.memory_space<vmem>>)
      %dma_wait3A_135 = arith.constant 0 : i32
      %dma_wait3A_136 = tpu.memref_slice %arg4[%dma_wait3A_135] : memref<322704xi32, #tpu.memory_space<hbm>> -> memref<72xi32, #tpu.memory_space<hbm>>
      %dma_wait3A_137 = arith.constant 0 : i32
      %dma_wait3A_138 = tpu.memref_slice %arg4[%dma_wait3A_137] : memref<322704xi32, #tpu.memory_space<hbm>> -> memref<72xi32, #tpu.memory_space<hbm>>
      tpu.wait_dma2 semaphore(%arg23 : memref<!tpu.dma_semaphore, #tpu.memory_space<semaphore_mem>>) src(%dma_wait3A_138 : memref<72xi32, #tpu.memory_space<hbm>>) dst(%arg13 : memref<72xi32, #tpu.memory_space<vmem>>)
      %dma_start3A_139 = arith.constant 0 : i32
      %dma_start3A_140 = arith.constant 0 : i32
      %dma_start3A_141 = tpu.memref_slice %arg2[%dma_start3A_139, %dma_start3A_140] : memref<10000x128xf32, #tpu.memory_space<hbm>> -> memref<10000x128xf32, #tpu.memory_space<hbm>>
      tpu.enqueue_indirect_dma source(%dma_start3A_141 : memref<10000x128xf32, #tpu.memory_space<hbm>>) target(%arg17 : memref<72x128xf32, #tpu.memory_space<vmem>>) offsets(%arg9 : memref<72xi32, #tpu.memory_space<vmem>>) semaphore(%arg19 : memref<!tpu.dma_semaphore, #tpu.memory_space<semaphore_mem>>)
      %dma_wait3A_142 = arith.constant 0 : i32
      %dma_wait3A_143 = arith.constant 0 : i32
      %dma_wait3A_144 = tpu.memref_slice %arg2[%dma_wait3A_142, %dma_wait3A_143] : memref<10000x128xf32, #tpu.memory_space<hbm>> -> memref<10000x128xf32, #tpu.memory_space<hbm>>
      tpu.wait_indirect_dma semaphore(%arg19 : memref<!tpu.dma_semaphore, #tpu.memory_space<semaphore_mem>>) src(%dma_wait3A_144 : memref<10000x128xf32, #tpu.memory_space<hbm>>) dst(%arg17 : memref<72x128xf32, #tpu.memory_space<vmem>>)
      %dma_start3A_145 = arith.constant 0 : i32
      %dma_start3A_146 = arith.constant 0 : i32
      %dma_start3A_147 = tpu.memref_slice %arg7[%dma_start3A_145, %dma_start3A_146] : memref<10112x128xf32, #tpu.memory_space<vmem_shared>> -> memref<10112x128xf32, #tpu.memory_space<vmem_shared>>
      tpu.enqueue_indirect_dma source(%arg17 : memref<72x128xf32, #tpu.memory_space<vmem>>) target(%dma_start3A_147 : memref<10112x128xf32, #tpu.memory_space<vmem_shared>>) offsets(%arg13 : memref<72xi32, #tpu.memory_space<vmem>>) semaphore(%arg21 : memref<!tpu.dma_semaphore, #tpu.memory_space<semaphore_mem>>) {add = true}
      %mul3A_148 = arith.constant 4 : i32
      %mul3A_149 = arith.muli %mul3A_148, %while3A_98 : i32
      %add3A_150 = arith.constant 2 : i32
      %add3A_151 = arith.addi %mul3A_149, %add3A_150 : i32
      %dma_wait3A_152 = arith.constant 0 : i32
      %dma_wait3A_153 = arith.constant 0 : i32
      %dma_wait3A_154 = tpu.memref_slice %arg7[%dma_wait3A_152, %dma_wait3A_153] : memref<10112x128xf32, #tpu.memory_space<vmem_shared>> -> memref<10112x128xf32, #tpu.memory_space<vmem_shared>>
      tpu.wait_indirect_dma semaphore(%arg20 : memref<!tpu.dma_semaphore, #tpu.memory_space<semaphore_mem>>) src(%arg16 : memref<72x128xf32, #tpu.memory_space<vmem>>) dst(%dma_wait3A_154 : memref<10112x128xf32, #tpu.memory_space<vmem_shared>>)
      %add3A_155 = arith.constant 2 : i32
      %add3A_156 = arith.addi %add3A_151, %add3A_155 : i32
      %mul3A_157 = arith.constant 72 : i32
      %mul3A_158 = arith.muli %add3A_156, %mul3A_157 : i32
      %add3A_159 = arith.addi %select_n3A, %mul3A_158 : i32
      %dma_start3A_160 = tpu.memref_slice %arg3[%add3A_159] : memref<322704xi32, #tpu.memory_space<hbm>> -> memref<72xi32, #tpu.memory_space<hbm>>
      %dma_start3A_161 = tpu.memref_slice %arg3[%add3A_159] : memref<322704xi32, #tpu.memory_space<hbm>> -> memref<72xi32, #tpu.memory_space<hbm>>
      tpu.enqueue_dma source(%dma_start3A_161 : memref<72xi32, #tpu.memory_space<hbm>>) target(%arg8 : memref<72xi32, #tpu.memory_space<vmem>>) target_semaphore(%arg22 : memref<!tpu.dma_semaphore, #tpu.memory_space<semaphore_mem>>)
      %dma_start3A_162 = tpu.memref_slice %arg4[%add3A_159] : memref<322704xi32, #tpu.memory_space<hbm>> -> memref<72xi32, #tpu.memory_space<hbm>>
      %dma_start3A_163 = tpu.memref_slice %arg4[%add3A_159] : memref<322704xi32, #tpu.memory_space<hbm>> -> memref<72xi32, #tpu.memory_space<hbm>>
      tpu.enqueue_dma source(%dma_start3A_163 : memref<72xi32, #tpu.memory_space<hbm>>) target(%arg12 : memref<72xi32, #tpu.memory_space<vmem>>) target_semaphore(%arg22 : memref<!tpu.dma_semaphore, #tpu.memory_space<semaphore_mem>>)
      %dma_wait3A_164 = arith.constant 0 : i32
      %dma_wait3A_165 = tpu.memref_slice %arg3[%dma_wait3A_164] : memref<322704xi32, #tpu.memory_space<hbm>> -> memref<72xi32, #tpu.memory_space<hbm>>
      %dma_wait3A_166 = arith.constant 0 : i32
      %dma_wait3A_167 = tpu.memref_slice %arg3[%dma_wait3A_166] : memref<322704xi32, #tpu.memory_space<hbm>> -> memref<72xi32, #tpu.memory_space<hbm>>
      tpu.wait_dma2 semaphore(%arg24 : memref<!tpu.dma_semaphore, #tpu.memory_space<semaphore_mem>>) src(%dma_wait3A_167 : memref<72xi32, #tpu.memory_space<hbm>>) dst(%arg10 : memref<72xi32, #tpu.memory_space<vmem>>)
      %dma_wait3A_168 = arith.constant 0 : i32
      %dma_wait3A_169 = tpu.memref_slice %arg4[%dma_wait3A_168] : memref<322704xi32, #tpu.memory_space<hbm>> -> memref<72xi32, #tpu.memory_space<hbm>>
      %dma_wait3A_170 = arith.constant 0 : i32
      %dma_wait3A_171 = tpu.memref_slice %arg4[%dma_wait3A_170] : memref<322704xi32, #tpu.memory_space<hbm>> -> memref<72xi32, #tpu.memory_space<hbm>>
      tpu.wait_dma2 semaphore(%arg24 : memref<!tpu.dma_semaphore, #tpu.memory_space<semaphore_mem>>) src(%dma_wait3A_171 : memref<72xi32, #tpu.memory_space<hbm>>) dst(%arg14 : memref<72xi32, #tpu.memory_space<vmem>>)
      %dma_start3A_172 = arith.constant 0 : i32
      %dma_start3A_173 = arith.constant 0 : i32
      %dma_start3A_174 = tpu.memref_slice %arg2[%dma_start3A_172, %dma_start3A_173] : memref<10000x128xf32, #tpu.memory_space<hbm>> -> memref<10000x128xf32, #tpu.memory_space<hbm>>
      tpu.enqueue_indirect_dma source(%dma_start3A_174 : memref<10000x128xf32, #tpu.memory_space<hbm>>) target(%arg16 : memref<72x128xf32, #tpu.memory_space<vmem>>) offsets(%arg10 : memref<72xi32, #tpu.memory_space<vmem>>) semaphore(%arg19 : memref<!tpu.dma_semaphore, #tpu.memory_space<semaphore_mem>>)
      %dma_wait3A_175 = arith.constant 0 : i32
      %dma_wait3A_176 = arith.constant 0 : i32
      %dma_wait3A_177 = tpu.memref_slice %arg2[%dma_wait3A_175, %dma_wait3A_176] : memref<10000x128xf32, #tpu.memory_space<hbm>> -> memref<10000x128xf32, #tpu.memory_space<hbm>>
      tpu.wait_indirect_dma semaphore(%arg19 : memref<!tpu.dma_semaphore, #tpu.memory_space<semaphore_mem>>) src(%dma_wait3A_177 : memref<10000x128xf32, #tpu.memory_space<hbm>>) dst(%arg16 : memref<72x128xf32, #tpu.memory_space<vmem>>)
      %dma_start3A_178 = arith.constant 0 : i32
      %dma_start3A_179 = arith.constant 0 : i32
      %dma_start3A_180 = tpu.memref_slice %arg7[%dma_start3A_178, %dma_start3A_179] : memref<10112x128xf32, #tpu.memory_space<vmem_shared>> -> memref<10112x128xf32, #tpu.memory_space<vmem_shared>>
      tpu.enqueue_indirect_dma source(%arg16 : memref<72x128xf32, #tpu.memory_space<vmem>>) target(%dma_start3A_180 : memref<10112x128xf32, #tpu.memory_space<vmem_shared>>) offsets(%arg14 : memref<72xi32, #tpu.memory_space<vmem>>) semaphore(%arg20 : memref<!tpu.dma_semaphore, #tpu.memory_space<semaphore_mem>>) {add = true}
      %mul3A_181 = arith.constant 4 : i32
      %mul3A_182 = arith.muli %mul3A_181, %while3A_98 : i32
      %add3A_183 = arith.constant 3 : i32
      %add3A_184 = arith.addi %mul3A_182, %add3A_183 : i32
      %dma_wait3A_185 = arith.constant 0 : i32
      %dma_wait3A_186 = arith.constant 0 : i32
      %dma_wait3A_187 = tpu.memref_slice %arg7[%dma_wait3A_185, %dma_wait3A_186] : memref<10112x128xf32, #tpu.memory_space<vmem_shared>> -> memref<10112x128xf32, #tpu.memory_space<vmem_shared>>
      tpu.wait_indirect_dma semaphore(%arg21 : memref<!tpu.dma_semaphore, #tpu.memory_space<semaphore_mem>>) src(%arg17 : memref<72x128xf32, #tpu.memory_space<vmem>>) dst(%dma_wait3A_187 : memref<10112x128xf32, #tpu.memory_space<vmem_shared>>)
      %add3A_188 = arith.constant 2 : i32
      %add3A_189 = arith.addi %add3A_184, %add3A_188 : i32
      %mul3A_190 = arith.constant 72 : i32
      %mul3A_191 = arith.muli %add3A_189, %mul3A_190 : i32
      %add3A_192 = arith.addi %select_n3A, %mul3A_191 : i32
      %dma_start3A_193 = tpu.memref_slice %arg3[%add3A_192] : memref<322704xi32, #tpu.memory_space<hbm>> -> memref<72xi32, #tpu.memory_space<hbm>>
      %dma_start3A_194 = tpu.memref_slice %arg3[%add3A_192] : memref<322704xi32, #tpu.memory_space<hbm>> -> memref<72xi32, #tpu.memory_space<hbm>>
      tpu.enqueue_dma source(%dma_start3A_194 : memref<72xi32, #tpu.memory_space<hbm>>) target(%arg9 : memref<72xi32, #tpu.memory_space<vmem>>) target_semaphore(%arg23 : memref<!tpu.dma_semaphore, #tpu.memory_space<semaphore_mem>>)
      %dma_start3A_195 = tpu.memref_slice %arg4[%add3A_192] : memref<322704xi32, #tpu.memory_space<hbm>> -> memref<72xi32, #tpu.memory_space<hbm>>
      %dma_start3A_196 = tpu.memref_slice %arg4[%add3A_192] : memref<322704xi32, #tpu.memory_space<hbm>> -> memref<72xi32, #tpu.memory_space<hbm>>
      tpu.enqueue_dma source(%dma_start3A_196 : memref<72xi32, #tpu.memory_space<hbm>>) target(%arg13 : memref<72xi32, #tpu.memory_space<vmem>>) target_semaphore(%arg23 : memref<!tpu.dma_semaphore, #tpu.memory_space<semaphore_mem>>)
      %dma_wait3A_197 = arith.constant 0 : i32
      %dma_wait3A_198 = tpu.memref_slice %arg3[%dma_wait3A_197] : memref<322704xi32, #tpu.memory_space<hbm>> -> memref<72xi32, #tpu.memory_space<hbm>>
      %dma_wait3A_199 = arith.constant 0 : i32
      %dma_wait3A_200 = tpu.memref_slice %arg3[%dma_wait3A_199] : memref<322704xi32, #tpu.memory_space<hbm>> -> memref<72xi32, #tpu.memory_space<hbm>>
      tpu.wait_dma2 semaphore(%arg25 : memref<!tpu.dma_semaphore, #tpu.memory_space<semaphore_mem>>) src(%dma_wait3A_200 : memref<72xi32, #tpu.memory_space<hbm>>) dst(%arg11 : memref<72xi32, #tpu.memory_space<vmem>>)
      %dma_wait3A_201 = arith.constant 0 : i32
      %dma_wait3A_202 = tpu.memref_slice %arg4[%dma_wait3A_201] : memref<322704xi32, #tpu.memory_space<hbm>> -> memref<72xi32, #tpu.memory_space<hbm>>
      %dma_wait3A_203 = arith.constant 0 : i32
      %dma_wait3A_204 = tpu.memref_slice %arg4[%dma_wait3A_203] : memref<322704xi32, #tpu.memory_space<hbm>> -> memref<72xi32, #tpu.memory_space<hbm>>
      tpu.wait_dma2 semaphore(%arg25 : memref<!tpu.dma_semaphore, #tpu.memory_space<semaphore_mem>>) src(%dma_wait3A_204 : memref<72xi32, #tpu.memory_space<hbm>>) dst(%arg15 : memref<72xi32, #tpu.memory_space<vmem>>)
      %dma_start3A_205 = arith.constant 0 : i32
      %dma_start3A_206 = arith.constant 0 : i32
      %dma_start3A_207 = tpu.memref_slice %arg2[%dma_start3A_205, %dma_start3A_206] : memref<10000x128xf32, #tpu.memory_space<hbm>> -> memref<10000x128xf32, #tpu.memory_space<hbm>>
      tpu.enqueue_indirect_dma source(%dma_start3A_207 : memref<10000x128xf32, #tpu.memory_space<hbm>>) target(%arg17 : memref<72x128xf32, #tpu.memory_space<vmem>>) offsets(%arg11 : memref<72xi32, #tpu.memory_space<vmem>>) semaphore(%arg19 : memref<!tpu.dma_semaphore, #tpu.memory_space<semaphore_mem>>)
      %dma_wait3A_208 = arith.constant 0 : i32
      %dma_wait3A_209 = arith.constant 0 : i32
      %dma_wait3A_210 = tpu.memref_slice %arg2[%dma_wait3A_208, %dma_wait3A_209] : memref<10000x128xf32, #tpu.memory_space<hbm>> -> memref<10000x128xf32, #tpu.memory_space<hbm>>
      tpu.wait_indirect_dma semaphore(%arg19 : memref<!tpu.dma_semaphore, #tpu.memory_space<semaphore_mem>>) src(%dma_wait3A_210 : memref<10000x128xf32, #tpu.memory_space<hbm>>) dst(%arg17 : memref<72x128xf32, #tpu.memory_space<vmem>>)
      %dma_start3A_211 = arith.constant 0 : i32
      %dma_start3A_212 = arith.constant 0 : i32
      %dma_start3A_213 = tpu.memref_slice %arg7[%dma_start3A_211, %dma_start3A_212] : memref<10112x128xf32, #tpu.memory_space<vmem_shared>> -> memref<10112x128xf32, #tpu.memory_space<vmem_shared>>
      tpu.enqueue_indirect_dma source(%arg17 : memref<72x128xf32, #tpu.memory_space<vmem>>) target(%dma_start3A_213 : memref<10112x128xf32, #tpu.memory_space<vmem_shared>>) offsets(%arg15 : memref<72xi32, #tpu.memory_space<vmem>>) semaphore(%arg21 : memref<!tpu.dma_semaphore, #tpu.memory_space<semaphore_mem>>) {add = true}
    }
    %while3A_55 = arith.constant 1 : i32
    scf.for %while3A_98 = %while3A_53 to %while3A_49 step %while3A_55  : i32 {
      %mul3A_99 = arith.constant 4 : i32
      %mul3A_100 = arith.muli %mul3A_99, %while3A_98 : i32
      %add3A_101 = arith.constant 0 : i32
      %add3A_102 = arith.addi %mul3A_100, %add3A_101 : i32
      %gt3A = arith.constant 0 : i32
      %gt3A_103 = arith.cmpi sgt, %while3A_98, %gt3A : i32
      %convert_element_type3A = arith.extui %gt3A_103 : i1 to i32
      %cond3A = arith.constant 0 : i32
      %cond3A_104 = arith.cmpi ne, %convert_element_type3A, %cond3A : i32
      scf.if %cond3A_104 {
        %dma_wait3A_214 = arith.constant 0 : i32
        %dma_wait3A_215 = arith.constant 0 : i32
        %dma_wait3A_216 = tpu.memref_slice %arg7[%dma_wait3A_214, %dma_wait3A_215] : memref<10112x128xf32, #tpu.memory_space<vmem_shared>> -> memref<10112x128xf32, #tpu.memory_space<vmem_shared>>
        tpu.wait_indirect_dma semaphore(%arg20 : memref<!tpu.dma_semaphore, #tpu.memory_space<semaphore_mem>>) src(%arg16 : memref<72x128xf32, #tpu.memory_space<vmem>>) dst(%dma_wait3A_216 : memref<10112x128xf32, #tpu.memory_space<vmem_shared>>)
        %add3A_217 = arith.constant 2 : i32
        %add3A_218 = arith.addi %add3A_102, %add3A_217 : i32
        %mul3A_219 = arith.constant 72 : i32
        %mul3A_220 = arith.muli %add3A_218, %mul3A_219 : i32
        %add3A_221 = arith.addi %select_n3A, %mul3A_220 : i32
        %dma_start3A_222 = tpu.memref_slice %arg3[%add3A_221] : memref<322704xi32, #tpu.memory_space<hbm>> -> memref<72xi32, #tpu.memory_space<hbm>>
        %dma_start3A_223 = tpu.memref_slice %arg3[%add3A_221] : memref<322704xi32, #tpu.memory_space<hbm>> -> memref<72xi32, #tpu.memory_space<hbm>>
        tpu.enqueue_dma source(%dma_start3A_223 : memref<72xi32, #tpu.memory_space<hbm>>) target(%arg10 : memref<72xi32, #tpu.memory_space<vmem>>) target_semaphore(%arg24 : memref<!tpu.dma_semaphore, #tpu.memory_space<semaphore_mem>>)
        %dma_start3A_224 = tpu.memref_slice %arg4[%add3A_221] : memref<322704xi32, #tpu.memory_space<hbm>> -> memref<72xi32, #tpu.memory_space<hbm>>
        %dma_start3A_225 = tpu.memref_slice %arg4[%add3A_221] : memref<322704xi32, #tpu.memory_space<hbm>> -> memref<72xi32, #tpu.memory_space<hbm>>
        tpu.enqueue_dma source(%dma_start3A_225 : memref<72xi32, #tpu.memory_space<hbm>>) target(%arg14 : memref<72xi32, #tpu.memory_space<vmem>>) target_semaphore(%arg24 : memref<!tpu.dma_semaphore, #tpu.memory_space<semaphore_mem>>)
      } else {
      }
      %dma_wait3A_105 = arith.constant 0 : i32
      %dma_wait3A_106 = tpu.memref_slice %arg3[%dma_wait3A_105] : memref<322704xi32, #tpu.memory_space<hbm>> -> memref<72xi32, #tpu.memory_space<hbm>>
      %dma_wait3A_107 = arith.constant 0 : i32
      %dma_wait3A_108 = tpu.memref_slice %arg3[%dma_wait3A_107] : memref<322704xi32, #tpu.memory_space<hbm>> -> memref<72xi32, #tpu.memory_space<hbm>>
      tpu.wait_dma2 semaphore(%arg22 : memref<!tpu.dma_semaphore, #tpu.memory_space<semaphore_mem>>) src(%dma_wait3A_108 : memref<72xi32, #tpu.memory_space<hbm>>) dst(%arg8 : memref<72xi32, #tpu.memory_space<vmem>>)
      %dma_wait3A_109 = arith.constant 0 : i32
      %dma_wait3A_110 = tpu.memref_slice %arg4[%dma_wait3A_109] : memref<322704xi32, #tpu.memory_space<hbm>> -> memref<72xi32, #tpu.memory_space<hbm>>
      %dma_wait3A_111 = arith.constant 0 : i32
      %dma_wait3A_112 = tpu.memref_slice %arg4[%dma_wait3A_111] : memref<322704xi32, #tpu.memory_space<hbm>> -> memref<72xi32, #tpu.memory_space<hbm>>
      tpu.wait_dma2 semaphore(%arg22 : memref<!tpu.dma_semaphore, #tpu.memory_space<semaphore_mem>>) src(%dma_wait3A_112 : memref<72xi32, #tpu.memory_space<hbm>>) dst(%arg12 : memref<72xi32, #tpu.memory_space<vmem>>)
      %dma_start3A_113 = arith.constant 0 : i32
      %dma_start3A_114 = arith.constant 0 : i32
      %dma_start3A_115 = tpu.memref_slice %arg2[%dma_start3A_113, %dma_start3A_114] : memref<10000x128xf32, #tpu.memory_space<hbm>> -> memref<10000x128xf32, #tpu.memory_space<hbm>>
      tpu.enqueue_indirect_dma source(%dma_start3A_115 : memref<10000x128xf32, #tpu.memory_space<hbm>>) target(%arg16 : memref<72x128xf32, #tpu.memory_space<vmem>>) offsets(%arg8 : memref<72xi32, #tpu.memory_space<vmem>>) semaphore(%arg19 : memref<!tpu.dma_semaphore, #tpu.memory_space<semaphore_mem>>)
      %dma_wait3A_116 = arith.constant 0 : i32
      %dma_wait3A_117 = arith.constant 0 : i32
      %dma_wait3A_118 = tpu.memref_slice %arg2[%dma_wait3A_116, %dma_wait3A_117] : memref<10000x128xf32, #tpu.memory_space<hbm>> -> memref<10000x128xf32, #tpu.memory_space<hbm>>
      tpu.wait_indirect_dma semaphore(%arg19 : memref<!tpu.dma_semaphore, #tpu.memory_space<semaphore_mem>>) src(%dma_wait3A_118 : memref<10000x128xf32, #tpu.memory_space<hbm>>) dst(%arg16 : memref<72x128xf32, #tpu.memory_space<vmem>>)
      %dma_start3A_119 = arith.constant 0 : i32
      %dma_start3A_120 = arith.constant 0 : i32
      %dma_start3A_121 = tpu.memref_slice %arg7[%dma_start3A_119, %dma_start3A_120] : memref<10112x128xf32, #tpu.memory_space<vmem_shared>> -> memref<10112x128xf32, #tpu.memory_space<vmem_shared>>
      tpu.enqueue_indirect_dma source(%arg16 : memref<72x128xf32, #tpu.memory_space<vmem>>) target(%dma_start3A_121 : memref<10112x128xf32, #tpu.memory_space<vmem_shared>>) offsets(%arg12 : memref<72xi32, #tpu.memory_space<vmem>>) semaphore(%arg20 : memref<!tpu.dma_semaphore, #tpu.memory_space<semaphore_mem>>) {add = true}
      %mul3A_122 = arith.constant 4 : i32
      %mul3A_123 = arith.muli %mul3A_122, %while3A_98 : i32
      %add3A_124 = arith.constant 1 : i32
      %add3A_125 = arith.addi %mul3A_123, %add3A_124 : i32
      %gt3A_126 = arith.constant 0 : i32
      %gt3A_127 = arith.cmpi sgt, %while3A_98, %gt3A_126 : i32
      %convert_element_type3A_128 = arith.extui %gt3A_127 : i1 to i32
      %cond3A_129 = arith.constant 0 : i32
      %cond3A_130 = arith.cmpi ne, %convert_element_type3A_128, %cond3A_129 : i32
      scf.if %cond3A_130 {
        %dma_wait3A_214 = arith.constant 0 : i32
        %dma_wait3A_215 = arith.constant 0 : i32
        %dma_wait3A_216 = tpu.memref_slice %arg7[%dma_wait3A_214, %dma_wait3A_215] : memref<10112x128xf32, #tpu.memory_space<vmem_shared>> -> memref<10112x128xf32, #tpu.memory_space<vmem_shared>>
        tpu.wait_indirect_dma semaphore(%arg21 : memref<!tpu.dma_semaphore, #tpu.memory_space<semaphore_mem>>) src(%arg17 : memref<72x128xf32, #tpu.memory_space<vmem>>) dst(%dma_wait3A_216 : memref<10112x128xf32, #tpu.memory_space<vmem_shared>>)
        %add3A_217 = arith.constant 2 : i32
        %add3A_218 = arith.addi %add3A_125, %add3A_217 : i32
        %mul3A_219 = arith.constant 72 : i32
        %mul3A_220 = arith.muli %add3A_218, %mul3A_219 : i32
        %add3A_221 = arith.addi %select_n3A, %mul3A_220 : i32
        %dma_start3A_222 = tpu.memref_slice %arg3[%add3A_221] : memref<322704xi32, #tpu.memory_space<hbm>> -> memref<72xi32, #tpu.memory_space<hbm>>
        %dma_start3A_223 = tpu.memref_slice %arg3[%add3A_221] : memref<322704xi32, #tpu.memory_space<hbm>> -> memref<72xi32, #tpu.memory_space<hbm>>
        tpu.enqueue_dma source(%dma_start3A_223 : memref<72xi32, #tpu.memory_space<hbm>>) target(%arg11 : memref<72xi32, #tpu.memory_space<vmem>>) target_semaphore(%arg25 : memref<!tpu.dma_semaphore, #tpu.memory_space<semaphore_mem>>)
        %dma_start3A_224 = tpu.memref_slice %arg4[%add3A_221] : memref<322704xi32, #tpu.memory_space<hbm>> -> memref<72xi32, #tpu.memory_space<hbm>>
        %dma_start3A_225 = tpu.memref_slice %arg4[%add3A_221] : memref<322704xi32, #tpu.memory_space<hbm>> -> memref<72xi32, #tpu.memory_space<hbm>>
        tpu.enqueue_dma source(%dma_start3A_225 : memref<72xi32, #tpu.memory_space<hbm>>) target(%arg15 : memref<72xi32, #tpu.memory_space<vmem>>) target_semaphore(%arg25 : memref<!tpu.dma_semaphore, #tpu.memory_space<semaphore_mem>>)
      } else {
      }
      %dma_wait3A_131 = arith.constant 0 : i32
      %dma_wait3A_132 = tpu.memref_slice %arg3[%dma_wait3A_131] : memref<322704xi32, #tpu.memory_space<hbm>> -> memref<72xi32, #tpu.memory_space<hbm>>
      %dma_wait3A_133 = arith.constant 0 : i32
      %dma_wait3A_134 = tpu.memref_slice %arg3[%dma_wait3A_133] : memref<322704xi32, #tpu.memory_space<hbm>> -> memref<72xi32, #tpu.memory_space<hbm>>
      tpu.wait_dma2 semaphore(%arg23 : memref<!tpu.dma_semaphore, #tpu.memory_space<semaphore_mem>>) src(%dma_wait3A_134 : memref<72xi32, #tpu.memory_space<hbm>>) dst(%arg9 : memref<72xi32, #tpu.memory_space<vmem>>)
      %dma_wait3A_135 = arith.constant 0 : i32
      %dma_wait3A_136 = tpu.memref_slice %arg4[%dma_wait3A_135] : memref<322704xi32, #tpu.memory_space<hbm>> -> memref<72xi32, #tpu.memory_space<hbm>>
      %dma_wait3A_137 = arith.constant 0 : i32
      %dma_wait3A_138 = tpu.memref_slice %arg4[%dma_wait3A_137] : memref<322704xi32, #tpu.memory_space<hbm>> -> memref<72xi32, #tpu.memory_space<hbm>>
      tpu.wait_dma2 semaphore(%arg23 : memref<!tpu.dma_semaphore, #tpu.memory_space<semaphore_mem>>) src(%dma_wait3A_138 : memref<72xi32, #tpu.memory_space<hbm>>) dst(%arg13 : memref<72xi32, #tpu.memory_space<vmem>>)
      %dma_start3A_139 = arith.constant 0 : i32
      %dma_start3A_140 = arith.constant 0 : i32
      %dma_start3A_141 = tpu.memref_slice %arg2[%dma_start3A_139, %dma_start3A_140] : memref<10000x128xf32, #tpu.memory_space<hbm>> -> memref<10000x128xf32, #tpu.memory_space<hbm>>
      tpu.enqueue_indirect_dma source(%dma_start3A_141 : memref<10000x128xf32, #tpu.memory_space<hbm>>) target(%arg17 : memref<72x128xf32, #tpu.memory_space<vmem>>) offsets(%arg9 : memref<72xi32, #tpu.memory_space<vmem>>) semaphore(%arg19 : memref<!tpu.dma_semaphore, #tpu.memory_space<semaphore_mem>>)
      %dma_wait3A_142 = arith.constant 0 : i32
      %dma_wait3A_143 = arith.constant 0 : i32
      %dma_wait3A_144 = tpu.memref_slice %arg2[%dma_wait3A_142, %dma_wait3A_143] : memref<10000x128xf32, #tpu.memory_space<hbm>> -> memref<10000x128xf32, #tpu.memory_space<hbm>>
      tpu.wait_indirect_dma semaphore(%arg19 : memref<!tpu.dma_semaphore, #tpu.memory_space<semaphore_mem>>) src(%dma_wait3A_144 : memref<10000x128xf32, #tpu.memory_space<hbm>>) dst(%arg17 : memref<72x128xf32, #tpu.memory_space<vmem>>)
      %dma_start3A_145 = arith.constant 0 : i32
      %dma_start3A_146 = arith.constant 0 : i32
      %dma_start3A_147 = tpu.memref_slice %arg7[%dma_start3A_145, %dma_start3A_146] : memref<10112x128xf32, #tpu.memory_space<vmem_shared>> -> memref<10112x128xf32, #tpu.memory_space<vmem_shared>>
      tpu.enqueue_indirect_dma source(%arg17 : memref<72x128xf32, #tpu.memory_space<vmem>>) target(%dma_start3A_147 : memref<10112x128xf32, #tpu.memory_space<vmem_shared>>) offsets(%arg13 : memref<72xi32, #tpu.memory_space<vmem>>) semaphore(%arg21 : memref<!tpu.dma_semaphore, #tpu.memory_space<semaphore_mem>>) {add = true}
      %mul3A_148 = arith.constant 4 : i32
      %mul3A_149 = arith.muli %mul3A_148, %while3A_98 : i32
      %add3A_150 = arith.constant 2 : i32
      %add3A_151 = arith.addi %mul3A_149, %add3A_150 : i32
      %dma_wait3A_152 = arith.constant 0 : i32
      %dma_wait3A_153 = arith.constant 0 : i32
      %dma_wait3A_154 = tpu.memref_slice %arg7[%dma_wait3A_152, %dma_wait3A_153] : memref<10112x128xf32, #tpu.memory_space<vmem_shared>> -> memref<10112x128xf32, #tpu.memory_space<vmem_shared>>
      tpu.wait_indirect_dma semaphore(%arg20 : memref<!tpu.dma_semaphore, #tpu.memory_space<semaphore_mem>>) src(%arg16 : memref<72x128xf32, #tpu.memory_space<vmem>>) dst(%dma_wait3A_154 : memref<10112x128xf32, #tpu.memory_space<vmem_shared>>)
      %add3A_155 = arith.constant 2 : i32
      %add3A_156 = arith.addi %add3A_151, %add3A_155 : i32
      %mul3A_157 = arith.constant 72 : i32
      %mul3A_158 = arith.muli %add3A_156, %mul3A_157 : i32
      %add3A_159 = arith.addi %select_n3A, %mul3A_158 : i32
      %dma_start3A_160 = tpu.memref_slice %arg3[%add3A_159] : memref<322704xi32, #tpu.memory_space<hbm>> -> memref<72xi32, #tpu.memory_space<hbm>>
      %dma_start3A_161 = tpu.memref_slice %arg3[%add3A_159] : memref<322704xi32, #tpu.memory_space<hbm>> -> memref<72xi32, #tpu.memory_space<hbm>>
      tpu.enqueue_dma source(%dma_start3A_161 : memref<72xi32, #tpu.memory_space<hbm>>) target(%arg8 : memref<72xi32, #tpu.memory_space<vmem>>) target_semaphore(%arg22 : memref<!tpu.dma_semaphore, #tpu.memory_space<semaphore_mem>>)
      %dma_start3A_162 = tpu.memref_slice %arg4[%add3A_159] : memref<322704xi32, #tpu.memory_space<hbm>> -> memref<72xi32, #tpu.memory_space<hbm>>
      %dma_start3A_163 = tpu.memref_slice %arg4[%add3A_159] : memref<322704xi32, #tpu.memory_space<hbm>> -> memref<72xi32, #tpu.memory_space<hbm>>
      tpu.enqueue_dma source(%dma_start3A_163 : memref<72xi32, #tpu.memory_space<hbm>>) target(%arg12 : memref<72xi32, #tpu.memory_space<vmem>>) target_semaphore(%arg22 : memref<!tpu.dma_semaphore, #tpu.memory_space<semaphore_mem>>)
      %dma_wait3A_164 = arith.constant 0 : i32
      %dma_wait3A_165 = tpu.memref_slice %arg3[%dma_wait3A_164] : memref<322704xi32, #tpu.memory_space<hbm>> -> memref<72xi32, #tpu.memory_space<hbm>>
      %dma_wait3A_166 = arith.constant 0 : i32
      %dma_wait3A_167 = tpu.memref_slice %arg3[%dma_wait3A_166] : memref<322704xi32, #tpu.memory_space<hbm>> -> memref<72xi32, #tpu.memory_space<hbm>>
      tpu.wait_dma2 semaphore(%arg24 : memref<!tpu.dma_semaphore, #tpu.memory_space<semaphore_mem>>) src(%dma_wait3A_167 : memref<72xi32, #tpu.memory_space<hbm>>) dst(%arg10 : memref<72xi32, #tpu.memory_space<vmem>>)
      %dma_wait3A_168 = arith.constant 0 : i32
      %dma_wait3A_169 = tpu.memref_slice %arg4[%dma_wait3A_168] : memref<322704xi32, #tpu.memory_space<hbm>> -> memref<72xi32, #tpu.memory_space<hbm>>
      %dma_wait3A_170 = arith.constant 0 : i32
      %dma_wait3A_171 = tpu.memref_slice %arg4[%dma_wait3A_170] : memref<322704xi32, #tpu.memory_space<hbm>> -> memref<72xi32, #tpu.memory_space<hbm>>
      tpu.wait_dma2 semaphore(%arg24 : memref<!tpu.dma_semaphore, #tpu.memory_space<semaphore_mem>>) src(%dma_wait3A_171 : memref<72xi32, #tpu.memory_space<hbm>>) dst(%arg14 : memref<72xi32, #tpu.memory_space<vmem>>)
      %dma_start3A_172 = arith.constant 0 : i32
      %dma_start3A_173 = arith.constant 0 : i32
      %dma_start3A_174 = tpu.memref_slice %arg2[%dma_start3A_172, %dma_start3A_173] : memref<10000x128xf32, #tpu.memory_space<hbm>> -> memref<10000x128xf32, #tpu.memory_space<hbm>>
      tpu.enqueue_indirect_dma source(%dma_start3A_174 : memref<10000x128xf32, #tpu.memory_space<hbm>>) target(%arg16 : memref<72x128xf32, #tpu.memory_space<vmem>>) offsets(%arg10 : memref<72xi32, #tpu.memory_space<vmem>>) semaphore(%arg19 : memref<!tpu.dma_semaphore, #tpu.memory_space<semaphore_mem>>)
      %dma_wait3A_175 = arith.constant 0 : i32
      %dma_wait3A_176 = arith.constant 0 : i32
      %dma_wait3A_177 = tpu.memref_slice %arg2[%dma_wait3A_175, %dma_wait3A_176] : memref<10000x128xf32, #tpu.memory_space<hbm>> -> memref<10000x128xf32, #tpu.memory_space<hbm>>
      tpu.wait_indirect_dma semaphore(%arg19 : memref<!tpu.dma_semaphore, #tpu.memory_space<semaphore_mem>>) src(%dma_wait3A_177 : memref<10000x128xf32, #tpu.memory_space<hbm>>) dst(%arg16 : memref<72x128xf32, #tpu.memory_space<vmem>>)
      %dma_start3A_178 = arith.constant 0 : i32
      %dma_start3A_179 = arith.constant 0 : i32
      %dma_start3A_180 = tpu.memref_slice %arg7[%dma_start3A_178, %dma_start3A_179] : memref<10112x128xf32, #tpu.memory_space<vmem_shared>> -> memref<10112x128xf32, #tpu.memory_space<vmem_shared>>
      tpu.enqueue_indirect_dma source(%arg16 : memref<72x128xf32, #tpu.memory_space<vmem>>) target(%dma_start3A_180 : memref<10112x128xf32, #tpu.memory_space<vmem_shared>>) offsets(%arg14 : memref<72xi32, #tpu.memory_space<vmem>>) semaphore(%arg20 : memref<!tpu.dma_semaphore, #tpu.memory_space<semaphore_mem>>) {add = true}
      %mul3A_181 = arith.constant 4 : i32
      %mul3A_182 = arith.muli %mul3A_181, %while3A_98 : i32
      %add3A_183 = arith.constant 3 : i32
      %add3A_184 = arith.addi %mul3A_182, %add3A_183 : i32
      %dma_wait3A_185 = arith.constant 0 : i32
      %dma_wait3A_186 = arith.constant 0 : i32
      %dma_wait3A_187 = tpu.memref_slice %arg7[%dma_wait3A_185, %dma_wait3A_186] : memref<10112x128xf32, #tpu.memory_space<vmem_shared>> -> memref<10112x128xf32, #tpu.memory_space<vmem_shared>>
      tpu.wait_indirect_dma semaphore(%arg21 : memref<!tpu.dma_semaphore, #tpu.memory_space<semaphore_mem>>) src(%arg17 : memref<72x128xf32, #tpu.memory_space<vmem>>) dst(%dma_wait3A_187 : memref<10112x128xf32, #tpu.memory_space<vmem_shared>>)
      %add3A_188 = arith.constant 2 : i32
      %add3A_189 = arith.addi %add3A_184, %add3A_188 : i32
      %mul3A_190 = arith.constant 72 : i32
      %mul3A_191 = arith.muli %add3A_189, %mul3A_190 : i32
      %add3A_192 = arith.addi %select_n3A, %mul3A_191 : i32
      %dma_start3A_193 = tpu.memref_slice %arg3[%add3A_192] : memref<322704xi32, #tpu.memory_space<hbm>> -> memref<72xi32, #tpu.memory_space<hbm>>
      %dma_start3A_194 = tpu.memref_slice %arg3[%add3A_192] : memref<322704xi32, #tpu.memory_space<hbm>> -> memref<72xi32, #tpu.memory_space<hbm>>
      tpu.enqueue_dma source(%dma_start3A_194 : memref<72xi32, #tpu.memory_space<hbm>>) target(%arg9 : memref<72xi32, #tpu.memory_space<vmem>>) target_semaphore(%arg23 : memref<!tpu.dma_semaphore, #tpu.memory_space<semaphore_mem>>)
      %dma_start3A_195 = tpu.memref_slice %arg4[%add3A_192] : memref<322704xi32, #tpu.memory_space<hbm>> -> memref<72xi32, #tpu.memory_space<hbm>>
      %dma_start3A_196 = tpu.memref_slice %arg4[%add3A_192] : memref<322704xi32, #tpu.memory_space<hbm>> -> memref<72xi32, #tpu.memory_space<hbm>>
      tpu.enqueue_dma source(%dma_start3A_196 : memref<72xi32, #tpu.memory_space<hbm>>) target(%arg13 : memref<72xi32, #tpu.memory_space<vmem>>) target_semaphore(%arg23 : memref<!tpu.dma_semaphore, #tpu.memory_space<semaphore_mem>>)
      %dma_wait3A_197 = arith.constant 0 : i32
      %dma_wait3A_198 = tpu.memref_slice %arg3[%dma_wait3A_197] : memref<322704xi32, #tpu.memory_space<hbm>> -> memref<72xi32, #tpu.memory_space<hbm>>
      %dma_wait3A_199 = arith.constant 0 : i32
      %dma_wait3A_200 = tpu.memref_slice %arg3[%dma_wait3A_199] : memref<322704xi32, #tpu.memory_space<hbm>> -> memref<72xi32, #tpu.memory_space<hbm>>
      tpu.wait_dma2 semaphore(%arg25 : memref<!tpu.dma_semaphore, #tpu.memory_space<semaphore_mem>>) src(%dma_wait3A_200 : memref<72xi32, #tpu.memory_space<hbm>>) dst(%arg11 : memref<72xi32, #tpu.memory_space<vmem>>)
      %dma_wait3A_201 = arith.constant 0 : i32
      %dma_wait3A_202 = tpu.memref_slice %arg4[%dma_wait3A_201] : memref<322704xi32, #tpu.memory_space<hbm>> -> memref<72xi32, #tpu.memory_space<hbm>>
      %dma_wait3A_203 = arith.constant 0 : i32
      %dma_wait3A_204 = tpu.memref_slice %arg4[%dma_wait3A_203] : memref<322704xi32, #tpu.memory_space<hbm>> -> memref<72xi32, #tpu.memory_space<hbm>>
      tpu.wait_dma2 semaphore(%arg25 : memref<!tpu.dma_semaphore, #tpu.memory_space<semaphore_mem>>) src(%dma_wait3A_204 : memref<72xi32, #tpu.memory_space<hbm>>) dst(%arg15 : memref<72xi32, #tpu.memory_space<vmem>>)
      %dma_start3A_205 = arith.constant 0 : i32
      %dma_start3A_206 = arith.constant 0 : i32
      %dma_start3A_207 = tpu.memref_slice %arg2[%dma_start3A_205, %dma_start3A_206] : memref<10000x128xf32, #tpu.memory_space<hbm>> -> memref<10000x128xf32, #tpu.memory_space<hbm>>
      tpu.enqueue_indirect_dma source(%dma_start3A_207 : memref<10000x128xf32, #tpu.memory_space<hbm>>) target(%arg17 : memref<72x128xf32, #tpu.memory_space<vmem>>) offsets(%arg11 : memref<72xi32, #tpu.memory_space<vmem>>) semaphore(%arg19 : memref<!tpu.dma_semaphore, #tpu.memory_space<semaphore_mem>>)
      %dma_wait3A_208 = arith.constant 0 : i32
      %dma_wait3A_209 = arith.constant 0 : i32
      %dma_wait3A_210 = tpu.memref_slice %arg2[%dma_wait3A_208, %dma_wait3A_209] : memref<10000x128xf32, #tpu.memory_space<hbm>> -> memref<10000x128xf32, #tpu.memory_space<hbm>>
      tpu.wait_indirect_dma semaphore(%arg19 : memref<!tpu.dma_semaphore, #tpu.memory_space<semaphore_mem>>) src(%dma_wait3A_210 : memref<10000x128xf32, #tpu.memory_space<hbm>>) dst(%arg17 : memref<72x128xf32, #tpu.memory_space<vmem>>)
      %dma_start3A_211 = arith.constant 0 : i32
      %dma_start3A_212 = arith.constant 0 : i32
      %dma_start3A_213 = tpu.memref_slice %arg7[%dma_start3A_211, %dma_start3A_212] : memref<10112x128xf32, #tpu.memory_space<vmem_shared>> -> memref<10112x128xf32, #tpu.memory_space<vmem_shared>>
      tpu.enqueue_indirect_dma source(%arg17 : memref<72x128xf32, #tpu.memory_space<vmem>>) target(%dma_start3A_213 : memref<10112x128xf32, #tpu.memory_space<vmem_shared>>) offsets(%arg15 : memref<72xi32, #tpu.memory_space<vmem>>) semaphore(%arg21 : memref<!tpu.dma_semaphore, #tpu.memory_space<semaphore_mem>>) {add = true}
    }
    %dma_wait3A = arith.constant 0 : i32
    %dma_wait3A_56 = arith.constant 0 : i32
    %dma_wait3A_57 = tpu.memref_slice %arg7[%dma_wait3A, %dma_wait3A_56] : memref<10112x128xf32, #tpu.memory_space<vmem_shared>> -> memref<10112x128xf32, #tpu.memory_space<vmem_shared>>
    tpu.wait_indirect_dma semaphore(%arg20 : memref<!tpu.dma_semaphore, #tpu.memory_space<semaphore_mem>>) src(%arg16 : memref<72x128xf32, #tpu.memory_space<vmem>>) dst(%dma_wait3A_57 : memref<10112x128xf32, #tpu.memory_space<vmem_shared>>)
    %dma_wait3A_58 = arith.constant 0 : i32
    %dma_wait3A_59 = arith.constant 0 : i32
    %dma_wait3A_60 = tpu.memref_slice %arg7[%dma_wait3A_58, %dma_wait3A_59] : memref<10112x128xf32, #tpu.memory_space<vmem_shared>> -> memref<10112x128xf32, #tpu.memory_space<vmem_shared>>
    tpu.wait_indirect_dma semaphore(%arg21 : memref<!tpu.dma_semaphore, #tpu.memory_space<semaphore_mem>>) src(%arg17 : memref<72x128xf32, #tpu.memory_space<vmem>>) dst(%dma_wait3A_60 : memref<10112x128xf32, #tpu.memory_space<vmem_shared>>)
    %dma_wait3A_61 = arith.constant 0 : i32
    %dma_wait3A_62 = tpu.memref_slice %arg3[%dma_wait3A_61] : memref<322704xi32, #tpu.memory_space<hbm>> -> memref<72xi32, #tpu.memory_space<hbm>>
    %dma_wait3A_63 = arith.constant 0 : i32
    %dma_wait3A_64 = tpu.memref_slice %arg3[%dma_wait3A_63] : memref<322704xi32, #tpu.memory_space<hbm>> -> memref<72xi32, #tpu.memory_space<hbm>>
    tpu.wait_dma2 semaphore(%arg22 : memref<!tpu.dma_semaphore, #tpu.memory_space<semaphore_mem>>) src(%dma_wait3A_64 : memref<72xi32, #tpu.memory_space<hbm>>) dst(%arg8 : memref<72xi32, #tpu.memory_space<vmem>>)
    %dma_wait3A_65 = arith.constant 0 : i32
    %dma_wait3A_66 = tpu.memref_slice %arg4[%dma_wait3A_65] : memref<322704xi32, #tpu.memory_space<hbm>> -> memref<72xi32, #tpu.memory_space<hbm>>
    %dma_wait3A_67 = arith.constant 0 : i32
    %dma_wait3A_68 = tpu.memref_slice %arg4[%dma_wait3A_67] : memref<322704xi32, #tpu.memory_space<hbm>> -> memref<72xi32, #tpu.memory_space<hbm>>
    tpu.wait_dma2 semaphore(%arg22 : memref<!tpu.dma_semaphore, #tpu.memory_space<semaphore_mem>>) src(%dma_wait3A_68 : memref<72xi32, #tpu.memory_space<hbm>>) dst(%arg12 : memref<72xi32, #tpu.memory_space<vmem>>)
    %dma_wait3A_69 = arith.constant 0 : i32
    %dma_wait3A_70 = tpu.memref_slice %arg3[%dma_wait3A_69] : memref<322704xi32, #tpu.memory_space<hbm>> -> memref<72xi32, #tpu.memory_space<hbm>>
    %dma_wait3A_71 = arith.constant 0 : i32
    %dma_wait3A_72 = tpu.memref_slice %arg3[%dma_wait3A_71] : memref<322704xi32, #tpu.memory_space<hbm>> -> memref<72xi32, #tpu.memory_space<hbm>>
    tpu.wait_dma2 semaphore(%arg23 : memref<!tpu.dma_semaphore, #tpu.memory_space<semaphore_mem>>) src(%dma_wait3A_72 : memref<72xi32, #tpu.memory_space<hbm>>) dst(%arg9 : memref<72xi32, #tpu.memory_space<vmem>>)
    %dma_wait3A_73 = arith.constant 0 : i32
    %dma_wait3A_74 = tpu.memref_slice %arg4[%dma_wait3A_73] : memref<322704xi32, #tpu.memory_space<hbm>> -> memref<72xi32, #tpu.memory_space<hbm>>
    %dma_wait3A_75 = arith.constant 0 : i32
    %dma_wait3A_76 = tpu.memref_slice %arg4[%dma_wait3A_75] : memref<322704xi32, #tpu.memory_space<hbm>> -> memref<72xi32, #tpu.memory_space<hbm>>
    tpu.wait_dma2 semaphore(%arg23 : memref<!tpu.dma_semaphore, #tpu.memory_space<semaphore_mem>>) src(%dma_wait3A_76 : memref<72xi32, #tpu.memory_space<hbm>>) dst(%arg13 : memref<72xi32, #tpu.memory_space<vmem>>)
    %barrier3A_77 = arith.constant 0 : index
    tpu.barrier barrier_id(%barrier3A_77)
    %add3A_78 = arith.constant 0 : i32
    %add3A_79 = arith.addi %mul3A_2, %add3A_78 : i32
    "tpu.region"() ({
      %run_scoped3A = tpu.sem_alloc : memref<!tpu.dma_semaphore, #tpu.memory_space<semaphore_mem>>
      %dma_start3A_98 = arith.constant 0 : i32
      %dma_start3A_99 = arith.constant 0 : i32
      %dma_start3A_100 = tpu.memref_slice %arg18[%dma_start3A_98, %dma_start3A_99] : memref<128x128xf32, #tpu.memory_space<vmem>> -> memref<128x128xf32, #tpu.memory_space<vmem>>
      %dma_start3A_101 = arith.constant 0 : i32
      %dma_start3A_102 = tpu.memref_slice %arg7[%add3A_79, %dma_start3A_101] : memref<10112x128xf32, #tpu.memory_space<vmem_shared>> -> memref<128x128xf32, #tpu.memory_space<vmem_shared>>
      %dma_start3A_103 = arith.constant 0 : i32
      %dma_start3A_104 = arith.constant 0 : i32
      %dma_start3A_105 = tpu.memref_slice %arg18[%dma_start3A_103, %dma_start3A_104] : memref<128x128xf32, #tpu.memory_space<vmem>> -> memref<128x128xf32, #tpu.memory_space<vmem>>
      %dma_start3A_106 = arith.constant 0 : i32
      %dma_start3A_107 = tpu.memref_slice %arg7[%add3A_79, %dma_start3A_106] : memref<10112x128xf32, #tpu.memory_space<vmem_shared>> -> memref<128x128xf32, #tpu.memory_space<vmem_shared>>
      tpu.enqueue_dma source(%dma_start3A_107 : memref<128x128xf32, #tpu.memory_space<vmem_shared>>) target(%dma_start3A_105 : memref<128x128xf32, #tpu.memory_space<vmem>>) target_semaphore(%run_scoped3A : memref<!tpu.dma_semaphore, #tpu.memory_space<semaphore_mem>>)
      %dma_wait3A_108 = arith.constant 0 : i32
      %dma_wait3A_109 = arith.constant 0 : i32
      %dma_wait3A_110 = tpu.memref_slice %arg18[%dma_wait3A_108, %dma_wait3A_109] : memref<128x128xf32, #tpu.memory_space<vmem>> -> memref<128x128xf32, #tpu.memory_space<vmem>>
      %dma_wait3A_111 = arith.constant 0 : i32
      %dma_wait3A_112 = tpu.memref_slice %arg7[%add3A_79, %dma_wait3A_111] : memref<10112x128xf32, #tpu.memory_space<vmem_shared>> -> memref<128x128xf32, #tpu.memory_space<vmem_shared>>
      %dma_wait3A_113 = arith.constant 0 : i32
      %dma_wait3A_114 = arith.constant 0 : i32
      %dma_wait3A_115 = tpu.memref_slice %arg18[%dma_wait3A_113, %dma_wait3A_114] : memref<128x128xf32, #tpu.memory_space<vmem>> -> memref<128x128xf32, #tpu.memory_space<vmem>>
      %dma_wait3A_116 = arith.constant 0 : i32
      %dma_wait3A_117 = tpu.memref_slice %arg7[%add3A_79, %dma_wait3A_116] : memref<10112x128xf32, #tpu.memory_space<vmem_shared>> -> memref<128x128xf32, #tpu.memory_space<vmem_shared>>
      tpu.wait_dma2 semaphore(%run_scoped3A : memref<!tpu.dma_semaphore, #tpu.memory_space<semaphore_mem>>) src(%dma_wait3A_117 : memref<128x128xf32, #tpu.memory_space<vmem_shared>>) dst(%dma_wait3A_115 : memref<128x128xf32, #tpu.memory_space<vmem>>)
      tpu.yield
    }) : () -> ()
    %add3A_80 = arith.constant 0 : i32
    %add3A_81 = arith.addi %mul3A_2, %add3A_80 : i32
    "tpu.region"() ({
      %run_scoped3A = tpu.sem_alloc : memref<!tpu.dma_semaphore, #tpu.memory_space<semaphore_mem>>
      %dma_start3A_98 = arith.constant 0 : i32
      %dma_start3A_99 = arith.constant 0 : i32
      %dma_start3A_100 = tpu.memref_slice %arg18[%dma_start3A_98, %dma_start3A_99] : memref<128x128xf32, #tpu.memory_space<vmem>> -> memref<128x128xf32, #tpu.memory_space<vmem>>
      %dma_start3A_101 = arith.constant 0 : i32
      %dma_start3A_102 = tpu.memref_slice %arg6[%arg0, %add3A_81, %dma_start3A_101] : memref<2x10112x128xf32, #tpu.memory_space<hbm>> -> memref<1x128x128xf32, #tpu.memory_space<hbm>>
      %dma_start3A_103 = tpu.memref_squeeze %dma_start3A_102 : memref<1x128x128xf32, #tpu.memory_space<hbm>> -> memref<128x128xf32, #tpu.memory_space<hbm>>
      %dma_start3A_104 = arith.constant 0 : i32
      %dma_start3A_105 = tpu.memref_slice %arg6[%arg0, %add3A_81, %dma_start3A_104] : memref<2x10112x128xf32, #tpu.memory_space<hbm>> -> memref<1x128x128xf32, #tpu.memory_space<hbm>>
      %dma_start3A_106 = tpu.memref_squeeze %dma_start3A_105 : memref<1x128x128xf32, #tpu.memory_space<hbm>> -> memref<128x128xf32, #tpu.memory_space<hbm>>
      %dma_start3A_107 = arith.constant 0 : i32
      %dma_start3A_108 = arith.constant 0 : i32
      %dma_start3A_109 = tpu.memref_slice %arg18[%dma_start3A_107, %dma_start3A_108] : memref<128x128xf32, #tpu.memory_space<vmem>> -> memref<128x128xf32, #tpu.memory_space<vmem>>
      tpu.enqueue_dma source(%dma_start3A_109 : memref<128x128xf32, #tpu.memory_space<vmem>>) target(%dma_start3A_106 : memref<128x128xf32, #tpu.memory_space<hbm>>) target_semaphore(%run_scoped3A : memref<!tpu.dma_semaphore, #tpu.memory_space<semaphore_mem>>)
      %dma_wait3A_110 = arith.constant 0 : i32
      %dma_wait3A_111 = arith.constant 0 : i32
      %dma_wait3A_112 = tpu.memref_slice %arg18[%dma_wait3A_110, %dma_wait3A_111] : memref<128x128xf32, #tpu.memory_space<vmem>> -> memref<128x128xf32, #tpu.memory_space<vmem>>
      %dma_wait3A_113 = arith.constant 0 : i32
      %dma_wait3A_114 = tpu.memref_slice %arg6[%arg0, %add3A_81, %dma_wait3A_113] : memref<2x10112x128xf32, #tpu.memory_space<hbm>> -> memref<1x128x128xf32, #tpu.memory_space<hbm>>
      %dma_wait3A_115 = tpu.memref_squeeze %dma_wait3A_114 : memref<1x128x128xf32, #tpu.memory_space<hbm>> -> memref<128x128xf32, #tpu.memory_space<hbm>>
      %dma_wait3A_116 = arith.constant 0 : i32
      %dma_wait3A_117 = tpu.memref_slice %arg6[%arg0, %add3A_81, %dma_wait3A_116] : memref<2x10112x128xf32, #tpu.memory_space<hbm>> -> memref<1x128x128xf32, #tpu.memory_space<hbm>>
      %dma_wait3A_118 = tpu.memref_squeeze %dma_wait3A_117 : memref<1x128x128xf32, #tpu.memory_space<hbm>> -> memref<128x128xf32, #tpu.memory_space<hbm>>
      %dma_wait3A_119 = arith.constant 0 : i32
      %dma_wait3A_120 = arith.constant 0 : i32
      %dma_wait3A_121 = tpu.memref_slice %arg18[%dma_wait3A_119, %dma_wait3A_120] : memref<128x128xf32, #tpu.memory_space<vmem>> -> memref<128x128xf32, #tpu.memory_space<vmem>>
      tpu.wait_dma2 semaphore(%run_scoped3A : memref<!tpu.dma_semaphore, #tpu.memory_space<semaphore_mem>>) src(%dma_wait3A_121 : memref<128x128xf32, #tpu.memory_space<vmem>>) dst(%dma_wait3A_118 : memref<128x128xf32, #tpu.memory_space<hbm>>)
      tpu.yield
    }) : () -> ()
    %add3A_82 = arith.constant 128 : i32
    %add3A_83 = arith.addi %mul3A_2, %add3A_82 : i32
    "tpu.region"() ({
      %run_scoped3A = tpu.sem_alloc : memref<!tpu.dma_semaphore, #tpu.memory_space<semaphore_mem>>
      %dma_start3A_98 = arith.constant 0 : i32
      %dma_start3A_99 = arith.constant 0 : i32
      %dma_start3A_100 = tpu.memref_slice %arg18[%dma_start3A_98, %dma_start3A_99] : memref<128x128xf32, #tpu.memory_space<vmem>> -> memref<128x128xf32, #tpu.memory_space<vmem>>
      %dma_start3A_101 = arith.constant 0 : i32
      %dma_start3A_102 = tpu.memref_slice %arg7[%add3A_83, %dma_start3A_101] : memref<10112x128xf32, #tpu.memory_space<vmem_shared>> -> memref<128x128xf32, #tpu.memory_space<vmem_shared>>
      %dma_start3A_103 = arith.constant 0 : i32
      %dma_start3A_104 = arith.constant 0 : i32
      %dma_start3A_105 = tpu.memref_slice %arg18[%dma_start3A_103, %dma_start3A_104] : memref<128x128xf32, #tpu.memory_space<vmem>> -> memref<128x128xf32, #tpu.memory_space<vmem>>
      %dma_start3A_106 = arith.constant 0 : i32
      %dma_start3A_107 = tpu.memref_slice %arg7[%add3A_83, %dma_start3A_106] : memref<10112x128xf32, #tpu.memory_space<vmem_shared>> -> memref<128x128xf32, #tpu.memory_space<vmem_shared>>
      tpu.enqueue_dma source(%dma_start3A_107 : memref<128x128xf32, #tpu.memory_space<vmem_shared>>) target(%dma_start3A_105 : memref<128x128xf32, #tpu.memory_space<vmem>>) target_semaphore(%run_scoped3A : memref<!tpu.dma_semaphore, #tpu.memory_space<semaphore_mem>>)
      %dma_wait3A_108 = arith.constant 0 : i32
      %dma_wait3A_109 = arith.constant 0 : i32
      %dma_wait3A_110 = tpu.memref_slice %arg18[%dma_wait3A_108, %dma_wait3A_109] : memref<128x128xf32, #tpu.memory_space<vmem>> -> memref<128x128xf32, #tpu.memory_space<vmem>>
      %dma_wait3A_111 = arith.constant 0 : i32
      %dma_wait3A_112 = tpu.memref_slice %arg7[%add3A_83, %dma_wait3A_111] : memref<10112x128xf32, #tpu.memory_space<vmem_shared>> -> memref<128x128xf32, #tpu.memory_space<vmem_shared>>
      %dma_wait3A_113 = arith.constant 0 : i32
      %dma_wait3A_114 = arith.constant 0 : i32
      %dma_wait3A_115 = tpu.memref_slice %arg18[%dma_wait3A_113, %dma_wait3A_114] : memref<128x128xf32, #tpu.memory_space<vmem>> -> memref<128x128xf32, #tpu.memory_space<vmem>>
      %dma_wait3A_116 = arith.constant 0 : i32
      %dma_wait3A_117 = tpu.memref_slice %arg7[%add3A_83, %dma_wait3A_116] : memref<10112x128xf32, #tpu.memory_space<vmem_shared>> -> memref<128x128xf32, #tpu.memory_space<vmem_shared>>
      tpu.wait_dma2 semaphore(%run_scoped3A : memref<!tpu.dma_semaphore, #tpu.memory_space<semaphore_mem>>) src(%dma_wait3A_117 : memref<128x128xf32, #tpu.memory_space<vmem_shared>>) dst(%dma_wait3A_115 : memref<128x128xf32, #tpu.memory_space<vmem>>)
      tpu.yield
    }) : () -> ()
    %add3A_84 = arith.constant 128 : i32
    %add3A_85 = arith.addi %mul3A_2, %add3A_84 : i32
    "tpu.region"() ({
      %run_scoped3A = tpu.sem_alloc : memref<!tpu.dma_semaphore, #tpu.memory_space<semaphore_mem>>
      %dma_start3A_98 = arith.constant 0 : i32
      %dma_start3A_99 = arith.constant 0 : i32
      %dma_start3A_100 = tpu.memref_slice %arg18[%dma_start3A_98, %dma_start3A_99] : memref<128x128xf32, #tpu.memory_space<vmem>> -> memref<128x128xf32, #tpu.memory_space<vmem>>
      %dma_start3A_101 = arith.constant 0 : i32
      %dma_start3A_102 = tpu.memref_slice %arg6[%arg0, %add3A_85, %dma_start3A_101] : memref<2x10112x128xf32, #tpu.memory_space<hbm>> -> memref<1x128x128xf32, #tpu.memory_space<hbm>>
      %dma_start3A_103 = tpu.memref_squeeze %dma_start3A_102 : memref<1x128x128xf32, #tpu.memory_space<hbm>> -> memref<128x128xf32, #tpu.memory_space<hbm>>
      %dma_start3A_104 = arith.constant 0 : i32
      %dma_start3A_105 = tpu.memref_slice %arg6[%arg0, %add3A_85, %dma_start3A_104] : memref<2x10112x128xf32, #tpu.memory_space<hbm>> -> memref<1x128x128xf32, #tpu.memory_space<hbm>>
      %dma_start3A_106 = tpu.memref_squeeze %dma_start3A_105 : memref<1x128x128xf32, #tpu.memory_space<hbm>> -> memref<128x128xf32, #tpu.memory_space<hbm>>
      %dma_start3A_107 = arith.constant 0 : i32
      %dma_start3A_108 = arith.constant 0 : i32
      %dma_start3A_109 = tpu.memref_slice %arg18[%dma_start3A_107, %dma_start3A_108] : memref<128x128xf32, #tpu.memory_space<vmem>> -> memref<128x128xf32, #tpu.memory_space<vmem>>
      tpu.enqueue_dma source(%dma_start3A_109 : memref<128x128xf32, #tpu.memory_space<vmem>>) target(%dma_start3A_106 : memref<128x128xf32, #tpu.memory_space<hbm>>) target_semaphore(%run_scoped3A : memref<!tpu.dma_semaphore, #tpu.memory_space<semaphore_mem>>)
      %dma_wait3A_110 = arith.constant 0 : i32
      %dma_wait3A_111 = arith.constant 0 : i32
      %dma_wait3A_112 = tpu.memref_slice %arg18[%dma_wait3A_110, %dma_wait3A_111] : memref<128x128xf32, #tpu.memory_space<vmem>> -> memref<128x128xf32, #tpu.memory_space<vmem>>
      %dma_wait3A_113 = arith.constant 0 : i32
      %dma_wait3A_114 = tpu.memref_slice %arg6[%arg0, %add3A_85, %dma_wait3A_113] : memref<2x10112x128xf32, #tpu.memory_space<hbm>> -> memref<1x128x128xf32, #tpu.memory_space<hbm>>
      %dma_wait3A_115 = tpu.memref_squeeze %dma_wait3A_114 : memref<1x128x128xf32, #tpu.memory_space<hbm>> -> memref<128x128xf32, #tpu.memory_space<hbm>>
      %dma_wait3A_116 = arith.constant 0 : i32
      %dma_wait3A_117 = tpu.memref_slice %arg6[%arg0, %add3A_85, %dma_wait3A_116] : memref<2x10112x128xf32, #tpu.memory_space<hbm>> -> memref<1x128x128xf32, #tpu.memory_space<hbm>>
      %dma_wait3A_118 = tpu.memref_squeeze %dma_wait3A_117 : memref<1x128x128xf32, #tpu.memory_space<hbm>> -> memref<128x128xf32, #tpu.memory_space<hbm>>
      %dma_wait3A_119 = arith.constant 0 : i32
      %dma_wait3A_120 = arith.constant 0 : i32
      %dma_wait3A_121 = tpu.memref_slice %arg18[%dma_wait3A_119, %dma_wait3A_120] : memref<128x128xf32, #tpu.memory_space<vmem>> -> memref<128x128xf32, #tpu.memory_space<vmem>>
      tpu.wait_dma2 semaphore(%run_scoped3A : memref<!tpu.dma_semaphore, #tpu.memory_space<semaphore_mem>>) src(%dma_wait3A_121 : memref<128x128xf32, #tpu.memory_space<vmem>>) dst(%dma_wait3A_118 : memref<128x128xf32, #tpu.memory_space<hbm>>)
      tpu.yield
    }) : () -> ()
    %add3A_86 = arith.constant 256 : i32
    %add3A_87 = arith.addi %mul3A_2, %add3A_86 : i32
    "tpu.region"() ({
      %run_scoped3A = tpu.sem_alloc : memref<!tpu.dma_semaphore, #tpu.memory_space<semaphore_mem>>
      %dma_start3A_98 = arith.constant 0 : i32
      %dma_start3A_99 = arith.constant 0 : i32
      %dma_start3A_100 = tpu.memref_slice %arg18[%dma_start3A_98, %dma_start3A_99] : memref<128x128xf32, #tpu.memory_space<vmem>> -> memref<128x128xf32, #tpu.memory_space<vmem>>
      %dma_start3A_101 = arith.constant 0 : i32
      %dma_start3A_102 = tpu.memref_slice %arg7[%add3A_87, %dma_start3A_101] : memref<10112x128xf32, #tpu.memory_space<vmem_shared>> -> memref<128x128xf32, #tpu.memory_space<vmem_shared>>
      %dma_start3A_103 = arith.constant 0 : i32
      %dma_start3A_104 = arith.constant 0 : i32
      %dma_start3A_105 = tpu.memref_slice %arg18[%dma_start3A_103, %dma_start3A_104] : memref<128x128xf32, #tpu.memory_space<vmem>> -> memref<128x128xf32, #tpu.memory_space<vmem>>
      %dma_start3A_106 = arith.constant 0 : i32
      %dma_start3A_107 = tpu.memref_slice %arg7[%add3A_87, %dma_start3A_106] : memref<10112x128xf32, #tpu.memory_space<vmem_shared>> -> memref<128x128xf32, #tpu.memory_space<vmem_shared>>
      tpu.enqueue_dma source(%dma_start3A_107 : memref<128x128xf32, #tpu.memory_space<vmem_shared>>) target(%dma_start3A_105 : memref<128x128xf32, #tpu.memory_space<vmem>>) target_semaphore(%run_scoped3A : memref<!tpu.dma_semaphore, #tpu.memory_space<semaphore_mem>>)
      %dma_wait3A_108 = arith.constant 0 : i32
      %dma_wait3A_109 = arith.constant 0 : i32
      %dma_wait3A_110 = tpu.memref_slice %arg18[%dma_wait3A_108, %dma_wait3A_109] : memref<128x128xf32, #tpu.memory_space<vmem>> -> memref<128x128xf32, #tpu.memory_space<vmem>>
      %dma_wait3A_111 = arith.constant 0 : i32
      %dma_wait3A_112 = tpu.memref_slice %arg7[%add3A_87, %dma_wait3A_111] : memref<10112x128xf32, #tpu.memory_space<vmem_shared>> -> memref<128x128xf32, #tpu.memory_space<vmem_shared>>
      %dma_wait3A_113 = arith.constant 0 : i32
      %dma_wait3A_114 = arith.constant 0 : i32
      %dma_wait3A_115 = tpu.memref_slice %arg18[%dma_wait3A_113, %dma_wait3A_114] : memref<128x128xf32, #tpu.memory_space<vmem>> -> memref<128x128xf32, #tpu.memory_space<vmem>>
      %dma_wait3A_116 = arith.constant 0 : i32
      %dma_wait3A_117 = tpu.memref_slice %arg7[%add3A_87, %dma_wait3A_116] : memref<10112x128xf32, #tpu.memory_space<vmem_shared>> -> memref<128x128xf32, #tpu.memory_space<vmem_shared>>
      tpu.wait_dma2 semaphore(%run_scoped3A : memref<!tpu.dma_semaphore, #tpu.memory_space<semaphore_mem>>) src(%dma_wait3A_117 : memref<128x128xf32, #tpu.memory_space<vmem_shared>>) dst(%dma_wait3A_115 : memref<128x128xf32, #tpu.memory_space<vmem>>)
      tpu.yield
    }) : () -> ()
    %add3A_88 = arith.constant 256 : i32
    %add3A_89 = arith.addi %mul3A_2, %add3A_88 : i32
    "tpu.region"() ({
      %run_scoped3A = tpu.sem_alloc : memref<!tpu.dma_semaphore, #tpu.memory_space<semaphore_mem>>
      %dma_start3A_98 = arith.constant 0 : i32
      %dma_start3A_99 = arith.constant 0 : i32
      %dma_start3A_100 = tpu.memref_slice %arg18[%dma_start3A_98, %dma_start3A_99] : memref<128x128xf32, #tpu.memory_space<vmem>> -> memref<128x128xf32, #tpu.memory_space<vmem>>
      %dma_start3A_101 = arith.constant 0 : i32
      %dma_start3A_102 = tpu.memref_slice %arg6[%arg0, %add3A_89, %dma_start3A_101] : memref<2x10112x128xf32, #tpu.memory_space<hbm>> -> memref<1x128x128xf32, #tpu.memory_space<hbm>>
      %dma_start3A_103 = tpu.memref_squeeze %dma_start3A_102 : memref<1x128x128xf32, #tpu.memory_space<hbm>> -> memref<128x128xf32, #tpu.memory_space<hbm>>
      %dma_start3A_104 = arith.constant 0 : i32
      %dma_start3A_105 = tpu.memref_slice %arg6[%arg0, %add3A_89, %dma_start3A_104] : memref<2x10112x128xf32, #tpu.memory_space<hbm>> -> memref<1x128x128xf32, #tpu.memory_space<hbm>>
      %dma_start3A_106 = tpu.memref_squeeze %dma_start3A_105 : memref<1x128x128xf32, #tpu.memory_space<hbm>> -> memref<128x128xf32, #tpu.memory_space<hbm>>
      %dma_start3A_107 = arith.constant 0 : i32
      %dma_start3A_108 = arith.constant 0 : i32
      %dma_start3A_109 = tpu.memref_slice %arg18[%dma_start3A_107, %dma_start3A_108] : memref<128x128xf32, #tpu.memory_space<vmem>> -> memref<128x128xf32, #tpu.memory_space<vmem>>
      tpu.enqueue_dma source(%dma_start3A_109 : memref<128x128xf32, #tpu.memory_space<vmem>>) target(%dma_start3A_106 : memref<128x128xf32, #tpu.memory_space<hbm>>) target_semaphore(%run_scoped3A : memref<!tpu.dma_semaphore, #tpu.memory_space<semaphore_mem>>)
      %dma_wait3A_110 = arith.constant 0 : i32
      %dma_wait3A_111 = arith.constant 0 : i32
      %dma_wait3A_112 = tpu.memref_slice %arg18[%dma_wait3A_110, %dma_wait3A_111] : memref<128x128xf32, #tpu.memory_space<vmem>> -> memref<128x128xf32, #tpu.memory_space<vmem>>
      %dma_wait3A_113 = arith.constant 0 : i32
      %dma_wait3A_114 = tpu.memref_slice %arg6[%arg0, %add3A_89, %dma_wait3A_113] : memref<2x10112x128xf32, #tpu.memory_space<hbm>> -> memref<1x128x128xf32, #tpu.memory_space<hbm>>
      %dma_wait3A_115 = tpu.memref_squeeze %dma_wait3A_114 : memref<1x128x128xf32, #tpu.memory_space<hbm>> -> memref<128x128xf32, #tpu.memory_space<hbm>>
      %dma_wait3A_116 = arith.constant 0 : i32
      %dma_wait3A_117 = tpu.memref_slice %arg6[%arg0, %add3A_89, %dma_wait3A_116] : memref<2x10112x128xf32, #tpu.memory_space<hbm>> -> memref<1x128x128xf32, #tpu.memory_space<hbm>>
      %dma_wait3A_118 = tpu.memref_squeeze %dma_wait3A_117 : memref<1x128x128xf32, #tpu.memory_space<hbm>> -> memref<128x128xf32, #tpu.memory_space<hbm>>
      %dma_wait3A_119 = arith.constant 0 : i32
      %dma_wait3A_120 = arith.constant 0 : i32
      %dma_wait3A_121 = tpu.memref_slice %arg18[%dma_wait3A_119, %dma_wait3A_120] : memref<128x128xf32, #tpu.memory_space<vmem>> -> memref<128x128xf32, #tpu.memory_space<vmem>>
      tpu.wait_dma2 semaphore(%run_scoped3A : memref<!tpu.dma_semaphore, #tpu.memory_space<semaphore_mem>>) src(%dma_wait3A_121 : memref<128x128xf32, #tpu.memory_space<vmem>>) dst(%dma_wait3A_118 : memref<128x128xf32, #tpu.memory_space<hbm>>)
      tpu.yield
    }) : () -> ()
    %add3A_90 = arith.constant 384 : i32
    %add3A_91 = arith.addi %mul3A_2, %add3A_90 : i32
    "tpu.region"() ({
      %run_scoped3A = tpu.sem_alloc : memref<!tpu.dma_semaphore, #tpu.memory_space<semaphore_mem>>
      %dma_start3A_98 = arith.constant 0 : i32
      %dma_start3A_99 = arith.constant 0 : i32
      %dma_start3A_100 = tpu.memref_slice %arg18[%dma_start3A_98, %dma_start3A_99] : memref<128x128xf32, #tpu.memory_space<vmem>> -> memref<128x128xf32, #tpu.memory_space<vmem>>
      %dma_start3A_101 = arith.constant 0 : i32
      %dma_start3A_102 = tpu.memref_slice %arg7[%add3A_91, %dma_start3A_101] : memref<10112x128xf32, #tpu.memory_space<vmem_shared>> -> memref<128x128xf32, #tpu.memory_space<vmem_shared>>
      %dma_start3A_103 = arith.constant 0 : i32
      %dma_start3A_104 = arith.constant 0 : i32
      %dma_start3A_105 = tpu.memref_slice %arg18[%dma_start3A_103, %dma_start3A_104] : memref<128x128xf32, #tpu.memory_space<vmem>> -> memref<128x128xf32, #tpu.memory_space<vmem>>
      %dma_start3A_106 = arith.constant 0 : i32
      %dma_start3A_107 = tpu.memref_slice %arg7[%add3A_91, %dma_start3A_106] : memref<10112x128xf32, #tpu.memory_space<vmem_shared>> -> memref<128x128xf32, #tpu.memory_space<vmem_shared>>
      tpu.enqueue_dma source(%dma_start3A_107 : memref<128x128xf32, #tpu.memory_space<vmem_shared>>) target(%dma_start3A_105 : memref<128x128xf32, #tpu.memory_space<vmem>>) target_semaphore(%run_scoped3A : memref<!tpu.dma_semaphore, #tpu.memory_space<semaphore_mem>>)
      %dma_wait3A_108 = arith.constant 0 : i32
      %dma_wait3A_109 = arith.constant 0 : i32
      %dma_wait3A_110 = tpu.memref_slice %arg18[%dma_wait3A_108, %dma_wait3A_109] : memref<128x128xf32, #tpu.memory_space<vmem>> -> memref<128x128xf32, #tpu.memory_space<vmem>>
      %dma_wait3A_111 = arith.constant 0 : i32
      %dma_wait3A_112 = tpu.memref_slice %arg7[%add3A_91, %dma_wait3A_111] : memref<10112x128xf32, #tpu.memory_space<vmem_shared>> -> memref<128x128xf32, #tpu.memory_space<vmem_shared>>
      %dma_wait3A_113 = arith.constant 0 : i32
      %dma_wait3A_114 = arith.constant 0 : i32
      %dma_wait3A_115 = tpu.memref_slice %arg18[%dma_wait3A_113, %dma_wait3A_114] : memref<128x128xf32, #tpu.memory_space<vmem>> -> memref<128x128xf32, #tpu.memory_space<vmem>>
      %dma_wait3A_116 = arith.constant 0 : i32
      %dma_wait3A_117 = tpu.memref_slice %arg7[%add3A_91, %dma_wait3A_116] : memref<10112x128xf32, #tpu.memory_space<vmem_shared>> -> memref<128x128xf32, #tpu.memory_space<vmem_shared>>
      tpu.wait_dma2 semaphore(%run_scoped3A : memref<!tpu.dma_semaphore, #tpu.memory_space<semaphore_mem>>) src(%dma_wait3A_117 : memref<128x128xf32, #tpu.memory_space<vmem_shared>>) dst(%dma_wait3A_115 : memref<128x128xf32, #tpu.memory_space<vmem>>)
      tpu.yield
    }) : () -> ()
    %add3A_92 = arith.constant 384 : i32
    %add3A_93 = arith.addi %mul3A_2, %add3A_92 : i32
    "tpu.region"() ({
      %run_scoped3A = tpu.sem_alloc : memref<!tpu.dma_semaphore, #tpu.memory_space<semaphore_mem>>
      %dma_start3A_98 = arith.constant 0 : i32
      %dma_start3A_99 = arith.constant 0 : i32
      %dma_start3A_100 = tpu.memref_slice %arg18[%dma_start3A_98, %dma_start3A_99] : memref<128x128xf32, #tpu.memory_space<vmem>> -> memref<128x128xf32, #tpu.memory_space<vmem>>
      %dma_start3A_101 = arith.constant 0 : i32
      %dma_start3A_102 = tpu.memref_slice %arg6[%arg0, %add3A_93, %dma_start3A_101] : memref<2x10112x128xf32, #tpu.memory_space<hbm>> -> memref<1x128x128xf32, #tpu.memory_space<hbm>>
      %dma_start3A_103 = tpu.memref_squeeze %dma_start3A_102 : memref<1x128x128xf32, #tpu.memory_space<hbm>> -> memref<128x128xf32, #tpu.memory_space<hbm>>
      %dma_start3A_104 = arith.constant 0 : i32
      %dma_start3A_105 = tpu.memref_slice %arg6[%arg0, %add3A_93, %dma_start3A_104] : memref<2x10112x128xf32, #tpu.memory_space<hbm>> -> memref<1x128x128xf32, #tpu.memory_space<hbm>>
      %dma_start3A_106 = tpu.memref_squeeze %dma_start3A_105 : memref<1x128x128xf32, #tpu.memory_space<hbm>> -> memref<128x128xf32, #tpu.memory_space<hbm>>
      %dma_start3A_107 = arith.constant 0 : i32
      %dma_start3A_108 = arith.constant 0 : i32
      %dma_start3A_109 = tpu.memref_slice %arg18[%dma_start3A_107, %dma_start3A_108] : memref<128x128xf32, #tpu.memory_space<vmem>> -> memref<128x128xf32, #tpu.memory_space<vmem>>
      tpu.enqueue_dma source(%dma_start3A_109 : memref<128x128xf32, #tpu.memory_space<vmem>>) target(%dma_start3A_106 : memref<128x128xf32, #tpu.memory_space<hbm>>) target_semaphore(%run_scoped3A : memref<!tpu.dma_semaphore, #tpu.memory_space<semaphore_mem>>)
      %dma_wait3A_110 = arith.constant 0 : i32
      %dma_wait3A_111 = arith.constant 0 : i32
      %dma_wait3A_112 = tpu.memref_slice %arg18[%dma_wait3A_110, %dma_wait3A_111] : memref<128x128xf32, #tpu.memory_space<vmem>> -> memref<128x128xf32, #tpu.memory_space<vmem>>
      %dma_wait3A_113 = arith.constant 0 : i32
      %dma_wait3A_114 = tpu.memref_slice %arg6[%arg0, %add3A_93, %dma_wait3A_113] : memref<2x10112x128xf32, #tpu.memory_space<hbm>> -> memref<1x128x128xf32, #tpu.memory_space<hbm>>
      %dma_wait3A_115 = tpu.memref_squeeze %dma_wait3A_114 : memref<1x128x128xf32, #tpu.memory_space<hbm>> -> memref<128x128xf32, #tpu.memory_space<hbm>>
      %dma_wait3A_116 = arith.constant 0 : i32
      %dma_wait3A_117 = tpu.memref_slice %arg6[%arg0, %add3A_93, %dma_wait3A_116] : memref<2x10112x128xf32, #tpu.memory_space<hbm>> -> memref<1x128x128xf32, #tpu.memory_space<hbm>>
      %dma_wait3A_118 = tpu.memref_squeeze %dma_wait3A_117 : memref<1x128x128xf32, #tpu.memory_space<hbm>> -> memref<128x128xf32, #tpu.memory_space<hbm>>
      %dma_wait3A_119 = arith.constant 0 : i32
      %dma_wait3A_120 = arith.constant 0 : i32
      %dma_wait3A_121 = tpu.memref_slice %arg18[%dma_wait3A_119, %dma_wait3A_120] : memref<128x128xf32, #tpu.memory_space<vmem>> -> memref<128x128xf32, #tpu.memory_space<vmem>>
      tpu.wait_dma2 semaphore(%run_scoped3A : memref<!tpu.dma_semaphore, #tpu.memory_space<semaphore_mem>>) src(%dma_wait3A_121 : memref<128x128xf32, #tpu.memory_space<vmem>>) dst(%dma_wait3A_118 : memref<128x128xf32, #tpu.memory_space<hbm>>)
      tpu.yield
    }) : () -> ()
    %add3A_94 = arith.constant 512 : i32
    %add3A_95 = arith.addi %mul3A_2, %add3A_94 : i32
    "tpu.region"() ({
      %run_scoped3A = tpu.sem_alloc : memref<!tpu.dma_semaphore, #tpu.memory_space<semaphore_mem>>
      %dma_start3A_98 = arith.constant 0 : i32
      %dma_start3A_99 = arith.constant 0 : i32
      %dma_start3A_100 = tpu.memref_slice %arg18[%dma_start3A_98, %dma_start3A_99] : memref<128x128xf32, #tpu.memory_space<vmem>> -> memref<120x128xf32, #tpu.memory_space<vmem>>
      %dma_start3A_101 = arith.constant 0 : i32
      %dma_start3A_102 = tpu.memref_slice %arg7[%add3A_95, %dma_start3A_101] : memref<10112x128xf32, #tpu.memory_space<vmem_shared>> -> memref<120x128xf32, #tpu.memory_space<vmem_shared>>
      %dma_start3A_103 = arith.constant 0 : i32
      %dma_start3A_104 = arith.constant 0 : i32
      %dma_start3A_105 = tpu.memref_slice %arg18[%dma_start3A_103, %dma_start3A_104] : memref<128x128xf32, #tpu.memory_space<vmem>> -> memref<120x128xf32, #tpu.memory_space<vmem>>
      %dma_start3A_106 = arith.constant 0 : i32
      %dma_start3A_107 = tpu.memref_slice %arg7[%add3A_95, %dma_start3A_106] : memref<10112x128xf32, #tpu.memory_space<vmem_shared>> -> memref<120x128xf32, #tpu.memory_space<vmem_shared>>
      tpu.enqueue_dma source(%dma_start3A_107 : memref<120x128xf32, #tpu.memory_space<vmem_shared>>) target(%dma_start3A_105 : memref<120x128xf32, #tpu.memory_space<vmem>>) target_semaphore(%run_scoped3A : memref<!tpu.dma_semaphore, #tpu.memory_space<semaphore_mem>>)
      %dma_wait3A_108 = arith.constant 0 : i32
      %dma_wait3A_109 = arith.constant 0 : i32
      %dma_wait3A_110 = tpu.memref_slice %arg18[%dma_wait3A_108, %dma_wait3A_109] : memref<128x128xf32, #tpu.memory_space<vmem>> -> memref<120x128xf32, #tpu.memory_space<vmem>>
      %dma_wait3A_111 = arith.constant 0 : i32
      %dma_wait3A_112 = tpu.memref_slice %arg7[%add3A_95, %dma_wait3A_111] : memref<10112x128xf32, #tpu.memory_space<vmem_shared>> -> memref<120x128xf32, #tpu.memory_space<vmem_shared>>
      %dma_wait3A_113 = arith.constant 0 : i32
      %dma_wait3A_114 = arith.constant 0 : i32
      %dma_wait3A_115 = tpu.memref_slice %arg18[%dma_wait3A_113, %dma_wait3A_114] : memref<128x128xf32, #tpu.memory_space<vmem>> -> memref<120x128xf32, #tpu.memory_space<vmem>>
      %dma_wait3A_116 = arith.constant 0 : i32
      %dma_wait3A_117 = tpu.memref_slice %arg7[%add3A_95, %dma_wait3A_116] : memref<10112x128xf32, #tpu.memory_space<vmem_shared>> -> memref<120x128xf32, #tpu.memory_space<vmem_shared>>
      tpu.wait_dma2 semaphore(%run_scoped3A : memref<!tpu.dma_semaphore, #tpu.memory_space<semaphore_mem>>) src(%dma_wait3A_117 : memref<120x128xf32, #tpu.memory_space<vmem_shared>>) dst(%dma_wait3A_115 : memref<120x128xf32, #tpu.memory_space<vmem>>)
      tpu.yield
    }) : () -> ()
    %add3A_96 = arith.constant 512 : i32
    %add3A_97 = arith.addi %mul3A_2, %add3A_96 : i32
    "tpu.region"() ({
      %run_scoped3A = tpu.sem_alloc : memref<!tpu.dma_semaphore, #tpu.memory_space<semaphore_mem>>
      %dma_start3A_98 = arith.constant 0 : i32
      %dma_start3A_99 = arith.constant 0 : i32
      %dma_start3A_100 = tpu.memref_slice %arg18[%dma_start3A_98, %dma_start3A_99] : memref<128x128xf32, #tpu.memory_space<vmem>> -> memref<120x128xf32, #tpu.memory_space<vmem>>
      %dma_start3A_101 = arith.constant 0 : i32
      %dma_start3A_102 = tpu.memref_slice %arg6[%arg0, %add3A_97, %dma_start3A_101] : memref<2x10112x128xf32, #tpu.memory_space<hbm>> -> memref<1x120x128xf32, #tpu.memory_space<hbm>>
      %dma_start3A_103 = tpu.memref_squeeze %dma_start3A_102 : memref<1x120x128xf32, #tpu.memory_space<hbm>> -> memref<120x128xf32, #tpu.memory_space<hbm>>
      %dma_start3A_104 = arith.constant 0 : i32
      %dma_start3A_105 = tpu.memref_slice %arg6[%arg0, %add3A_97, %dma_start3A_104] : memref<2x10112x128xf32, #tpu.memory_space<hbm>> -> memref<1x120x128xf32, #tpu.memory_space<hbm>>
      %dma_start3A_106 = tpu.memref_squeeze %dma_start3A_105 : memref<1x120x128xf32, #tpu.memory_space<hbm>> -> memref<120x128xf32, #tpu.memory_space<hbm>>
      %dma_start3A_107 = arith.constant 0 : i32
      %dma_start3A_108 = arith.constant 0 : i32
      %dma_start3A_109 = tpu.memref_slice %arg18[%dma_start3A_107, %dma_start3A_108] : memref<128x128xf32, #tpu.memory_space<vmem>> -> memref<120x128xf32, #tpu.memory_space<vmem>>
      tpu.enqueue_dma source(%dma_start3A_109 : memref<120x128xf32, #tpu.memory_space<vmem>>) target(%dma_start3A_106 : memref<120x128xf32, #tpu.memory_space<hbm>>) target_semaphore(%run_scoped3A : memref<!tpu.dma_semaphore, #tpu.memory_space<semaphore_mem>>)
      %dma_wait3A_110 = arith.constant 0 : i32
      %dma_wait3A_111 = arith.constant 0 : i32
      %dma_wait3A_112 = tpu.memref_slice %arg18[%dma_wait3A_110, %dma_wait3A_111] : memref<128x128xf32, #tpu.memory_space<vmem>> -> memref<120x128xf32, #tpu.memory_space<vmem>>
      %dma_wait3A_113 = arith.constant 0 : i32
      %dma_wait3A_114 = tpu.memref_slice %arg6[%arg0, %add3A_97, %dma_wait3A_113] : memref<2x10112x128xf32, #tpu.memory_space<hbm>> -> memref<1x120x128xf32, #tpu.memory_space<hbm>>
      %dma_wait3A_115 = tpu.memref_squeeze %dma_wait3A_114 : memref<1x120x128xf32, #tpu.memory_space<hbm>> -> memref<120x128xf32, #tpu.memory_space<hbm>>
      %dma_wait3A_116 = arith.constant 0 : i32
      %dma_wait3A_117 = tpu.memref_slice %arg6[%arg0, %add3A_97, %dma_wait3A_116] : memref<2x10112x128xf32, #tpu.memory_space<hbm>> -> memref<1x120x128xf32, #tpu.memory_space<hbm>>
      %dma_wait3A_118 = tpu.memref_squeeze %dma_wait3A_117 : memref<1x120x128xf32, #tpu.memory_space<hbm>> -> memref<120x128xf32, #tpu.memory_space<hbm>>
      %dma_wait3A_119 = arith.constant 0 : i32
      %dma_wait3A_120 = arith.constant 0 : i32
      %dma_wait3A_121 = tpu.memref_slice %arg18[%dma_wait3A_119, %dma_wait3A_120] : memref<128x128xf32, #tpu.memory_space<vmem>> -> memref<120x128xf32, #tpu.memory_space<vmem>>
      tpu.wait_dma2 semaphore(%run_scoped3A : memref<!tpu.dma_semaphore, #tpu.memory_space<semaphore_mem>>) src(%dma_wait3A_121 : memref<120x128xf32, #tpu.memory_space<vmem>>) dst(%dma_wait3A_118 : memref<120x128xf32, #tpu.memory_space<hbm>>)
      tpu.yield
    }) : () -> ()
    return
  }
}

#map = affine_map<(d0, d1) -> (0, 0)>
#map1 = affine_map<(d0, d1) -> (0)>
#map2 = affine_map<(d0, d1) -> (0, 0, 0)>
module attributes {stable_mosaic.version = 14 : i64} {
  func.func @body(%arg0: i32, %arg1: i32, %arg2: memref<10000x128xf32, #tpu.memory_space<hbm>>, %arg3: memref<322704xi32, #tpu.memory_space<hbm>>, %arg4: memref<322704xi32, #tpu.memory_space<hbm>>, %arg5: memref<10112x128xf32, #tpu.memory_space<hbm>>, %arg6: memref<2x10112x128xf32, #tpu.memory_space<hbm>>, %arg7: memref<10112x128xf32, #tpu.memory_space<vmem_shared>>, %arg8: memref<72xi32, #tpu.memory_space<vmem>>, %arg9: memref<72xi32, #tpu.memory_space<vmem>>, %arg10: memref<72xi32, #tpu.memory_space<vmem>>, %arg11: memref<72xi32, #tpu.memory_space<vmem>>, %arg12: memref<72xi32, #tpu.memory_space<vmem>>, %arg13: memref<72xi32, #tpu.memory_space<vmem>>, %arg14: memref<72xi32, #tpu.memory_space<vmem>>, %arg15: memref<72xi32, #tpu.memory_space<vmem>>, %arg16: memref<72x128xf32, #tpu.memory_space<vmem>>, %arg17: memref<72x128xf32, #tpu.memory_space<vmem>>, %arg18: memref<128x128xf32, #tpu.memory_space<vmem>>, %arg19: memref<!tpu.dma_semaphore, #tpu.memory_space<semaphore_mem>>, %arg20: memref<!tpu.dma_semaphore, #tpu.memory_space<semaphore_mem>>, %arg21: memref<!tpu.dma_semaphore, #tpu.memory_space<semaphore_mem>>, %arg22: memref<!tpu.dma_semaphore, #tpu.memory_space<semaphore_mem>>, %arg23: memref<!tpu.dma_semaphore, #tpu.memory_space<semaphore_mem>>, %arg24: memref<!tpu.dma_semaphore, #tpu.memory_space<semaphore_mem>>, %arg25: memref<!tpu.dma_semaphore, #tpu.memory_space<semaphore_mem>>) attributes {dimension_semantics = [#tpu.dimension_semantics<core_parallel>, #tpu.dimension_semantics<subcore_parallel>], iteration_bounds = array<i64: 2, 16>, scalar_prefetch = 0 : i64, scratch_operands = 19 : i64, tpu.core_type = #tpu.core_type<sc_vector_subcore>, window_params = [{transform_indices = #map}, {transform_indices = #map1}, {transform_indices = #map1}, {transform_indices = #map}, {transform_indices = #map2}]} {
    %mul3A = arith.constant 16 : i32
    %mul3A_0 = arith.muli %arg0, %mul3A : i32
    %add3A = arith.addi %mul3A_0, %arg1 : i32
    %mul3A_1 = arith.constant 632 : i32
    %mul3A_2 = arith.muli %arg1, %mul3A_1 : i32
    "tpu.region"() ({
      %run_scoped3A = tpu.sem_alloc : memref<!tpu.dma_semaphore, #tpu.memory_space<semaphore_mem>>
      %dma_start3A_98 = arith.constant 0 : i32
      %dma_start3A_99 = arith.constant 0 : i32
      %dma_start3A_100 = tpu.memref_slice %arg5[%dma_start3A_98, %dma_start3A_99] : memref<10112x128xf32, #tpu.memory_space<hbm>> -> memref<128x128xf32, #tpu.memory_space<hbm>>
      %dma_start3A_101 = arith.constant 0 : i32
      %dma_start3A_102 = arith.constant 0 : i32
      %dma_start3A_103 = tpu.memref_slice %arg5[%dma_start3A_101, %dma_start3A_102] : memref<10112x128xf32, #tpu.memory_space<hbm>> -> memref<128x128xf32, #tpu.memory_space<hbm>>
      tpu.enqueue_dma source(%dma_start3A_103 : memref<128x128xf32, #tpu.memory_space<hbm>>) target(%arg18 : memref<128x128xf32, #tpu.memory_space<vmem>>) target_semaphore(%run_scoped3A : memref<!tpu.dma_semaphore, #tpu.memory_space<semaphore_mem>>)
      %dma_wait3A_104 = arith.constant 0 : i32
      %dma_wait3A_105 = arith.constant 0 : i32
      %dma_wait3A_106 = tpu.memref_slice %arg5[%dma_wait3A_104, %dma_wait3A_105] : memref<10112x128xf32, #tpu.memory_space<hbm>> -> memref<128x128xf32, #tpu.memory_space<hbm>>
      %dma_wait3A_107 = arith.constant 0 : i32
      %dma_wait3A_108 = arith.constant 0 : i32
      %dma_wait3A_109 = tpu.memref_slice %arg5[%dma_wait3A_107, %dma_wait3A_108] : memref<10112x128xf32, #tpu.memory_space<hbm>> -> memref<128x128xf32, #tpu.memory_space<hbm>>
      tpu.wait_dma2 semaphore(%run_scoped3A : memref<!tpu.dma_semaphore, #tpu.memory_space<semaphore_mem>>) src(%dma_wait3A_109 : memref<128x128xf32, #tpu.memory_space<hbm>>) dst(%arg18 : memref<128x128xf32, #tpu.memory_space<vmem>>)
      tpu.yield
    }) : () -> ()
    %add3A_3 = arith.constant 0 : i32
    %add3A_4 = arith.addi %mul3A_2, %add3A_3 : i32
    "tpu.region"() ({
      %run_scoped3A = tpu.sem_alloc : memref<!tpu.dma_semaphore, #tpu.memory_space<semaphore_mem>>
      %dma_start3A_98 = arith.constant 0 : i32
      %dma_start3A_99 = arith.constant 0 : i32
      %dma_start3A_100 = tpu.memref_slice %arg18[%dma_start3A_98, %dma_start3A_99] : memref<128x128xf32, #tpu.memory_space<vmem>> -> memref<128x128xf32, #tpu.memory_space<vmem>>
      %dma_start3A_101 = arith.constant 0 : i32
      %dma_start3A_102 = tpu.memref_slice %arg7[%add3A_4, %dma_start3A_101] : memref<10112x128xf32, #tpu.memory_space<vmem_shared>> -> memref<128x128xf32, #tpu.memory_space<vmem_shared>>
      %dma_start3A_103 = arith.constant 0 : i32
      %dma_start3A_104 = tpu.memref_slice %arg7[%add3A_4, %dma_start3A_103] : memref<10112x128xf32, #tpu.memory_space<vmem_shared>> -> memref<128x128xf32, #tpu.memory_space<vmem_shared>>
      %dma_start3A_105 = arith.constant 0 : i32
      %dma_start3A_106 = arith.constant 0 : i32
      %dma_start3A_107 = tpu.memref_slice %arg18[%dma_start3A_105, %dma_start3A_106] : memref<128x128xf32, #tpu.memory_space<vmem>> -> memref<128x128xf32, #tpu.memory_space<vmem>>
      tpu.enqueue_dma source(%dma_start3A_107 : memref<128x128xf32, #tpu.memory_space<vmem>>) target(%dma_start3A_104 : memref<128x128xf32, #tpu.memory_space<vmem_shared>>) target_semaphore(%run_scoped3A : memref<!tpu.dma_semaphore, #tpu.memory_space<semaphore_mem>>)
      %dma_wait3A_108 = arith.constant 0 : i32
      %dma_wait3A_109 = arith.constant 0 : i32
      %dma_wait3A_110 = tpu.memref_slice %arg18[%dma_wait3A_108, %dma_wait3A_109] : memref<128x128xf32, #tpu.memory_space<vmem>> -> memref<128x128xf32, #tpu.memory_space<vmem>>
      %dma_wait3A_111 = arith.constant 0 : i32
      %dma_wait3A_112 = tpu.memref_slice %arg7[%add3A_4, %dma_wait3A_111] : memref<10112x128xf32, #tpu.memory_space<vmem_shared>> -> memref<128x128xf32, #tpu.memory_space<vmem_shared>>
      %dma_wait3A_113 = arith.constant 0 : i32
      %dma_wait3A_114 = tpu.memref_slice %arg7[%add3A_4, %dma_wait3A_113] : memref<10112x128xf32, #tpu.memory_space<vmem_shared>> -> memref<128x128xf32, #tpu.memory_space<vmem_shared>>
      %dma_wait3A_115 = arith.constant 0 : i32
      %dma_wait3A_116 = arith.constant 0 : i32
      %dma_wait3A_117 = tpu.memref_slice %arg18[%dma_wait3A_115, %dma_wait3A_116] : memref<128x128xf32, #tpu.memory_space<vmem>> -> memref<128x128xf32, #tpu.memory_space<vmem>>
      tpu.wait_dma2 semaphore(%run_scoped3A : memref<!tpu.dma_semaphore, #tpu.memory_space<semaphore_mem>>) src(%dma_wait3A_117 : memref<128x128xf32, #tpu.memory_space<vmem>>) dst(%dma_wait3A_114 : memref<128x128xf32, #tpu.memory_space<vmem_shared>>)
      tpu.yield
    }) : () -> ()
    %add3A_5 = arith.constant 128 : i32
    %add3A_6 = arith.addi %mul3A_2, %add3A_5 : i32
    "tpu.region"() ({
      %run_scoped3A = tpu.sem_alloc : memref<!tpu.dma_semaphore, #tpu.memory_space<semaphore_mem>>
      %dma_start3A_98 = arith.constant 0 : i32
      %dma_start3A_99 = arith.constant 0 : i32
      %dma_start3A_100 = tpu.memref_slice %arg18[%dma_start3A_98, %dma_start3A_99] : memref<128x128xf32, #tpu.memory_space<vmem>> -> memref<128x128xf32, #tpu.memory_space<vmem>>
      %dma_start3A_101 = arith.constant 0 : i32
      %dma_start3A_102 = tpu.memref_slice %arg7[%add3A_6, %dma_start3A_101] : memref<10112x128xf32, #tpu.memory_space<vmem_shared>> -> memref<128x128xf32, #tpu.memory_space<vmem_shared>>
      %dma_start3A_103 = arith.constant 0 : i32
      %dma_start3A_104 = tpu.memref_slice %arg7[%add3A_6, %dma_start3A_103] : memref<10112x128xf32, #tpu.memory_space<vmem_shared>> -> memref<128x128xf32, #tpu.memory_space<vmem_shared>>
      %dma_start3A_105 = arith.constant 0 : i32
      %dma_start3A_106 = arith.constant 0 : i32
      %dma_start3A_107 = tpu.memref_slice %arg18[%dma_start3A_105, %dma_start3A_106] : memref<128x128xf32, #tpu.memory_space<vmem>> -> memref<128x128xf32, #tpu.memory_space<vmem>>
      tpu.enqueue_dma source(%dma_start3A_107 : memref<128x128xf32, #tpu.memory_space<vmem>>) target(%dma_start3A_104 : memref<128x128xf32, #tpu.memory_space<vmem_shared>>) target_semaphore(%run_scoped3A : memref<!tpu.dma_semaphore, #tpu.memory_space<semaphore_mem>>)
      %dma_wait3A_108 = arith.constant 0 : i32
      %dma_wait3A_109 = arith.constant 0 : i32
      %dma_wait3A_110 = tpu.memref_slice %arg18[%dma_wait3A_108, %dma_wait3A_109] : memref<128x128xf32, #tpu.memory_space<vmem>> -> memref<128x128xf32, #tpu.memory_space<vmem>>
      %dma_wait3A_111 = arith.constant 0 : i32
      %dma_wait3A_112 = tpu.memref_slice %arg7[%add3A_6, %dma_wait3A_111] : memref<10112x128xf32, #tpu.memory_space<vmem_shared>> -> memref<128x128xf32, #tpu.memory_space<vmem_shared>>
      %dma_wait3A_113 = arith.constant 0 : i32
      %dma_wait3A_114 = tpu.memref_slice %arg7[%add3A_6, %dma_wait3A_113] : memref<10112x128xf32, #tpu.memory_space<vmem_shared>> -> memref<128x128xf32, #tpu.memory_space<vmem_shared>>
      %dma_wait3A_115 = arith.constant 0 : i32
      %dma_wait3A_116 = arith.constant 0 : i32
      %dma_wait3A_117 = tpu.memref_slice %arg18[%dma_wait3A_115, %dma_wait3A_116] : memref<128x128xf32, #tpu.memory_space<vmem>> -> memref<128x128xf32, #tpu.memory_space<vmem>>
      tpu.wait_dma2 semaphore(%run_scoped3A : memref<!tpu.dma_semaphore, #tpu.memory_space<semaphore_mem>>) src(%dma_wait3A_117 : memref<128x128xf32, #tpu.memory_space<vmem>>) dst(%dma_wait3A_114 : memref<128x128xf32, #tpu.memory_space<vmem_shared>>)
      tpu.yield
    }) : () -> ()
    %add3A_7 = arith.constant 256 : i32
    %add3A_8 = arith.addi %mul3A_2, %add3A_7 : i32
    "tpu.region"() ({
      %run_scoped3A = tpu.sem_alloc : memref<!tpu.dma_semaphore, #tpu.memory_space<semaphore_mem>>
      %dma_start3A_98 = arith.constant 0 : i32
      %dma_start3A_99 = arith.constant 0 : i32
      %dma_start3A_100 = tpu.memref_slice %arg18[%dma_start3A_98, %dma_start3A_99] : memref<128x128xf32, #tpu.memory_space<vmem>> -> memref<128x128xf32, #tpu.memory_space<vmem>>
      %dma_start3A_101 = arith.constant 0 : i32
      %dma_start3A_102 = tpu.memref_slice %arg7[%add3A_8, %dma_start3A_101] : memref<10112x128xf32, #tpu.memory_space<vmem_shared>> -> memref<128x128xf32, #tpu.memory_space<vmem_shared>>
      %dma_start3A_103 = arith.constant 0 : i32
      %dma_start3A_104 = tpu.memref_slice %arg7[%add3A_8, %dma_start3A_103] : memref<10112x128xf32, #tpu.memory_space<vmem_shared>> -> memref<128x128xf32, #tpu.memory_space<vmem_shared>>
      %dma_start3A_105 = arith.constant 0 : i32
      %dma_start3A_106 = arith.constant 0 : i32
      %dma_start3A_107 = tpu.memref_slice %arg18[%dma_start3A_105, %dma_start3A_106] : memref<128x128xf32, #tpu.memory_space<vmem>> -> memref<128x128xf32, #tpu.memory_space<vmem>>
      tpu.enqueue_dma source(%dma_start3A_107 : memref<128x128xf32, #tpu.memory_space<vmem>>) target(%dma_start3A_104 : memref<128x128xf32, #tpu.memory_space<vmem_shared>>) target_semaphore(%run_scoped3A : memref<!tpu.dma_semaphore, #tpu.memory_space<semaphore_mem>>)
      %dma_wait3A_108 = arith.constant 0 : i32
      %dma_wait3A_109 = arith.constant 0 : i32
      %dma_wait3A_110 = tpu.memref_slice %arg18[%dma_wait3A_108, %dma_wait3A_109] : memref<128x128xf32, #tpu.memory_space<vmem>> -> memref<128x128xf32, #tpu.memory_space<vmem>>
      %dma_wait3A_111 = arith.constant 0 : i32
      %dma_wait3A_112 = tpu.memref_slice %arg7[%add3A_8, %dma_wait3A_111] : memref<10112x128xf32, #tpu.memory_space<vmem_shared>> -> memref<128x128xf32, #tpu.memory_space<vmem_shared>>
      %dma_wait3A_113 = arith.constant 0 : i32
      %dma_wait3A_114 = tpu.memref_slice %arg7[%add3A_8, %dma_wait3A_113] : memref<10112x128xf32, #tpu.memory_space<vmem_shared>> -> memref<128x128xf32, #tpu.memory_space<vmem_shared>>
      %dma_wait3A_115 = arith.constant 0 : i32
      %dma_wait3A_116 = arith.constant 0 : i32
      %dma_wait3A_117 = tpu.memref_slice %arg18[%dma_wait3A_115, %dma_wait3A_116] : memref<128x128xf32, #tpu.memory_space<vmem>> -> memref<128x128xf32, #tpu.memory_space<vmem>>
      tpu.wait_dma2 semaphore(%run_scoped3A : memref<!tpu.dma_semaphore, #tpu.memory_space<semaphore_mem>>) src(%dma_wait3A_117 : memref<128x128xf32, #tpu.memory_space<vmem>>) dst(%dma_wait3A_114 : memref<128x128xf32, #tpu.memory_space<vmem_shared>>)
      tpu.yield
    }) : () -> ()
    %add3A_9 = arith.constant 384 : i32
    %add3A_10 = arith.addi %mul3A_2, %add3A_9 : i32
    "tpu.region"() ({
      %run_scoped3A = tpu.sem_alloc : memref<!tpu.dma_semaphore, #tpu.memory_space<semaphore_mem>>
      %dma_start3A_98 = arith.constant 0 : i32
      %dma_start3A_99 = arith.constant 0 : i32
      %dma_start3A_100 = tpu.memref_slice %arg18[%dma_start3A_98, %dma_start3A_99] : memref<128x128xf32, #tpu.memory_space<vmem>> -> memref<128x128xf32, #tpu.memory_space<vmem>>
      %dma_start3A_101 = arith.constant 0 : i32
      %dma_start3A_102 = tpu.memref_slice %arg7[%add3A_10, %dma_start3A_101] : memref<10112x128xf32, #tpu.memory_space<vmem_shared>> -> memref<128x128xf32, #tpu.memory_space<vmem_shared>>
      %dma_start3A_103 = arith.constant 0 : i32
      %dma_start3A_104 = tpu.memref_slice %arg7[%add3A_10, %dma_start3A_103] : memref<10112x128xf32, #tpu.memory_space<vmem_shared>> -> memref<128x128xf32, #tpu.memory_space<vmem_shared>>
      %dma_start3A_105 = arith.constant 0 : i32
      %dma_start3A_106 = arith.constant 0 : i32
      %dma_start3A_107 = tpu.memref_slice %arg18[%dma_start3A_105, %dma_start3A_106] : memref<128x128xf32, #tpu.memory_space<vmem>> -> memref<128x128xf32, #tpu.memory_space<vmem>>
      tpu.enqueue_dma source(%dma_start3A_107 : memref<128x128xf32, #tpu.memory_space<vmem>>) target(%dma_start3A_104 : memref<128x128xf32, #tpu.memory_space<vmem_shared>>) target_semaphore(%run_scoped3A : memref<!tpu.dma_semaphore, #tpu.memory_space<semaphore_mem>>)
      %dma_wait3A_108 = arith.constant 0 : i32
      %dma_wait3A_109 = arith.constant 0 : i32
      %dma_wait3A_110 = tpu.memref_slice %arg18[%dma_wait3A_108, %dma_wait3A_109] : memref<128x128xf32, #tpu.memory_space<vmem>> -> memref<128x128xf32, #tpu.memory_space<vmem>>
      %dma_wait3A_111 = arith.constant 0 : i32
      %dma_wait3A_112 = tpu.memref_slice %arg7[%add3A_10, %dma_wait3A_111] : memref<10112x128xf32, #tpu.memory_space<vmem_shared>> -> memref<128x128xf32, #tpu.memory_space<vmem_shared>>
      %dma_wait3A_113 = arith.constant 0 : i32
      %dma_wait3A_114 = tpu.memref_slice %arg7[%add3A_10, %dma_wait3A_113] : memref<10112x128xf32, #tpu.memory_space<vmem_shared>> -> memref<128x128xf32, #tpu.memory_space<vmem_shared>>
      %dma_wait3A_115 = arith.constant 0 : i32
      %dma_wait3A_116 = arith.constant 0 : i32
      %dma_wait3A_117 = tpu.memref_slice %arg18[%dma_wait3A_115, %dma_wait3A_116] : memref<128x128xf32, #tpu.memory_space<vmem>> -> memref<128x128xf32, #tpu.memory_space<vmem>>
      tpu.wait_dma2 semaphore(%run_scoped3A : memref<!tpu.dma_semaphore, #tpu.memory_space<semaphore_mem>>) src(%dma_wait3A_117 : memref<128x128xf32, #tpu.memory_space<vmem>>) dst(%dma_wait3A_114 : memref<128x128xf32, #tpu.memory_space<vmem_shared>>)
      tpu.yield
    }) : () -> ()
    %add3A_11 = arith.constant 512 : i32
    %add3A_12 = arith.addi %mul3A_2, %add3A_11 : i32
    "tpu.region"() ({
      %run_scoped3A = tpu.sem_alloc : memref<!tpu.dma_semaphore, #tpu.memory_space<semaphore_mem>>
      %dma_start3A_98 = arith.constant 0 : i32
      %dma_start3A_99 = arith.constant 0 : i32
      %dma_start3A_100 = tpu.memref_slice %arg18[%dma_start3A_98, %dma_start3A_99] : memref<128x128xf32, #tpu.memory_space<vmem>> -> memref<120x128xf32, #tpu.memory_space<vmem>>
      %dma_start3A_101 = arith.constant 0 : i32
      %dma_start3A_102 = tpu.memref_slice %arg7[%add3A_12, %dma_start3A_101] : memref<10112x128xf32, #tpu.memory_space<vmem_shared>> -> memref<120x128xf32, #tpu.memory_space<vmem_shared>>
      %dma_start3A_103 = arith.constant 0 : i32
      %dma_start3A_104 = tpu.memref_slice %arg7[%add3A_12, %dma_start3A_103] : memref<10112x128xf32, #tpu.memory_space<vmem_shared>> -> memref<120x128xf32, #tpu.memory_space<vmem_shared>>
      %dma_start3A_105 = arith.constant 0 : i32
      %dma_start3A_106 = arith.constant 0 : i32
      %dma_start3A_107 = tpu.memref_slice %arg18[%dma_start3A_105, %dma_start3A_106] : memref<128x128xf32, #tpu.memory_space<vmem>> -> memref<120x128xf32, #tpu.memory_space<vmem>>
      tpu.enqueue_dma source(%dma_start3A_107 : memref<120x128xf32, #tpu.memory_space<vmem>>) target(%dma_start3A_104 : memref<120x128xf32, #tpu.memory_space<vmem_shared>>) target_semaphore(%run_scoped3A : memref<!tpu.dma_semaphore, #tpu.memory_space<semaphore_mem>>)
      %dma_wait3A_108 = arith.constant 0 : i32
      %dma_wait3A_109 = arith.constant 0 : i32
      %dma_wait3A_110 = tpu.memref_slice %arg18[%dma_wait3A_108, %dma_wait3A_109] : memref<128x128xf32, #tpu.memory_space<vmem>> -> memref<120x128xf32, #tpu.memory_space<vmem>>
      %dma_wait3A_111 = arith.constant 0 : i32
      %dma_wait3A_112 = tpu.memref_slice %arg7[%add3A_12, %dma_wait3A_111] : memref<10112x128xf32, #tpu.memory_space<vmem_shared>> -> memref<120x128xf32, #tpu.memory_space<vmem_shared>>
      %dma_wait3A_113 = arith.constant 0 : i32
      %dma_wait3A_114 = tpu.memref_slice %arg7[%add3A_12, %dma_wait3A_113] : memref<10112x128xf32, #tpu.memory_space<vmem_shared>> -> memref<120x128xf32, #tpu.memory_space<vmem_shared>>
      %dma_wait3A_115 = arith.constant 0 : i32
      %dma_wait3A_116 = arith.constant 0 : i32
      %dma_wait3A_117 = tpu.memref_slice %arg18[%dma_wait3A_115, %dma_wait3A_116] : memref<128x128xf32, #tpu.memory_space<vmem>> -> memref<120x128xf32, #tpu.memory_space<vmem>>
      tpu.wait_dma2 semaphore(%run_scoped3A : memref<!tpu.dma_semaphore, #tpu.memory_space<semaphore_mem>>) src(%dma_wait3A_117 : memref<120x128xf32, #tpu.memory_space<vmem>>) dst(%dma_wait3A_114 : memref<120x128xf32, #tpu.memory_space<vmem_shared>>)
      tpu.yield
    }) : () -> ()
    %barrier3A = arith.constant 0 : index
    tpu.barrier barrier_id(%barrier3A)
    %eq3A = arith.constant 0 : i32
    %eq3A_13 = arith.cmpi eq, %arg0, %eq3A : i32
    %mul3A_14 = arith.constant 14400 : i32
    %mul3A_15 = arith.muli %arg1, %mul3A_14 : i32
    %mul3A_16 = arith.constant 5760 : i32
    %mul3A_17 = arith.muli %arg1, %mul3A_16 : i32
    %add3A_18 = arith.constant 230400 : i32
    %add3A_19 = arith.addi %add3A_18, %mul3A_17 : i32
    %select_n3A = arith.select %eq3A_13, %mul3A_15, %add3A_19 : i32
    %eq3A_20 = arith.constant 0 : i32
    %eq3A_21 = arith.cmpi eq, %arg0, %eq3A_20 : i32
    %jit3A = arith.constant 50 : i32
    %jit3A_22 = arith.constant 20 : i32
    %select_n3A_23 = arith.select %eq3A_21, %jit3A, %jit3A_22 : i32
    %add3A_24 = arith.constant 0 : i32
    %add3A_25 = arith.addi %select_n3A, %add3A_24 : i32
    %dma_start3A = tpu.memref_slice %arg3[%add3A_25] : memref<322704xi32, #tpu.memory_space<hbm>> -> memref<72xi32, #tpu.memory_space<hbm>>
    %dma_start3A_26 = tpu.memref_slice %arg3[%add3A_25] : memref<322704xi32, #tpu.memory_space<hbm>> -> memref<72xi32, #tpu.memory_space<hbm>>
    tpu.enqueue_dma source(%dma_start3A_26 : memref<72xi32, #tpu.memory_space<hbm>>) target(%arg8 : memref<72xi32, #tpu.memory_space<vmem>>) target_semaphore(%arg22 : memref<!tpu.dma_semaphore, #tpu.memory_space<semaphore_mem>>)
    %dma_start3A_27 = tpu.memref_slice %arg4[%add3A_25] : memref<322704xi32, #tpu.memory_space<hbm>> -> memref<72xi32, #tpu.memory_space<hbm>>
    %dma_start3A_28 = tpu.memref_slice %arg4[%add3A_25] : memref<322704xi32, #tpu.memory_space<hbm>> -> memref<72xi32, #tpu.memory_space<hbm>>
    tpu.enqueue_dma source(%dma_start3A_28 : memref<72xi32, #tpu.memory_space<hbm>>) target(%arg12 : memref<72xi32, #tpu.memory_space<vmem>>) target_semaphore(%arg22 : memref<!tpu.dma_semaphore, #tpu.memory_space<semaphore_mem>>)
    %add3A_29 = arith.constant 72 : i32
    %add3A_30 = arith.addi %select_n3A, %add3A_29 : i32
    %dma_start3A_31 = tpu.memref_slice %arg3[%add3A_30] : memref<322704xi32, #tpu.memory_space<hbm>> -> memref<72xi32, #tpu.memory_space<hbm>>
    %dma_start3A_32 = tpu.memref_slice %arg3[%add3A_30] : memref<322704xi32, #tpu.memory_space<hbm>> -> memref<72xi32, #tpu.memory_space<hbm>>
    tpu.enqueue_dma source(%dma_start3A_32 : memref<72xi32, #tpu.memory_space<hbm>>) target(%arg9 : memref<72xi32, #tpu.memory_space<vmem>>) target_semaphore(%arg23 : memref<!tpu.dma_semaphore, #tpu.memory_space<semaphore_mem>>)
    %dma_start3A_33 = tpu.memref_slice %arg4[%add3A_30] : memref<322704xi32, #tpu.memory_space<hbm>> -> memref<72xi32, #tpu.memory_space<hbm>>
    %dma_start3A_34 = tpu.memref_slice %arg4[%add3A_30] : memref<322704xi32, #tpu.memory_space<hbm>> -> memref<72xi32, #tpu.memory_space<hbm>>
    tpu.enqueue_dma source(%dma_start3A_34 : memref<72xi32, #tpu.memory_space<hbm>>) target(%arg13 : memref<72xi32, #tpu.memory_space<vmem>>) target_semaphore(%arg23 : memref<!tpu.dma_semaphore, #tpu.memory_space<semaphore_mem>>)
    %add3A_35 = arith.constant 144 : i32
    %add3A_36 = arith.addi %select_n3A, %add3A_35 : i32
    %dma_start3A_37 = tpu.memref_slice %arg3[%add3A_36] : memref<322704xi32, #tpu.memory_space<hbm>> -> memref<72xi32, #tpu.memory_space<hbm>>
    %dma_start3A_38 = tpu.memref_slice %arg3[%add3A_36] : memref<322704xi32, #tpu.memory_space<hbm>> -> memref<72xi32, #tpu.memory_space<hbm>>
    tpu.enqueue_dma source(%dma_start3A_38 : memref<72xi32, #tpu.memory_space<hbm>>) target(%arg10 : memref<72xi32, #tpu.memory_space<vmem>>) target_semaphore(%arg24 : memref<!tpu.dma_semaphore, #tpu.memory_space<semaphore_mem>>)
    %dma_start3A_39 = tpu.memref_slice %arg4[%add3A_36] : memref<322704xi32, #tpu.memory_space<hbm>> -> memref<72xi32, #tpu.memory_space<hbm>>
    %dma_start3A_40 = tpu.memref_slice %arg4[%add3A_36] : memref<322704xi32, #tpu.memory_space<hbm>> -> memref<72xi32, #tpu.memory_space<hbm>>
    tpu.enqueue_dma source(%dma_start3A_40 : memref<72xi32, #tpu.memory_space<hbm>>) target(%arg14 : memref<72xi32, #tpu.memory_space<vmem>>) target_semaphore(%arg24 : memref<!tpu.dma_semaphore, #tpu.memory_space<semaphore_mem>>)
    %add3A_41 = arith.constant 216 : i32
    %add3A_42 = arith.addi %select_n3A, %add3A_41 : i32
    %dma_start3A_43 = tpu.memref_slice %arg3[%add3A_42] : memref<322704xi32, #tpu.memory_space<hbm>> -> memref<72xi32, #tpu.memory_space<hbm>>
    %dma_start3A_44 = tpu.memref_slice %arg3[%add3A_42] : memref<322704xi32, #tpu.memory_space<hbm>> -> memref<72xi32, #tpu.memory_space<hbm>>
    tpu.enqueue_dma source(%dma_start3A_44 : memref<72xi32, #tpu.memory_space<hbm>>) target(%arg11 : memref<72xi32, #tpu.memory_space<vmem>>) target_semaphore(%arg25 : memref<!tpu.dma_semaphore, #tpu.memory_space<semaphore_mem>>)
    %dma_start3A_45 = tpu.memref_slice %arg4[%add3A_42] : memref<322704xi32, #tpu.memory_space<hbm>> -> memref<72xi32, #tpu.memory_space<hbm>>
    %dma_start3A_46 = tpu.memref_slice %arg4[%add3A_42] : memref<322704xi32, #tpu.memory_space<hbm>> -> memref<72xi32, #tpu.memory_space<hbm>>
    tpu.enqueue_dma source(%dma_start3A_46 : memref<72xi32, #tpu.memory_space<hbm>>) target(%arg15 : memref<72xi32, #tpu.memory_space<vmem>>) target_semaphore(%arg25 : memref<!tpu.dma_semaphore, #tpu.memory_space<semaphore_mem>>)
    %while3A = arith.constant 0 : i32
    %while3A_47 = arith.constant 0 : i32
    %while3A_48 = arith.subi %select_n3A_23, %while3A_47 : i32
    %while3A_49 = arith.addi %while3A_47, %while3A_48 : i32
    %while3A_50 = arith.constant 1 : i32
    %while3A_51 = arith.divsi %while3A_48, %while3A_50 : i32
    %while3A_52 = arith.muli %while3A_51, %while3A_50 : i32
    %while3A_53 = arith.addi %while3A_47, %while3A_52 : i32
    %while3A_54 = arith.constant 1 : i32
    scf.for %while3A_98 = %while3A_47 to %while3A_53 step %while3A_54  : i32 {
      %mul3A_99 = arith.constant 4 : i32
      %mul3A_100 = arith.muli %mul3A_99, %while3A_98 : i32
      %add3A_101 = arith.constant 0 : i32
      %add3A_102 = arith.addi %mul3A_100, %add3A_101 : i32
      %gt3A = arith.constant 0 : i32
      %gt3A_103 = arith.cmpi sgt, %while3A_98, %gt3A : i32
      %convert_element_type3A = arith.extui %gt3A_103 : i1 to i32
      %cond3A = arith.constant 0 : i32
      %cond3A_104 = arith.cmpi ne, %convert_element_type3A, %cond3A : i32
      scf.if %cond3A_104 {
        %dma_wait3A_214 = arith.constant 0 : i32
        %dma_wait3A_215 = arith.constant 0 : i32
        %dma_wait3A_216 = tpu.memref_slice %arg7[%dma_wait3A_214, %dma_wait3A_215] : memref<10112x128xf32, #tpu.memory_space<vmem_shared>> -> memref<10112x128xf32, #tpu.memory_space<vmem_shared>>
        tpu.wait_indirect_dma semaphore(%arg20 : memref<!tpu.dma_semaphore, #tpu.memory_space<semaphore_mem>>) src(%arg16 : memref<72x128xf32, #tpu.memory_space<vmem>>) dst(%dma_wait3A_216 : memref<10112x128xf32, #tpu.memory_space<vmem_shared>>)
        %add3A_217 = arith.constant 2 : i32
        %add3A_218 = arith.addi %add3A_102, %add3A_217 : i32
        %mul3A_219 = arith.constant 72 : i32
        %mul3A_220 = arith.muli %add3A_218, %mul3A_219 : i32
        %add3A_221 = arith.addi %select_n3A, %mul3A_220 : i32
        %dma_start3A_222 = tpu.memref_slice %arg3[%add3A_221] : memref<322704xi32, #tpu.memory_space<hbm>> -> memref<72xi32, #tpu.memory_space<hbm>>
        %dma_start3A_223 = tpu.memref_slice %arg3[%add3A_221] : memref<322704xi32, #tpu.memory_space<hbm>> -> memref<72xi32, #tpu.memory_space<hbm>>
        tpu.enqueue_dma source(%dma_start3A_223 : memref<72xi32, #tpu.memory_space<hbm>>) target(%arg10 : memref<72xi32, #tpu.memory_space<vmem>>) target_semaphore(%arg24 : memref<!tpu.dma_semaphore, #tpu.memory_space<semaphore_mem>>)
        %dma_start3A_224 = tpu.memref_slice %arg4[%add3A_221] : memref<322704xi32, #tpu.memory_space<hbm>> -> memref<72xi32, #tpu.memory_space<hbm>>
        %dma_start3A_225 = tpu.memref_slice %arg4[%add3A_221] : memref<322704xi32, #tpu.memory_space<hbm>> -> memref<72xi32, #tpu.memory_space<hbm>>
        tpu.enqueue_dma source(%dma_start3A_225 : memref<72xi32, #tpu.memory_space<hbm>>) target(%arg14 : memref<72xi32, #tpu.memory_space<vmem>>) target_semaphore(%arg24 : memref<!tpu.dma_semaphore, #tpu.memory_space<semaphore_mem>>)
      } else {
      }
      %dma_wait3A_105 = arith.constant 0 : i32
      %dma_wait3A_106 = tpu.memref_slice %arg3[%dma_wait3A_105] : memref<322704xi32, #tpu.memory_space<hbm>> -> memref<72xi32, #tpu.memory_space<hbm>>
      %dma_wait3A_107 = arith.constant 0 : i32
      %dma_wait3A_108 = tpu.memref_slice %arg3[%dma_wait3A_107] : memref<322704xi32, #tpu.memory_space<hbm>> -> memref<72xi32, #tpu.memory_space<hbm>>
      tpu.wait_dma2 semaphore(%arg22 : memref<!tpu.dma_semaphore, #tpu.memory_space<semaphore_mem>>) src(%dma_wait3A_108 : memref<72xi32, #tpu.memory_space<hbm>>) dst(%arg8 : memref<72xi32, #tpu.memory_space<vmem>>)
      %dma_wait3A_109 = arith.constant 0 : i32
      %dma_wait3A_110 = tpu.memref_slice %arg4[%dma_wait3A_109] : memref<322704xi32, #tpu.memory_space<hbm>> -> memref<72xi32, #tpu.memory_space<hbm>>
      %dma_wait3A_111 = arith.constant 0 : i32
      %dma_wait3A_112 = tpu.memref_slice %arg4[%dma_wait3A_111] : memref<322704xi32, #tpu.memory_space<hbm>> -> memref<72xi32, #tpu.memory_space<hbm>>
      tpu.wait_dma2 semaphore(%arg22 : memref<!tpu.dma_semaphore, #tpu.memory_space<semaphore_mem>>) src(%dma_wait3A_112 : memref<72xi32, #tpu.memory_space<hbm>>) dst(%arg12 : memref<72xi32, #tpu.memory_space<vmem>>)
      %dma_start3A_113 = arith.constant 0 : i32
      %dma_start3A_114 = arith.constant 0 : i32
      %dma_start3A_115 = tpu.memref_slice %arg2[%dma_start3A_113, %dma_start3A_114] : memref<10000x128xf32, #tpu.memory_space<hbm>> -> memref<10000x128xf32, #tpu.memory_space<hbm>>
      tpu.enqueue_indirect_dma source(%dma_start3A_115 : memref<10000x128xf32, #tpu.memory_space<hbm>>) target(%arg16 : memref<72x128xf32, #tpu.memory_space<vmem>>) offsets(%arg8 : memref<72xi32, #tpu.memory_space<vmem>>) semaphore(%arg19 : memref<!tpu.dma_semaphore, #tpu.memory_space<semaphore_mem>>)
      %dma_wait3A_116 = arith.constant 0 : i32
      %dma_wait3A_117 = arith.constant 0 : i32
      %dma_wait3A_118 = tpu.memref_slice %arg2[%dma_wait3A_116, %dma_wait3A_117] : memref<10000x128xf32, #tpu.memory_space<hbm>> -> memref<10000x128xf32, #tpu.memory_space<hbm>>
      tpu.wait_indirect_dma semaphore(%arg19 : memref<!tpu.dma_semaphore, #tpu.memory_space<semaphore_mem>>) src(%dma_wait3A_118 : memref<10000x128xf32, #tpu.memory_space<hbm>>) dst(%arg16 : memref<72x128xf32, #tpu.memory_space<vmem>>)
      %dma_start3A_119 = arith.constant 0 : i32
      %dma_start3A_120 = arith.constant 0 : i32
      %dma_start3A_121 = tpu.memref_slice %arg7[%dma_start3A_119, %dma_start3A_120] : memref<10112x128xf32, #tpu.memory_space<vmem_shared>> -> memref<10112x128xf32, #tpu.memory_space<vmem_shared>>
      tpu.enqueue_indirect_dma source(%arg16 : memref<72x128xf32, #tpu.memory_space<vmem>>) target(%dma_start3A_121 : memref<10112x128xf32, #tpu.memory_space<vmem_shared>>) offsets(%arg12 : memref<72xi32, #tpu.memory_space<vmem>>) semaphore(%arg20 : memref<!tpu.dma_semaphore, #tpu.memory_space<semaphore_mem>>) {add = true}
      %mul3A_122 = arith.constant 4 : i32
      %mul3A_123 = arith.muli %mul3A_122, %while3A_98 : i32
      %add3A_124 = arith.constant 1 : i32
      %add3A_125 = arith.addi %mul3A_123, %add3A_124 : i32
      %gt3A_126 = arith.constant 0 : i32
      %gt3A_127 = arith.cmpi sgt, %while3A_98, %gt3A_126 : i32
      %convert_element_type3A_128 = arith.extui %gt3A_127 : i1 to i32
      %cond3A_129 = arith.constant 0 : i32
      %cond3A_130 = arith.cmpi ne, %convert_element_type3A_128, %cond3A_129 : i32
      scf.if %cond3A_130 {
        %dma_wait3A_214 = arith.constant 0 : i32
        %dma_wait3A_215 = arith.constant 0 : i32
        %dma_wait3A_216 = tpu.memref_slice %arg7[%dma_wait3A_214, %dma_wait3A_215] : memref<10112x128xf32, #tpu.memory_space<vmem_shared>> -> memref<10112x128xf32, #tpu.memory_space<vmem_shared>>
        tpu.wait_indirect_dma semaphore(%arg21 : memref<!tpu.dma_semaphore, #tpu.memory_space<semaphore_mem>>) src(%arg17 : memref<72x128xf32, #tpu.memory_space<vmem>>) dst(%dma_wait3A_216 : memref<10112x128xf32, #tpu.memory_space<vmem_shared>>)
        %add3A_217 = arith.constant 2 : i32
        %add3A_218 = arith.addi %add3A_125, %add3A_217 : i32
        %mul3A_219 = arith.constant 72 : i32
        %mul3A_220 = arith.muli %add3A_218, %mul3A_219 : i32
        %add3A_221 = arith.addi %select_n3A, %mul3A_220 : i32
        %dma_start3A_222 = tpu.memref_slice %arg3[%add3A_221] : memref<322704xi32, #tpu.memory_space<hbm>> -> memref<72xi32, #tpu.memory_space<hbm>>
        %dma_start3A_223 = tpu.memref_slice %arg3[%add3A_221] : memref<322704xi32, #tpu.memory_space<hbm>> -> memref<72xi32, #tpu.memory_space<hbm>>
        tpu.enqueue_dma source(%dma_start3A_223 : memref<72xi32, #tpu.memory_space<hbm>>) target(%arg11 : memref<72xi32, #tpu.memory_space<vmem>>) target_semaphore(%arg25 : memref<!tpu.dma_semaphore, #tpu.memory_space<semaphore_mem>>)
        %dma_start3A_224 = tpu.memref_slice %arg4[%add3A_221] : memref<322704xi32, #tpu.memory_space<hbm>> -> memref<72xi32, #tpu.memory_space<hbm>>
        %dma_start3A_225 = tpu.memref_slice %arg4[%add3A_221] : memref<322704xi32, #tpu.memory_space<hbm>> -> memref<72xi32, #tpu.memory_space<hbm>>
        tpu.enqueue_dma source(%dma_start3A_225 : memref<72xi32, #tpu.memory_space<hbm>>) target(%arg15 : memref<72xi32, #tpu.memory_space<vmem>>) target_semaphore(%arg25 : memref<!tpu.dma_semaphore, #tpu.memory_space<semaphore_mem>>)
      } else {
      }
      %dma_wait3A_131 = arith.constant 0 : i32
      %dma_wait3A_132 = tpu.memref_slice %arg3[%dma_wait3A_131] : memref<322704xi32, #tpu.memory_space<hbm>> -> memref<72xi32, #tpu.memory_space<hbm>>
      %dma_wait3A_133 = arith.constant 0 : i32
      %dma_wait3A_134 = tpu.memref_slice %arg3[%dma_wait3A_133] : memref<322704xi32, #tpu.memory_space<hbm>> -> memref<72xi32, #tpu.memory_space<hbm>>
      tpu.wait_dma2 semaphore(%arg23 : memref<!tpu.dma_semaphore, #tpu.memory_space<semaphore_mem>>) src(%dma_wait3A_134 : memref<72xi32, #tpu.memory_space<hbm>>) dst(%arg9 : memref<72xi32, #tpu.memory_space<vmem>>)
      %dma_wait3A_135 = arith.constant 0 : i32
      %dma_wait3A_136 = tpu.memref_slice %arg4[%dma_wait3A_135] : memref<322704xi32, #tpu.memory_space<hbm>> -> memref<72xi32, #tpu.memory_space<hbm>>
      %dma_wait3A_137 = arith.constant 0 : i32
      %dma_wait3A_138 = tpu.memref_slice %arg4[%dma_wait3A_137] : memref<322704xi32, #tpu.memory_space<hbm>> -> memref<72xi32, #tpu.memory_space<hbm>>
      tpu.wait_dma2 semaphore(%arg23 : memref<!tpu.dma_semaphore, #tpu.memory_space<semaphore_mem>>) src(%dma_wait3A_138 : memref<72xi32, #tpu.memory_space<hbm>>) dst(%arg13 : memref<72xi32, #tpu.memory_space<vmem>>)
      %dma_start3A_139 = arith.constant 0 : i32
      %dma_start3A_140 = arith.constant 0 : i32
      %dma_start3A_141 = tpu.memref_slice %arg2[%dma_start3A_139, %dma_start3A_140] : memref<10000x128xf32, #tpu.memory_space<hbm>> -> memref<10000x128xf32, #tpu.memory_space<hbm>>
      tpu.enqueue_indirect_dma source(%dma_start3A_141 : memref<10000x128xf32, #tpu.memory_space<hbm>>) target(%arg17 : memref<72x128xf32, #tpu.memory_space<vmem>>) offsets(%arg9 : memref<72xi32, #tpu.memory_space<vmem>>) semaphore(%arg19 : memref<!tpu.dma_semaphore, #tpu.memory_space<semaphore_mem>>)
      %dma_wait3A_142 = arith.constant 0 : i32
      %dma_wait3A_143 = arith.constant 0 : i32
      %dma_wait3A_144 = tpu.memref_slice %arg2[%dma_wait3A_142, %dma_wait3A_143] : memref<10000x128xf32, #tpu.memory_space<hbm>> -> memref<10000x128xf32, #tpu.memory_space<hbm>>
      tpu.wait_indirect_dma semaphore(%arg19 : memref<!tpu.dma_semaphore, #tpu.memory_space<semaphore_mem>>) src(%dma_wait3A_144 : memref<10000x128xf32, #tpu.memory_space<hbm>>) dst(%arg17 : memref<72x128xf32, #tpu.memory_space<vmem>>)
      %dma_start3A_145 = arith.constant 0 : i32
      %dma_start3A_146 = arith.constant 0 : i32
      %dma_start3A_147 = tpu.memref_slice %arg7[%dma_start3A_145, %dma_start3A_146] : memref<10112x128xf32, #tpu.memory_space<vmem_shared>> -> memref<10112x128xf32, #tpu.memory_space<vmem_shared>>
      tpu.enqueue_indirect_dma source(%arg17 : memref<72x128xf32, #tpu.memory_space<vmem>>) target(%dma_start3A_147 : memref<10112x128xf32, #tpu.memory_space<vmem_shared>>) offsets(%arg13 : memref<72xi32, #tpu.memory_space<vmem>>) semaphore(%arg21 : memref<!tpu.dma_semaphore, #tpu.memory_space<semaphore_mem>>) {add = true}
      %mul3A_148 = arith.constant 4 : i32
      %mul3A_149 = arith.muli %mul3A_148, %while3A_98 : i32
      %add3A_150 = arith.constant 2 : i32
      %add3A_151 = arith.addi %mul3A_149, %add3A_150 : i32
      %dma_wait3A_152 = arith.constant 0 : i32
      %dma_wait3A_153 = arith.constant 0 : i32
      %dma_wait3A_154 = tpu.memref_slice %arg7[%dma_wait3A_152, %dma_wait3A_153] : memref<10112x128xf32, #tpu.memory_space<vmem_shared>> -> memref<10112x128xf32, #tpu.memory_space<vmem_shared>>
      tpu.wait_indirect_dma semaphore(%arg20 : memref<!tpu.dma_semaphore, #tpu.memory_space<semaphore_mem>>) src(%arg16 : memref<72x128xf32, #tpu.memory_space<vmem>>) dst(%dma_wait3A_154 : memref<10112x128xf32, #tpu.memory_space<vmem_shared>>)
      %add3A_155 = arith.constant 2 : i32
      %add3A_156 = arith.addi %add3A_151, %add3A_155 : i32
      %mul3A_157 = arith.constant 72 : i32
      %mul3A_158 = arith.muli %add3A_156, %mul3A_157 : i32
      %add3A_159 = arith.addi %select_n3A, %mul3A_158 : i32
      %dma_start3A_160 = tpu.memref_slice %arg3[%add3A_159] : memref<322704xi32, #tpu.memory_space<hbm>> -> memref<72xi32, #tpu.memory_space<hbm>>
      %dma_start3A_161 = tpu.memref_slice %arg3[%add3A_159] : memref<322704xi32, #tpu.memory_space<hbm>> -> memref<72xi32, #tpu.memory_space<hbm>>
      tpu.enqueue_dma source(%dma_start3A_161 : memref<72xi32, #tpu.memory_space<hbm>>) target(%arg8 : memref<72xi32, #tpu.memory_space<vmem>>) target_semaphore(%arg22 : memref<!tpu.dma_semaphore, #tpu.memory_space<semaphore_mem>>)
      %dma_start3A_162 = tpu.memref_slice %arg4[%add3A_159] : memref<322704xi32, #tpu.memory_space<hbm>> -> memref<72xi32, #tpu.memory_space<hbm>>
      %dma_start3A_163 = tpu.memref_slice %arg4[%add3A_159] : memref<322704xi32, #tpu.memory_space<hbm>> -> memref<72xi32, #tpu.memory_space<hbm>>
      tpu.enqueue_dma source(%dma_start3A_163 : memref<72xi32, #tpu.memory_space<hbm>>) target(%arg12 : memref<72xi32, #tpu.memory_space<vmem>>) target_semaphore(%arg22 : memref<!tpu.dma_semaphore, #tpu.memory_space<semaphore_mem>>)
      %dma_wait3A_164 = arith.constant 0 : i32
      %dma_wait3A_165 = tpu.memref_slice %arg3[%dma_wait3A_164] : memref<322704xi32, #tpu.memory_space<hbm>> -> memref<72xi32, #tpu.memory_space<hbm>>
      %dma_wait3A_166 = arith.constant 0 : i32
      %dma_wait3A_167 = tpu.memref_slice %arg3[%dma_wait3A_166] : memref<322704xi32, #tpu.memory_space<hbm>> -> memref<72xi32, #tpu.memory_space<hbm>>
      tpu.wait_dma2 semaphore(%arg24 : memref<!tpu.dma_semaphore, #tpu.memory_space<semaphore_mem>>) src(%dma_wait3A_167 : memref<72xi32, #tpu.memory_space<hbm>>) dst(%arg10 : memref<72xi32, #tpu.memory_space<vmem>>)
      %dma_wait3A_168 = arith.constant 0 : i32
      %dma_wait3A_169 = tpu.memref_slice %arg4[%dma_wait3A_168] : memref<322704xi32, #tpu.memory_space<hbm>> -> memref<72xi32, #tpu.memory_space<hbm>>
      %dma_wait3A_170 = arith.constant 0 : i32
      %dma_wait3A_171 = tpu.memref_slice %arg4[%dma_wait3A_170] : memref<322704xi32, #tpu.memory_space<hbm>> -> memref<72xi32, #tpu.memory_space<hbm>>
      tpu.wait_dma2 semaphore(%arg24 : memref<!tpu.dma_semaphore, #tpu.memory_space<semaphore_mem>>) src(%dma_wait3A_171 : memref<72xi32, #tpu.memory_space<hbm>>) dst(%arg14 : memref<72xi32, #tpu.memory_space<vmem>>)
      %dma_start3A_172 = arith.constant 0 : i32
      %dma_start3A_173 = arith.constant 0 : i32
      %dma_start3A_174 = tpu.memref_slice %arg2[%dma_start3A_172, %dma_start3A_173] : memref<10000x128xf32, #tpu.memory_space<hbm>> -> memref<10000x128xf32, #tpu.memory_space<hbm>>
      tpu.enqueue_indirect_dma source(%dma_start3A_174 : memref<10000x128xf32, #tpu.memory_space<hbm>>) target(%arg16 : memref<72x128xf32, #tpu.memory_space<vmem>>) offsets(%arg10 : memref<72xi32, #tpu.memory_space<vmem>>) semaphore(%arg19 : memref<!tpu.dma_semaphore, #tpu.memory_space<semaphore_mem>>)
      %dma_wait3A_175 = arith.constant 0 : i32
      %dma_wait3A_176 = arith.constant 0 : i32
      %dma_wait3A_177 = tpu.memref_slice %arg2[%dma_wait3A_175, %dma_wait3A_176] : memref<10000x128xf32, #tpu.memory_space<hbm>> -> memref<10000x128xf32, #tpu.memory_space<hbm>>
      tpu.wait_indirect_dma semaphore(%arg19 : memref<!tpu.dma_semaphore, #tpu.memory_space<semaphore_mem>>) src(%dma_wait3A_177 : memref<10000x128xf32, #tpu.memory_space<hbm>>) dst(%arg16 : memref<72x128xf32, #tpu.memory_space<vmem>>)
      %dma_start3A_178 = arith.constant 0 : i32
      %dma_start3A_179 = arith.constant 0 : i32
      %dma_start3A_180 = tpu.memref_slice %arg7[%dma_start3A_178, %dma_start3A_179] : memref<10112x128xf32, #tpu.memory_space<vmem_shared>> -> memref<10112x128xf32, #tpu.memory_space<vmem_shared>>
      tpu.enqueue_indirect_dma source(%arg16 : memref<72x128xf32, #tpu.memory_space<vmem>>) target(%dma_start3A_180 : memref<10112x128xf32, #tpu.memory_space<vmem_shared>>) offsets(%arg14 : memref<72xi32, #tpu.memory_space<vmem>>) semaphore(%arg20 : memref<!tpu.dma_semaphore, #tpu.memory_space<semaphore_mem>>) {add = true}
      %mul3A_181 = arith.constant 4 : i32
      %mul3A_182 = arith.muli %mul3A_181, %while3A_98 : i32
      %add3A_183 = arith.constant 3 : i32
      %add3A_184 = arith.addi %mul3A_182, %add3A_183 : i32
      %dma_wait3A_185 = arith.constant 0 : i32
      %dma_wait3A_186 = arith.constant 0 : i32
      %dma_wait3A_187 = tpu.memref_slice %arg7[%dma_wait3A_185, %dma_wait3A_186] : memref<10112x128xf32, #tpu.memory_space<vmem_shared>> -> memref<10112x128xf32, #tpu.memory_space<vmem_shared>>
      tpu.wait_indirect_dma semaphore(%arg21 : memref<!tpu.dma_semaphore, #tpu.memory_space<semaphore_mem>>) src(%arg17 : memref<72x128xf32, #tpu.memory_space<vmem>>) dst(%dma_wait3A_187 : memref<10112x128xf32, #tpu.memory_space<vmem_shared>>)
      %add3A_188 = arith.constant 2 : i32
      %add3A_189 = arith.addi %add3A_184, %add3A_188 : i32
      %mul3A_190 = arith.constant 72 : i32
      %mul3A_191 = arith.muli %add3A_189, %mul3A_190 : i32
      %add3A_192 = arith.addi %select_n3A, %mul3A_191 : i32
      %dma_start3A_193 = tpu.memref_slice %arg3[%add3A_192] : memref<322704xi32, #tpu.memory_space<hbm>> -> memref<72xi32, #tpu.memory_space<hbm>>
      %dma_start3A_194 = tpu.memref_slice %arg3[%add3A_192] : memref<322704xi32, #tpu.memory_space<hbm>> -> memref<72xi32, #tpu.memory_space<hbm>>
      tpu.enqueue_dma source(%dma_start3A_194 : memref<72xi32, #tpu.memory_space<hbm>>) target(%arg9 : memref<72xi32, #tpu.memory_space<vmem>>) target_semaphore(%arg23 : memref<!tpu.dma_semaphore, #tpu.memory_space<semaphore_mem>>)
      %dma_start3A_195 = tpu.memref_slice %arg4[%add3A_192] : memref<322704xi32, #tpu.memory_space<hbm>> -> memref<72xi32, #tpu.memory_space<hbm>>
      %dma_start3A_196 = tpu.memref_slice %arg4[%add3A_192] : memref<322704xi32, #tpu.memory_space<hbm>> -> memref<72xi32, #tpu.memory_space<hbm>>
      tpu.enqueue_dma source(%dma_start3A_196 : memref<72xi32, #tpu.memory_space<hbm>>) target(%arg13 : memref<72xi32, #tpu.memory_space<vmem>>) target_semaphore(%arg23 : memref<!tpu.dma_semaphore, #tpu.memory_space<semaphore_mem>>)
      %dma_wait3A_197 = arith.constant 0 : i32
      %dma_wait3A_198 = tpu.memref_slice %arg3[%dma_wait3A_197] : memref<322704xi32, #tpu.memory_space<hbm>> -> memref<72xi32, #tpu.memory_space<hbm>>
      %dma_wait3A_199 = arith.constant 0 : i32
      %dma_wait3A_200 = tpu.memref_slice %arg3[%dma_wait3A_199] : memref<322704xi32, #tpu.memory_space<hbm>> -> memref<72xi32, #tpu.memory_space<hbm>>
      tpu.wait_dma2 semaphore(%arg25 : memref<!tpu.dma_semaphore, #tpu.memory_space<semaphore_mem>>) src(%dma_wait3A_200 : memref<72xi32, #tpu.memory_space<hbm>>) dst(%arg11 : memref<72xi32, #tpu.memory_space<vmem>>)
      %dma_wait3A_201 = arith.constant 0 : i32
      %dma_wait3A_202 = tpu.memref_slice %arg4[%dma_wait3A_201] : memref<322704xi32, #tpu.memory_space<hbm>> -> memref<72xi32, #tpu.memory_space<hbm>>
      %dma_wait3A_203 = arith.constant 0 : i32
      %dma_wait3A_204 = tpu.memref_slice %arg4[%dma_wait3A_203] : memref<322704xi32, #tpu.memory_space<hbm>> -> memref<72xi32, #tpu.memory_space<hbm>>
      tpu.wait_dma2 semaphore(%arg25 : memref<!tpu.dma_semaphore, #tpu.memory_space<semaphore_mem>>) src(%dma_wait3A_204 : memref<72xi32, #tpu.memory_space<hbm>>) dst(%arg15 : memref<72xi32, #tpu.memory_space<vmem>>)
      %dma_start3A_205 = arith.constant 0 : i32
      %dma_start3A_206 = arith.constant 0 : i32
      %dma_start3A_207 = tpu.memref_slice %arg2[%dma_start3A_205, %dma_start3A_206] : memref<10000x128xf32, #tpu.memory_space<hbm>> -> memref<10000x128xf32, #tpu.memory_space<hbm>>
      tpu.enqueue_indirect_dma source(%dma_start3A_207 : memref<10000x128xf32, #tpu.memory_space<hbm>>) target(%arg17 : memref<72x128xf32, #tpu.memory_space<vmem>>) offsets(%arg11 : memref<72xi32, #tpu.memory_space<vmem>>) semaphore(%arg19 : memref<!tpu.dma_semaphore, #tpu.memory_space<semaphore_mem>>)
      %dma_wait3A_208 = arith.constant 0 : i32
      %dma_wait3A_209 = arith.constant 0 : i32
      %dma_wait3A_210 = tpu.memref_slice %arg2[%dma_wait3A_208, %dma_wait3A_209] : memref<10000x128xf32, #tpu.memory_space<hbm>> -> memref<10000x128xf32, #tpu.memory_space<hbm>>
      tpu.wait_indirect_dma semaphore(%arg19 : memref<!tpu.dma_semaphore, #tpu.memory_space<semaphore_mem>>) src(%dma_wait3A_210 : memref<10000x128xf32, #tpu.memory_space<hbm>>) dst(%arg17 : memref<72x128xf32, #tpu.memory_space<vmem>>)
      %dma_start3A_211 = arith.constant 0 : i32
      %dma_start3A_212 = arith.constant 0 : i32
      %dma_start3A_213 = tpu.memref_slice %arg7[%dma_start3A_211, %dma_start3A_212] : memref<10112x128xf32, #tpu.memory_space<vmem_shared>> -> memref<10112x128xf32, #tpu.memory_space<vmem_shared>>
      tpu.enqueue_indirect_dma source(%arg17 : memref<72x128xf32, #tpu.memory_space<vmem>>) target(%dma_start3A_213 : memref<10112x128xf32, #tpu.memory_space<vmem_shared>>) offsets(%arg15 : memref<72xi32, #tpu.memory_space<vmem>>) semaphore(%arg21 : memref<!tpu.dma_semaphore, #tpu.memory_space<semaphore_mem>>) {add = true}
    }
    %while3A_55 = arith.constant 1 : i32
    scf.for %while3A_98 = %while3A_53 to %while3A_49 step %while3A_55  : i32 {
      %mul3A_99 = arith.constant 4 : i32
      %mul3A_100 = arith.muli %mul3A_99, %while3A_98 : i32
      %add3A_101 = arith.constant 0 : i32
      %add3A_102 = arith.addi %mul3A_100, %add3A_101 : i32
      %gt3A = arith.constant 0 : i32
      %gt3A_103 = arith.cmpi sgt, %while3A_98, %gt3A : i32
      %convert_element_type3A = arith.extui %gt3A_103 : i1 to i32
      %cond3A = arith.constant 0 : i32
      %cond3A_104 = arith.cmpi ne, %convert_element_type3A, %cond3A : i32
      scf.if %cond3A_104 {
        %dma_wait3A_214 = arith.constant 0 : i32
        %dma_wait3A_215 = arith.constant 0 : i32
        %dma_wait3A_216 = tpu.memref_slice %arg7[%dma_wait3A_214, %dma_wait3A_215] : memref<10112x128xf32, #tpu.memory_space<vmem_shared>> -> memref<10112x128xf32, #tpu.memory_space<vmem_shared>>
        tpu.wait_indirect_dma semaphore(%arg20 : memref<!tpu.dma_semaphore, #tpu.memory_space<semaphore_mem>>) src(%arg16 : memref<72x128xf32, #tpu.memory_space<vmem>>) dst(%dma_wait3A_216 : memref<10112x128xf32, #tpu.memory_space<vmem_shared>>)
        %add3A_217 = arith.constant 2 : i32
        %add3A_218 = arith.addi %add3A_102, %add3A_217 : i32
        %mul3A_219 = arith.constant 72 : i32
        %mul3A_220 = arith.muli %add3A_218, %mul3A_219 : i32
        %add3A_221 = arith.addi %select_n3A, %mul3A_220 : i32
        %dma_start3A_222 = tpu.memref_slice %arg3[%add3A_221] : memref<322704xi32, #tpu.memory_space<hbm>> -> memref<72xi32, #tpu.memory_space<hbm>>
        %dma_start3A_223 = tpu.memref_slice %arg3[%add3A_221] : memref<322704xi32, #tpu.memory_space<hbm>> -> memref<72xi32, #tpu.memory_space<hbm>>
        tpu.enqueue_dma source(%dma_start3A_223 : memref<72xi32, #tpu.memory_space<hbm>>) target(%arg10 : memref<72xi32, #tpu.memory_space<vmem>>) target_semaphore(%arg24 : memref<!tpu.dma_semaphore, #tpu.memory_space<semaphore_mem>>)
        %dma_start3A_224 = tpu.memref_slice %arg4[%add3A_221] : memref<322704xi32, #tpu.memory_space<hbm>> -> memref<72xi32, #tpu.memory_space<hbm>>
        %dma_start3A_225 = tpu.memref_slice %arg4[%add3A_221] : memref<322704xi32, #tpu.memory_space<hbm>> -> memref<72xi32, #tpu.memory_space<hbm>>
        tpu.enqueue_dma source(%dma_start3A_225 : memref<72xi32, #tpu.memory_space<hbm>>) target(%arg14 : memref<72xi32, #tpu.memory_space<vmem>>) target_semaphore(%arg24 : memref<!tpu.dma_semaphore, #tpu.memory_space<semaphore_mem>>)
      } else {
      }
      %dma_wait3A_105 = arith.constant 0 : i32
      %dma_wait3A_106 = tpu.memref_slice %arg3[%dma_wait3A_105] : memref<322704xi32, #tpu.memory_space<hbm>> -> memref<72xi32, #tpu.memory_space<hbm>>
      %dma_wait3A_107 = arith.constant 0 : i32
      %dma_wait3A_108 = tpu.memref_slice %arg3[%dma_wait3A_107] : memref<322704xi32, #tpu.memory_space<hbm>> -> memref<72xi32, #tpu.memory_space<hbm>>
      tpu.wait_dma2 semaphore(%arg22 : memref<!tpu.dma_semaphore, #tpu.memory_space<semaphore_mem>>) src(%dma_wait3A_108 : memref<72xi32, #tpu.memory_space<hbm>>) dst(%arg8 : memref<72xi32, #tpu.memory_space<vmem>>)
      %dma_wait3A_109 = arith.constant 0 : i32
      %dma_wait3A_110 = tpu.memref_slice %arg4[%dma_wait3A_109] : memref<322704xi32, #tpu.memory_space<hbm>> -> memref<72xi32, #tpu.memory_space<hbm>>
      %dma_wait3A_111 = arith.constant 0 : i32
      %dma_wait3A_112 = tpu.memref_slice %arg4[%dma_wait3A_111] : memref<322704xi32, #tpu.memory_space<hbm>> -> memref<72xi32, #tpu.memory_space<hbm>>
      tpu.wait_dma2 semaphore(%arg22 : memref<!tpu.dma_semaphore, #tpu.memory_space<semaphore_mem>>) src(%dma_wait3A_112 : memref<72xi32, #tpu.memory_space<hbm>>) dst(%arg12 : memref<72xi32, #tpu.memory_space<vmem>>)
      %dma_start3A_113 = arith.constant 0 : i32
      %dma_start3A_114 = arith.constant 0 : i32
      %dma_start3A_115 = tpu.memref_slice %arg2[%dma_start3A_113, %dma_start3A_114] : memref<10000x128xf32, #tpu.memory_space<hbm>> -> memref<10000x128xf32, #tpu.memory_space<hbm>>
      tpu.enqueue_indirect_dma source(%dma_start3A_115 : memref<10000x128xf32, #tpu.memory_space<hbm>>) target(%arg16 : memref<72x128xf32, #tpu.memory_space<vmem>>) offsets(%arg8 : memref<72xi32, #tpu.memory_space<vmem>>) semaphore(%arg19 : memref<!tpu.dma_semaphore, #tpu.memory_space<semaphore_mem>>)
      %dma_wait3A_116 = arith.constant 0 : i32
      %dma_wait3A_117 = arith.constant 0 : i32
      %dma_wait3A_118 = tpu.memref_slice %arg2[%dma_wait3A_116, %dma_wait3A_117] : memref<10000x128xf32, #tpu.memory_space<hbm>> -> memref<10000x128xf32, #tpu.memory_space<hbm>>
      tpu.wait_indirect_dma semaphore(%arg19 : memref<!tpu.dma_semaphore, #tpu.memory_space<semaphore_mem>>) src(%dma_wait3A_118 : memref<10000x128xf32, #tpu.memory_space<hbm>>) dst(%arg16 : memref<72x128xf32, #tpu.memory_space<vmem>>)
      %dma_start3A_119 = arith.constant 0 : i32
      %dma_start3A_120 = arith.constant 0 : i32
      %dma_start3A_121 = tpu.memref_slice %arg7[%dma_start3A_119, %dma_start3A_120] : memref<10112x128xf32, #tpu.memory_space<vmem_shared>> -> memref<10112x128xf32, #tpu.memory_space<vmem_shared>>
      tpu.enqueue_indirect_dma source(%arg16 : memref<72x128xf32, #tpu.memory_space<vmem>>) target(%dma_start3A_121 : memref<10112x128xf32, #tpu.memory_space<vmem_shared>>) offsets(%arg12 : memref<72xi32, #tpu.memory_space<vmem>>) semaphore(%arg20 : memref<!tpu.dma_semaphore, #tpu.memory_space<semaphore_mem>>) {add = true}
      %mul3A_122 = arith.constant 4 : i32
      %mul3A_123 = arith.muli %mul3A_122, %while3A_98 : i32
      %add3A_124 = arith.constant 1 : i32
      %add3A_125 = arith.addi %mul3A_123, %add3A_124 : i32
      %gt3A_126 = arith.constant 0 : i32
      %gt3A_127 = arith.cmpi sgt, %while3A_98, %gt3A_126 : i32
      %convert_element_type3A_128 = arith.extui %gt3A_127 : i1 to i32
      %cond3A_129 = arith.constant 0 : i32
      %cond3A_130 = arith.cmpi ne, %convert_element_type3A_128, %cond3A_129 : i32
      scf.if %cond3A_130 {
        %dma_wait3A_214 = arith.constant 0 : i32
        %dma_wait3A_215 = arith.constant 0 : i32
        %dma_wait3A_216 = tpu.memref_slice %arg7[%dma_wait3A_214, %dma_wait3A_215] : memref<10112x128xf32, #tpu.memory_space<vmem_shared>> -> memref<10112x128xf32, #tpu.memory_space<vmem_shared>>
        tpu.wait_indirect_dma semaphore(%arg21 : memref<!tpu.dma_semaphore, #tpu.memory_space<semaphore_mem>>) src(%arg17 : memref<72x128xf32, #tpu.memory_space<vmem>>) dst(%dma_wait3A_216 : memref<10112x128xf32, #tpu.memory_space<vmem_shared>>)
        %add3A_217 = arith.constant 2 : i32
        %add3A_218 = arith.addi %add3A_125, %add3A_217 : i32
        %mul3A_219 = arith.constant 72 : i32
        %mul3A_220 = arith.muli %add3A_218, %mul3A_219 : i32
        %add3A_221 = arith.addi %select_n3A, %mul3A_220 : i32
        %dma_start3A_222 = tpu.memref_slice %arg3[%add3A_221] : memref<322704xi32, #tpu.memory_space<hbm>> -> memref<72xi32, #tpu.memory_space<hbm>>
        %dma_start3A_223 = tpu.memref_slice %arg3[%add3A_221] : memref<322704xi32, #tpu.memory_space<hbm>> -> memref<72xi32, #tpu.memory_space<hbm>>
        tpu.enqueue_dma source(%dma_start3A_223 : memref<72xi32, #tpu.memory_space<hbm>>) target(%arg11 : memref<72xi32, #tpu.memory_space<vmem>>) target_semaphore(%arg25 : memref<!tpu.dma_semaphore, #tpu.memory_space<semaphore_mem>>)
        %dma_start3A_224 = tpu.memref_slice %arg4[%add3A_221] : memref<322704xi32, #tpu.memory_space<hbm>> -> memref<72xi32, #tpu.memory_space<hbm>>
        %dma_start3A_225 = tpu.memref_slice %arg4[%add3A_221] : memref<322704xi32, #tpu.memory_space<hbm>> -> memref<72xi32, #tpu.memory_space<hbm>>
        tpu.enqueue_dma source(%dma_start3A_225 : memref<72xi32, #tpu.memory_space<hbm>>) target(%arg15 : memref<72xi32, #tpu.memory_space<vmem>>) target_semaphore(%arg25 : memref<!tpu.dma_semaphore, #tpu.memory_space<semaphore_mem>>)
      } else {
      }
      %dma_wait3A_131 = arith.constant 0 : i32
      %dma_wait3A_132 = tpu.memref_slice %arg3[%dma_wait3A_131] : memref<322704xi32, #tpu.memory_space<hbm>> -> memref<72xi32, #tpu.memory_space<hbm>>
      %dma_wait3A_133 = arith.constant 0 : i32
      %dma_wait3A_134 = tpu.memref_slice %arg3[%dma_wait3A_133] : memref<322704xi32, #tpu.memory_space<hbm>> -> memref<72xi32, #tpu.memory_space<hbm>>
      tpu.wait_dma2 semaphore(%arg23 : memref<!tpu.dma_semaphore, #tpu.memory_space<semaphore_mem>>) src(%dma_wait3A_134 : memref<72xi32, #tpu.memory_space<hbm>>) dst(%arg9 : memref<72xi32, #tpu.memory_space<vmem>>)
      %dma_wait3A_135 = arith.constant 0 : i32
      %dma_wait3A_136 = tpu.memref_slice %arg4[%dma_wait3A_135] : memref<322704xi32, #tpu.memory_space<hbm>> -> memref<72xi32, #tpu.memory_space<hbm>>
      %dma_wait3A_137 = arith.constant 0 : i32
      %dma_wait3A_138 = tpu.memref_slice %arg4[%dma_wait3A_137] : memref<322704xi32, #tpu.memory_space<hbm>> -> memref<72xi32, #tpu.memory_space<hbm>>
      tpu.wait_dma2 semaphore(%arg23 : memref<!tpu.dma_semaphore, #tpu.memory_space<semaphore_mem>>) src(%dma_wait3A_138 : memref<72xi32, #tpu.memory_space<hbm>>) dst(%arg13 : memref<72xi32, #tpu.memory_space<vmem>>)
      %dma_start3A_139 = arith.constant 0 : i32
      %dma_start3A_140 = arith.constant 0 : i32
      %dma_start3A_141 = tpu.memref_slice %arg2[%dma_start3A_139, %dma_start3A_140] : memref<10000x128xf32, #tpu.memory_space<hbm>> -> memref<10000x128xf32, #tpu.memory_space<hbm>>
      tpu.enqueue_indirect_dma source(%dma_start3A_141 : memref<10000x128xf32, #tpu.memory_space<hbm>>) target(%arg17 : memref<72x128xf32, #tpu.memory_space<vmem>>) offsets(%arg9 : memref<72xi32, #tpu.memory_space<vmem>>) semaphore(%arg19 : memref<!tpu.dma_semaphore, #tpu.memory_space<semaphore_mem>>)
      %dma_wait3A_142 = arith.constant 0 : i32
      %dma_wait3A_143 = arith.constant 0 : i32
      %dma_wait3A_144 = tpu.memref_slice %arg2[%dma_wait3A_142, %dma_wait3A_143] : memref<10000x128xf32, #tpu.memory_space<hbm>> -> memref<10000x128xf32, #tpu.memory_space<hbm>>
      tpu.wait_indirect_dma semaphore(%arg19 : memref<!tpu.dma_semaphore, #tpu.memory_space<semaphore_mem>>) src(%dma_wait3A_144 : memref<10000x128xf32, #tpu.memory_space<hbm>>) dst(%arg17 : memref<72x128xf32, #tpu.memory_space<vmem>>)
      %dma_start3A_145 = arith.constant 0 : i32
      %dma_start3A_146 = arith.constant 0 : i32
      %dma_start3A_147 = tpu.memref_slice %arg7[%dma_start3A_145, %dma_start3A_146] : memref<10112x128xf32, #tpu.memory_space<vmem_shared>> -> memref<10112x128xf32, #tpu.memory_space<vmem_shared>>
      tpu.enqueue_indirect_dma source(%arg17 : memref<72x128xf32, #tpu.memory_space<vmem>>) target(%dma_start3A_147 : memref<10112x128xf32, #tpu.memory_space<vmem_shared>>) offsets(%arg13 : memref<72xi32, #tpu.memory_space<vmem>>) semaphore(%arg21 : memref<!tpu.dma_semaphore, #tpu.memory_space<semaphore_mem>>) {add = true}
      %mul3A_148 = arith.constant 4 : i32
      %mul3A_149 = arith.muli %mul3A_148, %while3A_98 : i32
      %add3A_150 = arith.constant 2 : i32
      %add3A_151 = arith.addi %mul3A_149, %add3A_150 : i32
      %dma_wait3A_152 = arith.constant 0 : i32
      %dma_wait3A_153 = arith.constant 0 : i32
      %dma_wait3A_154 = tpu.memref_slice %arg7[%dma_wait3A_152, %dma_wait3A_153] : memref<10112x128xf32, #tpu.memory_space<vmem_shared>> -> memref<10112x128xf32, #tpu.memory_space<vmem_shared>>
      tpu.wait_indirect_dma semaphore(%arg20 : memref<!tpu.dma_semaphore, #tpu.memory_space<semaphore_mem>>) src(%arg16 : memref<72x128xf32, #tpu.memory_space<vmem>>) dst(%dma_wait3A_154 : memref<10112x128xf32, #tpu.memory_space<vmem_shared>>)
      %add3A_155 = arith.constant 2 : i32
      %add3A_156 = arith.addi %add3A_151, %add3A_155 : i32
      %mul3A_157 = arith.constant 72 : i32
      %mul3A_158 = arith.muli %add3A_156, %mul3A_157 : i32
      %add3A_159 = arith.addi %select_n3A, %mul3A_158 : i32
      %dma_start3A_160 = tpu.memref_slice %arg3[%add3A_159] : memref<322704xi32, #tpu.memory_space<hbm>> -> memref<72xi32, #tpu.memory_space<hbm>>
      %dma_start3A_161 = tpu.memref_slice %arg3[%add3A_159] : memref<322704xi32, #tpu.memory_space<hbm>> -> memref<72xi32, #tpu.memory_space<hbm>>
      tpu.enqueue_dma source(%dma_start3A_161 : memref<72xi32, #tpu.memory_space<hbm>>) target(%arg8 : memref<72xi32, #tpu.memory_space<vmem>>) target_semaphore(%arg22 : memref<!tpu.dma_semaphore, #tpu.memory_space<semaphore_mem>>)
      %dma_start3A_162 = tpu.memref_slice %arg4[%add3A_159] : memref<322704xi32, #tpu.memory_space<hbm>> -> memref<72xi32, #tpu.memory_space<hbm>>
      %dma_start3A_163 = tpu.memref_slice %arg4[%add3A_159] : memref<322704xi32, #tpu.memory_space<hbm>> -> memref<72xi32, #tpu.memory_space<hbm>>
      tpu.enqueue_dma source(%dma_start3A_163 : memref<72xi32, #tpu.memory_space<hbm>>) target(%arg12 : memref<72xi32, #tpu.memory_space<vmem>>) target_semaphore(%arg22 : memref<!tpu.dma_semaphore, #tpu.memory_space<semaphore_mem>>)
      %dma_wait3A_164 = arith.constant 0 : i32
      %dma_wait3A_165 = tpu.memref_slice %arg3[%dma_wait3A_164] : memref<322704xi32, #tpu.memory_space<hbm>> -> memref<72xi32, #tpu.memory_space<hbm>>
      %dma_wait3A_166 = arith.constant 0 : i32
      %dma_wait3A_167 = tpu.memref_slice %arg3[%dma_wait3A_166] : memref<322704xi32, #tpu.memory_space<hbm>> -> memref<72xi32, #tpu.memory_space<hbm>>
      tpu.wait_dma2 semaphore(%arg24 : memref<!tpu.dma_semaphore, #tpu.memory_space<semaphore_mem>>) src(%dma_wait3A_167 : memref<72xi32, #tpu.memory_space<hbm>>) dst(%arg10 : memref<72xi32, #tpu.memory_space<vmem>>)
      %dma_wait3A_168 = arith.constant 0 : i32
      %dma_wait3A_169 = tpu.memref_slice %arg4[%dma_wait3A_168] : memref<322704xi32, #tpu.memory_space<hbm>> -> memref<72xi32, #tpu.memory_space<hbm>>
      %dma_wait3A_170 = arith.constant 0 : i32
      %dma_wait3A_171 = tpu.memref_slice %arg4[%dma_wait3A_170] : memref<322704xi32, #tpu.memory_space<hbm>> -> memref<72xi32, #tpu.memory_space<hbm>>
      tpu.wait_dma2 semaphore(%arg24 : memref<!tpu.dma_semaphore, #tpu.memory_space<semaphore_mem>>) src(%dma_wait3A_171 : memref<72xi32, #tpu.memory_space<hbm>>) dst(%arg14 : memref<72xi32, #tpu.memory_space<vmem>>)
      %dma_start3A_172 = arith.constant 0 : i32
      %dma_start3A_173 = arith.constant 0 : i32
      %dma_start3A_174 = tpu.memref_slice %arg2[%dma_start3A_172, %dma_start3A_173] : memref<10000x128xf32, #tpu.memory_space<hbm>> -> memref<10000x128xf32, #tpu.memory_space<hbm>>
      tpu.enqueue_indirect_dma source(%dma_start3A_174 : memref<10000x128xf32, #tpu.memory_space<hbm>>) target(%arg16 : memref<72x128xf32, #tpu.memory_space<vmem>>) offsets(%arg10 : memref<72xi32, #tpu.memory_space<vmem>>) semaphore(%arg19 : memref<!tpu.dma_semaphore, #tpu.memory_space<semaphore_mem>>)
      %dma_wait3A_175 = arith.constant 0 : i32
      %dma_wait3A_176 = arith.constant 0 : i32
      %dma_wait3A_177 = tpu.memref_slice %arg2[%dma_wait3A_175, %dma_wait3A_176] : memref<10000x128xf32, #tpu.memory_space<hbm>> -> memref<10000x128xf32, #tpu.memory_space<hbm>>
      tpu.wait_indirect_dma semaphore(%arg19 : memref<!tpu.dma_semaphore, #tpu.memory_space<semaphore_mem>>) src(%dma_wait3A_177 : memref<10000x128xf32, #tpu.memory_space<hbm>>) dst(%arg16 : memref<72x128xf32, #tpu.memory_space<vmem>>)
      %dma_start3A_178 = arith.constant 0 : i32
      %dma_start3A_179 = arith.constant 0 : i32
      %dma_start3A_180 = tpu.memref_slice %arg7[%dma_start3A_178, %dma_start3A_179] : memref<10112x128xf32, #tpu.memory_space<vmem_shared>> -> memref<10112x128xf32, #tpu.memory_space<vmem_shared>>
      tpu.enqueue_indirect_dma source(%arg16 : memref<72x128xf32, #tpu.memory_space<vmem>>) target(%dma_start3A_180 : memref<10112x128xf32, #tpu.memory_space<vmem_shared>>) offsets(%arg14 : memref<72xi32, #tpu.memory_space<vmem>>) semaphore(%arg20 : memref<!tpu.dma_semaphore, #tpu.memory_space<semaphore_mem>>) {add = true}
      %mul3A_181 = arith.constant 4 : i32
      %mul3A_182 = arith.muli %mul3A_181, %while3A_98 : i32
      %add3A_183 = arith.constant 3 : i32
      %add3A_184 = arith.addi %mul3A_182, %add3A_183 : i32
      %dma_wait3A_185 = arith.constant 0 : i32
      %dma_wait3A_186 = arith.constant 0 : i32
      %dma_wait3A_187 = tpu.memref_slice %arg7[%dma_wait3A_185, %dma_wait3A_186] : memref<10112x128xf32, #tpu.memory_space<vmem_shared>> -> memref<10112x128xf32, #tpu.memory_space<vmem_shared>>
      tpu.wait_indirect_dma semaphore(%arg21 : memref<!tpu.dma_semaphore, #tpu.memory_space<semaphore_mem>>) src(%arg17 : memref<72x128xf32, #tpu.memory_space<vmem>>) dst(%dma_wait3A_187 : memref<10112x128xf32, #tpu.memory_space<vmem_shared>>)
      %add3A_188 = arith.constant 2 : i32
      %add3A_189 = arith.addi %add3A_184, %add3A_188 : i32
      %mul3A_190 = arith.constant 72 : i32
      %mul3A_191 = arith.muli %add3A_189, %mul3A_190 : i32
      %add3A_192 = arith.addi %select_n3A, %mul3A_191 : i32
      %dma_start3A_193 = tpu.memref_slice %arg3[%add3A_192] : memref<322704xi32, #tpu.memory_space<hbm>> -> memref<72xi32, #tpu.memory_space<hbm>>
      %dma_start3A_194 = tpu.memref_slice %arg3[%add3A_192] : memref<322704xi32, #tpu.memory_space<hbm>> -> memref<72xi32, #tpu.memory_space<hbm>>
      tpu.enqueue_dma source(%dma_start3A_194 : memref<72xi32, #tpu.memory_space<hbm>>) target(%arg9 : memref<72xi32, #tpu.memory_space<vmem>>) target_semaphore(%arg23 : memref<!tpu.dma_semaphore, #tpu.memory_space<semaphore_mem>>)
      %dma_start3A_195 = tpu.memref_slice %arg4[%add3A_192] : memref<322704xi32, #tpu.memory_space<hbm>> -> memref<72xi32, #tpu.memory_space<hbm>>
      %dma_start3A_196 = tpu.memref_slice %arg4[%add3A_192] : memref<322704xi32, #tpu.memory_space<hbm>> -> memref<72xi32, #tpu.memory_space<hbm>>
      tpu.enqueue_dma source(%dma_start3A_196 : memref<72xi32, #tpu.memory_space<hbm>>) target(%arg13 : memref<72xi32, #tpu.memory_space<vmem>>) target_semaphore(%arg23 : memref<!tpu.dma_semaphore, #tpu.memory_space<semaphore_mem>>)
      %dma_wait3A_197 = arith.constant 0 : i32
      %dma_wait3A_198 = tpu.memref_slice %arg3[%dma_wait3A_197] : memref<322704xi32, #tpu.memory_space<hbm>> -> memref<72xi32, #tpu.memory_space<hbm>>
      %dma_wait3A_199 = arith.constant 0 : i32
      %dma_wait3A_200 = tpu.memref_slice %arg3[%dma_wait3A_199] : memref<322704xi32, #tpu.memory_space<hbm>> -> memref<72xi32, #tpu.memory_space<hbm>>
      tpu.wait_dma2 semaphore(%arg25 : memref<!tpu.dma_semaphore, #tpu.memory_space<semaphore_mem>>) src(%dma_wait3A_200 : memref<72xi32, #tpu.memory_space<hbm>>) dst(%arg11 : memref<72xi32, #tpu.memory_space<vmem>>)
      %dma_wait3A_201 = arith.constant 0 : i32
      %dma_wait3A_202 = tpu.memref_slice %arg4[%dma_wait3A_201] : memref<322704xi32, #tpu.memory_space<hbm>> -> memref<72xi32, #tpu.memory_space<hbm>>
      %dma_wait3A_203 = arith.constant 0 : i32
      %dma_wait3A_204 = tpu.memref_slice %arg4[%dma_wait3A_203] : memref<322704xi32, #tpu.memory_space<hbm>> -> memref<72xi32, #tpu.memory_space<hbm>>
      tpu.wait_dma2 semaphore(%arg25 : memref<!tpu.dma_semaphore, #tpu.memory_space<semaphore_mem>>) src(%dma_wait3A_204 : memref<72xi32, #tpu.memory_space<hbm>>) dst(%arg15 : memref<72xi32, #tpu.memory_space<vmem>>)
      %dma_start3A_205 = arith.constant 0 : i32
      %dma_start3A_206 = arith.constant 0 : i32
      %dma_start3A_207 = tpu.memref_slice %arg2[%dma_start3A_205, %dma_start3A_206] : memref<10000x128xf32, #tpu.memory_space<hbm>> -> memref<10000x128xf32, #tpu.memory_space<hbm>>
      tpu.enqueue_indirect_dma source(%dma_start3A_207 : memref<10000x128xf32, #tpu.memory_space<hbm>>) target(%arg17 : memref<72x128xf32, #tpu.memory_space<vmem>>) offsets(%arg11 : memref<72xi32, #tpu.memory_space<vmem>>) semaphore(%arg19 : memref<!tpu.dma_semaphore, #tpu.memory_space<semaphore_mem>>)
      %dma_wait3A_208 = arith.constant 0 : i32
      %dma_wait3A_209 = arith.constant 0 : i32
      %dma_wait3A_210 = tpu.memref_slice %arg2[%dma_wait3A_208, %dma_wait3A_209] : memref<10000x128xf32, #tpu.memory_space<hbm>> -> memref<10000x128xf32, #tpu.memory_space<hbm>>
      tpu.wait_indirect_dma semaphore(%arg19 : memref<!tpu.dma_semaphore, #tpu.memory_space<semaphore_mem>>) src(%dma_wait3A_210 : memref<10000x128xf32, #tpu.memory_space<hbm>>) dst(%arg17 : memref<72x128xf32, #tpu.memory_space<vmem>>)
      %dma_start3A_211 = arith.constant 0 : i32
      %dma_start3A_212 = arith.constant 0 : i32
      %dma_start3A_213 = tpu.memref_slice %arg7[%dma_start3A_211, %dma_start3A_212] : memref<10112x128xf32, #tpu.memory_space<vmem_shared>> -> memref<10112x128xf32, #tpu.memory_space<vmem_shared>>
      tpu.enqueue_indirect_dma source(%arg17 : memref<72x128xf32, #tpu.memory_space<vmem>>) target(%dma_start3A_213 : memref<10112x128xf32, #tpu.memory_space<vmem_shared>>) offsets(%arg15 : memref<72xi32, #tpu.memory_space<vmem>>) semaphore(%arg21 : memref<!tpu.dma_semaphore, #tpu.memory_space<semaphore_mem>>) {add = true}
    }
    %dma_wait3A = arith.constant 0 : i32
    %dma_wait3A_56 = arith.constant 0 : i32
    %dma_wait3A_57 = tpu.memref_slice %arg7[%dma_wait3A, %dma_wait3A_56] : memref<10112x128xf32, #tpu.memory_space<vmem_shared>> -> memref<10112x128xf32, #tpu.memory_space<vmem_shared>>
    tpu.wait_indirect_dma semaphore(%arg20 : memref<!tpu.dma_semaphore, #tpu.memory_space<semaphore_mem>>) src(%arg16 : memref<72x128xf32, #tpu.memory_space<vmem>>) dst(%dma_wait3A_57 : memref<10112x128xf32, #tpu.memory_space<vmem_shared>>)
    %dma_wait3A_58 = arith.constant 0 : i32
    %dma_wait3A_59 = arith.constant 0 : i32
    %dma_wait3A_60 = tpu.memref_slice %arg7[%dma_wait3A_58, %dma_wait3A_59] : memref<10112x128xf32, #tpu.memory_space<vmem_shared>> -> memref<10112x128xf32, #tpu.memory_space<vmem_shared>>
    tpu.wait_indirect_dma semaphore(%arg21 : memref<!tpu.dma_semaphore, #tpu.memory_space<semaphore_mem>>) src(%arg17 : memref<72x128xf32, #tpu.memory_space<vmem>>) dst(%dma_wait3A_60 : memref<10112x128xf32, #tpu.memory_space<vmem_shared>>)
    %dma_wait3A_61 = arith.constant 0 : i32
    %dma_wait3A_62 = tpu.memref_slice %arg3[%dma_wait3A_61] : memref<322704xi32, #tpu.memory_space<hbm>> -> memref<72xi32, #tpu.memory_space<hbm>>
    %dma_wait3A_63 = arith.constant 0 : i32
    %dma_wait3A_64 = tpu.memref_slice %arg3[%dma_wait3A_63] : memref<322704xi32, #tpu.memory_space<hbm>> -> memref<72xi32, #tpu.memory_space<hbm>>
    tpu.wait_dma2 semaphore(%arg22 : memref<!tpu.dma_semaphore, #tpu.memory_space<semaphore_mem>>) src(%dma_wait3A_64 : memref<72xi32, #tpu.memory_space<hbm>>) dst(%arg8 : memref<72xi32, #tpu.memory_space<vmem>>)
    %dma_wait3A_65 = arith.constant 0 : i32
    %dma_wait3A_66 = tpu.memref_slice %arg4[%dma_wait3A_65] : memref<322704xi32, #tpu.memory_space<hbm>> -> memref<72xi32, #tpu.memory_space<hbm>>
    %dma_wait3A_67 = arith.constant 0 : i32
    %dma_wait3A_68 = tpu.memref_slice %arg4[%dma_wait3A_67] : memref<322704xi32, #tpu.memory_space<hbm>> -> memref<72xi32, #tpu.memory_space<hbm>>
    tpu.wait_dma2 semaphore(%arg22 : memref<!tpu.dma_semaphore, #tpu.memory_space<semaphore_mem>>) src(%dma_wait3A_68 : memref<72xi32, #tpu.memory_space<hbm>>) dst(%arg12 : memref<72xi32, #tpu.memory_space<vmem>>)
    %dma_wait3A_69 = arith.constant 0 : i32
    %dma_wait3A_70 = tpu.memref_slice %arg3[%dma_wait3A_69] : memref<322704xi32, #tpu.memory_space<hbm>> -> memref<72xi32, #tpu.memory_space<hbm>>
    %dma_wait3A_71 = arith.constant 0 : i32
    %dma_wait3A_72 = tpu.memref_slice %arg3[%dma_wait3A_71] : memref<322704xi32, #tpu.memory_space<hbm>> -> memref<72xi32, #tpu.memory_space<hbm>>
    tpu.wait_dma2 semaphore(%arg23 : memref<!tpu.dma_semaphore, #tpu.memory_space<semaphore_mem>>) src(%dma_wait3A_72 : memref<72xi32, #tpu.memory_space<hbm>>) dst(%arg9 : memref<72xi32, #tpu.memory_space<vmem>>)
    %dma_wait3A_73 = arith.constant 0 : i32
    %dma_wait3A_74 = tpu.memref_slice %arg4[%dma_wait3A_73] : memref<322704xi32, #tpu.memory_space<hbm>> -> memref<72xi32, #tpu.memory_space<hbm>>
    %dma_wait3A_75 = arith.constant 0 : i32
    %dma_wait3A_76 = tpu.memref_slice %arg4[%dma_wait3A_75] : memref<322704xi32, #tpu.memory_space<hbm>> -> memref<72xi32, #tpu.memory_space<hbm>>
    tpu.wait_dma2 semaphore(%arg23 : memref<!tpu.dma_semaphore, #tpu.memory_space<semaphore_mem>>) src(%dma_wait3A_76 : memref<72xi32, #tpu.memory_space<hbm>>) dst(%arg13 : memref<72xi32, #tpu.memory_space<vmem>>)
    %barrier3A_77 = arith.constant 0 : index
    tpu.barrier barrier_id(%barrier3A_77)
    %add3A_78 = arith.constant 0 : i32
    %add3A_79 = arith.addi %mul3A_2, %add3A_78 : i32
    "tpu.region"() ({
      %run_scoped3A = tpu.sem_alloc : memref<!tpu.dma_semaphore, #tpu.memory_space<semaphore_mem>>
      %dma_start3A_98 = arith.constant 0 : i32
      %dma_start3A_99 = arith.constant 0 : i32
      %dma_start3A_100 = tpu.memref_slice %arg18[%dma_start3A_98, %dma_start3A_99] : memref<128x128xf32, #tpu.memory_space<vmem>> -> memref<128x128xf32, #tpu.memory_space<vmem>>
      %dma_start3A_101 = arith.constant 0 : i32
      %dma_start3A_102 = tpu.memref_slice %arg7[%add3A_79, %dma_start3A_101] : memref<10112x128xf32, #tpu.memory_space<vmem_shared>> -> memref<128x128xf32, #tpu.memory_space<vmem_shared>>
      %dma_start3A_103 = arith.constant 0 : i32
      %dma_start3A_104 = arith.constant 0 : i32
      %dma_start3A_105 = tpu.memref_slice %arg18[%dma_start3A_103, %dma_start3A_104] : memref<128x128xf32, #tpu.memory_space<vmem>> -> memref<128x128xf32, #tpu.memory_space<vmem>>
      %dma_start3A_106 = arith.constant 0 : i32
      %dma_start3A_107 = tpu.memref_slice %arg7[%add3A_79, %dma_start3A_106] : memref<10112x128xf32, #tpu.memory_space<vmem_shared>> -> memref<128x128xf32, #tpu.memory_space<vmem_shared>>
      tpu.enqueue_dma source(%dma_start3A_107 : memref<128x128xf32, #tpu.memory_space<vmem_shared>>) target(%dma_start3A_105 : memref<128x128xf32, #tpu.memory_space<vmem>>) target_semaphore(%run_scoped3A : memref<!tpu.dma_semaphore, #tpu.memory_space<semaphore_mem>>)
      %dma_wait3A_108 = arith.constant 0 : i32
      %dma_wait3A_109 = arith.constant 0 : i32
      %dma_wait3A_110 = tpu.memref_slice %arg18[%dma_wait3A_108, %dma_wait3A_109] : memref<128x128xf32, #tpu.memory_space<vmem>> -> memref<128x128xf32, #tpu.memory_space<vmem>>
      %dma_wait3A_111 = arith.constant 0 : i32
      %dma_wait3A_112 = tpu.memref_slice %arg7[%add3A_79, %dma_wait3A_111] : memref<10112x128xf32, #tpu.memory_space<vmem_shared>> -> memref<128x128xf32, #tpu.memory_space<vmem_shared>>
      %dma_wait3A_113 = arith.constant 0 : i32
      %dma_wait3A_114 = arith.constant 0 : i32
      %dma_wait3A_115 = tpu.memref_slice %arg18[%dma_wait3A_113, %dma_wait3A_114] : memref<128x128xf32, #tpu.memory_space<vmem>> -> memref<128x128xf32, #tpu.memory_space<vmem>>
      %dma_wait3A_116 = arith.constant 0 : i32
      %dma_wait3A_117 = tpu.memref_slice %arg7[%add3A_79, %dma_wait3A_116] : memref<10112x128xf32, #tpu.memory_space<vmem_shared>> -> memref<128x128xf32, #tpu.memory_space<vmem_shared>>
      tpu.wait_dma2 semaphore(%run_scoped3A : memref<!tpu.dma_semaphore, #tpu.memory_space<semaphore_mem>>) src(%dma_wait3A_117 : memref<128x128xf32, #tpu.memory_space<vmem_shared>>) dst(%dma_wait3A_115 : memref<128x128xf32, #tpu.memory_space<vmem>>)
      tpu.yield
    }) : () -> ()
    %add3A_80 = arith.constant 0 : i32
    %add3A_81 = arith.addi %mul3A_2, %add3A_80 : i32
    "tpu.region"() ({
      %run_scoped3A = tpu.sem_alloc : memref<!tpu.dma_semaphore, #tpu.memory_space<semaphore_mem>>
      %dma_start3A_98 = arith.constant 0 : i32
      %dma_start3A_99 = arith.constant 0 : i32
      %dma_start3A_100 = tpu.memref_slice %arg18[%dma_start3A_98, %dma_start3A_99] : memref<128x128xf32, #tpu.memory_space<vmem>> -> memref<128x128xf32, #tpu.memory_space<vmem>>
      %dma_start3A_101 = arith.constant 0 : i32
      %dma_start3A_102 = tpu.memref_slice %arg6[%arg0, %add3A_81, %dma_start3A_101] : memref<2x10112x128xf32, #tpu.memory_space<hbm>> -> memref<1x128x128xf32, #tpu.memory_space<hbm>>
      %dma_start3A_103 = tpu.memref_squeeze %dma_start3A_102 : memref<1x128x128xf32, #tpu.memory_space<hbm>> -> memref<128x128xf32, #tpu.memory_space<hbm>>
      %dma_start3A_104 = arith.constant 0 : i32
      %dma_start3A_105 = tpu.memref_slice %arg6[%arg0, %add3A_81, %dma_start3A_104] : memref<2x10112x128xf32, #tpu.memory_space<hbm>> -> memref<1x128x128xf32, #tpu.memory_space<hbm>>
      %dma_start3A_106 = tpu.memref_squeeze %dma_start3A_105 : memref<1x128x128xf32, #tpu.memory_space<hbm>> -> memref<128x128xf32, #tpu.memory_space<hbm>>
      %dma_start3A_107 = arith.constant 0 : i32
      %dma_start3A_108 = arith.constant 0 : i32
      %dma_start3A_109 = tpu.memref_slice %arg18[%dma_start3A_107, %dma_start3A_108] : memref<128x128xf32, #tpu.memory_space<vmem>> -> memref<128x128xf32, #tpu.memory_space<vmem>>
      tpu.enqueue_dma source(%dma_start3A_109 : memref<128x128xf32, #tpu.memory_space<vmem>>) target(%dma_start3A_106 : memref<128x128xf32, #tpu.memory_space<hbm>>) target_semaphore(%run_scoped3A : memref<!tpu.dma_semaphore, #tpu.memory_space<semaphore_mem>>)
      %dma_wait3A_110 = arith.constant 0 : i32
      %dma_wait3A_111 = arith.constant 0 : i32
      %dma_wait3A_112 = tpu.memref_slice %arg18[%dma_wait3A_110, %dma_wait3A_111] : memref<128x128xf32, #tpu.memory_space<vmem>> -> memref<128x128xf32, #tpu.memory_space<vmem>>
      %dma_wait3A_113 = arith.constant 0 : i32
      %dma_wait3A_114 = tpu.memref_slice %arg6[%arg0, %add3A_81, %dma_wait3A_113] : memref<2x10112x128xf32, #tpu.memory_space<hbm>> -> memref<1x128x128xf32, #tpu.memory_space<hbm>>
      %dma_wait3A_115 = tpu.memref_squeeze %dma_wait3A_114 : memref<1x128x128xf32, #tpu.memory_space<hbm>> -> memref<128x128xf32, #tpu.memory_space<hbm>>
      %dma_wait3A_116 = arith.constant 0 : i32
      %dma_wait3A_117 = tpu.memref_slice %arg6[%arg0, %add3A_81, %dma_wait3A_116] : memref<2x10112x128xf32, #tpu.memory_space<hbm>> -> memref<1x128x128xf32, #tpu.memory_space<hbm>>
      %dma_wait3A_118 = tpu.memref_squeeze %dma_wait3A_117 : memref<1x128x128xf32, #tpu.memory_space<hbm>> -> memref<128x128xf32, #tpu.memory_space<hbm>>
      %dma_wait3A_119 = arith.constant 0 : i32
      %dma_wait3A_120 = arith.constant 0 : i32
      %dma_wait3A_121 = tpu.memref_slice %arg18[%dma_wait3A_119, %dma_wait3A_120] : memref<128x128xf32, #tpu.memory_space<vmem>> -> memref<128x128xf32, #tpu.memory_space<vmem>>
      tpu.wait_dma2 semaphore(%run_scoped3A : memref<!tpu.dma_semaphore, #tpu.memory_space<semaphore_mem>>) src(%dma_wait3A_121 : memref<128x128xf32, #tpu.memory_space<vmem>>) dst(%dma_wait3A_118 : memref<128x128xf32, #tpu.memory_space<hbm>>)
      tpu.yield
    }) : () -> ()
    %add3A_82 = arith.constant 128 : i32
    %add3A_83 = arith.addi %mul3A_2, %add3A_82 : i32
    "tpu.region"() ({
      %run_scoped3A = tpu.sem_alloc : memref<!tpu.dma_semaphore, #tpu.memory_space<semaphore_mem>>
      %dma_start3A_98 = arith.constant 0 : i32
      %dma_start3A_99 = arith.constant 0 : i32
      %dma_start3A_100 = tpu.memref_slice %arg18[%dma_start3A_98, %dma_start3A_99] : memref<128x128xf32, #tpu.memory_space<vmem>> -> memref<128x128xf32, #tpu.memory_space<vmem>>
      %dma_start3A_101 = arith.constant 0 : i32
      %dma_start3A_102 = tpu.memref_slice %arg7[%add3A_83, %dma_start3A_101] : memref<10112x128xf32, #tpu.memory_space<vmem_shared>> -> memref<128x128xf32, #tpu.memory_space<vmem_shared>>
      %dma_start3A_103 = arith.constant 0 : i32
      %dma_start3A_104 = arith.constant 0 : i32
      %dma_start3A_105 = tpu.memref_slice %arg18[%dma_start3A_103, %dma_start3A_104] : memref<128x128xf32, #tpu.memory_space<vmem>> -> memref<128x128xf32, #tpu.memory_space<vmem>>
      %dma_start3A_106 = arith.constant 0 : i32
      %dma_start3A_107 = tpu.memref_slice %arg7[%add3A_83, %dma_start3A_106] : memref<10112x128xf32, #tpu.memory_space<vmem_shared>> -> memref<128x128xf32, #tpu.memory_space<vmem_shared>>
      tpu.enqueue_dma source(%dma_start3A_107 : memref<128x128xf32, #tpu.memory_space<vmem_shared>>) target(%dma_start3A_105 : memref<128x128xf32, #tpu.memory_space<vmem>>) target_semaphore(%run_scoped3A : memref<!tpu.dma_semaphore, #tpu.memory_space<semaphore_mem>>)
      %dma_wait3A_108 = arith.constant 0 : i32
      %dma_wait3A_109 = arith.constant 0 : i32
      %dma_wait3A_110 = tpu.memref_slice %arg18[%dma_wait3A_108, %dma_wait3A_109] : memref<128x128xf32, #tpu.memory_space<vmem>> -> memref<128x128xf32, #tpu.memory_space<vmem>>
      %dma_wait3A_111 = arith.constant 0 : i32
      %dma_wait3A_112 = tpu.memref_slice %arg7[%add3A_83, %dma_wait3A_111] : memref<10112x128xf32, #tpu.memory_space<vmem_shared>> -> memref<128x128xf32, #tpu.memory_space<vmem_shared>>
      %dma_wait3A_113 = arith.constant 0 : i32
      %dma_wait3A_114 = arith.constant 0 : i32
      %dma_wait3A_115 = tpu.memref_slice %arg18[%dma_wait3A_113, %dma_wait3A_114] : memref<128x128xf32, #tpu.memory_space<vmem>> -> memref<128x128xf32, #tpu.memory_space<vmem>>
      %dma_wait3A_116 = arith.constant 0 : i32
      %dma_wait3A_117 = tpu.memref_slice %arg7[%add3A_83, %dma_wait3A_116] : memref<10112x128xf32, #tpu.memory_space<vmem_shared>> -> memref<128x128xf32, #tpu.memory_space<vmem_shared>>
      tpu.wait_dma2 semaphore(%run_scoped3A : memref<!tpu.dma_semaphore, #tpu.memory_space<semaphore_mem>>) src(%dma_wait3A_117 : memref<128x128xf32, #tpu.memory_space<vmem_shared>>) dst(%dma_wait3A_115 : memref<128x128xf32, #tpu.memory_space<vmem>>)
      tpu.yield
    }) : () -> ()
    %add3A_84 = arith.constant 128 : i32
    %add3A_85 = arith.addi %mul3A_2, %add3A_84 : i32
    "tpu.region"() ({
      %run_scoped3A = tpu.sem_alloc : memref<!tpu.dma_semaphore, #tpu.memory_space<semaphore_mem>>
      %dma_start3A_98 = arith.constant 0 : i32
      %dma_start3A_99 = arith.constant 0 : i32
      %dma_start3A_100 = tpu.memref_slice %arg18[%dma_start3A_98, %dma_start3A_99] : memref<128x128xf32, #tpu.memory_space<vmem>> -> memref<128x128xf32, #tpu.memory_space<vmem>>
      %dma_start3A_101 = arith.constant 0 : i32
      %dma_start3A_102 = tpu.memref_slice %arg6[%arg0, %add3A_85, %dma_start3A_101] : memref<2x10112x128xf32, #tpu.memory_space<hbm>> -> memref<1x128x128xf32, #tpu.memory_space<hbm>>
      %dma_start3A_103 = tpu.memref_squeeze %dma_start3A_102 : memref<1x128x128xf32, #tpu.memory_space<hbm>> -> memref<128x128xf32, #tpu.memory_space<hbm>>
      %dma_start3A_104 = arith.constant 0 : i32
      %dma_start3A_105 = tpu.memref_slice %arg6[%arg0, %add3A_85, %dma_start3A_104] : memref<2x10112x128xf32, #tpu.memory_space<hbm>> -> memref<1x128x128xf32, #tpu.memory_space<hbm>>
      %dma_start3A_106 = tpu.memref_squeeze %dma_start3A_105 : memref<1x128x128xf32, #tpu.memory_space<hbm>> -> memref<128x128xf32, #tpu.memory_space<hbm>>
      %dma_start3A_107 = arith.constant 0 : i32
      %dma_start3A_108 = arith.constant 0 : i32
      %dma_start3A_109 = tpu.memref_slice %arg18[%dma_start3A_107, %dma_start3A_108] : memref<128x128xf32, #tpu.memory_space<vmem>> -> memref<128x128xf32, #tpu.memory_space<vmem>>
      tpu.enqueue_dma source(%dma_start3A_109 : memref<128x128xf32, #tpu.memory_space<vmem>>) target(%dma_start3A_106 : memref<128x128xf32, #tpu.memory_space<hbm>>) target_semaphore(%run_scoped3A : memref<!tpu.dma_semaphore, #tpu.memory_space<semaphore_mem>>)
      %dma_wait3A_110 = arith.constant 0 : i32
      %dma_wait3A_111 = arith.constant 0 : i32
      %dma_wait3A_112 = tpu.memref_slice %arg18[%dma_wait3A_110, %dma_wait3A_111] : memref<128x128xf32, #tpu.memory_space<vmem>> -> memref<128x128xf32, #tpu.memory_space<vmem>>
      %dma_wait3A_113 = arith.constant 0 : i32
      %dma_wait3A_114 = tpu.memref_slice %arg6[%arg0, %add3A_85, %dma_wait3A_113] : memref<2x10112x128xf32, #tpu.memory_space<hbm>> -> memref<1x128x128xf32, #tpu.memory_space<hbm>>
      %dma_wait3A_115 = tpu.memref_squeeze %dma_wait3A_114 : memref<1x128x128xf32, #tpu.memory_space<hbm>> -> memref<128x128xf32, #tpu.memory_space<hbm>>
      %dma_wait3A_116 = arith.constant 0 : i32
      %dma_wait3A_117 = tpu.memref_slice %arg6[%arg0, %add3A_85, %dma_wait3A_116] : memref<2x10112x128xf32, #tpu.memory_space<hbm>> -> memref<1x128x128xf32, #tpu.memory_space<hbm>>
      %dma_wait3A_118 = tpu.memref_squeeze %dma_wait3A_117 : memref<1x128x128xf32, #tpu.memory_space<hbm>> -> memref<128x128xf32, #tpu.memory_space<hbm>>
      %dma_wait3A_119 = arith.constant 0 : i32
      %dma_wait3A_120 = arith.constant 0 : i32
      %dma_wait3A_121 = tpu.memref_slice %arg18[%dma_wait3A_119, %dma_wait3A_120] : memref<128x128xf32, #tpu.memory_space<vmem>> -> memref<128x128xf32, #tpu.memory_space<vmem>>
      tpu.wait_dma2 semaphore(%run_scoped3A : memref<!tpu.dma_semaphore, #tpu.memory_space<semaphore_mem>>) src(%dma_wait3A_121 : memref<128x128xf32, #tpu.memory_space<vmem>>) dst(%dma_wait3A_118 : memref<128x128xf32, #tpu.memory_space<hbm>>)
      tpu.yield
    }) : () -> ()
    %add3A_86 = arith.constant 256 : i32
    %add3A_87 = arith.addi %mul3A_2, %add3A_86 : i32
    "tpu.region"() ({
      %run_scoped3A = tpu.sem_alloc : memref<!tpu.dma_semaphore, #tpu.memory_space<semaphore_mem>>
      %dma_start3A_98 = arith.constant 0 : i32
      %dma_start3A_99 = arith.constant 0 : i32
      %dma_start3A_100 = tpu.memref_slice %arg18[%dma_start3A_98, %dma_start3A_99] : memref<128x128xf32, #tpu.memory_space<vmem>> -> memref<128x128xf32, #tpu.memory_space<vmem>>
      %dma_start3A_101 = arith.constant 0 : i32
      %dma_start3A_102 = tpu.memref_slice %arg7[%add3A_87, %dma_start3A_101] : memref<10112x128xf32, #tpu.memory_space<vmem_shared>> -> memref<128x128xf32, #tpu.memory_space<vmem_shared>>
      %dma_start3A_103 = arith.constant 0 : i32
      %dma_start3A_104 = arith.constant 0 : i32
      %dma_start3A_105 = tpu.memref_slice %arg18[%dma_start3A_103, %dma_start3A_104] : memref<128x128xf32, #tpu.memory_space<vmem>> -> memref<128x128xf32, #tpu.memory_space<vmem>>
      %dma_start3A_106 = arith.constant 0 : i32
      %dma_start3A_107 = tpu.memref_slice %arg7[%add3A_87, %dma_start3A_106] : memref<10112x128xf32, #tpu.memory_space<vmem_shared>> -> memref<128x128xf32, #tpu.memory_space<vmem_shared>>
      tpu.enqueue_dma source(%dma_start3A_107 : memref<128x128xf32, #tpu.memory_space<vmem_shared>>) target(%dma_start3A_105 : memref<128x128xf32, #tpu.memory_space<vmem>>) target_semaphore(%run_scoped3A : memref<!tpu.dma_semaphore, #tpu.memory_space<semaphore_mem>>)
      %dma_wait3A_108 = arith.constant 0 : i32
      %dma_wait3A_109 = arith.constant 0 : i32
      %dma_wait3A_110 = tpu.memref_slice %arg18[%dma_wait3A_108, %dma_wait3A_109] : memref<128x128xf32, #tpu.memory_space<vmem>> -> memref<128x128xf32, #tpu.memory_space<vmem>>
      %dma_wait3A_111 = arith.constant 0 : i32
      %dma_wait3A_112 = tpu.memref_slice %arg7[%add3A_87, %dma_wait3A_111] : memref<10112x128xf32, #tpu.memory_space<vmem_shared>> -> memref<128x128xf32, #tpu.memory_space<vmem_shared>>
      %dma_wait3A_113 = arith.constant 0 : i32
      %dma_wait3A_114 = arith.constant 0 : i32
      %dma_wait3A_115 = tpu.memref_slice %arg18[%dma_wait3A_113, %dma_wait3A_114] : memref<128x128xf32, #tpu.memory_space<vmem>> -> memref<128x128xf32, #tpu.memory_space<vmem>>
      %dma_wait3A_116 = arith.constant 0 : i32
      %dma_wait3A_117 = tpu.memref_slice %arg7[%add3A_87, %dma_wait3A_116] : memref<10112x128xf32, #tpu.memory_space<vmem_shared>> -> memref<128x128xf32, #tpu.memory_space<vmem_shared>>
      tpu.wait_dma2 semaphore(%run_scoped3A : memref<!tpu.dma_semaphore, #tpu.memory_space<semaphore_mem>>) src(%dma_wait3A_117 : memref<128x128xf32, #tpu.memory_space<vmem_shared>>) dst(%dma_wait3A_115 : memref<128x128xf32, #tpu.memory_space<vmem>>)
      tpu.yield
    }) : () -> ()
    %add3A_88 = arith.constant 256 : i32
    %add3A_89 = arith.addi %mul3A_2, %add3A_88 : i32
    "tpu.region"() ({
      %run_scoped3A = tpu.sem_alloc : memref<!tpu.dma_semaphore, #tpu.memory_space<semaphore_mem>>
      %dma_start3A_98 = arith.constant 0 : i32
      %dma_start3A_99 = arith.constant 0 : i32
      %dma_start3A_100 = tpu.memref_slice %arg18[%dma_start3A_98, %dma_start3A_99] : memref<128x128xf32, #tpu.memory_space<vmem>> -> memref<128x128xf32, #tpu.memory_space<vmem>>
      %dma_start3A_101 = arith.constant 0 : i32
      %dma_start3A_102 = tpu.memref_slice %arg6[%arg0, %add3A_89, %dma_start3A_101] : memref<2x10112x128xf32, #tpu.memory_space<hbm>> -> memref<1x128x128xf32, #tpu.memory_space<hbm>>
      %dma_start3A_103 = tpu.memref_squeeze %dma_start3A_102 : memref<1x128x128xf32, #tpu.memory_space<hbm>> -> memref<128x128xf32, #tpu.memory_space<hbm>>
      %dma_start3A_104 = arith.constant 0 : i32
      %dma_start3A_105 = tpu.memref_slice %arg6[%arg0, %add3A_89, %dma_start3A_104] : memref<2x10112x128xf32, #tpu.memory_space<hbm>> -> memref<1x128x128xf32, #tpu.memory_space<hbm>>
      %dma_start3A_106 = tpu.memref_squeeze %dma_start3A_105 : memref<1x128x128xf32, #tpu.memory_space<hbm>> -> memref<128x128xf32, #tpu.memory_space<hbm>>
      %dma_start3A_107 = arith.constant 0 : i32
      %dma_start3A_108 = arith.constant 0 : i32
      %dma_start3A_109 = tpu.memref_slice %arg18[%dma_start3A_107, %dma_start3A_108] : memref<128x128xf32, #tpu.memory_space<vmem>> -> memref<128x128xf32, #tpu.memory_space<vmem>>
      tpu.enqueue_dma source(%dma_start3A_109 : memref<128x128xf32, #tpu.memory_space<vmem>>) target(%dma_start3A_106 : memref<128x128xf32, #tpu.memory_space<hbm>>) target_semaphore(%run_scoped3A : memref<!tpu.dma_semaphore, #tpu.memory_space<semaphore_mem>>)
      %dma_wait3A_110 = arith.constant 0 : i32
      %dma_wait3A_111 = arith.constant 0 : i32
      %dma_wait3A_112 = tpu.memref_slice %arg18[%dma_wait3A_110, %dma_wait3A_111] : memref<128x128xf32, #tpu.memory_space<vmem>> -> memref<128x128xf32, #tpu.memory_space<vmem>>
      %dma_wait3A_113 = arith.constant 0 : i32
      %dma_wait3A_114 = tpu.memref_slice %arg6[%arg0, %add3A_89, %dma_wait3A_113] : memref<2x10112x128xf32, #tpu.memory_space<hbm>> -> memref<1x128x128xf32, #tpu.memory_space<hbm>>
      %dma_wait3A_115 = tpu.memref_squeeze %dma_wait3A_114 : memref<1x128x128xf32, #tpu.memory_space<hbm>> -> memref<128x128xf32, #tpu.memory_space<hbm>>
      %dma_wait3A_116 = arith.constant 0 : i32
      %dma_wait3A_117 = tpu.memref_slice %arg6[%arg0, %add3A_89, %dma_wait3A_116] : memref<2x10112x128xf32, #tpu.memory_space<hbm>> -> memref<1x128x128xf32, #tpu.memory_space<hbm>>
      %dma_wait3A_118 = tpu.memref_squeeze %dma_wait3A_117 : memref<1x128x128xf32, #tpu.memory_space<hbm>> -> memref<128x128xf32, #tpu.memory_space<hbm>>
      %dma_wait3A_119 = arith.constant 0 : i32
      %dma_wait3A_120 = arith.constant 0 : i32
      %dma_wait3A_121 = tpu.memref_slice %arg18[%dma_wait3A_119, %dma_wait3A_120] : memref<128x128xf32, #tpu.memory_space<vmem>> -> memref<128x128xf32, #tpu.memory_space<vmem>>
      tpu.wait_dma2 semaphore(%run_scoped3A : memref<!tpu.dma_semaphore, #tpu.memory_space<semaphore_mem>>) src(%dma_wait3A_121 : memref<128x128xf32, #tpu.memory_space<vmem>>) dst(%dma_wait3A_118 : memref<128x128xf32, #tpu.memory_space<hbm>>)
      tpu.yield
    }) : () -> ()
    %add3A_90 = arith.constant 384 : i32
    %add3A_91 = arith.addi %mul3A_2, %add3A_90 : i32
    "tpu.region"() ({
      %run_scoped3A = tpu.sem_alloc : memref<!tpu.dma_semaphore, #tpu.memory_space<semaphore_mem>>
      %dma_start3A_98 = arith.constant 0 : i32
      %dma_start3A_99 = arith.constant 0 : i32
      %dma_start3A_100 = tpu.memref_slice %arg18[%dma_start3A_98, %dma_start3A_99] : memref<128x128xf32, #tpu.memory_space<vmem>> -> memref<128x128xf32, #tpu.memory_space<vmem>>
      %dma_start3A_101 = arith.constant 0 : i32
      %dma_start3A_102 = tpu.memref_slice %arg7[%add3A_91, %dma_start3A_101] : memref<10112x128xf32, #tpu.memory_space<vmem_shared>> -> memref<128x128xf32, #tpu.memory_space<vmem_shared>>
      %dma_start3A_103 = arith.constant 0 : i32
      %dma_start3A_104 = arith.constant 0 : i32
      %dma_start3A_105 = tpu.memref_slice %arg18[%dma_start3A_103, %dma_start3A_104] : memref<128x128xf32, #tpu.memory_space<vmem>> -> memref<128x128xf32, #tpu.memory_space<vmem>>
      %dma_start3A_106 = arith.constant 0 : i32
      %dma_start3A_107 = tpu.memref_slice %arg7[%add3A_91, %dma_start3A_106] : memref<10112x128xf32, #tpu.memory_space<vmem_shared>> -> memref<128x128xf32, #tpu.memory_space<vmem_shared>>
      tpu.enqueue_dma source(%dma_start3A_107 : memref<128x128xf32, #tpu.memory_space<vmem_shared>>) target(%dma_start3A_105 : memref<128x128xf32, #tpu.memory_space<vmem>>) target_semaphore(%run_scoped3A : memref<!tpu.dma_semaphore, #tpu.memory_space<semaphore_mem>>)
      %dma_wait3A_108 = arith.constant 0 : i32
      %dma_wait3A_109 = arith.constant 0 : i32
      %dma_wait3A_110 = tpu.memref_slice %arg18[%dma_wait3A_108, %dma_wait3A_109] : memref<128x128xf32, #tpu.memory_space<vmem>> -> memref<128x128xf32, #tpu.memory_space<vmem>>
      %dma_wait3A_111 = arith.constant 0 : i32
      %dma_wait3A_112 = tpu.memref_slice %arg7[%add3A_91, %dma_wait3A_111] : memref<10112x128xf32, #tpu.memory_space<vmem_shared>> -> memref<128x128xf32, #tpu.memory_space<vmem_shared>>
      %dma_wait3A_113 = arith.constant 0 : i32
      %dma_wait3A_114 = arith.constant 0 : i32
      %dma_wait3A_115 = tpu.memref_slice %arg18[%dma_wait3A_113, %dma_wait3A_114] : memref<128x128xf32, #tpu.memory_space<vmem>> -> memref<128x128xf32, #tpu.memory_space<vmem>>
      %dma_wait3A_116 = arith.constant 0 : i32
      %dma_wait3A_117 = tpu.memref_slice %arg7[%add3A_91, %dma_wait3A_116] : memref<10112x128xf32, #tpu.memory_space<vmem_shared>> -> memref<128x128xf32, #tpu.memory_space<vmem_shared>>
      tpu.wait_dma2 semaphore(%run_scoped3A : memref<!tpu.dma_semaphore, #tpu.memory_space<semaphore_mem>>) src(%dma_wait3A_117 : memref<128x128xf32, #tpu.memory_space<vmem_shared>>) dst(%dma_wait3A_115 : memref<128x128xf32, #tpu.memory_space<vmem>>)
      tpu.yield
    }) : () -> ()
    %add3A_92 = arith.constant 384 : i32
    %add3A_93 = arith.addi %mul3A_2, %add3A_92 : i32
    "tpu.region"() ({
      %run_scoped3A = tpu.sem_alloc : memref<!tpu.dma_semaphore, #tpu.memory_space<semaphore_mem>>
      %dma_start3A_98 = arith.constant 0 : i32
      %dma_start3A_99 = arith.constant 0 : i32
      %dma_start3A_100 = tpu.memref_slice %arg18[%dma_start3A_98, %dma_start3A_99] : memref<128x128xf32, #tpu.memory_space<vmem>> -> memref<128x128xf32, #tpu.memory_space<vmem>>
      %dma_start3A_101 = arith.constant 0 : i32
      %dma_start3A_102 = tpu.memref_slice %arg6[%arg0, %add3A_93, %dma_start3A_101] : memref<2x10112x128xf32, #tpu.memory_space<hbm>> -> memref<1x128x128xf32, #tpu.memory_space<hbm>>
      %dma_start3A_103 = tpu.memref_squeeze %dma_start3A_102 : memref<1x128x128xf32, #tpu.memory_space<hbm>> -> memref<128x128xf32, #tpu.memory_space<hbm>>
      %dma_start3A_104 = arith.constant 0 : i32
      %dma_start3A_105 = tpu.memref_slice %arg6[%arg0, %add3A_93, %dma_start3A_104] : memref<2x10112x128xf32, #tpu.memory_space<hbm>> -> memref<1x128x128xf32, #tpu.memory_space<hbm>>
      %dma_start3A_106 = tpu.memref_squeeze %dma_start3A_105 : memref<1x128x128xf32, #tpu.memory_space<hbm>> -> memref<128x128xf32, #tpu.memory_space<hbm>>
      %dma_start3A_107 = arith.constant 0 : i32
      %dma_start3A_108 = arith.constant 0 : i32
      %dma_start3A_109 = tpu.memref_slice %arg18[%dma_start3A_107, %dma_start3A_108] : memref<128x128xf32, #tpu.memory_space<vmem>> -> memref<128x128xf32, #tpu.memory_space<vmem>>
      tpu.enqueue_dma source(%dma_start3A_109 : memref<128x128xf32, #tpu.memory_space<vmem>>) target(%dma_start3A_106 : memref<128x128xf32, #tpu.memory_space<hbm>>) target_semaphore(%run_scoped3A : memref<!tpu.dma_semaphore, #tpu.memory_space<semaphore_mem>>)
      %dma_wait3A_110 = arith.constant 0 : i32
      %dma_wait3A_111 = arith.constant 0 : i32
      %dma_wait3A_112 = tpu.memref_slice %arg18[%dma_wait3A_110, %dma_wait3A_111] : memref<128x128xf32, #tpu.memory_space<vmem>> -> memref<128x128xf32, #tpu.memory_space<vmem>>
      %dma_wait3A_113 = arith.constant 0 : i32
      %dma_wait3A_114 = tpu.memref_slice %arg6[%arg0, %add3A_93, %dma_wait3A_113] : memref<2x10112x128xf32, #tpu.memory_space<hbm>> -> memref<1x128x128xf32, #tpu.memory_space<hbm>>
      %dma_wait3A_115 = tpu.memref_squeeze %dma_wait3A_114 : memref<1x128x128xf32, #tpu.memory_space<hbm>> -> memref<128x128xf32, #tpu.memory_space<hbm>>
      %dma_wait3A_116 = arith.constant 0 : i32
      %dma_wait3A_117 = tpu.memref_slice %arg6[%arg0, %add3A_93, %dma_wait3A_116] : memref<2x10112x128xf32, #tpu.memory_space<hbm>> -> memref<1x128x128xf32, #tpu.memory_space<hbm>>
      %dma_wait3A_118 = tpu.memref_squeeze %dma_wait3A_117 : memref<1x128x128xf32, #tpu.memory_space<hbm>> -> memref<128x128xf32, #tpu.memory_space<hbm>>
      %dma_wait3A_119 = arith.constant 0 : i32
      %dma_wait3A_120 = arith.constant 0 : i32
      %dma_wait3A_121 = tpu.memref_slice %arg18[%dma_wait3A_119, %dma_wait3A_120] : memref<128x128xf32, #tpu.memory_space<vmem>> -> memref<128x128xf32, #tpu.memory_space<vmem>>
      tpu.wait_dma2 semaphore(%run_scoped3A : memref<!tpu.dma_semaphore, #tpu.memory_space<semaphore_mem>>) src(%dma_wait3A_121 : memref<128x128xf32, #tpu.memory_space<vmem>>) dst(%dma_wait3A_118 : memref<128x128xf32, #tpu.memory_space<hbm>>)
      tpu.yield
    }) : () -> ()
    %add3A_94 = arith.constant 512 : i32
    %add3A_95 = arith.addi %mul3A_2, %add3A_94 : i32
    "tpu.region"() ({
      %run_scoped3A = tpu.sem_alloc : memref<!tpu.dma_semaphore, #tpu.memory_space<semaphore_mem>>
      %dma_start3A_98 = arith.constant 0 : i32
      %dma_start3A_99 = arith.constant 0 : i32
      %dma_start3A_100 = tpu.memref_slice %arg18[%dma_start3A_98, %dma_start3A_99] : memref<128x128xf32, #tpu.memory_space<vmem>> -> memref<120x128xf32, #tpu.memory_space<vmem>>
      %dma_start3A_101 = arith.constant 0 : i32
      %dma_start3A_102 = tpu.memref_slice %arg7[%add3A_95, %dma_start3A_101] : memref<10112x128xf32, #tpu.memory_space<vmem_shared>> -> memref<120x128xf32, #tpu.memory_space<vmem_shared>>
      %dma_start3A_103 = arith.constant 0 : i32
      %dma_start3A_104 = arith.constant 0 : i32
      %dma_start3A_105 = tpu.memref_slice %arg18[%dma_start3A_103, %dma_start3A_104] : memref<128x128xf32, #tpu.memory_space<vmem>> -> memref<120x128xf32, #tpu.memory_space<vmem>>
      %dma_start3A_106 = arith.constant 0 : i32
      %dma_start3A_107 = tpu.memref_slice %arg7[%add3A_95, %dma_start3A_106] : memref<10112x128xf32, #tpu.memory_space<vmem_shared>> -> memref<120x128xf32, #tpu.memory_space<vmem_shared>>
      tpu.enqueue_dma source(%dma_start3A_107 : memref<120x128xf32, #tpu.memory_space<vmem_shared>>) target(%dma_start3A_105 : memref<120x128xf32, #tpu.memory_space<vmem>>) target_semaphore(%run_scoped3A : memref<!tpu.dma_semaphore, #tpu.memory_space<semaphore_mem>>)
      %dma_wait3A_108 = arith.constant 0 : i32
      %dma_wait3A_109 = arith.constant 0 : i32
      %dma_wait3A_110 = tpu.memref_slice %arg18[%dma_wait3A_108, %dma_wait3A_109] : memref<128x128xf32, #tpu.memory_space<vmem>> -> memref<120x128xf32, #tpu.memory_space<vmem>>
      %dma_wait3A_111 = arith.constant 0 : i32
      %dma_wait3A_112 = tpu.memref_slice %arg7[%add3A_95, %dma_wait3A_111] : memref<10112x128xf32, #tpu.memory_space<vmem_shared>> -> memref<120x128xf32, #tpu.memory_space<vmem_shared>>
      %dma_wait3A_113 = arith.constant 0 : i32
      %dma_wait3A_114 = arith.constant 0 : i32
      %dma_wait3A_115 = tpu.memref_slice %arg18[%dma_wait3A_113, %dma_wait3A_114] : memref<128x128xf32, #tpu.memory_space<vmem>> -> memref<120x128xf32, #tpu.memory_space<vmem>>
      %dma_wait3A_116 = arith.constant 0 : i32
      %dma_wait3A_117 = tpu.memref_slice %arg7[%add3A_95, %dma_wait3A_116] : memref<10112x128xf32, #tpu.memory_space<vmem_shared>> -> memref<120x128xf32, #tpu.memory_space<vmem_shared>>
      tpu.wait_dma2 semaphore(%run_scoped3A : memref<!tpu.dma_semaphore, #tpu.memory_space<semaphore_mem>>) src(%dma_wait3A_117 : memref<120x128xf32, #tpu.memory_space<vmem_shared>>) dst(%dma_wait3A_115 : memref<120x128xf32, #tpu.memory_space<vmem>>)
      tpu.yield
    }) : () -> ()
    %add3A_96 = arith.constant 512 : i32
    %add3A_97 = arith.addi %mul3A_2, %add3A_96 : i32
    "tpu.region"() ({
      %run_scoped3A = tpu.sem_alloc : memref<!tpu.dma_semaphore, #tpu.memory_space<semaphore_mem>>
      %dma_start3A_98 = arith.constant 0 : i32
      %dma_start3A_99 = arith.constant 0 : i32
      %dma_start3A_100 = tpu.memref_slice %arg18[%dma_start3A_98, %dma_start3A_99] : memref<128x128xf32, #tpu.memory_space<vmem>> -> memref<120x128xf32, #tpu.memory_space<vmem>>
      %dma_start3A_101 = arith.constant 0 : i32
      %dma_start3A_102 = tpu.memref_slice %arg6[%arg0, %add3A_97, %dma_start3A_101] : memref<2x10112x128xf32, #tpu.memory_space<hbm>> -> memref<1x120x128xf32, #tpu.memory_space<hbm>>
      %dma_start3A_103 = tpu.memref_squeeze %dma_start3A_102 : memref<1x120x128xf32, #tpu.memory_space<hbm>> -> memref<120x128xf32, #tpu.memory_space<hbm>>
      %dma_start3A_104 = arith.constant 0 : i32
      %dma_start3A_105 = tpu.memref_slice %arg6[%arg0, %add3A_97, %dma_start3A_104] : memref<2x10112x128xf32, #tpu.memory_space<hbm>> -> memref<1x120x128xf32, #tpu.memory_space<hbm>>
      %dma_start3A_106 = tpu.memref_squeeze %dma_start3A_105 : memref<1x120x128xf32, #tpu.memory_space<hbm>> -> memref<120x128xf32, #tpu.memory_space<hbm>>
      %dma_start3A_107 = arith.constant 0 : i32
      %dma_start3A_108 = arith.constant 0 : i32
      %dma_start3A_109 = tpu.memref_slice %arg18[%dma_start3A_107, %dma_start3A_108] : memref<128x128xf32, #tpu.memory_space<vmem>> -> memref<120x128xf32, #tpu.memory_space<vmem>>
      tpu.enqueue_dma source(%dma_start3A_109 : memref<120x128xf32, #tpu.memory_space<vmem>>) target(%dma_start3A_106 : memref<120x128xf32, #tpu.memory_space<hbm>>) target_semaphore(%run_scoped3A : memref<!tpu.dma_semaphore, #tpu.memory_space<semaphore_mem>>)
      %dma_wait3A_110 = arith.constant 0 : i32
      %dma_wait3A_111 = arith.constant 0 : i32
      %dma_wait3A_112 = tpu.memref_slice %arg18[%dma_wait3A_110, %dma_wait3A_111] : memref<128x128xf32, #tpu.memory_space<vmem>> -> memref<120x128xf32, #tpu.memory_space<vmem>>
      %dma_wait3A_113 = arith.constant 0 : i32
      %dma_wait3A_114 = tpu.memref_slice %arg6[%arg0, %add3A_97, %dma_wait3A_113] : memref<2x10112x128xf32, #tpu.memory_space<hbm>> -> memref<1x120x128xf32, #tpu.memory_space<hbm>>
      %dma_wait3A_115 = tpu.memref_squeeze %dma_wait3A_114 : memref<1x120x128xf32, #tpu.memory_space<hbm>> -> memref<120x128xf32, #tpu.memory_space<hbm>>
      %dma_wait3A_116 = arith.constant 0 : i32
      %dma_wait3A_117 = tpu.memref_slice %arg6[%arg0, %add3A_97, %dma_wait3A_116] : memref<2x10112x128xf32, #tpu.memory_space<hbm>> -> memref<1x120x128xf32, #tpu.memory_space<hbm>>
      %dma_wait3A_118 = tpu.memref_squeeze %dma_wait3A_117 : memref<1x120x128xf32, #tpu.memory_space<hbm>> -> memref<120x128xf32, #tpu.memory_space<hbm>>
      %dma_wait3A_119 = arith.constant 0 : i32
      %dma_wait3A_120 = arith.constant 0 : i32
      %dma_wait3A_121 = tpu.memref_slice %arg18[%dma_wait3A_119, %dma_wait3A_120] : memref<128x128xf32, #tpu.memory_space<vmem>> -> memref<120x128xf32, #tpu.memory_space<vmem>>
      tpu.wait_dma2 semaphore(%run_scoped3A : memref<!tpu.dma_semaphore, #tpu.memory_space<semaphore_mem>>) src(%dma_wait3A_121 : memref<120x128xf32, #tpu.memory_space<vmem>>) dst(%dma_wait3A_118 : memref<120x128xf32, #tpu.memory_space<hbm>>)
      tpu.yield
    }) : () -> ()
    return
  }
}

#map = affine_map<(d0, d1) -> (0)>
#map1 = affine_map<(d0, d1) -> (0, 0)>
#map2 = affine_map<(d0, d1) -> (0, 0, 0)>
module attributes {stable_mosaic.version = 14 : i64} {
  func.func @body(%arg0: i32, %arg1: i32, %arg2: memref<322704xi32, #tpu.memory_space<hbm>>, %arg3: memref<10112x128xf32, #tpu.memory_space<hbm>>, %arg4: memref<72x128xf32, #tpu.memory_space<hbm>>, %arg5: memref<2x10112x128xf32, #tpu.memory_space<hbm>>, %arg6: memref<10112x128xf32, #tpu.memory_space<vmem_shared>>, %arg7: memref<72xi32, #tpu.memory_space<vmem>>, %arg8: memref<72xi32, #tpu.memory_space<vmem>>, %arg9: memref<72xi32, #tpu.memory_space<vmem>>, %arg10: memref<72xi32, #tpu.memory_space<vmem>>, %arg11: memref<72x128xf32, #tpu.memory_space<vmem>>, %arg12: memref<128x128xf32, #tpu.memory_space<vmem>>, %arg13: memref<!tpu.dma_semaphore, #tpu.memory_space<semaphore_mem>>, %arg14: memref<!tpu.dma_semaphore, #tpu.memory_space<semaphore_mem>>, %arg15: memref<!tpu.dma_semaphore, #tpu.memory_space<semaphore_mem>>, %arg16: memref<!tpu.dma_semaphore, #tpu.memory_space<semaphore_mem>>, %arg17: memref<!tpu.dma_semaphore, #tpu.memory_space<semaphore_mem>>, %arg18: memref<!tpu.dma_semaphore, #tpu.memory_space<semaphore_mem>>) attributes {dimension_semantics = [#tpu.dimension_semantics<core_parallel>, #tpu.dimension_semantics<subcore_parallel>], iteration_bounds = array<i64: 2, 16>, scalar_prefetch = 0 : i64, scratch_operands = 13 : i64, tpu.core_type = #tpu.core_type<sc_vector_subcore>, window_params = [{transform_indices = #map}, {transform_indices = #map1}, {transform_indices = #map1}, {transform_indices = #map2}]} {
    %mul3A = arith.constant 16 : i32
    %mul3A_0 = arith.muli %arg0, %mul3A : i32
    %add3A = arith.addi %mul3A_0, %arg1 : i32
    %mul3A_1 = arith.constant 632 : i32
    %mul3A_2 = arith.muli %arg1, %mul3A_1 : i32
    "tpu.region"() ({
      %run_scoped3A = tpu.sem_alloc : memref<!tpu.dma_semaphore, #tpu.memory_space<semaphore_mem>>
      %dma_start3A_69 = arith.constant 0 : i32
      %dma_start3A_70 = arith.constant 0 : i32
      %dma_start3A_71 = tpu.memref_slice %arg3[%dma_start3A_69, %dma_start3A_70] : memref<10112x128xf32, #tpu.memory_space<hbm>> -> memref<128x128xf32, #tpu.memory_space<hbm>>
      %dma_start3A_72 = arith.constant 0 : i32
      %dma_start3A_73 = arith.constant 0 : i32
      %dma_start3A_74 = tpu.memref_slice %arg3[%dma_start3A_72, %dma_start3A_73] : memref<10112x128xf32, #tpu.memory_space<hbm>> -> memref<128x128xf32, #tpu.memory_space<hbm>>
      tpu.enqueue_dma source(%dma_start3A_74 : memref<128x128xf32, #tpu.memory_space<hbm>>) target(%arg12 : memref<128x128xf32, #tpu.memory_space<vmem>>) target_semaphore(%run_scoped3A : memref<!tpu.dma_semaphore, #tpu.memory_space<semaphore_mem>>)
      %dma_wait3A_75 = arith.constant 0 : i32
      %dma_wait3A_76 = arith.constant 0 : i32
      %dma_wait3A_77 = tpu.memref_slice %arg3[%dma_wait3A_75, %dma_wait3A_76] : memref<10112x128xf32, #tpu.memory_space<hbm>> -> memref<128x128xf32, #tpu.memory_space<hbm>>
      %dma_wait3A_78 = arith.constant 0 : i32
      %dma_wait3A_79 = arith.constant 0 : i32
      %dma_wait3A_80 = tpu.memref_slice %arg3[%dma_wait3A_78, %dma_wait3A_79] : memref<10112x128xf32, #tpu.memory_space<hbm>> -> memref<128x128xf32, #tpu.memory_space<hbm>>
      tpu.wait_dma2 semaphore(%run_scoped3A : memref<!tpu.dma_semaphore, #tpu.memory_space<semaphore_mem>>) src(%dma_wait3A_80 : memref<128x128xf32, #tpu.memory_space<hbm>>) dst(%arg12 : memref<128x128xf32, #tpu.memory_space<vmem>>)
      tpu.yield
    }) : () -> ()
    %add3A_3 = arith.constant 0 : i32
    %add3A_4 = arith.addi %mul3A_2, %add3A_3 : i32
    "tpu.region"() ({
      %run_scoped3A = tpu.sem_alloc : memref<!tpu.dma_semaphore, #tpu.memory_space<semaphore_mem>>
      %dma_start3A_69 = arith.constant 0 : i32
      %dma_start3A_70 = arith.constant 0 : i32
      %dma_start3A_71 = tpu.memref_slice %arg12[%dma_start3A_69, %dma_start3A_70] : memref<128x128xf32, #tpu.memory_space<vmem>> -> memref<128x128xf32, #tpu.memory_space<vmem>>
      %dma_start3A_72 = arith.constant 0 : i32
      %dma_start3A_73 = tpu.memref_slice %arg6[%add3A_4, %dma_start3A_72] : memref<10112x128xf32, #tpu.memory_space<vmem_shared>> -> memref<128x128xf32, #tpu.memory_space<vmem_shared>>
      %dma_start3A_74 = arith.constant 0 : i32
      %dma_start3A_75 = tpu.memref_slice %arg6[%add3A_4, %dma_start3A_74] : memref<10112x128xf32, #tpu.memory_space<vmem_shared>> -> memref<128x128xf32, #tpu.memory_space<vmem_shared>>
      %dma_start3A_76 = arith.constant 0 : i32
      %dma_start3A_77 = arith.constant 0 : i32
      %dma_start3A_78 = tpu.memref_slice %arg12[%dma_start3A_76, %dma_start3A_77] : memref<128x128xf32, #tpu.memory_space<vmem>> -> memref<128x128xf32, #tpu.memory_space<vmem>>
      tpu.enqueue_dma source(%dma_start3A_78 : memref<128x128xf32, #tpu.memory_space<vmem>>) target(%dma_start3A_75 : memref<128x128xf32, #tpu.memory_space<vmem_shared>>) target_semaphore(%run_scoped3A : memref<!tpu.dma_semaphore, #tpu.memory_space<semaphore_mem>>)
      %dma_wait3A_79 = arith.constant 0 : i32
      %dma_wait3A_80 = arith.constant 0 : i32
      %dma_wait3A_81 = tpu.memref_slice %arg12[%dma_wait3A_79, %dma_wait3A_80] : memref<128x128xf32, #tpu.memory_space<vmem>> -> memref<128x128xf32, #tpu.memory_space<vmem>>
      %dma_wait3A_82 = arith.constant 0 : i32
      %dma_wait3A_83 = tpu.memref_slice %arg6[%add3A_4, %dma_wait3A_82] : memref<10112x128xf32, #tpu.memory_space<vmem_shared>> -> memref<128x128xf32, #tpu.memory_space<vmem_shared>>
      %dma_wait3A_84 = arith.constant 0 : i32
      %dma_wait3A_85 = tpu.memref_slice %arg6[%add3A_4, %dma_wait3A_84] : memref<10112x128xf32, #tpu.memory_space<vmem_shared>> -> memref<128x128xf32, #tpu.memory_space<vmem_shared>>
      %dma_wait3A_86 = arith.constant 0 : i32
      %dma_wait3A_87 = arith.constant 0 : i32
      %dma_wait3A_88 = tpu.memref_slice %arg12[%dma_wait3A_86, %dma_wait3A_87] : memref<128x128xf32, #tpu.memory_space<vmem>> -> memref<128x128xf32, #tpu.memory_space<vmem>>
      tpu.wait_dma2 semaphore(%run_scoped3A : memref<!tpu.dma_semaphore, #tpu.memory_space<semaphore_mem>>) src(%dma_wait3A_88 : memref<128x128xf32, #tpu.memory_space<vmem>>) dst(%dma_wait3A_85 : memref<128x128xf32, #tpu.memory_space<vmem_shared>>)
      tpu.yield
    }) : () -> ()
    %add3A_5 = arith.constant 128 : i32
    %add3A_6 = arith.addi %mul3A_2, %add3A_5 : i32
    "tpu.region"() ({
      %run_scoped3A = tpu.sem_alloc : memref<!tpu.dma_semaphore, #tpu.memory_space<semaphore_mem>>
      %dma_start3A_69 = arith.constant 0 : i32
      %dma_start3A_70 = arith.constant 0 : i32
      %dma_start3A_71 = tpu.memref_slice %arg12[%dma_start3A_69, %dma_start3A_70] : memref<128x128xf32, #tpu.memory_space<vmem>> -> memref<128x128xf32, #tpu.memory_space<vmem>>
      %dma_start3A_72 = arith.constant 0 : i32
      %dma_start3A_73 = tpu.memref_slice %arg6[%add3A_6, %dma_start3A_72] : memref<10112x128xf32, #tpu.memory_space<vmem_shared>> -> memref<128x128xf32, #tpu.memory_space<vmem_shared>>
      %dma_start3A_74 = arith.constant 0 : i32
      %dma_start3A_75 = tpu.memref_slice %arg6[%add3A_6, %dma_start3A_74] : memref<10112x128xf32, #tpu.memory_space<vmem_shared>> -> memref<128x128xf32, #tpu.memory_space<vmem_shared>>
      %dma_start3A_76 = arith.constant 0 : i32
      %dma_start3A_77 = arith.constant 0 : i32
      %dma_start3A_78 = tpu.memref_slice %arg12[%dma_start3A_76, %dma_start3A_77] : memref<128x128xf32, #tpu.memory_space<vmem>> -> memref<128x128xf32, #tpu.memory_space<vmem>>
      tpu.enqueue_dma source(%dma_start3A_78 : memref<128x128xf32, #tpu.memory_space<vmem>>) target(%dma_start3A_75 : memref<128x128xf32, #tpu.memory_space<vmem_shared>>) target_semaphore(%run_scoped3A : memref<!tpu.dma_semaphore, #tpu.memory_space<semaphore_mem>>)
      %dma_wait3A_79 = arith.constant 0 : i32
      %dma_wait3A_80 = arith.constant 0 : i32
      %dma_wait3A_81 = tpu.memref_slice %arg12[%dma_wait3A_79, %dma_wait3A_80] : memref<128x128xf32, #tpu.memory_space<vmem>> -> memref<128x128xf32, #tpu.memory_space<vmem>>
      %dma_wait3A_82 = arith.constant 0 : i32
      %dma_wait3A_83 = tpu.memref_slice %arg6[%add3A_6, %dma_wait3A_82] : memref<10112x128xf32, #tpu.memory_space<vmem_shared>> -> memref<128x128xf32, #tpu.memory_space<vmem_shared>>
      %dma_wait3A_84 = arith.constant 0 : i32
      %dma_wait3A_85 = tpu.memref_slice %arg6[%add3A_6, %dma_wait3A_84] : memref<10112x128xf32, #tpu.memory_space<vmem_shared>> -> memref<128x128xf32, #tpu.memory_space<vmem_shared>>
      %dma_wait3A_86 = arith.constant 0 : i32
      %dma_wait3A_87 = arith.constant 0 : i32
      %dma_wait3A_88 = tpu.memref_slice %arg12[%dma_wait3A_86, %dma_wait3A_87] : memref<128x128xf32, #tpu.memory_space<vmem>> -> memref<128x128xf32, #tpu.memory_space<vmem>>
      tpu.wait_dma2 semaphore(%run_scoped3A : memref<!tpu.dma_semaphore, #tpu.memory_space<semaphore_mem>>) src(%dma_wait3A_88 : memref<128x128xf32, #tpu.memory_space<vmem>>) dst(%dma_wait3A_85 : memref<128x128xf32, #tpu.memory_space<vmem_shared>>)
      tpu.yield
    }) : () -> ()
    %add3A_7 = arith.constant 256 : i32
    %add3A_8 = arith.addi %mul3A_2, %add3A_7 : i32
    "tpu.region"() ({
      %run_scoped3A = tpu.sem_alloc : memref<!tpu.dma_semaphore, #tpu.memory_space<semaphore_mem>>
      %dma_start3A_69 = arith.constant 0 : i32
      %dma_start3A_70 = arith.constant 0 : i32
      %dma_start3A_71 = tpu.memref_slice %arg12[%dma_start3A_69, %dma_start3A_70] : memref<128x128xf32, #tpu.memory_space<vmem>> -> memref<128x128xf32, #tpu.memory_space<vmem>>
      %dma_start3A_72 = arith.constant 0 : i32
      %dma_start3A_73 = tpu.memref_slice %arg6[%add3A_8, %dma_start3A_72] : memref<10112x128xf32, #tpu.memory_space<vmem_shared>> -> memref<128x128xf32, #tpu.memory_space<vmem_shared>>
      %dma_start3A_74 = arith.constant 0 : i32
      %dma_start3A_75 = tpu.memref_slice %arg6[%add3A_8, %dma_start3A_74] : memref<10112x128xf32, #tpu.memory_space<vmem_shared>> -> memref<128x128xf32, #tpu.memory_space<vmem_shared>>
      %dma_start3A_76 = arith.constant 0 : i32
      %dma_start3A_77 = arith.constant 0 : i32
      %dma_start3A_78 = tpu.memref_slice %arg12[%dma_start3A_76, %dma_start3A_77] : memref<128x128xf32, #tpu.memory_space<vmem>> -> memref<128x128xf32, #tpu.memory_space<vmem>>
      tpu.enqueue_dma source(%dma_start3A_78 : memref<128x128xf32, #tpu.memory_space<vmem>>) target(%dma_start3A_75 : memref<128x128xf32, #tpu.memory_space<vmem_shared>>) target_semaphore(%run_scoped3A : memref<!tpu.dma_semaphore, #tpu.memory_space<semaphore_mem>>)
      %dma_wait3A_79 = arith.constant 0 : i32
      %dma_wait3A_80 = arith.constant 0 : i32
      %dma_wait3A_81 = tpu.memref_slice %arg12[%dma_wait3A_79, %dma_wait3A_80] : memref<128x128xf32, #tpu.memory_space<vmem>> -> memref<128x128xf32, #tpu.memory_space<vmem>>
      %dma_wait3A_82 = arith.constant 0 : i32
      %dma_wait3A_83 = tpu.memref_slice %arg6[%add3A_8, %dma_wait3A_82] : memref<10112x128xf32, #tpu.memory_space<vmem_shared>> -> memref<128x128xf32, #tpu.memory_space<vmem_shared>>
      %dma_wait3A_84 = arith.constant 0 : i32
      %dma_wait3A_85 = tpu.memref_slice %arg6[%add3A_8, %dma_wait3A_84] : memref<10112x128xf32, #tpu.memory_space<vmem_shared>> -> memref<128x128xf32, #tpu.memory_space<vmem_shared>>
      %dma_wait3A_86 = arith.constant 0 : i32
      %dma_wait3A_87 = arith.constant 0 : i32
      %dma_wait3A_88 = tpu.memref_slice %arg12[%dma_wait3A_86, %dma_wait3A_87] : memref<128x128xf32, #tpu.memory_space<vmem>> -> memref<128x128xf32, #tpu.memory_space<vmem>>
      tpu.wait_dma2 semaphore(%run_scoped3A : memref<!tpu.dma_semaphore, #tpu.memory_space<semaphore_mem>>) src(%dma_wait3A_88 : memref<128x128xf32, #tpu.memory_space<vmem>>) dst(%dma_wait3A_85 : memref<128x128xf32, #tpu.memory_space<vmem_shared>>)
      tpu.yield
    }) : () -> ()
    %add3A_9 = arith.constant 384 : i32
    %add3A_10 = arith.addi %mul3A_2, %add3A_9 : i32
    "tpu.region"() ({
      %run_scoped3A = tpu.sem_alloc : memref<!tpu.dma_semaphore, #tpu.memory_space<semaphore_mem>>
      %dma_start3A_69 = arith.constant 0 : i32
      %dma_start3A_70 = arith.constant 0 : i32
      %dma_start3A_71 = tpu.memref_slice %arg12[%dma_start3A_69, %dma_start3A_70] : memref<128x128xf32, #tpu.memory_space<vmem>> -> memref<128x128xf32, #tpu.memory_space<vmem>>
      %dma_start3A_72 = arith.constant 0 : i32
      %dma_start3A_73 = tpu.memref_slice %arg6[%add3A_10, %dma_start3A_72] : memref<10112x128xf32, #tpu.memory_space<vmem_shared>> -> memref<128x128xf32, #tpu.memory_space<vmem_shared>>
      %dma_start3A_74 = arith.constant 0 : i32
      %dma_start3A_75 = tpu.memref_slice %arg6[%add3A_10, %dma_start3A_74] : memref<10112x128xf32, #tpu.memory_space<vmem_shared>> -> memref<128x128xf32, #tpu.memory_space<vmem_shared>>
      %dma_start3A_76 = arith.constant 0 : i32
      %dma_start3A_77 = arith.constant 0 : i32
      %dma_start3A_78 = tpu.memref_slice %arg12[%dma_start3A_76, %dma_start3A_77] : memref<128x128xf32, #tpu.memory_space<vmem>> -> memref<128x128xf32, #tpu.memory_space<vmem>>
      tpu.enqueue_dma source(%dma_start3A_78 : memref<128x128xf32, #tpu.memory_space<vmem>>) target(%dma_start3A_75 : memref<128x128xf32, #tpu.memory_space<vmem_shared>>) target_semaphore(%run_scoped3A : memref<!tpu.dma_semaphore, #tpu.memory_space<semaphore_mem>>)
      %dma_wait3A_79 = arith.constant 0 : i32
      %dma_wait3A_80 = arith.constant 0 : i32
      %dma_wait3A_81 = tpu.memref_slice %arg12[%dma_wait3A_79, %dma_wait3A_80] : memref<128x128xf32, #tpu.memory_space<vmem>> -> memref<128x128xf32, #tpu.memory_space<vmem>>
      %dma_wait3A_82 = arith.constant 0 : i32
      %dma_wait3A_83 = tpu.memref_slice %arg6[%add3A_10, %dma_wait3A_82] : memref<10112x128xf32, #tpu.memory_space<vmem_shared>> -> memref<128x128xf32, #tpu.memory_space<vmem_shared>>
      %dma_wait3A_84 = arith.constant 0 : i32
      %dma_wait3A_85 = tpu.memref_slice %arg6[%add3A_10, %dma_wait3A_84] : memref<10112x128xf32, #tpu.memory_space<vmem_shared>> -> memref<128x128xf32, #tpu.memory_space<vmem_shared>>
      %dma_wait3A_86 = arith.constant 0 : i32
      %dma_wait3A_87 = arith.constant 0 : i32
      %dma_wait3A_88 = tpu.memref_slice %arg12[%dma_wait3A_86, %dma_wait3A_87] : memref<128x128xf32, #tpu.memory_space<vmem>> -> memref<128x128xf32, #tpu.memory_space<vmem>>
      tpu.wait_dma2 semaphore(%run_scoped3A : memref<!tpu.dma_semaphore, #tpu.memory_space<semaphore_mem>>) src(%dma_wait3A_88 : memref<128x128xf32, #tpu.memory_space<vmem>>) dst(%dma_wait3A_85 : memref<128x128xf32, #tpu.memory_space<vmem_shared>>)
      tpu.yield
    }) : () -> ()
    %add3A_11 = arith.constant 512 : i32
    %add3A_12 = arith.addi %mul3A_2, %add3A_11 : i32
    "tpu.region"() ({
      %run_scoped3A = tpu.sem_alloc : memref<!tpu.dma_semaphore, #tpu.memory_space<semaphore_mem>>
      %dma_start3A_69 = arith.constant 0 : i32
      %dma_start3A_70 = arith.constant 0 : i32
      %dma_start3A_71 = tpu.memref_slice %arg12[%dma_start3A_69, %dma_start3A_70] : memref<128x128xf32, #tpu.memory_space<vmem>> -> memref<120x128xf32, #tpu.memory_space<vmem>>
      %dma_start3A_72 = arith.constant 0 : i32
      %dma_start3A_73 = tpu.memref_slice %arg6[%add3A_12, %dma_start3A_72] : memref<10112x128xf32, #tpu.memory_space<vmem_shared>> -> memref<120x128xf32, #tpu.memory_space<vmem_shared>>
      %dma_start3A_74 = arith.constant 0 : i32
      %dma_start3A_75 = tpu.memref_slice %arg6[%add3A_12, %dma_start3A_74] : memref<10112x128xf32, #tpu.memory_space<vmem_shared>> -> memref<120x128xf32, #tpu.memory_space<vmem_shared>>
      %dma_start3A_76 = arith.constant 0 : i32
      %dma_start3A_77 = arith.constant 0 : i32
      %dma_start3A_78 = tpu.memref_slice %arg12[%dma_start3A_76, %dma_start3A_77] : memref<128x128xf32, #tpu.memory_space<vmem>> -> memref<120x128xf32, #tpu.memory_space<vmem>>
      tpu.enqueue_dma source(%dma_start3A_78 : memref<120x128xf32, #tpu.memory_space<vmem>>) target(%dma_start3A_75 : memref<120x128xf32, #tpu.memory_space<vmem_shared>>) target_semaphore(%run_scoped3A : memref<!tpu.dma_semaphore, #tpu.memory_space<semaphore_mem>>)
      %dma_wait3A_79 = arith.constant 0 : i32
      %dma_wait3A_80 = arith.constant 0 : i32
      %dma_wait3A_81 = tpu.memref_slice %arg12[%dma_wait3A_79, %dma_wait3A_80] : memref<128x128xf32, #tpu.memory_space<vmem>> -> memref<120x128xf32, #tpu.memory_space<vmem>>
      %dma_wait3A_82 = arith.constant 0 : i32
      %dma_wait3A_83 = tpu.memref_slice %arg6[%add3A_12, %dma_wait3A_82] : memref<10112x128xf32, #tpu.memory_space<vmem_shared>> -> memref<120x128xf32, #tpu.memory_space<vmem_shared>>
      %dma_wait3A_84 = arith.constant 0 : i32
      %dma_wait3A_85 = tpu.memref_slice %arg6[%add3A_12, %dma_wait3A_84] : memref<10112x128xf32, #tpu.memory_space<vmem_shared>> -> memref<120x128xf32, #tpu.memory_space<vmem_shared>>
      %dma_wait3A_86 = arith.constant 0 : i32
      %dma_wait3A_87 = arith.constant 0 : i32
      %dma_wait3A_88 = tpu.memref_slice %arg12[%dma_wait3A_86, %dma_wait3A_87] : memref<128x128xf32, #tpu.memory_space<vmem>> -> memref<120x128xf32, #tpu.memory_space<vmem>>
      tpu.wait_dma2 semaphore(%run_scoped3A : memref<!tpu.dma_semaphore, #tpu.memory_space<semaphore_mem>>) src(%dma_wait3A_88 : memref<120x128xf32, #tpu.memory_space<vmem>>) dst(%dma_wait3A_85 : memref<120x128xf32, #tpu.memory_space<vmem_shared>>)
      tpu.yield
    }) : () -> ()
    "tpu.region"() ({
      %run_scoped3A = tpu.sem_alloc : memref<!tpu.dma_semaphore, #tpu.memory_space<semaphore_mem>>
      tpu.enqueue_dma source(%arg4 : memref<72x128xf32, #tpu.memory_space<hbm>>) target(%arg11 : memref<72x128xf32, #tpu.memory_space<vmem>>) target_semaphore(%run_scoped3A : memref<!tpu.dma_semaphore, #tpu.memory_space<semaphore_mem>>)
      tpu.wait_dma2 semaphore(%run_scoped3A : memref<!tpu.dma_semaphore, #tpu.memory_space<semaphore_mem>>) src(%arg4 : memref<72x128xf32, #tpu.memory_space<hbm>>) dst(%arg11 : memref<72x128xf32, #tpu.memory_space<vmem>>)
      tpu.yield
    }) : () -> ()
    %barrier3A = arith.constant 0 : index
    tpu.barrier barrier_id(%barrier3A)
    %mul3A_13 = arith.constant 10080 : i32
    %mul3A_14 = arith.muli %add3A, %mul3A_13 : i32
    %add3A_15 = arith.constant 0 : i32
    %add3A_16 = arith.addi %mul3A_14, %add3A_15 : i32
    %dma_start3A = tpu.memref_slice %arg2[%add3A_16] : memref<322704xi32, #tpu.memory_space<hbm>> -> memref<72xi32, #tpu.memory_space<hbm>>
    %dma_start3A_17 = tpu.memref_slice %arg2[%add3A_16] : memref<322704xi32, #tpu.memory_space<hbm>> -> memref<72xi32, #tpu.memory_space<hbm>>
    tpu.enqueue_dma source(%dma_start3A_17 : memref<72xi32, #tpu.memory_space<hbm>>) target(%arg7 : memref<72xi32, #tpu.memory_space<vmem>>) target_semaphore(%arg13 : memref<!tpu.dma_semaphore, #tpu.memory_space<semaphore_mem>>)
    %add3A_18 = arith.constant 72 : i32
    %add3A_19 = arith.addi %mul3A_14, %add3A_18 : i32
    %dma_start3A_20 = tpu.memref_slice %arg2[%add3A_19] : memref<322704xi32, #tpu.memory_space<hbm>> -> memref<72xi32, #tpu.memory_space<hbm>>
    %dma_start3A_21 = tpu.memref_slice %arg2[%add3A_19] : memref<322704xi32, #tpu.memory_space<hbm>> -> memref<72xi32, #tpu.memory_space<hbm>>
    tpu.enqueue_dma source(%dma_start3A_21 : memref<72xi32, #tpu.memory_space<hbm>>) target(%arg8 : memref<72xi32, #tpu.memory_space<vmem>>) target_semaphore(%arg14 : memref<!tpu.dma_semaphore, #tpu.memory_space<semaphore_mem>>)
    %add3A_22 = arith.constant 144 : i32
    %add3A_23 = arith.addi %mul3A_14, %add3A_22 : i32
    %dma_start3A_24 = tpu.memref_slice %arg2[%add3A_23] : memref<322704xi32, #tpu.memory_space<hbm>> -> memref<72xi32, #tpu.memory_space<hbm>>
    %dma_start3A_25 = tpu.memref_slice %arg2[%add3A_23] : memref<322704xi32, #tpu.memory_space<hbm>> -> memref<72xi32, #tpu.memory_space<hbm>>
    tpu.enqueue_dma source(%dma_start3A_25 : memref<72xi32, #tpu.memory_space<hbm>>) target(%arg9 : memref<72xi32, #tpu.memory_space<vmem>>) target_semaphore(%arg15 : memref<!tpu.dma_semaphore, #tpu.memory_space<semaphore_mem>>)
    %add3A_26 = arith.constant 216 : i32
    %add3A_27 = arith.addi %mul3A_14, %add3A_26 : i32
    %dma_start3A_28 = tpu.memref_slice %arg2[%add3A_27] : memref<322704xi32, #tpu.memory_space<hbm>> -> memref<72xi32, #tpu.memory_space<hbm>>
    %dma_start3A_29 = tpu.memref_slice %arg2[%add3A_27] : memref<322704xi32, #tpu.memory_space<hbm>> -> memref<72xi32, #tpu.memory_space<hbm>>
    tpu.enqueue_dma source(%dma_start3A_29 : memref<72xi32, #tpu.memory_space<hbm>>) target(%arg10 : memref<72xi32, #tpu.memory_space<vmem>>) target_semaphore(%arg16 : memref<!tpu.dma_semaphore, #tpu.memory_space<semaphore_mem>>)
    %scan3A = arith.constant 0 : i32
    %scan3A_30 = arith.constant 0 : i32
    %scan3A_31 = arith.constant 35 : i32
    %scan3A_32 = arith.addi %scan3A_30, %scan3A_31 : i32
    %scan3A_33 = arith.constant 1 : i32
    scf.for %scan3A_69 = %scan3A_30 to %scan3A_32 step %scan3A_33  : i32 {
      %mul3A_70 = arith.constant 4 : i32
      %mul3A_71 = arith.muli %mul3A_70, %scan3A_69 : i32
      %add3A_72 = arith.constant 0 : i32
      %add3A_73 = arith.addi %mul3A_71, %add3A_72 : i32
      %gt3A = arith.constant 0 : i32
      %gt3A_74 = arith.cmpi sgt, %scan3A_69, %gt3A : i32
      %convert_element_type3A = arith.extui %gt3A_74 : i1 to i32
      %cond3A = arith.constant 0 : i32
      %cond3A_75 = arith.cmpi ne, %convert_element_type3A, %cond3A : i32
      scf.if %cond3A_75 {
        %dma_wait3A_141 = arith.constant 0 : i32
        %dma_wait3A_142 = arith.constant 0 : i32
        %dma_wait3A_143 = tpu.memref_slice %arg6[%dma_wait3A_141, %dma_wait3A_142] : memref<10112x128xf32, #tpu.memory_space<vmem_shared>> -> memref<10112x128xf32, #tpu.memory_space<vmem_shared>>
        tpu.wait_indirect_dma semaphore(%arg17 : memref<!tpu.dma_semaphore, #tpu.memory_space<semaphore_mem>>) src(%arg11 : memref<72x128xf32, #tpu.memory_space<vmem>>) dst(%dma_wait3A_143 : memref<10112x128xf32, #tpu.memory_space<vmem_shared>>)
        %add3A_144 = arith.constant 2 : i32
        %add3A_145 = arith.addi %add3A_73, %add3A_144 : i32
        %mul3A_146 = arith.constant 72 : i32
        %mul3A_147 = arith.muli %add3A_145, %mul3A_146 : i32
        %add3A_148 = arith.addi %mul3A_14, %mul3A_147 : i32
        %dma_start3A_149 = tpu.memref_slice %arg2[%add3A_148] : memref<322704xi32, #tpu.memory_space<hbm>> -> memref<72xi32, #tpu.memory_space<hbm>>
        %dma_start3A_150 = tpu.memref_slice %arg2[%add3A_148] : memref<322704xi32, #tpu.memory_space<hbm>> -> memref<72xi32, #tpu.memory_space<hbm>>
        tpu.enqueue_dma source(%dma_start3A_150 : memref<72xi32, #tpu.memory_space<hbm>>) target(%arg9 : memref<72xi32, #tpu.memory_space<vmem>>) target_semaphore(%arg15 : memref<!tpu.dma_semaphore, #tpu.memory_space<semaphore_mem>>)
      } else {
      }
      %dma_wait3A_76 = arith.constant 0 : i32
      %dma_wait3A_77 = tpu.memref_slice %arg2[%dma_wait3A_76] : memref<322704xi32, #tpu.memory_space<hbm>> -> memref<72xi32, #tpu.memory_space<hbm>>
      %dma_wait3A_78 = arith.constant 0 : i32
      %dma_wait3A_79 = tpu.memref_slice %arg2[%dma_wait3A_78] : memref<322704xi32, #tpu.memory_space<hbm>> -> memref<72xi32, #tpu.memory_space<hbm>>
      tpu.wait_dma2 semaphore(%arg13 : memref<!tpu.dma_semaphore, #tpu.memory_space<semaphore_mem>>) src(%dma_wait3A_79 : memref<72xi32, #tpu.memory_space<hbm>>) dst(%arg7 : memref<72xi32, #tpu.memory_space<vmem>>)
      %dma_start3A_80 = arith.constant 0 : i32
      %dma_start3A_81 = arith.constant 0 : i32
      %dma_start3A_82 = tpu.memref_slice %arg6[%dma_start3A_80, %dma_start3A_81] : memref<10112x128xf32, #tpu.memory_space<vmem_shared>> -> memref<10112x128xf32, #tpu.memory_space<vmem_shared>>
      tpu.enqueue_indirect_dma source(%arg11 : memref<72x128xf32, #tpu.memory_space<vmem>>) target(%dma_start3A_82 : memref<10112x128xf32, #tpu.memory_space<vmem_shared>>) offsets(%arg7 : memref<72xi32, #tpu.memory_space<vmem>>) semaphore(%arg17 : memref<!tpu.dma_semaphore, #tpu.memory_space<semaphore_mem>>) {add = true}
      %mul3A_83 = arith.constant 4 : i32
      %mul3A_84 = arith.muli %mul3A_83, %scan3A_69 : i32
      %add3A_85 = arith.constant 1 : i32
      %add3A_86 = arith.addi %mul3A_84, %add3A_85 : i32
      %gt3A_87 = arith.constant 0 : i32
      %gt3A_88 = arith.cmpi sgt, %scan3A_69, %gt3A_87 : i32
      %convert_element_type3A_89 = arith.extui %gt3A_88 : i1 to i32
      %cond3A_90 = arith.constant 0 : i32
      %cond3A_91 = arith.cmpi ne, %convert_element_type3A_89, %cond3A_90 : i32
      scf.if %cond3A_91 {
        %dma_wait3A_141 = arith.constant 0 : i32
        %dma_wait3A_142 = arith.constant 0 : i32
        %dma_wait3A_143 = tpu.memref_slice %arg6[%dma_wait3A_141, %dma_wait3A_142] : memref<10112x128xf32, #tpu.memory_space<vmem_shared>> -> memref<10112x128xf32, #tpu.memory_space<vmem_shared>>
        tpu.wait_indirect_dma semaphore(%arg18 : memref<!tpu.dma_semaphore, #tpu.memory_space<semaphore_mem>>) src(%arg11 : memref<72x128xf32, #tpu.memory_space<vmem>>) dst(%dma_wait3A_143 : memref<10112x128xf32, #tpu.memory_space<vmem_shared>>)
        %add3A_144 = arith.constant 2 : i32
        %add3A_145 = arith.addi %add3A_86, %add3A_144 : i32
        %mul3A_146 = arith.constant 72 : i32
        %mul3A_147 = arith.muli %add3A_145, %mul3A_146 : i32
        %add3A_148 = arith.addi %mul3A_14, %mul3A_147 : i32
        %dma_start3A_149 = tpu.memref_slice %arg2[%add3A_148] : memref<322704xi32, #tpu.memory_space<hbm>> -> memref<72xi32, #tpu.memory_space<hbm>>
        %dma_start3A_150 = tpu.memref_slice %arg2[%add3A_148] : memref<322704xi32, #tpu.memory_space<hbm>> -> memref<72xi32, #tpu.memory_space<hbm>>
        tpu.enqueue_dma source(%dma_start3A_150 : memref<72xi32, #tpu.memory_space<hbm>>) target(%arg10 : memref<72xi32, #tpu.memory_space<vmem>>) target_semaphore(%arg16 : memref<!tpu.dma_semaphore, #tpu.memory_space<semaphore_mem>>)
      } else {
      }
      %dma_wait3A_92 = arith.constant 0 : i32
      %dma_wait3A_93 = tpu.memref_slice %arg2[%dma_wait3A_92] : memref<322704xi32, #tpu.memory_space<hbm>> -> memref<72xi32, #tpu.memory_space<hbm>>
      %dma_wait3A_94 = arith.constant 0 : i32
      %dma_wait3A_95 = tpu.memref_slice %arg2[%dma_wait3A_94] : memref<322704xi32, #tpu.memory_space<hbm>> -> memref<72xi32, #tpu.memory_space<hbm>>
      tpu.wait_dma2 semaphore(%arg14 : memref<!tpu.dma_semaphore, #tpu.memory_space<semaphore_mem>>) src(%dma_wait3A_95 : memref<72xi32, #tpu.memory_space<hbm>>) dst(%arg8 : memref<72xi32, #tpu.memory_space<vmem>>)
      %dma_start3A_96 = arith.constant 0 : i32
      %dma_start3A_97 = arith.constant 0 : i32
      %dma_start3A_98 = tpu.memref_slice %arg6[%dma_start3A_96, %dma_start3A_97] : memref<10112x128xf32, #tpu.memory_space<vmem_shared>> -> memref<10112x128xf32, #tpu.memory_space<vmem_shared>>
      tpu.enqueue_indirect_dma source(%arg11 : memref<72x128xf32, #tpu.memory_space<vmem>>) target(%dma_start3A_98 : memref<10112x128xf32, #tpu.memory_space<vmem_shared>>) offsets(%arg8 : memref<72xi32, #tpu.memory_space<vmem>>) semaphore(%arg18 : memref<!tpu.dma_semaphore, #tpu.memory_space<semaphore_mem>>) {add = true}
      %mul3A_99 = arith.constant 4 : i32
      %mul3A_100 = arith.muli %mul3A_99, %scan3A_69 : i32
      %add3A_101 = arith.constant 2 : i32
      %add3A_102 = arith.addi %mul3A_100, %add3A_101 : i32
      %dma_wait3A_103 = arith.constant 0 : i32
      %dma_wait3A_104 = arith.constant 0 : i32
      %dma_wait3A_105 = tpu.memref_slice %arg6[%dma_wait3A_103, %dma_wait3A_104] : memref<10112x128xf32, #tpu.memory_space<vmem_shared>> -> memref<10112x128xf32, #tpu.memory_space<vmem_shared>>
      tpu.wait_indirect_dma semaphore(%arg17 : memref<!tpu.dma_semaphore, #tpu.memory_space<semaphore_mem>>) src(%arg11 : memref<72x128xf32, #tpu.memory_space<vmem>>) dst(%dma_wait3A_105 : memref<10112x128xf32, #tpu.memory_space<vmem_shared>>)
      %add3A_106 = arith.constant 2 : i32
      %add3A_107 = arith.addi %add3A_102, %add3A_106 : i32
      %mul3A_108 = arith.constant 72 : i32
      %mul3A_109 = arith.muli %add3A_107, %mul3A_108 : i32
      %add3A_110 = arith.addi %mul3A_14, %mul3A_109 : i32
      %dma_start3A_111 = tpu.memref_slice %arg2[%add3A_110] : memref<322704xi32, #tpu.memory_space<hbm>> -> memref<72xi32, #tpu.memory_space<hbm>>
      %dma_start3A_112 = tpu.memref_slice %arg2[%add3A_110] : memref<322704xi32, #tpu.memory_space<hbm>> -> memref<72xi32, #tpu.memory_space<hbm>>
      tpu.enqueue_dma source(%dma_start3A_112 : memref<72xi32, #tpu.memory_space<hbm>>) target(%arg7 : memref<72xi32, #tpu.memory_space<vmem>>) target_semaphore(%arg13 : memref<!tpu.dma_semaphore, #tpu.memory_space<semaphore_mem>>)
      %dma_wait3A_113 = arith.constant 0 : i32
      %dma_wait3A_114 = tpu.memref_slice %arg2[%dma_wait3A_113] : memref<322704xi32, #tpu.memory_space<hbm>> -> memref<72xi32, #tpu.memory_space<hbm>>
      %dma_wait3A_115 = arith.constant 0 : i32
      %dma_wait3A_116 = tpu.memref_slice %arg2[%dma_wait3A_115] : memref<322704xi32, #tpu.memory_space<hbm>> -> memref<72xi32, #tpu.memory_space<hbm>>
      tpu.wait_dma2 semaphore(%arg15 : memref<!tpu.dma_semaphore, #tpu.memory_space<semaphore_mem>>) src(%dma_wait3A_116 : memref<72xi32, #tpu.memory_space<hbm>>) dst(%arg9 : memref<72xi32, #tpu.memory_space<vmem>>)
      %dma_start3A_117 = arith.constant 0 : i32
      %dma_start3A_118 = arith.constant 0 : i32
      %dma_start3A_119 = tpu.memref_slice %arg6[%dma_start3A_117, %dma_start3A_118] : memref<10112x128xf32, #tpu.memory_space<vmem_shared>> -> memref<10112x128xf32, #tpu.memory_space<vmem_shared>>
      tpu.enqueue_indirect_dma source(%arg11 : memref<72x128xf32, #tpu.memory_space<vmem>>) target(%dma_start3A_119 : memref<10112x128xf32, #tpu.memory_space<vmem_shared>>) offsets(%arg9 : memref<72xi32, #tpu.memory_space<vmem>>) semaphore(%arg17 : memref<!tpu.dma_semaphore, #tpu.memory_space<semaphore_mem>>) {add = true}
      %mul3A_120 = arith.constant 4 : i32
      %mul3A_121 = arith.muli %mul3A_120, %scan3A_69 : i32
      %add3A_122 = arith.constant 3 : i32
      %add3A_123 = arith.addi %mul3A_121, %add3A_122 : i32
      %dma_wait3A_124 = arith.constant 0 : i32
      %dma_wait3A_125 = arith.constant 0 : i32
      %dma_wait3A_126 = tpu.memref_slice %arg6[%dma_wait3A_124, %dma_wait3A_125] : memref<10112x128xf32, #tpu.memory_space<vmem_shared>> -> memref<10112x128xf32, #tpu.memory_space<vmem_shared>>
      tpu.wait_indirect_dma semaphore(%arg18 : memref<!tpu.dma_semaphore, #tpu.memory_space<semaphore_mem>>) src(%arg11 : memref<72x128xf32, #tpu.memory_space<vmem>>) dst(%dma_wait3A_126 : memref<10112x128xf32, #tpu.memory_space<vmem_shared>>)
      %add3A_127 = arith.constant 2 : i32
      %add3A_128 = arith.addi %add3A_123, %add3A_127 : i32
      %mul3A_129 = arith.constant 72 : i32
      %mul3A_130 = arith.muli %add3A_128, %mul3A_129 : i32
      %add3A_131 = arith.addi %mul3A_14, %mul3A_130 : i32
      %dma_start3A_132 = tpu.memref_slice %arg2[%add3A_131] : memref<322704xi32, #tpu.memory_space<hbm>> -> memref<72xi32, #tpu.memory_space<hbm>>
      %dma_start3A_133 = tpu.memref_slice %arg2[%add3A_131] : memref<322704xi32, #tpu.memory_space<hbm>> -> memref<72xi32, #tpu.memory_space<hbm>>
      tpu.enqueue_dma source(%dma_start3A_133 : memref<72xi32, #tpu.memory_space<hbm>>) target(%arg8 : memref<72xi32, #tpu.memory_space<vmem>>) target_semaphore(%arg14 : memref<!tpu.dma_semaphore, #tpu.memory_space<semaphore_mem>>)
      %dma_wait3A_134 = arith.constant 0 : i32
      %dma_wait3A_135 = tpu.memref_slice %arg2[%dma_wait3A_134] : memref<322704xi32, #tpu.memory_space<hbm>> -> memref<72xi32, #tpu.memory_space<hbm>>
      %dma_wait3A_136 = arith.constant 0 : i32
      %dma_wait3A_137 = tpu.memref_slice %arg2[%dma_wait3A_136] : memref<322704xi32, #tpu.memory_space<hbm>> -> memref<72xi32, #tpu.memory_space<hbm>>
      tpu.wait_dma2 semaphore(%arg16 : memref<!tpu.dma_semaphore, #tpu.memory_space<semaphore_mem>>) src(%dma_wait3A_137 : memref<72xi32, #tpu.memory_space<hbm>>) dst(%arg10 : memref<72xi32, #tpu.memory_space<vmem>>)
      %dma_start3A_138 = arith.constant 0 : i32
      %dma_start3A_139 = arith.constant 0 : i32
      %dma_start3A_140 = tpu.memref_slice %arg6[%dma_start3A_138, %dma_start3A_139] : memref<10112x128xf32, #tpu.memory_space<vmem_shared>> -> memref<10112x128xf32, #tpu.memory_space<vmem_shared>>
      tpu.enqueue_indirect_dma source(%arg11 : memref<72x128xf32, #tpu.memory_space<vmem>>) target(%dma_start3A_140 : memref<10112x128xf32, #tpu.memory_space<vmem_shared>>) offsets(%arg10 : memref<72xi32, #tpu.memory_space<vmem>>) semaphore(%arg18 : memref<!tpu.dma_semaphore, #tpu.memory_space<semaphore_mem>>) {add = true}
    }
    %scan3A_34 = arith.constant 35 : i32
    %dma_wait3A = arith.constant 0 : i32
    %dma_wait3A_35 = arith.constant 0 : i32
    %dma_wait3A_36 = tpu.memref_slice %arg6[%dma_wait3A, %dma_wait3A_35] : memref<10112x128xf32, #tpu.memory_space<vmem_shared>> -> memref<10112x128xf32, #tpu.memory_space<vmem_shared>>
    tpu.wait_indirect_dma semaphore(%arg17 : memref<!tpu.dma_semaphore, #tpu.memory_space<semaphore_mem>>) src(%arg11 : memref<72x128xf32, #tpu.memory_space<vmem>>) dst(%dma_wait3A_36 : memref<10112x128xf32, #tpu.memory_space<vmem_shared>>)
    %dma_wait3A_37 = arith.constant 0 : i32
    %dma_wait3A_38 = arith.constant 0 : i32
    %dma_wait3A_39 = tpu.memref_slice %arg6[%dma_wait3A_37, %dma_wait3A_38] : memref<10112x128xf32, #tpu.memory_space<vmem_shared>> -> memref<10112x128xf32, #tpu.memory_space<vmem_shared>>
    tpu.wait_indirect_dma semaphore(%arg18 : memref<!tpu.dma_semaphore, #tpu.memory_space<semaphore_mem>>) src(%arg11 : memref<72x128xf32, #tpu.memory_space<vmem>>) dst(%dma_wait3A_39 : memref<10112x128xf32, #tpu.memory_space<vmem_shared>>)
    %dma_wait3A_40 = arith.constant 0 : i32
    %dma_wait3A_41 = tpu.memref_slice %arg2[%dma_wait3A_40] : memref<322704xi32, #tpu.memory_space<hbm>> -> memref<72xi32, #tpu.memory_space<hbm>>
    %dma_wait3A_42 = arith.constant 0 : i32
    %dma_wait3A_43 = tpu.memref_slice %arg2[%dma_wait3A_42] : memref<322704xi32, #tpu.memory_space<hbm>> -> memref<72xi32, #tpu.memory_space<hbm>>
    tpu.wait_dma2 semaphore(%arg13 : memref<!tpu.dma_semaphore, #tpu.memory_space<semaphore_mem>>) src(%dma_wait3A_43 : memref<72xi32, #tpu.memory_space<hbm>>) dst(%arg7 : memref<72xi32, #tpu.memory_space<vmem>>)
    %dma_wait3A_44 = arith.constant 0 : i32
    %dma_wait3A_45 = tpu.memref_slice %arg2[%dma_wait3A_44] : memref<322704xi32, #tpu.memory_space<hbm>> -> memref<72xi32, #tpu.memory_space<hbm>>
    %dma_wait3A_46 = arith.constant 0 : i32
    %dma_wait3A_47 = tpu.memref_slice %arg2[%dma_wait3A_46] : memref<322704xi32, #tpu.memory_space<hbm>> -> memref<72xi32, #tpu.memory_space<hbm>>
    tpu.wait_dma2 semaphore(%arg14 : memref<!tpu.dma_semaphore, #tpu.memory_space<semaphore_mem>>) src(%dma_wait3A_47 : memref<72xi32, #tpu.memory_space<hbm>>) dst(%arg8 : memref<72xi32, #tpu.memory_space<vmem>>)
    %barrier3A_48 = arith.constant 0 : index
    tpu.barrier barrier_id(%barrier3A_48)
    %add3A_49 = arith.constant 0 : i32
    %add3A_50 = arith.addi %mul3A_2, %add3A_49 : i32
    "tpu.region"() ({
      %run_scoped3A = tpu.sem_alloc : memref<!tpu.dma_semaphore, #tpu.memory_space<semaphore_mem>>
      %dma_start3A_69 = arith.constant 0 : i32
      %dma_start3A_70 = arith.constant 0 : i32
      %dma_start3A_71 = tpu.memref_slice %arg12[%dma_start3A_69, %dma_start3A_70] : memref<128x128xf32, #tpu.memory_space<vmem>> -> memref<128x128xf32, #tpu.memory_space<vmem>>
      %dma_start3A_72 = arith.constant 0 : i32
      %dma_start3A_73 = tpu.memref_slice %arg6[%add3A_50, %dma_start3A_72] : memref<10112x128xf32, #tpu.memory_space<vmem_shared>> -> memref<128x128xf32, #tpu.memory_space<vmem_shared>>
      %dma_start3A_74 = arith.constant 0 : i32
      %dma_start3A_75 = arith.constant 0 : i32
      %dma_start3A_76 = tpu.memref_slice %arg12[%dma_start3A_74, %dma_start3A_75] : memref<128x128xf32, #tpu.memory_space<vmem>> -> memref<128x128xf32, #tpu.memory_space<vmem>>
      %dma_start3A_77 = arith.constant 0 : i32
      %dma_start3A_78 = tpu.memref_slice %arg6[%add3A_50, %dma_start3A_77] : memref<10112x128xf32, #tpu.memory_space<vmem_shared>> -> memref<128x128xf32, #tpu.memory_space<vmem_shared>>
      tpu.enqueue_dma source(%dma_start3A_78 : memref<128x128xf32, #tpu.memory_space<vmem_shared>>) target(%dma_start3A_76 : memref<128x128xf32, #tpu.memory_space<vmem>>) target_semaphore(%run_scoped3A : memref<!tpu.dma_semaphore, #tpu.memory_space<semaphore_mem>>)
      %dma_wait3A_79 = arith.constant 0 : i32
      %dma_wait3A_80 = arith.constant 0 : i32
      %dma_wait3A_81 = tpu.memref_slice %arg12[%dma_wait3A_79, %dma_wait3A_80] : memref<128x128xf32, #tpu.memory_space<vmem>> -> memref<128x128xf32, #tpu.memory_space<vmem>>
      %dma_wait3A_82 = arith.constant 0 : i32
      %dma_wait3A_83 = tpu.memref_slice %arg6[%add3A_50, %dma_wait3A_82] : memref<10112x128xf32, #tpu.memory_space<vmem_shared>> -> memref<128x128xf32, #tpu.memory_space<vmem_shared>>
      %dma_wait3A_84 = arith.constant 0 : i32
      %dma_wait3A_85 = arith.constant 0 : i32
      %dma_wait3A_86 = tpu.memref_slice %arg12[%dma_wait3A_84, %dma_wait3A_85] : memref<128x128xf32, #tpu.memory_space<vmem>> -> memref<128x128xf32, #tpu.memory_space<vmem>>
      %dma_wait3A_87 = arith.constant 0 : i32
      %dma_wait3A_88 = tpu.memref_slice %arg6[%add3A_50, %dma_wait3A_87] : memref<10112x128xf32, #tpu.memory_space<vmem_shared>> -> memref<128x128xf32, #tpu.memory_space<vmem_shared>>
      tpu.wait_dma2 semaphore(%run_scoped3A : memref<!tpu.dma_semaphore, #tpu.memory_space<semaphore_mem>>) src(%dma_wait3A_88 : memref<128x128xf32, #tpu.memory_space<vmem_shared>>) dst(%dma_wait3A_86 : memref<128x128xf32, #tpu.memory_space<vmem>>)
      tpu.yield
    }) : () -> ()
    %add3A_51 = arith.constant 0 : i32
    %add3A_52 = arith.addi %mul3A_2, %add3A_51 : i32
    "tpu.region"() ({
      %run_scoped3A = tpu.sem_alloc : memref<!tpu.dma_semaphore, #tpu.memory_space<semaphore_mem>>
      %dma_start3A_69 = arith.constant 0 : i32
      %dma_start3A_70 = arith.constant 0 : i32
      %dma_start3A_71 = tpu.memref_slice %arg12[%dma_start3A_69, %dma_start3A_70] : memref<128x128xf32, #tpu.memory_space<vmem>> -> memref<128x128xf32, #tpu.memory_space<vmem>>
      %dma_start3A_72 = arith.constant 0 : i32
      %dma_start3A_73 = tpu.memref_slice %arg5[%arg0, %add3A_52, %dma_start3A_72] : memref<2x10112x128xf32, #tpu.memory_space<hbm>> -> memref<1x128x128xf32, #tpu.memory_space<hbm>>
      %dma_start3A_74 = tpu.memref_squeeze %dma_start3A_73 : memref<1x128x128xf32, #tpu.memory_space<hbm>> -> memref<128x128xf32, #tpu.memory_space<hbm>>
      %dma_start3A_75 = arith.constant 0 : i32
      %dma_start3A_76 = tpu.memref_slice %arg5[%arg0, %add3A_52, %dma_start3A_75] : memref<2x10112x128xf32, #tpu.memory_space<hbm>> -> memref<1x128x128xf32, #tpu.memory_space<hbm>>
      %dma_start3A_77 = tpu.memref_squeeze %dma_start3A_76 : memref<1x128x128xf32, #tpu.memory_space<hbm>> -> memref<128x128xf32, #tpu.memory_space<hbm>>
      %dma_start3A_78 = arith.constant 0 : i32
      %dma_start3A_79 = arith.constant 0 : i32
      %dma_start3A_80 = tpu.memref_slice %arg12[%dma_start3A_78, %dma_start3A_79] : memref<128x128xf32, #tpu.memory_space<vmem>> -> memref<128x128xf32, #tpu.memory_space<vmem>>
      tpu.enqueue_dma source(%dma_start3A_80 : memref<128x128xf32, #tpu.memory_space<vmem>>) target(%dma_start3A_77 : memref<128x128xf32, #tpu.memory_space<hbm>>) target_semaphore(%run_scoped3A : memref<!tpu.dma_semaphore, #tpu.memory_space<semaphore_mem>>)
      %dma_wait3A_81 = arith.constant 0 : i32
      %dma_wait3A_82 = arith.constant 0 : i32
      %dma_wait3A_83 = tpu.memref_slice %arg12[%dma_wait3A_81, %dma_wait3A_82] : memref<128x128xf32, #tpu.memory_space<vmem>> -> memref<128x128xf32, #tpu.memory_space<vmem>>
      %dma_wait3A_84 = arith.constant 0 : i32
      %dma_wait3A_85 = tpu.memref_slice %arg5[%arg0, %add3A_52, %dma_wait3A_84] : memref<2x10112x128xf32, #tpu.memory_space<hbm>> -> memref<1x128x128xf32, #tpu.memory_space<hbm>>
      %dma_wait3A_86 = tpu.memref_squeeze %dma_wait3A_85 : memref<1x128x128xf32, #tpu.memory_space<hbm>> -> memref<128x128xf32, #tpu.memory_space<hbm>>
      %dma_wait3A_87 = arith.constant 0 : i32
      %dma_wait3A_88 = tpu.memref_slice %arg5[%arg0, %add3A_52, %dma_wait3A_87] : memref<2x10112x128xf32, #tpu.memory_space<hbm>> -> memref<1x128x128xf32, #tpu.memory_space<hbm>>
      %dma_wait3A_89 = tpu.memref_squeeze %dma_wait3A_88 : memref<1x128x128xf32, #tpu.memory_space<hbm>> -> memref<128x128xf32, #tpu.memory_space<hbm>>
      %dma_wait3A_90 = arith.constant 0 : i32
      %dma_wait3A_91 = arith.constant 0 : i32
      %dma_wait3A_92 = tpu.memref_slice %arg12[%dma_wait3A_90, %dma_wait3A_91] : memref<128x128xf32, #tpu.memory_space<vmem>> -> memref<128x128xf32, #tpu.memory_space<vmem>>
      tpu.wait_dma2 semaphore(%run_scoped3A : memref<!tpu.dma_semaphore, #tpu.memory_space<semaphore_mem>>) src(%dma_wait3A_92 : memref<128x128xf32, #tpu.memory_space<vmem>>) dst(%dma_wait3A_89 : memref<128x128xf32, #tpu.memory_space<hbm>>)
      tpu.yield
    }) : () -> ()
    %add3A_53 = arith.constant 128 : i32
    %add3A_54 = arith.addi %mul3A_2, %add3A_53 : i32
    "tpu.region"() ({
      %run_scoped3A = tpu.sem_alloc : memref<!tpu.dma_semaphore, #tpu.memory_space<semaphore_mem>>
      %dma_start3A_69 = arith.constant 0 : i32
      %dma_start3A_70 = arith.constant 0 : i32
      %dma_start3A_71 = tpu.memref_slice %arg12[%dma_start3A_69, %dma_start3A_70] : memref<128x128xf32, #tpu.memory_space<vmem>> -> memref<128x128xf32, #tpu.memory_space<vmem>>
      %dma_start3A_72 = arith.constant 0 : i32
      %dma_start3A_73 = tpu.memref_slice %arg6[%add3A_54, %dma_start3A_72] : memref<10112x128xf32, #tpu.memory_space<vmem_shared>> -> memref<128x128xf32, #tpu.memory_space<vmem_shared>>
      %dma_start3A_74 = arith.constant 0 : i32
      %dma_start3A_75 = arith.constant 0 : i32
      %dma_start3A_76 = tpu.memref_slice %arg12[%dma_start3A_74, %dma_start3A_75] : memref<128x128xf32, #tpu.memory_space<vmem>> -> memref<128x128xf32, #tpu.memory_space<vmem>>
      %dma_start3A_77 = arith.constant 0 : i32
      %dma_start3A_78 = tpu.memref_slice %arg6[%add3A_54, %dma_start3A_77] : memref<10112x128xf32, #tpu.memory_space<vmem_shared>> -> memref<128x128xf32, #tpu.memory_space<vmem_shared>>
      tpu.enqueue_dma source(%dma_start3A_78 : memref<128x128xf32, #tpu.memory_space<vmem_shared>>) target(%dma_start3A_76 : memref<128x128xf32, #tpu.memory_space<vmem>>) target_semaphore(%run_scoped3A : memref<!tpu.dma_semaphore, #tpu.memory_space<semaphore_mem>>)
      %dma_wait3A_79 = arith.constant 0 : i32
      %dma_wait3A_80 = arith.constant 0 : i32
      %dma_wait3A_81 = tpu.memref_slice %arg12[%dma_wait3A_79, %dma_wait3A_80] : memref<128x128xf32, #tpu.memory_space<vmem>> -> memref<128x128xf32, #tpu.memory_space<vmem>>
      %dma_wait3A_82 = arith.constant 0 : i32
      %dma_wait3A_83 = tpu.memref_slice %arg6[%add3A_54, %dma_wait3A_82] : memref<10112x128xf32, #tpu.memory_space<vmem_shared>> -> memref<128x128xf32, #tpu.memory_space<vmem_shared>>
      %dma_wait3A_84 = arith.constant 0 : i32
      %dma_wait3A_85 = arith.constant 0 : i32
      %dma_wait3A_86 = tpu.memref_slice %arg12[%dma_wait3A_84, %dma_wait3A_85] : memref<128x128xf32, #tpu.memory_space<vmem>> -> memref<128x128xf32, #tpu.memory_space<vmem>>
      %dma_wait3A_87 = arith.constant 0 : i32
      %dma_wait3A_88 = tpu.memref_slice %arg6[%add3A_54, %dma_wait3A_87] : memref<10112x128xf32, #tpu.memory_space<vmem_shared>> -> memref<128x128xf32, #tpu.memory_space<vmem_shared>>
      tpu.wait_dma2 semaphore(%run_scoped3A : memref<!tpu.dma_semaphore, #tpu.memory_space<semaphore_mem>>) src(%dma_wait3A_88 : memref<128x128xf32, #tpu.memory_space<vmem_shared>>) dst(%dma_wait3A_86 : memref<128x128xf32, #tpu.memory_space<vmem>>)
      tpu.yield
    }) : () -> ()
    %add3A_55 = arith.constant 128 : i32
    %add3A_56 = arith.addi %mul3A_2, %add3A_55 : i32
    "tpu.region"() ({
      %run_scoped3A = tpu.sem_alloc : memref<!tpu.dma_semaphore, #tpu.memory_space<semaphore_mem>>
      %dma_start3A_69 = arith.constant 0 : i32
      %dma_start3A_70 = arith.constant 0 : i32
      %dma_start3A_71 = tpu.memref_slice %arg12[%dma_start3A_69, %dma_start3A_70] : memref<128x128xf32, #tpu.memory_space<vmem>> -> memref<128x128xf32, #tpu.memory_space<vmem>>
      %dma_start3A_72 = arith.constant 0 : i32
      %dma_start3A_73 = tpu.memref_slice %arg5[%arg0, %add3A_56, %dma_start3A_72] : memref<2x10112x128xf32, #tpu.memory_space<hbm>> -> memref<1x128x128xf32, #tpu.memory_space<hbm>>
      %dma_start3A_74 = tpu.memref_squeeze %dma_start3A_73 : memref<1x128x128xf32, #tpu.memory_space<hbm>> -> memref<128x128xf32, #tpu.memory_space<hbm>>
      %dma_start3A_75 = arith.constant 0 : i32
      %dma_start3A_76 = tpu.memref_slice %arg5[%arg0, %add3A_56, %dma_start3A_75] : memref<2x10112x128xf32, #tpu.memory_space<hbm>> -> memref<1x128x128xf32, #tpu.memory_space<hbm>>
      %dma_start3A_77 = tpu.memref_squeeze %dma_start3A_76 : memref<1x128x128xf32, #tpu.memory_space<hbm>> -> memref<128x128xf32, #tpu.memory_space<hbm>>
      %dma_start3A_78 = arith.constant 0 : i32
      %dma_start3A_79 = arith.constant 0 : i32
      %dma_start3A_80 = tpu.memref_slice %arg12[%dma_start3A_78, %dma_start3A_79] : memref<128x128xf32, #tpu.memory_space<vmem>> -> memref<128x128xf32, #tpu.memory_space<vmem>>
      tpu.enqueue_dma source(%dma_start3A_80 : memref<128x128xf32, #tpu.memory_space<vmem>>) target(%dma_start3A_77 : memref<128x128xf32, #tpu.memory_space<hbm>>) target_semaphore(%run_scoped3A : memref<!tpu.dma_semaphore, #tpu.memory_space<semaphore_mem>>)
      %dma_wait3A_81 = arith.constant 0 : i32
      %dma_wait3A_82 = arith.constant 0 : i32
      %dma_wait3A_83 = tpu.memref_slice %arg12[%dma_wait3A_81, %dma_wait3A_82] : memref<128x128xf32, #tpu.memory_space<vmem>> -> memref<128x128xf32, #tpu.memory_space<vmem>>
      %dma_wait3A_84 = arith.constant 0 : i32
      %dma_wait3A_85 = tpu.memref_slice %arg5[%arg0, %add3A_56, %dma_wait3A_84] : memref<2x10112x128xf32, #tpu.memory_space<hbm>> -> memref<1x128x128xf32, #tpu.memory_space<hbm>>
      %dma_wait3A_86 = tpu.memref_squeeze %dma_wait3A_85 : memref<1x128x128xf32, #tpu.memory_space<hbm>> -> memref<128x128xf32, #tpu.memory_space<hbm>>
      %dma_wait3A_87 = arith.constant 0 : i32
      %dma_wait3A_88 = tpu.memref_slice %arg5[%arg0, %add3A_56, %dma_wait3A_87] : memref<2x10112x128xf32, #tpu.memory_space<hbm>> -> memref<1x128x128xf32, #tpu.memory_space<hbm>>
      %dma_wait3A_89 = tpu.memref_squeeze %dma_wait3A_88 : memref<1x128x128xf32, #tpu.memory_space<hbm>> -> memref<128x128xf32, #tpu.memory_space<hbm>>
      %dma_wait3A_90 = arith.constant 0 : i32
      %dma_wait3A_91 = arith.constant 0 : i32
      %dma_wait3A_92 = tpu.memref_slice %arg12[%dma_wait3A_90, %dma_wait3A_91] : memref<128x128xf32, #tpu.memory_space<vmem>> -> memref<128x128xf32, #tpu.memory_space<vmem>>
      tpu.wait_dma2 semaphore(%run_scoped3A : memref<!tpu.dma_semaphore, #tpu.memory_space<semaphore_mem>>) src(%dma_wait3A_92 : memref<128x128xf32, #tpu.memory_space<vmem>>) dst(%dma_wait3A_89 : memref<128x128xf32, #tpu.memory_space<hbm>>)
      tpu.yield
    }) : () -> ()
    %add3A_57 = arith.constant 256 : i32
    %add3A_58 = arith.addi %mul3A_2, %add3A_57 : i32
    "tpu.region"() ({
      %run_scoped3A = tpu.sem_alloc : memref<!tpu.dma_semaphore, #tpu.memory_space<semaphore_mem>>
      %dma_start3A_69 = arith.constant 0 : i32
      %dma_start3A_70 = arith.constant 0 : i32
      %dma_start3A_71 = tpu.memref_slice %arg12[%dma_start3A_69, %dma_start3A_70] : memref<128x128xf32, #tpu.memory_space<vmem>> -> memref<128x128xf32, #tpu.memory_space<vmem>>
      %dma_start3A_72 = arith.constant 0 : i32
      %dma_start3A_73 = tpu.memref_slice %arg6[%add3A_58, %dma_start3A_72] : memref<10112x128xf32, #tpu.memory_space<vmem_shared>> -> memref<128x128xf32, #tpu.memory_space<vmem_shared>>
      %dma_start3A_74 = arith.constant 0 : i32
      %dma_start3A_75 = arith.constant 0 : i32
      %dma_start3A_76 = tpu.memref_slice %arg12[%dma_start3A_74, %dma_start3A_75] : memref<128x128xf32, #tpu.memory_space<vmem>> -> memref<128x128xf32, #tpu.memory_space<vmem>>
      %dma_start3A_77 = arith.constant 0 : i32
      %dma_start3A_78 = tpu.memref_slice %arg6[%add3A_58, %dma_start3A_77] : memref<10112x128xf32, #tpu.memory_space<vmem_shared>> -> memref<128x128xf32, #tpu.memory_space<vmem_shared>>
      tpu.enqueue_dma source(%dma_start3A_78 : memref<128x128xf32, #tpu.memory_space<vmem_shared>>) target(%dma_start3A_76 : memref<128x128xf32, #tpu.memory_space<vmem>>) target_semaphore(%run_scoped3A : memref<!tpu.dma_semaphore, #tpu.memory_space<semaphore_mem>>)
      %dma_wait3A_79 = arith.constant 0 : i32
      %dma_wait3A_80 = arith.constant 0 : i32
      %dma_wait3A_81 = tpu.memref_slice %arg12[%dma_wait3A_79, %dma_wait3A_80] : memref<128x128xf32, #tpu.memory_space<vmem>> -> memref<128x128xf32, #tpu.memory_space<vmem>>
      %dma_wait3A_82 = arith.constant 0 : i32
      %dma_wait3A_83 = tpu.memref_slice %arg6[%add3A_58, %dma_wait3A_82] : memref<10112x128xf32, #tpu.memory_space<vmem_shared>> -> memref<128x128xf32, #tpu.memory_space<vmem_shared>>
      %dma_wait3A_84 = arith.constant 0 : i32
      %dma_wait3A_85 = arith.constant 0 : i32
      %dma_wait3A_86 = tpu.memref_slice %arg12[%dma_wait3A_84, %dma_wait3A_85] : memref<128x128xf32, #tpu.memory_space<vmem>> -> memref<128x128xf32, #tpu.memory_space<vmem>>
      %dma_wait3A_87 = arith.constant 0 : i32
      %dma_wait3A_88 = tpu.memref_slice %arg6[%add3A_58, %dma_wait3A_87] : memref<10112x128xf32, #tpu.memory_space<vmem_shared>> -> memref<128x128xf32, #tpu.memory_space<vmem_shared>>
      tpu.wait_dma2 semaphore(%run_scoped3A : memref<!tpu.dma_semaphore, #tpu.memory_space<semaphore_mem>>) src(%dma_wait3A_88 : memref<128x128xf32, #tpu.memory_space<vmem_shared>>) dst(%dma_wait3A_86 : memref<128x128xf32, #tpu.memory_space<vmem>>)
      tpu.yield
    }) : () -> ()
    %add3A_59 = arith.constant 256 : i32
    %add3A_60 = arith.addi %mul3A_2, %add3A_59 : i32
    "tpu.region"() ({
      %run_scoped3A = tpu.sem_alloc : memref<!tpu.dma_semaphore, #tpu.memory_space<semaphore_mem>>
      %dma_start3A_69 = arith.constant 0 : i32
      %dma_start3A_70 = arith.constant 0 : i32
      %dma_start3A_71 = tpu.memref_slice %arg12[%dma_start3A_69, %dma_start3A_70] : memref<128x128xf32, #tpu.memory_space<vmem>> -> memref<128x128xf32, #tpu.memory_space<vmem>>
      %dma_start3A_72 = arith.constant 0 : i32
      %dma_start3A_73 = tpu.memref_slice %arg5[%arg0, %add3A_60, %dma_start3A_72] : memref<2x10112x128xf32, #tpu.memory_space<hbm>> -> memref<1x128x128xf32, #tpu.memory_space<hbm>>
      %dma_start3A_74 = tpu.memref_squeeze %dma_start3A_73 : memref<1x128x128xf32, #tpu.memory_space<hbm>> -> memref<128x128xf32, #tpu.memory_space<hbm>>
      %dma_start3A_75 = arith.constant 0 : i32
      %dma_start3A_76 = tpu.memref_slice %arg5[%arg0, %add3A_60, %dma_start3A_75] : memref<2x10112x128xf32, #tpu.memory_space<hbm>> -> memref<1x128x128xf32, #tpu.memory_space<hbm>>
      %dma_start3A_77 = tpu.memref_squeeze %dma_start3A_76 : memref<1x128x128xf32, #tpu.memory_space<hbm>> -> memref<128x128xf32, #tpu.memory_space<hbm>>
      %dma_start3A_78 = arith.constant 0 : i32
      %dma_start3A_79 = arith.constant 0 : i32
      %dma_start3A_80 = tpu.memref_slice %arg12[%dma_start3A_78, %dma_start3A_79] : memref<128x128xf32, #tpu.memory_space<vmem>> -> memref<128x128xf32, #tpu.memory_space<vmem>>
      tpu.enqueue_dma source(%dma_start3A_80 : memref<128x128xf32, #tpu.memory_space<vmem>>) target(%dma_start3A_77 : memref<128x128xf32, #tpu.memory_space<hbm>>) target_semaphore(%run_scoped3A : memref<!tpu.dma_semaphore, #tpu.memory_space<semaphore_mem>>)
      %dma_wait3A_81 = arith.constant 0 : i32
      %dma_wait3A_82 = arith.constant 0 : i32
      %dma_wait3A_83 = tpu.memref_slice %arg12[%dma_wait3A_81, %dma_wait3A_82] : memref<128x128xf32, #tpu.memory_space<vmem>> -> memref<128x128xf32, #tpu.memory_space<vmem>>
      %dma_wait3A_84 = arith.constant 0 : i32
      %dma_wait3A_85 = tpu.memref_slice %arg5[%arg0, %add3A_60, %dma_wait3A_84] : memref<2x10112x128xf32, #tpu.memory_space<hbm>> -> memref<1x128x128xf32, #tpu.memory_space<hbm>>
      %dma_wait3A_86 = tpu.memref_squeeze %dma_wait3A_85 : memref<1x128x128xf32, #tpu.memory_space<hbm>> -> memref<128x128xf32, #tpu.memory_space<hbm>>
      %dma_wait3A_87 = arith.constant 0 : i32
      %dma_wait3A_88 = tpu.memref_slice %arg5[%arg0, %add3A_60, %dma_wait3A_87] : memref<2x10112x128xf32, #tpu.memory_space<hbm>> -> memref<1x128x128xf32, #tpu.memory_space<hbm>>
      %dma_wait3A_89 = tpu.memref_squeeze %dma_wait3A_88 : memref<1x128x128xf32, #tpu.memory_space<hbm>> -> memref<128x128xf32, #tpu.memory_space<hbm>>
      %dma_wait3A_90 = arith.constant 0 : i32
      %dma_wait3A_91 = arith.constant 0 : i32
      %dma_wait3A_92 = tpu.memref_slice %arg12[%dma_wait3A_90, %dma_wait3A_91] : memref<128x128xf32, #tpu.memory_space<vmem>> -> memref<128x128xf32, #tpu.memory_space<vmem>>
      tpu.wait_dma2 semaphore(%run_scoped3A : memref<!tpu.dma_semaphore, #tpu.memory_space<semaphore_mem>>) src(%dma_wait3A_92 : memref<128x128xf32, #tpu.memory_space<vmem>>) dst(%dma_wait3A_89 : memref<128x128xf32, #tpu.memory_space<hbm>>)
      tpu.yield
    }) : () -> ()
    %add3A_61 = arith.constant 384 : i32
    %add3A_62 = arith.addi %mul3A_2, %add3A_61 : i32
    "tpu.region"() ({
      %run_scoped3A = tpu.sem_alloc : memref<!tpu.dma_semaphore, #tpu.memory_space<semaphore_mem>>
      %dma_start3A_69 = arith.constant 0 : i32
      %dma_start3A_70 = arith.constant 0 : i32
      %dma_start3A_71 = tpu.memref_slice %arg12[%dma_start3A_69, %dma_start3A_70] : memref<128x128xf32, #tpu.memory_space<vmem>> -> memref<128x128xf32, #tpu.memory_space<vmem>>
      %dma_start3A_72 = arith.constant 0 : i32
      %dma_start3A_73 = tpu.memref_slice %arg6[%add3A_62, %dma_start3A_72] : memref<10112x128xf32, #tpu.memory_space<vmem_shared>> -> memref<128x128xf32, #tpu.memory_space<vmem_shared>>
      %dma_start3A_74 = arith.constant 0 : i32
      %dma_start3A_75 = arith.constant 0 : i32
      %dma_start3A_76 = tpu.memref_slice %arg12[%dma_start3A_74, %dma_start3A_75] : memref<128x128xf32, #tpu.memory_space<vmem>> -> memref<128x128xf32, #tpu.memory_space<vmem>>
      %dma_start3A_77 = arith.constant 0 : i32
      %dma_start3A_78 = tpu.memref_slice %arg6[%add3A_62, %dma_start3A_77] : memref<10112x128xf32, #tpu.memory_space<vmem_shared>> -> memref<128x128xf32, #tpu.memory_space<vmem_shared>>
      tpu.enqueue_dma source(%dma_start3A_78 : memref<128x128xf32, #tpu.memory_space<vmem_shared>>) target(%dma_start3A_76 : memref<128x128xf32, #tpu.memory_space<vmem>>) target_semaphore(%run_scoped3A : memref<!tpu.dma_semaphore, #tpu.memory_space<semaphore_mem>>)
      %dma_wait3A_79 = arith.constant 0 : i32
      %dma_wait3A_80 = arith.constant 0 : i32
      %dma_wait3A_81 = tpu.memref_slice %arg12[%dma_wait3A_79, %dma_wait3A_80] : memref<128x128xf32, #tpu.memory_space<vmem>> -> memref<128x128xf32, #tpu.memory_space<vmem>>
      %dma_wait3A_82 = arith.constant 0 : i32
      %dma_wait3A_83 = tpu.memref_slice %arg6[%add3A_62, %dma_wait3A_82] : memref<10112x128xf32, #tpu.memory_space<vmem_shared>> -> memref<128x128xf32, #tpu.memory_space<vmem_shared>>
      %dma_wait3A_84 = arith.constant 0 : i32
      %dma_wait3A_85 = arith.constant 0 : i32
      %dma_wait3A_86 = tpu.memref_slice %arg12[%dma_wait3A_84, %dma_wait3A_85] : memref<128x128xf32, #tpu.memory_space<vmem>> -> memref<128x128xf32, #tpu.memory_space<vmem>>
      %dma_wait3A_87 = arith.constant 0 : i32
      %dma_wait3A_88 = tpu.memref_slice %arg6[%add3A_62, %dma_wait3A_87] : memref<10112x128xf32, #tpu.memory_space<vmem_shared>> -> memref<128x128xf32, #tpu.memory_space<vmem_shared>>
      tpu.wait_dma2 semaphore(%run_scoped3A : memref<!tpu.dma_semaphore, #tpu.memory_space<semaphore_mem>>) src(%dma_wait3A_88 : memref<128x128xf32, #tpu.memory_space<vmem_shared>>) dst(%dma_wait3A_86 : memref<128x128xf32, #tpu.memory_space<vmem>>)
      tpu.yield
    }) : () -> ()
    %add3A_63 = arith.constant 384 : i32
    %add3A_64 = arith.addi %mul3A_2, %add3A_63 : i32
    "tpu.region"() ({
      %run_scoped3A = tpu.sem_alloc : memref<!tpu.dma_semaphore, #tpu.memory_space<semaphore_mem>>
      %dma_start3A_69 = arith.constant 0 : i32
      %dma_start3A_70 = arith.constant 0 : i32
      %dma_start3A_71 = tpu.memref_slice %arg12[%dma_start3A_69, %dma_start3A_70] : memref<128x128xf32, #tpu.memory_space<vmem>> -> memref<128x128xf32, #tpu.memory_space<vmem>>
      %dma_start3A_72 = arith.constant 0 : i32
      %dma_start3A_73 = tpu.memref_slice %arg5[%arg0, %add3A_64, %dma_start3A_72] : memref<2x10112x128xf32, #tpu.memory_space<hbm>> -> memref<1x128x128xf32, #tpu.memory_space<hbm>>
      %dma_start3A_74 = tpu.memref_squeeze %dma_start3A_73 : memref<1x128x128xf32, #tpu.memory_space<hbm>> -> memref<128x128xf32, #tpu.memory_space<hbm>>
      %dma_start3A_75 = arith.constant 0 : i32
      %dma_start3A_76 = tpu.memref_slice %arg5[%arg0, %add3A_64, %dma_start3A_75] : memref<2x10112x128xf32, #tpu.memory_space<hbm>> -> memref<1x128x128xf32, #tpu.memory_space<hbm>>
      %dma_start3A_77 = tpu.memref_squeeze %dma_start3A_76 : memref<1x128x128xf32, #tpu.memory_space<hbm>> -> memref<128x128xf32, #tpu.memory_space<hbm>>
      %dma_start3A_78 = arith.constant 0 : i32
      %dma_start3A_79 = arith.constant 0 : i32
      %dma_start3A_80 = tpu.memref_slice %arg12[%dma_start3A_78, %dma_start3A_79] : memref<128x128xf32, #tpu.memory_space<vmem>> -> memref<128x128xf32, #tpu.memory_space<vmem>>
      tpu.enqueue_dma source(%dma_start3A_80 : memref<128x128xf32, #tpu.memory_space<vmem>>) target(%dma_start3A_77 : memref<128x128xf32, #tpu.memory_space<hbm>>) target_semaphore(%run_scoped3A : memref<!tpu.dma_semaphore, #tpu.memory_space<semaphore_mem>>)
      %dma_wait3A_81 = arith.constant 0 : i32
      %dma_wait3A_82 = arith.constant 0 : i32
      %dma_wait3A_83 = tpu.memref_slice %arg12[%dma_wait3A_81, %dma_wait3A_82] : memref<128x128xf32, #tpu.memory_space<vmem>> -> memref<128x128xf32, #tpu.memory_space<vmem>>
      %dma_wait3A_84 = arith.constant 0 : i32
      %dma_wait3A_85 = tpu.memref_slice %arg5[%arg0, %add3A_64, %dma_wait3A_84] : memref<2x10112x128xf32, #tpu.memory_space<hbm>> -> memref<1x128x128xf32, #tpu.memory_space<hbm>>
      %dma_wait3A_86 = tpu.memref_squeeze %dma_wait3A_85 : memref<1x128x128xf32, #tpu.memory_space<hbm>> -> memref<128x128xf32, #tpu.memory_space<hbm>>
      %dma_wait3A_87 = arith.constant 0 : i32
      %dma_wait3A_88 = tpu.memref_slice %arg5[%arg0, %add3A_64, %dma_wait3A_87] : memref<2x10112x128xf32, #tpu.memory_space<hbm>> -> memref<1x128x128xf32, #tpu.memory_space<hbm>>
      %dma_wait3A_89 = tpu.memref_squeeze %dma_wait3A_88 : memref<1x128x128xf32, #tpu.memory_space<hbm>> -> memref<128x128xf32, #tpu.memory_space<hbm>>
      %dma_wait3A_90 = arith.constant 0 : i32
      %dma_wait3A_91 = arith.constant 0 : i32
      %dma_wait3A_92 = tpu.memref_slice %arg12[%dma_wait3A_90, %dma_wait3A_91] : memref<128x128xf32, #tpu.memory_space<vmem>> -> memref<128x128xf32, #tpu.memory_space<vmem>>
      tpu.wait_dma2 semaphore(%run_scoped3A : memref<!tpu.dma_semaphore, #tpu.memory_space<semaphore_mem>>) src(%dma_wait3A_92 : memref<128x128xf32, #tpu.memory_space<vmem>>) dst(%dma_wait3A_89 : memref<128x128xf32, #tpu.memory_space<hbm>>)
      tpu.yield
    }) : () -> ()
    %add3A_65 = arith.constant 512 : i32
    %add3A_66 = arith.addi %mul3A_2, %add3A_65 : i32
    "tpu.region"() ({
      %run_scoped3A = tpu.sem_alloc : memref<!tpu.dma_semaphore, #tpu.memory_space<semaphore_mem>>
      %dma_start3A_69 = arith.constant 0 : i32
      %dma_start3A_70 = arith.constant 0 : i32
      %dma_start3A_71 = tpu.memref_slice %arg12[%dma_start3A_69, %dma_start3A_70] : memref<128x128xf32, #tpu.memory_space<vmem>> -> memref<120x128xf32, #tpu.memory_space<vmem>>
      %dma_start3A_72 = arith.constant 0 : i32
      %dma_start3A_73 = tpu.memref_slice %arg6[%add3A_66, %dma_start3A_72] : memref<10112x128xf32, #tpu.memory_space<vmem_shared>> -> memref<120x128xf32, #tpu.memory_space<vmem_shared>>
      %dma_start3A_74 = arith.constant 0 : i32
      %dma_start3A_75 = arith.constant 0 : i32
      %dma_start3A_76 = tpu.memref_slice %arg12[%dma_start3A_74, %dma_start3A_75] : memref<128x128xf32, #tpu.memory_space<vmem>> -> memref<120x128xf32, #tpu.memory_space<vmem>>
      %dma_start3A_77 = arith.constant 0 : i32
      %dma_start3A_78 = tpu.memref_slice %arg6[%add3A_66, %dma_start3A_77] : memref<10112x128xf32, #tpu.memory_space<vmem_shared>> -> memref<120x128xf32, #tpu.memory_space<vmem_shared>>
      tpu.enqueue_dma source(%dma_start3A_78 : memref<120x128xf32, #tpu.memory_space<vmem_shared>>) target(%dma_start3A_76 : memref<120x128xf32, #tpu.memory_space<vmem>>) target_semaphore(%run_scoped3A : memref<!tpu.dma_semaphore, #tpu.memory_space<semaphore_mem>>)
      %dma_wait3A_79 = arith.constant 0 : i32
      %dma_wait3A_80 = arith.constant 0 : i32
      %dma_wait3A_81 = tpu.memref_slice %arg12[%dma_wait3A_79, %dma_wait3A_80] : memref<128x128xf32, #tpu.memory_space<vmem>> -> memref<120x128xf32, #tpu.memory_space<vmem>>
      %dma_wait3A_82 = arith.constant 0 : i32
      %dma_wait3A_83 = tpu.memref_slice %arg6[%add3A_66, %dma_wait3A_82] : memref<10112x128xf32, #tpu.memory_space<vmem_shared>> -> memref<120x128xf32, #tpu.memory_space<vmem_shared>>
      %dma_wait3A_84 = arith.constant 0 : i32
      %dma_wait3A_85 = arith.constant 0 : i32
      %dma_wait3A_86 = tpu.memref_slice %arg12[%dma_wait3A_84, %dma_wait3A_85] : memref<128x128xf32, #tpu.memory_space<vmem>> -> memref<120x128xf32, #tpu.memory_space<vmem>>
      %dma_wait3A_87 = arith.constant 0 : i32
      %dma_wait3A_88 = tpu.memref_slice %arg6[%add3A_66, %dma_wait3A_87] : memref<10112x128xf32, #tpu.memory_space<vmem_shared>> -> memref<120x128xf32, #tpu.memory_space<vmem_shared>>
      tpu.wait_dma2 semaphore(%run_scoped3A : memref<!tpu.dma_semaphore, #tpu.memory_space<semaphore_mem>>) src(%dma_wait3A_88 : memref<120x128xf32, #tpu.memory_space<vmem_shared>>) dst(%dma_wait3A_86 : memref<120x128xf32, #tpu.memory_space<vmem>>)
      tpu.yield
    }) : () -> ()
    %add3A_67 = arith.constant 512 : i32
    %add3A_68 = arith.addi %mul3A_2, %add3A_67 : i32
    "tpu.region"() ({
      %run_scoped3A = tpu.sem_alloc : memref<!tpu.dma_semaphore, #tpu.memory_space<semaphore_mem>>
      %dma_start3A_69 = arith.constant 0 : i32
      %dma_start3A_70 = arith.constant 0 : i32
      %dma_start3A_71 = tpu.memref_slice %arg12[%dma_start3A_69, %dma_start3A_70] : memref<128x128xf32, #tpu.memory_space<vmem>> -> memref<120x128xf32, #tpu.memory_space<vmem>>
      %dma_start3A_72 = arith.constant 0 : i32
      %dma_start3A_73 = tpu.memref_slice %arg5[%arg0, %add3A_68, %dma_start3A_72] : memref<2x10112x128xf32, #tpu.memory_space<hbm>> -> memref<1x120x128xf32, #tpu.memory_space<hbm>>
      %dma_start3A_74 = tpu.memref_squeeze %dma_start3A_73 : memref<1x120x128xf32, #tpu.memory_space<hbm>> -> memref<120x128xf32, #tpu.memory_space<hbm>>
      %dma_start3A_75 = arith.constant 0 : i32
      %dma_start3A_76 = tpu.memref_slice %arg5[%arg0, %add3A_68, %dma_start3A_75] : memref<2x10112x128xf32, #tpu.memory_space<hbm>> -> memref<1x120x128xf32, #tpu.memory_space<hbm>>
      %dma_start3A_77 = tpu.memref_squeeze %dma_start3A_76 : memref<1x120x128xf32, #tpu.memory_space<hbm>> -> memref<120x128xf32, #tpu.memory_space<hbm>>
      %dma_start3A_78 = arith.constant 0 : i32
      %dma_start3A_79 = arith.constant 0 : i32
      %dma_start3A_80 = tpu.memref_slice %arg12[%dma_start3A_78, %dma_start3A_79] : memref<128x128xf32, #tpu.memory_space<vmem>> -> memref<120x128xf32, #tpu.memory_space<vmem>>
      tpu.enqueue_dma source(%dma_start3A_80 : memref<120x128xf32, #tpu.memory_space<vmem>>) target(%dma_start3A_77 : memref<120x128xf32, #tpu.memory_space<hbm>>) target_semaphore(%run_scoped3A : memref<!tpu.dma_semaphore, #tpu.memory_space<semaphore_mem>>)
      %dma_wait3A_81 = arith.constant 0 : i32
      %dma_wait3A_82 = arith.constant 0 : i32
      %dma_wait3A_83 = tpu.memref_slice %arg12[%dma_wait3A_81, %dma_wait3A_82] : memref<128x128xf32, #tpu.memory_space<vmem>> -> memref<120x128xf32, #tpu.memory_space<vmem>>
      %dma_wait3A_84 = arith.constant 0 : i32
      %dma_wait3A_85 = tpu.memref_slice %arg5[%arg0, %add3A_68, %dma_wait3A_84] : memref<2x10112x128xf32, #tpu.memory_space<hbm>> -> memref<1x120x128xf32, #tpu.memory_space<hbm>>
      %dma_wait3A_86 = tpu.memref_squeeze %dma_wait3A_85 : memref<1x120x128xf32, #tpu.memory_space<hbm>> -> memref<120x128xf32, #tpu.memory_space<hbm>>
      %dma_wait3A_87 = arith.constant 0 : i32
      %dma_wait3A_88 = tpu.memref_slice %arg5[%arg0, %add3A_68, %dma_wait3A_87] : memref<2x10112x128xf32, #tpu.memory_space<hbm>> -> memref<1x120x128xf32, #tpu.memory_space<hbm>>
      %dma_wait3A_89 = tpu.memref_squeeze %dma_wait3A_88 : memref<1x120x128xf32, #tpu.memory_space<hbm>> -> memref<120x128xf32, #tpu.memory_space<hbm>>
      %dma_wait3A_90 = arith.constant 0 : i32
      %dma_wait3A_91 = arith.constant 0 : i32
      %dma_wait3A_92 = tpu.memref_slice %arg12[%dma_wait3A_90, %dma_wait3A_91] : memref<128x128xf32, #tpu.memory_space<vmem>> -> memref<120x128xf32, #tpu.memory_space<vmem>>
      tpu.wait_dma2 semaphore(%run_scoped3A : memref<!tpu.dma_semaphore, #tpu.memory_space<semaphore_mem>>) src(%dma_wait3A_92 : memref<120x128xf32, #tpu.memory_space<vmem>>) dst(%dma_wait3A_89 : memref<120x128xf32, #tpu.memory_space<hbm>>)
      tpu.yield
    }) : () -> ()
    return
  }
}

#map = affine_map<(d0, d1) -> (0, 0)>
#map1 = affine_map<(d0, d1) -> (0)>
#map2 = affine_map<(d0, d1) -> (0, 0, 0)>
module attributes {stable_mosaic.version = 14 : i64} {
  func.func @body(%arg0: i32, %arg1: i32, %arg2: memref<10000x128xf32, #tpu.memory_space<hbm>>, %arg3: memref<322704xi32, #tpu.memory_space<hbm>>, %arg4: memref<322704xi32, #tpu.memory_space<hbm>>, %arg5: memref<10112x128xf32, #tpu.memory_space<hbm>>, %arg6: memref<2x10112x128xf32, #tpu.memory_space<hbm>>, %arg7: memref<10112x128xf32, #tpu.memory_space<vmem_shared>>, %arg8: memref<72xi32, #tpu.memory_space<vmem>>, %arg9: memref<72xi32, #tpu.memory_space<vmem>>, %arg10: memref<72xi32, #tpu.memory_space<vmem>>, %arg11: memref<72xi32, #tpu.memory_space<vmem>>, %arg12: memref<72xi32, #tpu.memory_space<vmem>>, %arg13: memref<72xi32, #tpu.memory_space<vmem>>, %arg14: memref<72xi32, #tpu.memory_space<vmem>>, %arg15: memref<72xi32, #tpu.memory_space<vmem>>, %arg16: memref<72x128xf32, #tpu.memory_space<vmem>>, %arg17: memref<72x128xf32, #tpu.memory_space<vmem>>, %arg18: memref<128x128xf32, #tpu.memory_space<vmem>>, %arg19: memref<!tpu.dma_semaphore, #tpu.memory_space<semaphore_mem>>, %arg20: memref<!tpu.dma_semaphore, #tpu.memory_space<semaphore_mem>>, %arg21: memref<!tpu.dma_semaphore, #tpu.memory_space<semaphore_mem>>, %arg22: memref<!tpu.dma_semaphore, #tpu.memory_space<semaphore_mem>>, %arg23: memref<!tpu.dma_semaphore, #tpu.memory_space<semaphore_mem>>, %arg24: memref<!tpu.dma_semaphore, #tpu.memory_space<semaphore_mem>>, %arg25: memref<!tpu.dma_semaphore, #tpu.memory_space<semaphore_mem>>) attributes {dimension_semantics = [#tpu.dimension_semantics<core_parallel>, #tpu.dimension_semantics<subcore_parallel>], iteration_bounds = array<i64: 2, 16>, scalar_prefetch = 0 : i64, scratch_operands = 19 : i64, tpu.core_type = #tpu.core_type<sc_vector_subcore>, window_params = [{transform_indices = #map}, {transform_indices = #map1}, {transform_indices = #map1}, {transform_indices = #map}, {transform_indices = #map2}]} {
    %mul3A = arith.constant 16 : i32
    %mul3A_0 = arith.muli %arg0, %mul3A : i32
    %add3A = arith.addi %mul3A_0, %arg1 : i32
    %mul3A_1 = arith.constant 632 : i32
    %mul3A_2 = arith.muli %arg1, %mul3A_1 : i32
    "tpu.region"() ({
      %run_scoped3A = tpu.sem_alloc : memref<!tpu.dma_semaphore, #tpu.memory_space<semaphore_mem>>
      %dma_start3A_98 = arith.constant 0 : i32
      %dma_start3A_99 = arith.constant 0 : i32
      %dma_start3A_100 = tpu.memref_slice %arg5[%dma_start3A_98, %dma_start3A_99] : memref<10112x128xf32, #tpu.memory_space<hbm>> -> memref<128x128xf32, #tpu.memory_space<hbm>>
      %dma_start3A_101 = arith.constant 0 : i32
      %dma_start3A_102 = arith.constant 0 : i32
      %dma_start3A_103 = tpu.memref_slice %arg5[%dma_start3A_101, %dma_start3A_102] : memref<10112x128xf32, #tpu.memory_space<hbm>> -> memref<128x128xf32, #tpu.memory_space<hbm>>
      tpu.enqueue_dma source(%dma_start3A_103 : memref<128x128xf32, #tpu.memory_space<hbm>>) target(%arg18 : memref<128x128xf32, #tpu.memory_space<vmem>>) target_semaphore(%run_scoped3A : memref<!tpu.dma_semaphore, #tpu.memory_space<semaphore_mem>>)
      %dma_wait3A_104 = arith.constant 0 : i32
      %dma_wait3A_105 = arith.constant 0 : i32
      %dma_wait3A_106 = tpu.memref_slice %arg5[%dma_wait3A_104, %dma_wait3A_105] : memref<10112x128xf32, #tpu.memory_space<hbm>> -> memref<128x128xf32, #tpu.memory_space<hbm>>
      %dma_wait3A_107 = arith.constant 0 : i32
      %dma_wait3A_108 = arith.constant 0 : i32
      %dma_wait3A_109 = tpu.memref_slice %arg5[%dma_wait3A_107, %dma_wait3A_108] : memref<10112x128xf32, #tpu.memory_space<hbm>> -> memref<128x128xf32, #tpu.memory_space<hbm>>
      tpu.wait_dma2 semaphore(%run_scoped3A : memref<!tpu.dma_semaphore, #tpu.memory_space<semaphore_mem>>) src(%dma_wait3A_109 : memref<128x128xf32, #tpu.memory_space<hbm>>) dst(%arg18 : memref<128x128xf32, #tpu.memory_space<vmem>>)
      tpu.yield
    }) : () -> ()
    %add3A_3 = arith.constant 0 : i32
    %add3A_4 = arith.addi %mul3A_2, %add3A_3 : i32
    "tpu.region"() ({
      %run_scoped3A = tpu.sem_alloc : memref<!tpu.dma_semaphore, #tpu.memory_space<semaphore_mem>>
      %dma_start3A_98 = arith.constant 0 : i32
      %dma_start3A_99 = arith.constant 0 : i32
      %dma_start3A_100 = tpu.memref_slice %arg18[%dma_start3A_98, %dma_start3A_99] : memref<128x128xf32, #tpu.memory_space<vmem>> -> memref<128x128xf32, #tpu.memory_space<vmem>>
      %dma_start3A_101 = arith.constant 0 : i32
      %dma_start3A_102 = tpu.memref_slice %arg7[%add3A_4, %dma_start3A_101] : memref<10112x128xf32, #tpu.memory_space<vmem_shared>> -> memref<128x128xf32, #tpu.memory_space<vmem_shared>>
      %dma_start3A_103 = arith.constant 0 : i32
      %dma_start3A_104 = tpu.memref_slice %arg7[%add3A_4, %dma_start3A_103] : memref<10112x128xf32, #tpu.memory_space<vmem_shared>> -> memref<128x128xf32, #tpu.memory_space<vmem_shared>>
      %dma_start3A_105 = arith.constant 0 : i32
      %dma_start3A_106 = arith.constant 0 : i32
      %dma_start3A_107 = tpu.memref_slice %arg18[%dma_start3A_105, %dma_start3A_106] : memref<128x128xf32, #tpu.memory_space<vmem>> -> memref<128x128xf32, #tpu.memory_space<vmem>>
      tpu.enqueue_dma source(%dma_start3A_107 : memref<128x128xf32, #tpu.memory_space<vmem>>) target(%dma_start3A_104 : memref<128x128xf32, #tpu.memory_space<vmem_shared>>) target_semaphore(%run_scoped3A : memref<!tpu.dma_semaphore, #tpu.memory_space<semaphore_mem>>)
      %dma_wait3A_108 = arith.constant 0 : i32
      %dma_wait3A_109 = arith.constant 0 : i32
      %dma_wait3A_110 = tpu.memref_slice %arg18[%dma_wait3A_108, %dma_wait3A_109] : memref<128x128xf32, #tpu.memory_space<vmem>> -> memref<128x128xf32, #tpu.memory_space<vmem>>
      %dma_wait3A_111 = arith.constant 0 : i32
      %dma_wait3A_112 = tpu.memref_slice %arg7[%add3A_4, %dma_wait3A_111] : memref<10112x128xf32, #tpu.memory_space<vmem_shared>> -> memref<128x128xf32, #tpu.memory_space<vmem_shared>>
      %dma_wait3A_113 = arith.constant 0 : i32
      %dma_wait3A_114 = tpu.memref_slice %arg7[%add3A_4, %dma_wait3A_113] : memref<10112x128xf32, #tpu.memory_space<vmem_shared>> -> memref<128x128xf32, #tpu.memory_space<vmem_shared>>
      %dma_wait3A_115 = arith.constant 0 : i32
      %dma_wait3A_116 = arith.constant 0 : i32
      %dma_wait3A_117 = tpu.memref_slice %arg18[%dma_wait3A_115, %dma_wait3A_116] : memref<128x128xf32, #tpu.memory_space<vmem>> -> memref<128x128xf32, #tpu.memory_space<vmem>>
      tpu.wait_dma2 semaphore(%run_scoped3A : memref<!tpu.dma_semaphore, #tpu.memory_space<semaphore_mem>>) src(%dma_wait3A_117 : memref<128x128xf32, #tpu.memory_space<vmem>>) dst(%dma_wait3A_114 : memref<128x128xf32, #tpu.memory_space<vmem_shared>>)
      tpu.yield
    }) : () -> ()
    %add3A_5 = arith.constant 128 : i32
    %add3A_6 = arith.addi %mul3A_2, %add3A_5 : i32
    "tpu.region"() ({
      %run_scoped3A = tpu.sem_alloc : memref<!tpu.dma_semaphore, #tpu.memory_space<semaphore_mem>>
      %dma_start3A_98 = arith.constant 0 : i32
      %dma_start3A_99 = arith.constant 0 : i32
      %dma_start3A_100 = tpu.memref_slice %arg18[%dma_start3A_98, %dma_start3A_99] : memref<128x128xf32, #tpu.memory_space<vmem>> -> memref<128x128xf32, #tpu.memory_space<vmem>>
      %dma_start3A_101 = arith.constant 0 : i32
      %dma_start3A_102 = tpu.memref_slice %arg7[%add3A_6, %dma_start3A_101] : memref<10112x128xf32, #tpu.memory_space<vmem_shared>> -> memref<128x128xf32, #tpu.memory_space<vmem_shared>>
      %dma_start3A_103 = arith.constant 0 : i32
      %dma_start3A_104 = tpu.memref_slice %arg7[%add3A_6, %dma_start3A_103] : memref<10112x128xf32, #tpu.memory_space<vmem_shared>> -> memref<128x128xf32, #tpu.memory_space<vmem_shared>>
      %dma_start3A_105 = arith.constant 0 : i32
      %dma_start3A_106 = arith.constant 0 : i32
      %dma_start3A_107 = tpu.memref_slice %arg18[%dma_start3A_105, %dma_start3A_106] : memref<128x128xf32, #tpu.memory_space<vmem>> -> memref<128x128xf32, #tpu.memory_space<vmem>>
      tpu.enqueue_dma source(%dma_start3A_107 : memref<128x128xf32, #tpu.memory_space<vmem>>) target(%dma_start3A_104 : memref<128x128xf32, #tpu.memory_space<vmem_shared>>) target_semaphore(%run_scoped3A : memref<!tpu.dma_semaphore, #tpu.memory_space<semaphore_mem>>)
      %dma_wait3A_108 = arith.constant 0 : i32
      %dma_wait3A_109 = arith.constant 0 : i32
      %dma_wait3A_110 = tpu.memref_slice %arg18[%dma_wait3A_108, %dma_wait3A_109] : memref<128x128xf32, #tpu.memory_space<vmem>> -> memref<128x128xf32, #tpu.memory_space<vmem>>
      %dma_wait3A_111 = arith.constant 0 : i32
      %dma_wait3A_112 = tpu.memref_slice %arg7[%add3A_6, %dma_wait3A_111] : memref<10112x128xf32, #tpu.memory_space<vmem_shared>> -> memref<128x128xf32, #tpu.memory_space<vmem_shared>>
      %dma_wait3A_113 = arith.constant 0 : i32
      %dma_wait3A_114 = tpu.memref_slice %arg7[%add3A_6, %dma_wait3A_113] : memref<10112x128xf32, #tpu.memory_space<vmem_shared>> -> memref<128x128xf32, #tpu.memory_space<vmem_shared>>
      %dma_wait3A_115 = arith.constant 0 : i32
      %dma_wait3A_116 = arith.constant 0 : i32
      %dma_wait3A_117 = tpu.memref_slice %arg18[%dma_wait3A_115, %dma_wait3A_116] : memref<128x128xf32, #tpu.memory_space<vmem>> -> memref<128x128xf32, #tpu.memory_space<vmem>>
      tpu.wait_dma2 semaphore(%run_scoped3A : memref<!tpu.dma_semaphore, #tpu.memory_space<semaphore_mem>>) src(%dma_wait3A_117 : memref<128x128xf32, #tpu.memory_space<vmem>>) dst(%dma_wait3A_114 : memref<128x128xf32, #tpu.memory_space<vmem_shared>>)
      tpu.yield
    }) : () -> ()
    %add3A_7 = arith.constant 256 : i32
    %add3A_8 = arith.addi %mul3A_2, %add3A_7 : i32
    "tpu.region"() ({
      %run_scoped3A = tpu.sem_alloc : memref<!tpu.dma_semaphore, #tpu.memory_space<semaphore_mem>>
      %dma_start3A_98 = arith.constant 0 : i32
      %dma_start3A_99 = arith.constant 0 : i32
      %dma_start3A_100 = tpu.memref_slice %arg18[%dma_start3A_98, %dma_start3A_99] : memref<128x128xf32, #tpu.memory_space<vmem>> -> memref<128x128xf32, #tpu.memory_space<vmem>>
      %dma_start3A_101 = arith.constant 0 : i32
      %dma_start3A_102 = tpu.memref_slice %arg7[%add3A_8, %dma_start3A_101] : memref<10112x128xf32, #tpu.memory_space<vmem_shared>> -> memref<128x128xf32, #tpu.memory_space<vmem_shared>>
      %dma_start3A_103 = arith.constant 0 : i32
      %dma_start3A_104 = tpu.memref_slice %arg7[%add3A_8, %dma_start3A_103] : memref<10112x128xf32, #tpu.memory_space<vmem_shared>> -> memref<128x128xf32, #tpu.memory_space<vmem_shared>>
      %dma_start3A_105 = arith.constant 0 : i32
      %dma_start3A_106 = arith.constant 0 : i32
      %dma_start3A_107 = tpu.memref_slice %arg18[%dma_start3A_105, %dma_start3A_106] : memref<128x128xf32, #tpu.memory_space<vmem>> -> memref<128x128xf32, #tpu.memory_space<vmem>>
      tpu.enqueue_dma source(%dma_start3A_107 : memref<128x128xf32, #tpu.memory_space<vmem>>) target(%dma_start3A_104 : memref<128x128xf32, #tpu.memory_space<vmem_shared>>) target_semaphore(%run_scoped3A : memref<!tpu.dma_semaphore, #tpu.memory_space<semaphore_mem>>)
      %dma_wait3A_108 = arith.constant 0 : i32
      %dma_wait3A_109 = arith.constant 0 : i32
      %dma_wait3A_110 = tpu.memref_slice %arg18[%dma_wait3A_108, %dma_wait3A_109] : memref<128x128xf32, #tpu.memory_space<vmem>> -> memref<128x128xf32, #tpu.memory_space<vmem>>
      %dma_wait3A_111 = arith.constant 0 : i32
      %dma_wait3A_112 = tpu.memref_slice %arg7[%add3A_8, %dma_wait3A_111] : memref<10112x128xf32, #tpu.memory_space<vmem_shared>> -> memref<128x128xf32, #tpu.memory_space<vmem_shared>>
      %dma_wait3A_113 = arith.constant 0 : i32
      %dma_wait3A_114 = tpu.memref_slice %arg7[%add3A_8, %dma_wait3A_113] : memref<10112x128xf32, #tpu.memory_space<vmem_shared>> -> memref<128x128xf32, #tpu.memory_space<vmem_shared>>
      %dma_wait3A_115 = arith.constant 0 : i32
      %dma_wait3A_116 = arith.constant 0 : i32
      %dma_wait3A_117 = tpu.memref_slice %arg18[%dma_wait3A_115, %dma_wait3A_116] : memref<128x128xf32, #tpu.memory_space<vmem>> -> memref<128x128xf32, #tpu.memory_space<vmem>>
      tpu.wait_dma2 semaphore(%run_scoped3A : memref<!tpu.dma_semaphore, #tpu.memory_space<semaphore_mem>>) src(%dma_wait3A_117 : memref<128x128xf32, #tpu.memory_space<vmem>>) dst(%dma_wait3A_114 : memref<128x128xf32, #tpu.memory_space<vmem_shared>>)
      tpu.yield
    }) : () -> ()
    %add3A_9 = arith.constant 384 : i32
    %add3A_10 = arith.addi %mul3A_2, %add3A_9 : i32
    "tpu.region"() ({
      %run_scoped3A = tpu.sem_alloc : memref<!tpu.dma_semaphore, #tpu.memory_space<semaphore_mem>>
      %dma_start3A_98 = arith.constant 0 : i32
      %dma_start3A_99 = arith.constant 0 : i32
      %dma_start3A_100 = tpu.memref_slice %arg18[%dma_start3A_98, %dma_start3A_99] : memref<128x128xf32, #tpu.memory_space<vmem>> -> memref<128x128xf32, #tpu.memory_space<vmem>>
      %dma_start3A_101 = arith.constant 0 : i32
      %dma_start3A_102 = tpu.memref_slice %arg7[%add3A_10, %dma_start3A_101] : memref<10112x128xf32, #tpu.memory_space<vmem_shared>> -> memref<128x128xf32, #tpu.memory_space<vmem_shared>>
      %dma_start3A_103 = arith.constant 0 : i32
      %dma_start3A_104 = tpu.memref_slice %arg7[%add3A_10, %dma_start3A_103] : memref<10112x128xf32, #tpu.memory_space<vmem_shared>> -> memref<128x128xf32, #tpu.memory_space<vmem_shared>>
      %dma_start3A_105 = arith.constant 0 : i32
      %dma_start3A_106 = arith.constant 0 : i32
      %dma_start3A_107 = tpu.memref_slice %arg18[%dma_start3A_105, %dma_start3A_106] : memref<128x128xf32, #tpu.memory_space<vmem>> -> memref<128x128xf32, #tpu.memory_space<vmem>>
      tpu.enqueue_dma source(%dma_start3A_107 : memref<128x128xf32, #tpu.memory_space<vmem>>) target(%dma_start3A_104 : memref<128x128xf32, #tpu.memory_space<vmem_shared>>) target_semaphore(%run_scoped3A : memref<!tpu.dma_semaphore, #tpu.memory_space<semaphore_mem>>)
      %dma_wait3A_108 = arith.constant 0 : i32
      %dma_wait3A_109 = arith.constant 0 : i32
      %dma_wait3A_110 = tpu.memref_slice %arg18[%dma_wait3A_108, %dma_wait3A_109] : memref<128x128xf32, #tpu.memory_space<vmem>> -> memref<128x128xf32, #tpu.memory_space<vmem>>
      %dma_wait3A_111 = arith.constant 0 : i32
      %dma_wait3A_112 = tpu.memref_slice %arg7[%add3A_10, %dma_wait3A_111] : memref<10112x128xf32, #tpu.memory_space<vmem_shared>> -> memref<128x128xf32, #tpu.memory_space<vmem_shared>>
      %dma_wait3A_113 = arith.constant 0 : i32
      %dma_wait3A_114 = tpu.memref_slice %arg7[%add3A_10, %dma_wait3A_113] : memref<10112x128xf32, #tpu.memory_space<vmem_shared>> -> memref<128x128xf32, #tpu.memory_space<vmem_shared>>
      %dma_wait3A_115 = arith.constant 0 : i32
      %dma_wait3A_116 = arith.constant 0 : i32
      %dma_wait3A_117 = tpu.memref_slice %arg18[%dma_wait3A_115, %dma_wait3A_116] : memref<128x128xf32, #tpu.memory_space<vmem>> -> memref<128x128xf32, #tpu.memory_space<vmem>>
      tpu.wait_dma2 semaphore(%run_scoped3A : memref<!tpu.dma_semaphore, #tpu.memory_space<semaphore_mem>>) src(%dma_wait3A_117 : memref<128x128xf32, #tpu.memory_space<vmem>>) dst(%dma_wait3A_114 : memref<128x128xf32, #tpu.memory_space<vmem_shared>>)
      tpu.yield
    }) : () -> ()
    %add3A_11 = arith.constant 512 : i32
    %add3A_12 = arith.addi %mul3A_2, %add3A_11 : i32
    "tpu.region"() ({
      %run_scoped3A = tpu.sem_alloc : memref<!tpu.dma_semaphore, #tpu.memory_space<semaphore_mem>>
      %dma_start3A_98 = arith.constant 0 : i32
      %dma_start3A_99 = arith.constant 0 : i32
      %dma_start3A_100 = tpu.memref_slice %arg18[%dma_start3A_98, %dma_start3A_99] : memref<128x128xf32, #tpu.memory_space<vmem>> -> memref<120x128xf32, #tpu.memory_space<vmem>>
      %dma_start3A_101 = arith.constant 0 : i32
      %dma_start3A_102 = tpu.memref_slice %arg7[%add3A_12, %dma_start3A_101] : memref<10112x128xf32, #tpu.memory_space<vmem_shared>> -> memref<120x128xf32, #tpu.memory_space<vmem_shared>>
      %dma_start3A_103 = arith.constant 0 : i32
      %dma_start3A_104 = tpu.memref_slice %arg7[%add3A_12, %dma_start3A_103] : memref<10112x128xf32, #tpu.memory_space<vmem_shared>> -> memref<120x128xf32, #tpu.memory_space<vmem_shared>>
      %dma_start3A_105 = arith.constant 0 : i32
      %dma_start3A_106 = arith.constant 0 : i32
      %dma_start3A_107 = tpu.memref_slice %arg18[%dma_start3A_105, %dma_start3A_106] : memref<128x128xf32, #tpu.memory_space<vmem>> -> memref<120x128xf32, #tpu.memory_space<vmem>>
      tpu.enqueue_dma source(%dma_start3A_107 : memref<120x128xf32, #tpu.memory_space<vmem>>) target(%dma_start3A_104 : memref<120x128xf32, #tpu.memory_space<vmem_shared>>) target_semaphore(%run_scoped3A : memref<!tpu.dma_semaphore, #tpu.memory_space<semaphore_mem>>)
      %dma_wait3A_108 = arith.constant 0 : i32
      %dma_wait3A_109 = arith.constant 0 : i32
      %dma_wait3A_110 = tpu.memref_slice %arg18[%dma_wait3A_108, %dma_wait3A_109] : memref<128x128xf32, #tpu.memory_space<vmem>> -> memref<120x128xf32, #tpu.memory_space<vmem>>
      %dma_wait3A_111 = arith.constant 0 : i32
      %dma_wait3A_112 = tpu.memref_slice %arg7[%add3A_12, %dma_wait3A_111] : memref<10112x128xf32, #tpu.memory_space<vmem_shared>> -> memref<120x128xf32, #tpu.memory_space<vmem_shared>>
      %dma_wait3A_113 = arith.constant 0 : i32
      %dma_wait3A_114 = tpu.memref_slice %arg7[%add3A_12, %dma_wait3A_113] : memref<10112x128xf32, #tpu.memory_space<vmem_shared>> -> memref<120x128xf32, #tpu.memory_space<vmem_shared>>
      %dma_wait3A_115 = arith.constant 0 : i32
      %dma_wait3A_116 = arith.constant 0 : i32
      %dma_wait3A_117 = tpu.memref_slice %arg18[%dma_wait3A_115, %dma_wait3A_116] : memref<128x128xf32, #tpu.memory_space<vmem>> -> memref<120x128xf32, #tpu.memory_space<vmem>>
      tpu.wait_dma2 semaphore(%run_scoped3A : memref<!tpu.dma_semaphore, #tpu.memory_space<semaphore_mem>>) src(%dma_wait3A_117 : memref<120x128xf32, #tpu.memory_space<vmem>>) dst(%dma_wait3A_114 : memref<120x128xf32, #tpu.memory_space<vmem_shared>>)
      tpu.yield
    }) : () -> ()
    %barrier3A = arith.constant 0 : index
    tpu.barrier barrier_id(%barrier3A)
    %eq3A = arith.constant 0 : i32
    %eq3A_13 = arith.cmpi eq, %arg0, %eq3A : i32
    %mul3A_14 = arith.constant 14400 : i32
    %mul3A_15 = arith.muli %arg1, %mul3A_14 : i32
    %mul3A_16 = arith.constant 5760 : i32
    %mul3A_17 = arith.muli %arg1, %mul3A_16 : i32
    %add3A_18 = arith.constant 230400 : i32
    %add3A_19 = arith.addi %add3A_18, %mul3A_17 : i32
    %select_n3A = arith.select %eq3A_13, %mul3A_15, %add3A_19 : i32
    %eq3A_20 = arith.constant 0 : i32
    %eq3A_21 = arith.cmpi eq, %arg0, %eq3A_20 : i32
    %jit3A = arith.constant 50 : i32
    %jit3A_22 = arith.constant 20 : i32
    %select_n3A_23 = arith.select %eq3A_21, %jit3A, %jit3A_22 : i32
    %add3A_24 = arith.constant 0 : i32
    %add3A_25 = arith.addi %select_n3A, %add3A_24 : i32
    %dma_start3A = tpu.memref_slice %arg3[%add3A_25] : memref<322704xi32, #tpu.memory_space<hbm>> -> memref<72xi32, #tpu.memory_space<hbm>>
    %dma_start3A_26 = tpu.memref_slice %arg3[%add3A_25] : memref<322704xi32, #tpu.memory_space<hbm>> -> memref<72xi32, #tpu.memory_space<hbm>>
    tpu.enqueue_dma source(%dma_start3A_26 : memref<72xi32, #tpu.memory_space<hbm>>) target(%arg8 : memref<72xi32, #tpu.memory_space<vmem>>) target_semaphore(%arg22 : memref<!tpu.dma_semaphore, #tpu.memory_space<semaphore_mem>>)
    %dma_start3A_27 = tpu.memref_slice %arg4[%add3A_25] : memref<322704xi32, #tpu.memory_space<hbm>> -> memref<72xi32, #tpu.memory_space<hbm>>
    %dma_start3A_28 = tpu.memref_slice %arg4[%add3A_25] : memref<322704xi32, #tpu.memory_space<hbm>> -> memref<72xi32, #tpu.memory_space<hbm>>
    tpu.enqueue_dma source(%dma_start3A_28 : memref<72xi32, #tpu.memory_space<hbm>>) target(%arg12 : memref<72xi32, #tpu.memory_space<vmem>>) target_semaphore(%arg22 : memref<!tpu.dma_semaphore, #tpu.memory_space<semaphore_mem>>)
    %add3A_29 = arith.constant 72 : i32
    %add3A_30 = arith.addi %select_n3A, %add3A_29 : i32
    %dma_start3A_31 = tpu.memref_slice %arg3[%add3A_30] : memref<322704xi32, #tpu.memory_space<hbm>> -> memref<72xi32, #tpu.memory_space<hbm>>
    %dma_start3A_32 = tpu.memref_slice %arg3[%add3A_30] : memref<322704xi32, #tpu.memory_space<hbm>> -> memref<72xi32, #tpu.memory_space<hbm>>
    tpu.enqueue_dma source(%dma_start3A_32 : memref<72xi32, #tpu.memory_space<hbm>>) target(%arg9 : memref<72xi32, #tpu.memory_space<vmem>>) target_semaphore(%arg23 : memref<!tpu.dma_semaphore, #tpu.memory_space<semaphore_mem>>)
    %dma_start3A_33 = tpu.memref_slice %arg4[%add3A_30] : memref<322704xi32, #tpu.memory_space<hbm>> -> memref<72xi32, #tpu.memory_space<hbm>>
    %dma_start3A_34 = tpu.memref_slice %arg4[%add3A_30] : memref<322704xi32, #tpu.memory_space<hbm>> -> memref<72xi32, #tpu.memory_space<hbm>>
    tpu.enqueue_dma source(%dma_start3A_34 : memref<72xi32, #tpu.memory_space<hbm>>) target(%arg13 : memref<72xi32, #tpu.memory_space<vmem>>) target_semaphore(%arg23 : memref<!tpu.dma_semaphore, #tpu.memory_space<semaphore_mem>>)
    %add3A_35 = arith.constant 144 : i32
    %add3A_36 = arith.addi %select_n3A, %add3A_35 : i32
    %dma_start3A_37 = tpu.memref_slice %arg3[%add3A_36] : memref<322704xi32, #tpu.memory_space<hbm>> -> memref<72xi32, #tpu.memory_space<hbm>>
    %dma_start3A_38 = tpu.memref_slice %arg3[%add3A_36] : memref<322704xi32, #tpu.memory_space<hbm>> -> memref<72xi32, #tpu.memory_space<hbm>>
    tpu.enqueue_dma source(%dma_start3A_38 : memref<72xi32, #tpu.memory_space<hbm>>) target(%arg10 : memref<72xi32, #tpu.memory_space<vmem>>) target_semaphore(%arg24 : memref<!tpu.dma_semaphore, #tpu.memory_space<semaphore_mem>>)
    %dma_start3A_39 = tpu.memref_slice %arg4[%add3A_36] : memref<322704xi32, #tpu.memory_space<hbm>> -> memref<72xi32, #tpu.memory_space<hbm>>
    %dma_start3A_40 = tpu.memref_slice %arg4[%add3A_36] : memref<322704xi32, #tpu.memory_space<hbm>> -> memref<72xi32, #tpu.memory_space<hbm>>
    tpu.enqueue_dma source(%dma_start3A_40 : memref<72xi32, #tpu.memory_space<hbm>>) target(%arg14 : memref<72xi32, #tpu.memory_space<vmem>>) target_semaphore(%arg24 : memref<!tpu.dma_semaphore, #tpu.memory_space<semaphore_mem>>)
    %add3A_41 = arith.constant 216 : i32
    %add3A_42 = arith.addi %select_n3A, %add3A_41 : i32
    %dma_start3A_43 = tpu.memref_slice %arg3[%add3A_42] : memref<322704xi32, #tpu.memory_space<hbm>> -> memref<72xi32, #tpu.memory_space<hbm>>
    %dma_start3A_44 = tpu.memref_slice %arg3[%add3A_42] : memref<322704xi32, #tpu.memory_space<hbm>> -> memref<72xi32, #tpu.memory_space<hbm>>
    tpu.enqueue_dma source(%dma_start3A_44 : memref<72xi32, #tpu.memory_space<hbm>>) target(%arg11 : memref<72xi32, #tpu.memory_space<vmem>>) target_semaphore(%arg25 : memref<!tpu.dma_semaphore, #tpu.memory_space<semaphore_mem>>)
    %dma_start3A_45 = tpu.memref_slice %arg4[%add3A_42] : memref<322704xi32, #tpu.memory_space<hbm>> -> memref<72xi32, #tpu.memory_space<hbm>>
    %dma_start3A_46 = tpu.memref_slice %arg4[%add3A_42] : memref<322704xi32, #tpu.memory_space<hbm>> -> memref<72xi32, #tpu.memory_space<hbm>>
    tpu.enqueue_dma source(%dma_start3A_46 : memref<72xi32, #tpu.memory_space<hbm>>) target(%arg15 : memref<72xi32, #tpu.memory_space<vmem>>) target_semaphore(%arg25 : memref<!tpu.dma_semaphore, #tpu.memory_space<semaphore_mem>>)
    %while3A = arith.constant 0 : i32
    %while3A_47 = arith.constant 0 : i32
    %while3A_48 = arith.subi %select_n3A_23, %while3A_47 : i32
    %while3A_49 = arith.addi %while3A_47, %while3A_48 : i32
    %while3A_50 = arith.constant 1 : i32
    %while3A_51 = arith.divsi %while3A_48, %while3A_50 : i32
    %while3A_52 = arith.muli %while3A_51, %while3A_50 : i32
    %while3A_53 = arith.addi %while3A_47, %while3A_52 : i32
    %while3A_54 = arith.constant 1 : i32
    scf.for %while3A_98 = %while3A_47 to %while3A_53 step %while3A_54  : i32 {
      %mul3A_99 = arith.constant 4 : i32
      %mul3A_100 = arith.muli %mul3A_99, %while3A_98 : i32
      %add3A_101 = arith.constant 0 : i32
      %add3A_102 = arith.addi %mul3A_100, %add3A_101 : i32
      %gt3A = arith.constant 0 : i32
      %gt3A_103 = arith.cmpi sgt, %while3A_98, %gt3A : i32
      %convert_element_type3A = arith.extui %gt3A_103 : i1 to i32
      %cond3A = arith.constant 0 : i32
      %cond3A_104 = arith.cmpi ne, %convert_element_type3A, %cond3A : i32
      scf.if %cond3A_104 {
        %dma_wait3A_214 = arith.constant 0 : i32
        %dma_wait3A_215 = arith.constant 0 : i32
        %dma_wait3A_216 = tpu.memref_slice %arg7[%dma_wait3A_214, %dma_wait3A_215] : memref<10112x128xf32, #tpu.memory_space<vmem_shared>> -> memref<10112x128xf32, #tpu.memory_space<vmem_shared>>
        tpu.wait_indirect_dma semaphore(%arg20 : memref<!tpu.dma_semaphore, #tpu.memory_space<semaphore_mem>>) src(%arg16 : memref<72x128xf32, #tpu.memory_space<vmem>>) dst(%dma_wait3A_216 : memref<10112x128xf32, #tpu.memory_space<vmem_shared>>)
        %add3A_217 = arith.constant 2 : i32
        %add3A_218 = arith.addi %add3A_102, %add3A_217 : i32
        %mul3A_219 = arith.constant 72 : i32
        %mul3A_220 = arith.muli %add3A_218, %mul3A_219 : i32
        %add3A_221 = arith.addi %select_n3A, %mul3A_220 : i32
        %dma_start3A_222 = tpu.memref_slice %arg3[%add3A_221] : memref<322704xi32, #tpu.memory_space<hbm>> -> memref<72xi32, #tpu.memory_space<hbm>>
        %dma_start3A_223 = tpu.memref_slice %arg3[%add3A_221] : memref<322704xi32, #tpu.memory_space<hbm>> -> memref<72xi32, #tpu.memory_space<hbm>>
        tpu.enqueue_dma source(%dma_start3A_223 : memref<72xi32, #tpu.memory_space<hbm>>) target(%arg10 : memref<72xi32, #tpu.memory_space<vmem>>) target_semaphore(%arg24 : memref<!tpu.dma_semaphore, #tpu.memory_space<semaphore_mem>>)
        %dma_start3A_224 = tpu.memref_slice %arg4[%add3A_221] : memref<322704xi32, #tpu.memory_space<hbm>> -> memref<72xi32, #tpu.memory_space<hbm>>
        %dma_start3A_225 = tpu.memref_slice %arg4[%add3A_221] : memref<322704xi32, #tpu.memory_space<hbm>> -> memref<72xi32, #tpu.memory_space<hbm>>
        tpu.enqueue_dma source(%dma_start3A_225 : memref<72xi32, #tpu.memory_space<hbm>>) target(%arg14 : memref<72xi32, #tpu.memory_space<vmem>>) target_semaphore(%arg24 : memref<!tpu.dma_semaphore, #tpu.memory_space<semaphore_mem>>)
      } else {
      }
      %dma_wait3A_105 = arith.constant 0 : i32
      %dma_wait3A_106 = tpu.memref_slice %arg3[%dma_wait3A_105] : memref<322704xi32, #tpu.memory_space<hbm>> -> memref<72xi32, #tpu.memory_space<hbm>>
      %dma_wait3A_107 = arith.constant 0 : i32
      %dma_wait3A_108 = tpu.memref_slice %arg3[%dma_wait3A_107] : memref<322704xi32, #tpu.memory_space<hbm>> -> memref<72xi32, #tpu.memory_space<hbm>>
      tpu.wait_dma2 semaphore(%arg22 : memref<!tpu.dma_semaphore, #tpu.memory_space<semaphore_mem>>) src(%dma_wait3A_108 : memref<72xi32, #tpu.memory_space<hbm>>) dst(%arg8 : memref<72xi32, #tpu.memory_space<vmem>>)
      %dma_wait3A_109 = arith.constant 0 : i32
      %dma_wait3A_110 = tpu.memref_slice %arg4[%dma_wait3A_109] : memref<322704xi32, #tpu.memory_space<hbm>> -> memref<72xi32, #tpu.memory_space<hbm>>
      %dma_wait3A_111 = arith.constant 0 : i32
      %dma_wait3A_112 = tpu.memref_slice %arg4[%dma_wait3A_111] : memref<322704xi32, #tpu.memory_space<hbm>> -> memref<72xi32, #tpu.memory_space<hbm>>
      tpu.wait_dma2 semaphore(%arg22 : memref<!tpu.dma_semaphore, #tpu.memory_space<semaphore_mem>>) src(%dma_wait3A_112 : memref<72xi32, #tpu.memory_space<hbm>>) dst(%arg12 : memref<72xi32, #tpu.memory_space<vmem>>)
      %dma_start3A_113 = arith.constant 0 : i32
      %dma_start3A_114 = arith.constant 0 : i32
      %dma_start3A_115 = tpu.memref_slice %arg2[%dma_start3A_113, %dma_start3A_114] : memref<10000x128xf32, #tpu.memory_space<hbm>> -> memref<10000x128xf32, #tpu.memory_space<hbm>>
      tpu.enqueue_indirect_dma source(%dma_start3A_115 : memref<10000x128xf32, #tpu.memory_space<hbm>>) target(%arg16 : memref<72x128xf32, #tpu.memory_space<vmem>>) offsets(%arg8 : memref<72xi32, #tpu.memory_space<vmem>>) semaphore(%arg19 : memref<!tpu.dma_semaphore, #tpu.memory_space<semaphore_mem>>)
      %dma_wait3A_116 = arith.constant 0 : i32
      %dma_wait3A_117 = arith.constant 0 : i32
      %dma_wait3A_118 = tpu.memref_slice %arg2[%dma_wait3A_116, %dma_wait3A_117] : memref<10000x128xf32, #tpu.memory_space<hbm>> -> memref<10000x128xf32, #tpu.memory_space<hbm>>
      tpu.wait_indirect_dma semaphore(%arg19 : memref<!tpu.dma_semaphore, #tpu.memory_space<semaphore_mem>>) src(%dma_wait3A_118 : memref<10000x128xf32, #tpu.memory_space<hbm>>) dst(%arg16 : memref<72x128xf32, #tpu.memory_space<vmem>>)
      %dma_start3A_119 = arith.constant 0 : i32
      %dma_start3A_120 = arith.constant 0 : i32
      %dma_start3A_121 = tpu.memref_slice %arg7[%dma_start3A_119, %dma_start3A_120] : memref<10112x128xf32, #tpu.memory_space<vmem_shared>> -> memref<10112x128xf32, #tpu.memory_space<vmem_shared>>
      tpu.enqueue_indirect_dma source(%arg16 : memref<72x128xf32, #tpu.memory_space<vmem>>) target(%dma_start3A_121 : memref<10112x128xf32, #tpu.memory_space<vmem_shared>>) offsets(%arg12 : memref<72xi32, #tpu.memory_space<vmem>>) semaphore(%arg20 : memref<!tpu.dma_semaphore, #tpu.memory_space<semaphore_mem>>) {add = true}
      %mul3A_122 = arith.constant 4 : i32
      %mul3A_123 = arith.muli %mul3A_122, %while3A_98 : i32
      %add3A_124 = arith.constant 1 : i32
      %add3A_125 = arith.addi %mul3A_123, %add3A_124 : i32
      %gt3A_126 = arith.constant 0 : i32
      %gt3A_127 = arith.cmpi sgt, %while3A_98, %gt3A_126 : i32
      %convert_element_type3A_128 = arith.extui %gt3A_127 : i1 to i32
      %cond3A_129 = arith.constant 0 : i32
      %cond3A_130 = arith.cmpi ne, %convert_element_type3A_128, %cond3A_129 : i32
      scf.if %cond3A_130 {
        %dma_wait3A_214 = arith.constant 0 : i32
        %dma_wait3A_215 = arith.constant 0 : i32
        %dma_wait3A_216 = tpu.memref_slice %arg7[%dma_wait3A_214, %dma_wait3A_215] : memref<10112x128xf32, #tpu.memory_space<vmem_shared>> -> memref<10112x128xf32, #tpu.memory_space<vmem_shared>>
        tpu.wait_indirect_dma semaphore(%arg21 : memref<!tpu.dma_semaphore, #tpu.memory_space<semaphore_mem>>) src(%arg17 : memref<72x128xf32, #tpu.memory_space<vmem>>) dst(%dma_wait3A_216 : memref<10112x128xf32, #tpu.memory_space<vmem_shared>>)
        %add3A_217 = arith.constant 2 : i32
        %add3A_218 = arith.addi %add3A_125, %add3A_217 : i32
        %mul3A_219 = arith.constant 72 : i32
        %mul3A_220 = arith.muli %add3A_218, %mul3A_219 : i32
        %add3A_221 = arith.addi %select_n3A, %mul3A_220 : i32
        %dma_start3A_222 = tpu.memref_slice %arg3[%add3A_221] : memref<322704xi32, #tpu.memory_space<hbm>> -> memref<72xi32, #tpu.memory_space<hbm>>
        %dma_start3A_223 = tpu.memref_slice %arg3[%add3A_221] : memref<322704xi32, #tpu.memory_space<hbm>> -> memref<72xi32, #tpu.memory_space<hbm>>
        tpu.enqueue_dma source(%dma_start3A_223 : memref<72xi32, #tpu.memory_space<hbm>>) target(%arg11 : memref<72xi32, #tpu.memory_space<vmem>>) target_semaphore(%arg25 : memref<!tpu.dma_semaphore, #tpu.memory_space<semaphore_mem>>)
        %dma_start3A_224 = tpu.memref_slice %arg4[%add3A_221] : memref<322704xi32, #tpu.memory_space<hbm>> -> memref<72xi32, #tpu.memory_space<hbm>>
        %dma_start3A_225 = tpu.memref_slice %arg4[%add3A_221] : memref<322704xi32, #tpu.memory_space<hbm>> -> memref<72xi32, #tpu.memory_space<hbm>>
        tpu.enqueue_dma source(%dma_start3A_225 : memref<72xi32, #tpu.memory_space<hbm>>) target(%arg15 : memref<72xi32, #tpu.memory_space<vmem>>) target_semaphore(%arg25 : memref<!tpu.dma_semaphore, #tpu.memory_space<semaphore_mem>>)
      } else {
      }
      %dma_wait3A_131 = arith.constant 0 : i32
      %dma_wait3A_132 = tpu.memref_slice %arg3[%dma_wait3A_131] : memref<322704xi32, #tpu.memory_space<hbm>> -> memref<72xi32, #tpu.memory_space<hbm>>
      %dma_wait3A_133 = arith.constant 0 : i32
      %dma_wait3A_134 = tpu.memref_slice %arg3[%dma_wait3A_133] : memref<322704xi32, #tpu.memory_space<hbm>> -> memref<72xi32, #tpu.memory_space<hbm>>
      tpu.wait_dma2 semaphore(%arg23 : memref<!tpu.dma_semaphore, #tpu.memory_space<semaphore_mem>>) src(%dma_wait3A_134 : memref<72xi32, #tpu.memory_space<hbm>>) dst(%arg9 : memref<72xi32, #tpu.memory_space<vmem>>)
      %dma_wait3A_135 = arith.constant 0 : i32
      %dma_wait3A_136 = tpu.memref_slice %arg4[%dma_wait3A_135] : memref<322704xi32, #tpu.memory_space<hbm>> -> memref<72xi32, #tpu.memory_space<hbm>>
      %dma_wait3A_137 = arith.constant 0 : i32
      %dma_wait3A_138 = tpu.memref_slice %arg4[%dma_wait3A_137] : memref<322704xi32, #tpu.memory_space<hbm>> -> memref<72xi32, #tpu.memory_space<hbm>>
      tpu.wait_dma2 semaphore(%arg23 : memref<!tpu.dma_semaphore, #tpu.memory_space<semaphore_mem>>) src(%dma_wait3A_138 : memref<72xi32, #tpu.memory_space<hbm>>) dst(%arg13 : memref<72xi32, #tpu.memory_space<vmem>>)
      %dma_start3A_139 = arith.constant 0 : i32
      %dma_start3A_140 = arith.constant 0 : i32
      %dma_start3A_141 = tpu.memref_slice %arg2[%dma_start3A_139, %dma_start3A_140] : memref<10000x128xf32, #tpu.memory_space<hbm>> -> memref<10000x128xf32, #tpu.memory_space<hbm>>
      tpu.enqueue_indirect_dma source(%dma_start3A_141 : memref<10000x128xf32, #tpu.memory_space<hbm>>) target(%arg17 : memref<72x128xf32, #tpu.memory_space<vmem>>) offsets(%arg9 : memref<72xi32, #tpu.memory_space<vmem>>) semaphore(%arg19 : memref<!tpu.dma_semaphore, #tpu.memory_space<semaphore_mem>>)
      %dma_wait3A_142 = arith.constant 0 : i32
      %dma_wait3A_143 = arith.constant 0 : i32
      %dma_wait3A_144 = tpu.memref_slice %arg2[%dma_wait3A_142, %dma_wait3A_143] : memref<10000x128xf32, #tpu.memory_space<hbm>> -> memref<10000x128xf32, #tpu.memory_space<hbm>>
      tpu.wait_indirect_dma semaphore(%arg19 : memref<!tpu.dma_semaphore, #tpu.memory_space<semaphore_mem>>) src(%dma_wait3A_144 : memref<10000x128xf32, #tpu.memory_space<hbm>>) dst(%arg17 : memref<72x128xf32, #tpu.memory_space<vmem>>)
      %dma_start3A_145 = arith.constant 0 : i32
      %dma_start3A_146 = arith.constant 0 : i32
      %dma_start3A_147 = tpu.memref_slice %arg7[%dma_start3A_145, %dma_start3A_146] : memref<10112x128xf32, #tpu.memory_space<vmem_shared>> -> memref<10112x128xf32, #tpu.memory_space<vmem_shared>>
      tpu.enqueue_indirect_dma source(%arg17 : memref<72x128xf32, #tpu.memory_space<vmem>>) target(%dma_start3A_147 : memref<10112x128xf32, #tpu.memory_space<vmem_shared>>) offsets(%arg13 : memref<72xi32, #tpu.memory_space<vmem>>) semaphore(%arg21 : memref<!tpu.dma_semaphore, #tpu.memory_space<semaphore_mem>>) {add = true}
      %mul3A_148 = arith.constant 4 : i32
      %mul3A_149 = arith.muli %mul3A_148, %while3A_98 : i32
      %add3A_150 = arith.constant 2 : i32
      %add3A_151 = arith.addi %mul3A_149, %add3A_150 : i32
      %dma_wait3A_152 = arith.constant 0 : i32
      %dma_wait3A_153 = arith.constant 0 : i32
      %dma_wait3A_154 = tpu.memref_slice %arg7[%dma_wait3A_152, %dma_wait3A_153] : memref<10112x128xf32, #tpu.memory_space<vmem_shared>> -> memref<10112x128xf32, #tpu.memory_space<vmem_shared>>
      tpu.wait_indirect_dma semaphore(%arg20 : memref<!tpu.dma_semaphore, #tpu.memory_space<semaphore_mem>>) src(%arg16 : memref<72x128xf32, #tpu.memory_space<vmem>>) dst(%dma_wait3A_154 : memref<10112x128xf32, #tpu.memory_space<vmem_shared>>)
      %add3A_155 = arith.constant 2 : i32
      %add3A_156 = arith.addi %add3A_151, %add3A_155 : i32
      %mul3A_157 = arith.constant 72 : i32
      %mul3A_158 = arith.muli %add3A_156, %mul3A_157 : i32
      %add3A_159 = arith.addi %select_n3A, %mul3A_158 : i32
      %dma_start3A_160 = tpu.memref_slice %arg3[%add3A_159] : memref<322704xi32, #tpu.memory_space<hbm>> -> memref<72xi32, #tpu.memory_space<hbm>>
      %dma_start3A_161 = tpu.memref_slice %arg3[%add3A_159] : memref<322704xi32, #tpu.memory_space<hbm>> -> memref<72xi32, #tpu.memory_space<hbm>>
      tpu.enqueue_dma source(%dma_start3A_161 : memref<72xi32, #tpu.memory_space<hbm>>) target(%arg8 : memref<72xi32, #tpu.memory_space<vmem>>) target_semaphore(%arg22 : memref<!tpu.dma_semaphore, #tpu.memory_space<semaphore_mem>>)
      %dma_start3A_162 = tpu.memref_slice %arg4[%add3A_159] : memref<322704xi32, #tpu.memory_space<hbm>> -> memref<72xi32, #tpu.memory_space<hbm>>
      %dma_start3A_163 = tpu.memref_slice %arg4[%add3A_159] : memref<322704xi32, #tpu.memory_space<hbm>> -> memref<72xi32, #tpu.memory_space<hbm>>
      tpu.enqueue_dma source(%dma_start3A_163 : memref<72xi32, #tpu.memory_space<hbm>>) target(%arg12 : memref<72xi32, #tpu.memory_space<vmem>>) target_semaphore(%arg22 : memref<!tpu.dma_semaphore, #tpu.memory_space<semaphore_mem>>)
      %dma_wait3A_164 = arith.constant 0 : i32
      %dma_wait3A_165 = tpu.memref_slice %arg3[%dma_wait3A_164] : memref<322704xi32, #tpu.memory_space<hbm>> -> memref<72xi32, #tpu.memory_space<hbm>>
      %dma_wait3A_166 = arith.constant 0 : i32
      %dma_wait3A_167 = tpu.memref_slice %arg3[%dma_wait3A_166] : memref<322704xi32, #tpu.memory_space<hbm>> -> memref<72xi32, #tpu.memory_space<hbm>>
      tpu.wait_dma2 semaphore(%arg24 : memref<!tpu.dma_semaphore, #tpu.memory_space<semaphore_mem>>) src(%dma_wait3A_167 : memref<72xi32, #tpu.memory_space<hbm>>) dst(%arg10 : memref<72xi32, #tpu.memory_space<vmem>>)
      %dma_wait3A_168 = arith.constant 0 : i32
      %dma_wait3A_169 = tpu.memref_slice %arg4[%dma_wait3A_168] : memref<322704xi32, #tpu.memory_space<hbm>> -> memref<72xi32, #tpu.memory_space<hbm>>
      %dma_wait3A_170 = arith.constant 0 : i32
      %dma_wait3A_171 = tpu.memref_slice %arg4[%dma_wait3A_170] : memref<322704xi32, #tpu.memory_space<hbm>> -> memref<72xi32, #tpu.memory_space<hbm>>
      tpu.wait_dma2 semaphore(%arg24 : memref<!tpu.dma_semaphore, #tpu.memory_space<semaphore_mem>>) src(%dma_wait3A_171 : memref<72xi32, #tpu.memory_space<hbm>>) dst(%arg14 : memref<72xi32, #tpu.memory_space<vmem>>)
      %dma_start3A_172 = arith.constant 0 : i32
      %dma_start3A_173 = arith.constant 0 : i32
      %dma_start3A_174 = tpu.memref_slice %arg2[%dma_start3A_172, %dma_start3A_173] : memref<10000x128xf32, #tpu.memory_space<hbm>> -> memref<10000x128xf32, #tpu.memory_space<hbm>>
      tpu.enqueue_indirect_dma source(%dma_start3A_174 : memref<10000x128xf32, #tpu.memory_space<hbm>>) target(%arg16 : memref<72x128xf32, #tpu.memory_space<vmem>>) offsets(%arg10 : memref<72xi32, #tpu.memory_space<vmem>>) semaphore(%arg19 : memref<!tpu.dma_semaphore, #tpu.memory_space<semaphore_mem>>)
      %dma_wait3A_175 = arith.constant 0 : i32
      %dma_wait3A_176 = arith.constant 0 : i32
      %dma_wait3A_177 = tpu.memref_slice %arg2[%dma_wait3A_175, %dma_wait3A_176] : memref<10000x128xf32, #tpu.memory_space<hbm>> -> memref<10000x128xf32, #tpu.memory_space<hbm>>
      tpu.wait_indirect_dma semaphore(%arg19 : memref<!tpu.dma_semaphore, #tpu.memory_space<semaphore_mem>>) src(%dma_wait3A_177 : memref<10000x128xf32, #tpu.memory_space<hbm>>) dst(%arg16 : memref<72x128xf32, #tpu.memory_space<vmem>>)
      %dma_start3A_178 = arith.constant 0 : i32
      %dma_start3A_179 = arith.constant 0 : i32
      %dma_start3A_180 = tpu.memref_slice %arg7[%dma_start3A_178, %dma_start3A_179] : memref<10112x128xf32, #tpu.memory_space<vmem_shared>> -> memref<10112x128xf32, #tpu.memory_space<vmem_shared>>
      tpu.enqueue_indirect_dma source(%arg16 : memref<72x128xf32, #tpu.memory_space<vmem>>) target(%dma_start3A_180 : memref<10112x128xf32, #tpu.memory_space<vmem_shared>>) offsets(%arg14 : memref<72xi32, #tpu.memory_space<vmem>>) semaphore(%arg20 : memref<!tpu.dma_semaphore, #tpu.memory_space<semaphore_mem>>) {add = true}
      %mul3A_181 = arith.constant 4 : i32
      %mul3A_182 = arith.muli %mul3A_181, %while3A_98 : i32
      %add3A_183 = arith.constant 3 : i32
      %add3A_184 = arith.addi %mul3A_182, %add3A_183 : i32
      %dma_wait3A_185 = arith.constant 0 : i32
      %dma_wait3A_186 = arith.constant 0 : i32
      %dma_wait3A_187 = tpu.memref_slice %arg7[%dma_wait3A_185, %dma_wait3A_186] : memref<10112x128xf32, #tpu.memory_space<vmem_shared>> -> memref<10112x128xf32, #tpu.memory_space<vmem_shared>>
      tpu.wait_indirect_dma semaphore(%arg21 : memref<!tpu.dma_semaphore, #tpu.memory_space<semaphore_mem>>) src(%arg17 : memref<72x128xf32, #tpu.memory_space<vmem>>) dst(%dma_wait3A_187 : memref<10112x128xf32, #tpu.memory_space<vmem_shared>>)
      %add3A_188 = arith.constant 2 : i32
      %add3A_189 = arith.addi %add3A_184, %add3A_188 : i32
      %mul3A_190 = arith.constant 72 : i32
      %mul3A_191 = arith.muli %add3A_189, %mul3A_190 : i32
      %add3A_192 = arith.addi %select_n3A, %mul3A_191 : i32
      %dma_start3A_193 = tpu.memref_slice %arg3[%add3A_192] : memref<322704xi32, #tpu.memory_space<hbm>> -> memref<72xi32, #tpu.memory_space<hbm>>
      %dma_start3A_194 = tpu.memref_slice %arg3[%add3A_192] : memref<322704xi32, #tpu.memory_space<hbm>> -> memref<72xi32, #tpu.memory_space<hbm>>
      tpu.enqueue_dma source(%dma_start3A_194 : memref<72xi32, #tpu.memory_space<hbm>>) target(%arg9 : memref<72xi32, #tpu.memory_space<vmem>>) target_semaphore(%arg23 : memref<!tpu.dma_semaphore, #tpu.memory_space<semaphore_mem>>)
      %dma_start3A_195 = tpu.memref_slice %arg4[%add3A_192] : memref<322704xi32, #tpu.memory_space<hbm>> -> memref<72xi32, #tpu.memory_space<hbm>>
      %dma_start3A_196 = tpu.memref_slice %arg4[%add3A_192] : memref<322704xi32, #tpu.memory_space<hbm>> -> memref<72xi32, #tpu.memory_space<hbm>>
      tpu.enqueue_dma source(%dma_start3A_196 : memref<72xi32, #tpu.memory_space<hbm>>) target(%arg13 : memref<72xi32, #tpu.memory_space<vmem>>) target_semaphore(%arg23 : memref<!tpu.dma_semaphore, #tpu.memory_space<semaphore_mem>>)
      %dma_wait3A_197 = arith.constant 0 : i32
      %dma_wait3A_198 = tpu.memref_slice %arg3[%dma_wait3A_197] : memref<322704xi32, #tpu.memory_space<hbm>> -> memref<72xi32, #tpu.memory_space<hbm>>
      %dma_wait3A_199 = arith.constant 0 : i32
      %dma_wait3A_200 = tpu.memref_slice %arg3[%dma_wait3A_199] : memref<322704xi32, #tpu.memory_space<hbm>> -> memref<72xi32, #tpu.memory_space<hbm>>
      tpu.wait_dma2 semaphore(%arg25 : memref<!tpu.dma_semaphore, #tpu.memory_space<semaphore_mem>>) src(%dma_wait3A_200 : memref<72xi32, #tpu.memory_space<hbm>>) dst(%arg11 : memref<72xi32, #tpu.memory_space<vmem>>)
      %dma_wait3A_201 = arith.constant 0 : i32
      %dma_wait3A_202 = tpu.memref_slice %arg4[%dma_wait3A_201] : memref<322704xi32, #tpu.memory_space<hbm>> -> memref<72xi32, #tpu.memory_space<hbm>>
      %dma_wait3A_203 = arith.constant 0 : i32
      %dma_wait3A_204 = tpu.memref_slice %arg4[%dma_wait3A_203] : memref<322704xi32, #tpu.memory_space<hbm>> -> memref<72xi32, #tpu.memory_space<hbm>>
      tpu.wait_dma2 semaphore(%arg25 : memref<!tpu.dma_semaphore, #tpu.memory_space<semaphore_mem>>) src(%dma_wait3A_204 : memref<72xi32, #tpu.memory_space<hbm>>) dst(%arg15 : memref<72xi32, #tpu.memory_space<vmem>>)
      %dma_start3A_205 = arith.constant 0 : i32
      %dma_start3A_206 = arith.constant 0 : i32
      %dma_start3A_207 = tpu.memref_slice %arg2[%dma_start3A_205, %dma_start3A_206] : memref<10000x128xf32, #tpu.memory_space<hbm>> -> memref<10000x128xf32, #tpu.memory_space<hbm>>
      tpu.enqueue_indirect_dma source(%dma_start3A_207 : memref<10000x128xf32, #tpu.memory_space<hbm>>) target(%arg17 : memref<72x128xf32, #tpu.memory_space<vmem>>) offsets(%arg11 : memref<72xi32, #tpu.memory_space<vmem>>) semaphore(%arg19 : memref<!tpu.dma_semaphore, #tpu.memory_space<semaphore_mem>>)
      %dma_wait3A_208 = arith.constant 0 : i32
      %dma_wait3A_209 = arith.constant 0 : i32
      %dma_wait3A_210 = tpu.memref_slice %arg2[%dma_wait3A_208, %dma_wait3A_209] : memref<10000x128xf32, #tpu.memory_space<hbm>> -> memref<10000x128xf32, #tpu.memory_space<hbm>>
      tpu.wait_indirect_dma semaphore(%arg19 : memref<!tpu.dma_semaphore, #tpu.memory_space<semaphore_mem>>) src(%dma_wait3A_210 : memref<10000x128xf32, #tpu.memory_space<hbm>>) dst(%arg17 : memref<72x128xf32, #tpu.memory_space<vmem>>)
      %dma_start3A_211 = arith.constant 0 : i32
      %dma_start3A_212 = arith.constant 0 : i32
      %dma_start3A_213 = tpu.memref_slice %arg7[%dma_start3A_211, %dma_start3A_212] : memref<10112x128xf32, #tpu.memory_space<vmem_shared>> -> memref<10112x128xf32, #tpu.memory_space<vmem_shared>>
      tpu.enqueue_indirect_dma source(%arg17 : memref<72x128xf32, #tpu.memory_space<vmem>>) target(%dma_start3A_213 : memref<10112x128xf32, #tpu.memory_space<vmem_shared>>) offsets(%arg15 : memref<72xi32, #tpu.memory_space<vmem>>) semaphore(%arg21 : memref<!tpu.dma_semaphore, #tpu.memory_space<semaphore_mem>>) {add = true}
    }
    %while3A_55 = arith.constant 1 : i32
    scf.for %while3A_98 = %while3A_53 to %while3A_49 step %while3A_55  : i32 {
      %mul3A_99 = arith.constant 4 : i32
      %mul3A_100 = arith.muli %mul3A_99, %while3A_98 : i32
      %add3A_101 = arith.constant 0 : i32
      %add3A_102 = arith.addi %mul3A_100, %add3A_101 : i32
      %gt3A = arith.constant 0 : i32
      %gt3A_103 = arith.cmpi sgt, %while3A_98, %gt3A : i32
      %convert_element_type3A = arith.extui %gt3A_103 : i1 to i32
      %cond3A = arith.constant 0 : i32
      %cond3A_104 = arith.cmpi ne, %convert_element_type3A, %cond3A : i32
      scf.if %cond3A_104 {
        %dma_wait3A_214 = arith.constant 0 : i32
        %dma_wait3A_215 = arith.constant 0 : i32
        %dma_wait3A_216 = tpu.memref_slice %arg7[%dma_wait3A_214, %dma_wait3A_215] : memref<10112x128xf32, #tpu.memory_space<vmem_shared>> -> memref<10112x128xf32, #tpu.memory_space<vmem_shared>>
        tpu.wait_indirect_dma semaphore(%arg20 : memref<!tpu.dma_semaphore, #tpu.memory_space<semaphore_mem>>) src(%arg16 : memref<72x128xf32, #tpu.memory_space<vmem>>) dst(%dma_wait3A_216 : memref<10112x128xf32, #tpu.memory_space<vmem_shared>>)
        %add3A_217 = arith.constant 2 : i32
        %add3A_218 = arith.addi %add3A_102, %add3A_217 : i32
        %mul3A_219 = arith.constant 72 : i32
        %mul3A_220 = arith.muli %add3A_218, %mul3A_219 : i32
        %add3A_221 = arith.addi %select_n3A, %mul3A_220 : i32
        %dma_start3A_222 = tpu.memref_slice %arg3[%add3A_221] : memref<322704xi32, #tpu.memory_space<hbm>> -> memref<72xi32, #tpu.memory_space<hbm>>
        %dma_start3A_223 = tpu.memref_slice %arg3[%add3A_221] : memref<322704xi32, #tpu.memory_space<hbm>> -> memref<72xi32, #tpu.memory_space<hbm>>
        tpu.enqueue_dma source(%dma_start3A_223 : memref<72xi32, #tpu.memory_space<hbm>>) target(%arg10 : memref<72xi32, #tpu.memory_space<vmem>>) target_semaphore(%arg24 : memref<!tpu.dma_semaphore, #tpu.memory_space<semaphore_mem>>)
        %dma_start3A_224 = tpu.memref_slice %arg4[%add3A_221] : memref<322704xi32, #tpu.memory_space<hbm>> -> memref<72xi32, #tpu.memory_space<hbm>>
        %dma_start3A_225 = tpu.memref_slice %arg4[%add3A_221] : memref<322704xi32, #tpu.memory_space<hbm>> -> memref<72xi32, #tpu.memory_space<hbm>>
        tpu.enqueue_dma source(%dma_start3A_225 : memref<72xi32, #tpu.memory_space<hbm>>) target(%arg14 : memref<72xi32, #tpu.memory_space<vmem>>) target_semaphore(%arg24 : memref<!tpu.dma_semaphore, #tpu.memory_space<semaphore_mem>>)
      } else {
      }
      %dma_wait3A_105 = arith.constant 0 : i32
      %dma_wait3A_106 = tpu.memref_slice %arg3[%dma_wait3A_105] : memref<322704xi32, #tpu.memory_space<hbm>> -> memref<72xi32, #tpu.memory_space<hbm>>
      %dma_wait3A_107 = arith.constant 0 : i32
      %dma_wait3A_108 = tpu.memref_slice %arg3[%dma_wait3A_107] : memref<322704xi32, #tpu.memory_space<hbm>> -> memref<72xi32, #tpu.memory_space<hbm>>
      tpu.wait_dma2 semaphore(%arg22 : memref<!tpu.dma_semaphore, #tpu.memory_space<semaphore_mem>>) src(%dma_wait3A_108 : memref<72xi32, #tpu.memory_space<hbm>>) dst(%arg8 : memref<72xi32, #tpu.memory_space<vmem>>)
      %dma_wait3A_109 = arith.constant 0 : i32
      %dma_wait3A_110 = tpu.memref_slice %arg4[%dma_wait3A_109] : memref<322704xi32, #tpu.memory_space<hbm>> -> memref<72xi32, #tpu.memory_space<hbm>>
      %dma_wait3A_111 = arith.constant 0 : i32
      %dma_wait3A_112 = tpu.memref_slice %arg4[%dma_wait3A_111] : memref<322704xi32, #tpu.memory_space<hbm>> -> memref<72xi32, #tpu.memory_space<hbm>>
      tpu.wait_dma2 semaphore(%arg22 : memref<!tpu.dma_semaphore, #tpu.memory_space<semaphore_mem>>) src(%dma_wait3A_112 : memref<72xi32, #tpu.memory_space<hbm>>) dst(%arg12 : memref<72xi32, #tpu.memory_space<vmem>>)
      %dma_start3A_113 = arith.constant 0 : i32
      %dma_start3A_114 = arith.constant 0 : i32
      %dma_start3A_115 = tpu.memref_slice %arg2[%dma_start3A_113, %dma_start3A_114] : memref<10000x128xf32, #tpu.memory_space<hbm>> -> memref<10000x128xf32, #tpu.memory_space<hbm>>
      tpu.enqueue_indirect_dma source(%dma_start3A_115 : memref<10000x128xf32, #tpu.memory_space<hbm>>) target(%arg16 : memref<72x128xf32, #tpu.memory_space<vmem>>) offsets(%arg8 : memref<72xi32, #tpu.memory_space<vmem>>) semaphore(%arg19 : memref<!tpu.dma_semaphore, #tpu.memory_space<semaphore_mem>>)
      %dma_wait3A_116 = arith.constant 0 : i32
      %dma_wait3A_117 = arith.constant 0 : i32
      %dma_wait3A_118 = tpu.memref_slice %arg2[%dma_wait3A_116, %dma_wait3A_117] : memref<10000x128xf32, #tpu.memory_space<hbm>> -> memref<10000x128xf32, #tpu.memory_space<hbm>>
      tpu.wait_indirect_dma semaphore(%arg19 : memref<!tpu.dma_semaphore, #tpu.memory_space<semaphore_mem>>) src(%dma_wait3A_118 : memref<10000x128xf32, #tpu.memory_space<hbm>>) dst(%arg16 : memref<72x128xf32, #tpu.memory_space<vmem>>)
      %dma_start3A_119 = arith.constant 0 : i32
      %dma_start3A_120 = arith.constant 0 : i32
      %dma_start3A_121 = tpu.memref_slice %arg7[%dma_start3A_119, %dma_start3A_120] : memref<10112x128xf32, #tpu.memory_space<vmem_shared>> -> memref<10112x128xf32, #tpu.memory_space<vmem_shared>>
      tpu.enqueue_indirect_dma source(%arg16 : memref<72x128xf32, #tpu.memory_space<vmem>>) target(%dma_start3A_121 : memref<10112x128xf32, #tpu.memory_space<vmem_shared>>) offsets(%arg12 : memref<72xi32, #tpu.memory_space<vmem>>) semaphore(%arg20 : memref<!tpu.dma_semaphore, #tpu.memory_space<semaphore_mem>>) {add = true}
      %mul3A_122 = arith.constant 4 : i32
      %mul3A_123 = arith.muli %mul3A_122, %while3A_98 : i32
      %add3A_124 = arith.constant 1 : i32
      %add3A_125 = arith.addi %mul3A_123, %add3A_124 : i32
      %gt3A_126 = arith.constant 0 : i32
      %gt3A_127 = arith.cmpi sgt, %while3A_98, %gt3A_126 : i32
      %convert_element_type3A_128 = arith.extui %gt3A_127 : i1 to i32
      %cond3A_129 = arith.constant 0 : i32
      %cond3A_130 = arith.cmpi ne, %convert_element_type3A_128, %cond3A_129 : i32
      scf.if %cond3A_130 {
        %dma_wait3A_214 = arith.constant 0 : i32
        %dma_wait3A_215 = arith.constant 0 : i32
        %dma_wait3A_216 = tpu.memref_slice %arg7[%dma_wait3A_214, %dma_wait3A_215] : memref<10112x128xf32, #tpu.memory_space<vmem_shared>> -> memref<10112x128xf32, #tpu.memory_space<vmem_shared>>
        tpu.wait_indirect_dma semaphore(%arg21 : memref<!tpu.dma_semaphore, #tpu.memory_space<semaphore_mem>>) src(%arg17 : memref<72x128xf32, #tpu.memory_space<vmem>>) dst(%dma_wait3A_216 : memref<10112x128xf32, #tpu.memory_space<vmem_shared>>)
        %add3A_217 = arith.constant 2 : i32
        %add3A_218 = arith.addi %add3A_125, %add3A_217 : i32
        %mul3A_219 = arith.constant 72 : i32
        %mul3A_220 = arith.muli %add3A_218, %mul3A_219 : i32
        %add3A_221 = arith.addi %select_n3A, %mul3A_220 : i32
        %dma_start3A_222 = tpu.memref_slice %arg3[%add3A_221] : memref<322704xi32, #tpu.memory_space<hbm>> -> memref<72xi32, #tpu.memory_space<hbm>>
        %dma_start3A_223 = tpu.memref_slice %arg3[%add3A_221] : memref<322704xi32, #tpu.memory_space<hbm>> -> memref<72xi32, #tpu.memory_space<hbm>>
        tpu.enqueue_dma source(%dma_start3A_223 : memref<72xi32, #tpu.memory_space<hbm>>) target(%arg11 : memref<72xi32, #tpu.memory_space<vmem>>) target_semaphore(%arg25 : memref<!tpu.dma_semaphore, #tpu.memory_space<semaphore_mem>>)
        %dma_start3A_224 = tpu.memref_slice %arg4[%add3A_221] : memref<322704xi32, #tpu.memory_space<hbm>> -> memref<72xi32, #tpu.memory_space<hbm>>
        %dma_start3A_225 = tpu.memref_slice %arg4[%add3A_221] : memref<322704xi32, #tpu.memory_space<hbm>> -> memref<72xi32, #tpu.memory_space<hbm>>
        tpu.enqueue_dma source(%dma_start3A_225 : memref<72xi32, #tpu.memory_space<hbm>>) target(%arg15 : memref<72xi32, #tpu.memory_space<vmem>>) target_semaphore(%arg25 : memref<!tpu.dma_semaphore, #tpu.memory_space<semaphore_mem>>)
      } else {
      }
      %dma_wait3A_131 = arith.constant 0 : i32
      %dma_wait3A_132 = tpu.memref_slice %arg3[%dma_wait3A_131] : memref<322704xi32, #tpu.memory_space<hbm>> -> memref<72xi32, #tpu.memory_space<hbm>>
      %dma_wait3A_133 = arith.constant 0 : i32
      %dma_wait3A_134 = tpu.memref_slice %arg3[%dma_wait3A_133] : memref<322704xi32, #tpu.memory_space<hbm>> -> memref<72xi32, #tpu.memory_space<hbm>>
      tpu.wait_dma2 semaphore(%arg23 : memref<!tpu.dma_semaphore, #tpu.memory_space<semaphore_mem>>) src(%dma_wait3A_134 : memref<72xi32, #tpu.memory_space<hbm>>) dst(%arg9 : memref<72xi32, #tpu.memory_space<vmem>>)
      %dma_wait3A_135 = arith.constant 0 : i32
      %dma_wait3A_136 = tpu.memref_slice %arg4[%dma_wait3A_135] : memref<322704xi32, #tpu.memory_space<hbm>> -> memref<72xi32, #tpu.memory_space<hbm>>
      %dma_wait3A_137 = arith.constant 0 : i32
      %dma_wait3A_138 = tpu.memref_slice %arg4[%dma_wait3A_137] : memref<322704xi32, #tpu.memory_space<hbm>> -> memref<72xi32, #tpu.memory_space<hbm>>
      tpu.wait_dma2 semaphore(%arg23 : memref<!tpu.dma_semaphore, #tpu.memory_space<semaphore_mem>>) src(%dma_wait3A_138 : memref<72xi32, #tpu.memory_space<hbm>>) dst(%arg13 : memref<72xi32, #tpu.memory_space<vmem>>)
      %dma_start3A_139 = arith.constant 0 : i32
      %dma_start3A_140 = arith.constant 0 : i32
      %dma_start3A_141 = tpu.memref_slice %arg2[%dma_start3A_139, %dma_start3A_140] : memref<10000x128xf32, #tpu.memory_space<hbm>> -> memref<10000x128xf32, #tpu.memory_space<hbm>>
      tpu.enqueue_indirect_dma source(%dma_start3A_141 : memref<10000x128xf32, #tpu.memory_space<hbm>>) target(%arg17 : memref<72x128xf32, #tpu.memory_space<vmem>>) offsets(%arg9 : memref<72xi32, #tpu.memory_space<vmem>>) semaphore(%arg19 : memref<!tpu.dma_semaphore, #tpu.memory_space<semaphore_mem>>)
      %dma_wait3A_142 = arith.constant 0 : i32
      %dma_wait3A_143 = arith.constant 0 : i32
      %dma_wait3A_144 = tpu.memref_slice %arg2[%dma_wait3A_142, %dma_wait3A_143] : memref<10000x128xf32, #tpu.memory_space<hbm>> -> memref<10000x128xf32, #tpu.memory_space<hbm>>
      tpu.wait_indirect_dma semaphore(%arg19 : memref<!tpu.dma_semaphore, #tpu.memory_space<semaphore_mem>>) src(%dma_wait3A_144 : memref<10000x128xf32, #tpu.memory_space<hbm>>) dst(%arg17 : memref<72x128xf32, #tpu.memory_space<vmem>>)
      %dma_start3A_145 = arith.constant 0 : i32
      %dma_start3A_146 = arith.constant 0 : i32
      %dma_start3A_147 = tpu.memref_slice %arg7[%dma_start3A_145, %dma_start3A_146] : memref<10112x128xf32, #tpu.memory_space<vmem_shared>> -> memref<10112x128xf32, #tpu.memory_space<vmem_shared>>
      tpu.enqueue_indirect_dma source(%arg17 : memref<72x128xf32, #tpu.memory_space<vmem>>) target(%dma_start3A_147 : memref<10112x128xf32, #tpu.memory_space<vmem_shared>>) offsets(%arg13 : memref<72xi32, #tpu.memory_space<vmem>>) semaphore(%arg21 : memref<!tpu.dma_semaphore, #tpu.memory_space<semaphore_mem>>) {add = true}
      %mul3A_148 = arith.constant 4 : i32
      %mul3A_149 = arith.muli %mul3A_148, %while3A_98 : i32
      %add3A_150 = arith.constant 2 : i32
      %add3A_151 = arith.addi %mul3A_149, %add3A_150 : i32
      %dma_wait3A_152 = arith.constant 0 : i32
      %dma_wait3A_153 = arith.constant 0 : i32
      %dma_wait3A_154 = tpu.memref_slice %arg7[%dma_wait3A_152, %dma_wait3A_153] : memref<10112x128xf32, #tpu.memory_space<vmem_shared>> -> memref<10112x128xf32, #tpu.memory_space<vmem_shared>>
      tpu.wait_indirect_dma semaphore(%arg20 : memref<!tpu.dma_semaphore, #tpu.memory_space<semaphore_mem>>) src(%arg16 : memref<72x128xf32, #tpu.memory_space<vmem>>) dst(%dma_wait3A_154 : memref<10112x128xf32, #tpu.memory_space<vmem_shared>>)
      %add3A_155 = arith.constant 2 : i32
      %add3A_156 = arith.addi %add3A_151, %add3A_155 : i32
      %mul3A_157 = arith.constant 72 : i32
      %mul3A_158 = arith.muli %add3A_156, %mul3A_157 : i32
      %add3A_159 = arith.addi %select_n3A, %mul3A_158 : i32
      %dma_start3A_160 = tpu.memref_slice %arg3[%add3A_159] : memref<322704xi32, #tpu.memory_space<hbm>> -> memref<72xi32, #tpu.memory_space<hbm>>
      %dma_start3A_161 = tpu.memref_slice %arg3[%add3A_159] : memref<322704xi32, #tpu.memory_space<hbm>> -> memref<72xi32, #tpu.memory_space<hbm>>
      tpu.enqueue_dma source(%dma_start3A_161 : memref<72xi32, #tpu.memory_space<hbm>>) target(%arg8 : memref<72xi32, #tpu.memory_space<vmem>>) target_semaphore(%arg22 : memref<!tpu.dma_semaphore, #tpu.memory_space<semaphore_mem>>)
      %dma_start3A_162 = tpu.memref_slice %arg4[%add3A_159] : memref<322704xi32, #tpu.memory_space<hbm>> -> memref<72xi32, #tpu.memory_space<hbm>>
      %dma_start3A_163 = tpu.memref_slice %arg4[%add3A_159] : memref<322704xi32, #tpu.memory_space<hbm>> -> memref<72xi32, #tpu.memory_space<hbm>>
      tpu.enqueue_dma source(%dma_start3A_163 : memref<72xi32, #tpu.memory_space<hbm>>) target(%arg12 : memref<72xi32, #tpu.memory_space<vmem>>) target_semaphore(%arg22 : memref<!tpu.dma_semaphore, #tpu.memory_space<semaphore_mem>>)
      %dma_wait3A_164 = arith.constant 0 : i32
      %dma_wait3A_165 = tpu.memref_slice %arg3[%dma_wait3A_164] : memref<322704xi32, #tpu.memory_space<hbm>> -> memref<72xi32, #tpu.memory_space<hbm>>
      %dma_wait3A_166 = arith.constant 0 : i32
      %dma_wait3A_167 = tpu.memref_slice %arg3[%dma_wait3A_166] : memref<322704xi32, #tpu.memory_space<hbm>> -> memref<72xi32, #tpu.memory_space<hbm>>
      tpu.wait_dma2 semaphore(%arg24 : memref<!tpu.dma_semaphore, #tpu.memory_space<semaphore_mem>>) src(%dma_wait3A_167 : memref<72xi32, #tpu.memory_space<hbm>>) dst(%arg10 : memref<72xi32, #tpu.memory_space<vmem>>)
      %dma_wait3A_168 = arith.constant 0 : i32
      %dma_wait3A_169 = tpu.memref_slice %arg4[%dma_wait3A_168] : memref<322704xi32, #tpu.memory_space<hbm>> -> memref<72xi32, #tpu.memory_space<hbm>>
      %dma_wait3A_170 = arith.constant 0 : i32
      %dma_wait3A_171 = tpu.memref_slice %arg4[%dma_wait3A_170] : memref<322704xi32, #tpu.memory_space<hbm>> -> memref<72xi32, #tpu.memory_space<hbm>>
      tpu.wait_dma2 semaphore(%arg24 : memref<!tpu.dma_semaphore, #tpu.memory_space<semaphore_mem>>) src(%dma_wait3A_171 : memref<72xi32, #tpu.memory_space<hbm>>) dst(%arg14 : memref<72xi32, #tpu.memory_space<vmem>>)
      %dma_start3A_172 = arith.constant 0 : i32
      %dma_start3A_173 = arith.constant 0 : i32
      %dma_start3A_174 = tpu.memref_slice %arg2[%dma_start3A_172, %dma_start3A_173] : memref<10000x128xf32, #tpu.memory_space<hbm>> -> memref<10000x128xf32, #tpu.memory_space<hbm>>
      tpu.enqueue_indirect_dma source(%dma_start3A_174 : memref<10000x128xf32, #tpu.memory_space<hbm>>) target(%arg16 : memref<72x128xf32, #tpu.memory_space<vmem>>) offsets(%arg10 : memref<72xi32, #tpu.memory_space<vmem>>) semaphore(%arg19 : memref<!tpu.dma_semaphore, #tpu.memory_space<semaphore_mem>>)
      %dma_wait3A_175 = arith.constant 0 : i32
      %dma_wait3A_176 = arith.constant 0 : i32
      %dma_wait3A_177 = tpu.memref_slice %arg2[%dma_wait3A_175, %dma_wait3A_176] : memref<10000x128xf32, #tpu.memory_space<hbm>> -> memref<10000x128xf32, #tpu.memory_space<hbm>>
      tpu.wait_indirect_dma semaphore(%arg19 : memref<!tpu.dma_semaphore, #tpu.memory_space<semaphore_mem>>) src(%dma_wait3A_177 : memref<10000x128xf32, #tpu.memory_space<hbm>>) dst(%arg16 : memref<72x128xf32, #tpu.memory_space<vmem>>)
      %dma_start3A_178 = arith.constant 0 : i32
      %dma_start3A_179 = arith.constant 0 : i32
      %dma_start3A_180 = tpu.memref_slice %arg7[%dma_start3A_178, %dma_start3A_179] : memref<10112x128xf32, #tpu.memory_space<vmem_shared>> -> memref<10112x128xf32, #tpu.memory_space<vmem_shared>>
      tpu.enqueue_indirect_dma source(%arg16 : memref<72x128xf32, #tpu.memory_space<vmem>>) target(%dma_start3A_180 : memref<10112x128xf32, #tpu.memory_space<vmem_shared>>) offsets(%arg14 : memref<72xi32, #tpu.memory_space<vmem>>) semaphore(%arg20 : memref<!tpu.dma_semaphore, #tpu.memory_space<semaphore_mem>>) {add = true}
      %mul3A_181 = arith.constant 4 : i32
      %mul3A_182 = arith.muli %mul3A_181, %while3A_98 : i32
      %add3A_183 = arith.constant 3 : i32
      %add3A_184 = arith.addi %mul3A_182, %add3A_183 : i32
      %dma_wait3A_185 = arith.constant 0 : i32
      %dma_wait3A_186 = arith.constant 0 : i32
      %dma_wait3A_187 = tpu.memref_slice %arg7[%dma_wait3A_185, %dma_wait3A_186] : memref<10112x128xf32, #tpu.memory_space<vmem_shared>> -> memref<10112x128xf32, #tpu.memory_space<vmem_shared>>
      tpu.wait_indirect_dma semaphore(%arg21 : memref<!tpu.dma_semaphore, #tpu.memory_space<semaphore_mem>>) src(%arg17 : memref<72x128xf32, #tpu.memory_space<vmem>>) dst(%dma_wait3A_187 : memref<10112x128xf32, #tpu.memory_space<vmem_shared>>)
      %add3A_188 = arith.constant 2 : i32
      %add3A_189 = arith.addi %add3A_184, %add3A_188 : i32
      %mul3A_190 = arith.constant 72 : i32
      %mul3A_191 = arith.muli %add3A_189, %mul3A_190 : i32
      %add3A_192 = arith.addi %select_n3A, %mul3A_191 : i32
      %dma_start3A_193 = tpu.memref_slice %arg3[%add3A_192] : memref<322704xi32, #tpu.memory_space<hbm>> -> memref<72xi32, #tpu.memory_space<hbm>>
      %dma_start3A_194 = tpu.memref_slice %arg3[%add3A_192] : memref<322704xi32, #tpu.memory_space<hbm>> -> memref<72xi32, #tpu.memory_space<hbm>>
      tpu.enqueue_dma source(%dma_start3A_194 : memref<72xi32, #tpu.memory_space<hbm>>) target(%arg9 : memref<72xi32, #tpu.memory_space<vmem>>) target_semaphore(%arg23 : memref<!tpu.dma_semaphore, #tpu.memory_space<semaphore_mem>>)
      %dma_start3A_195 = tpu.memref_slice %arg4[%add3A_192] : memref<322704xi32, #tpu.memory_space<hbm>> -> memref<72xi32, #tpu.memory_space<hbm>>
      %dma_start3A_196 = tpu.memref_slice %arg4[%add3A_192] : memref<322704xi32, #tpu.memory_space<hbm>> -> memref<72xi32, #tpu.memory_space<hbm>>
      tpu.enqueue_dma source(%dma_start3A_196 : memref<72xi32, #tpu.memory_space<hbm>>) target(%arg13 : memref<72xi32, #tpu.memory_space<vmem>>) target_semaphore(%arg23 : memref<!tpu.dma_semaphore, #tpu.memory_space<semaphore_mem>>)
      %dma_wait3A_197 = arith.constant 0 : i32
      %dma_wait3A_198 = tpu.memref_slice %arg3[%dma_wait3A_197] : memref<322704xi32, #tpu.memory_space<hbm>> -> memref<72xi32, #tpu.memory_space<hbm>>
      %dma_wait3A_199 = arith.constant 0 : i32
      %dma_wait3A_200 = tpu.memref_slice %arg3[%dma_wait3A_199] : memref<322704xi32, #tpu.memory_space<hbm>> -> memref<72xi32, #tpu.memory_space<hbm>>
      tpu.wait_dma2 semaphore(%arg25 : memref<!tpu.dma_semaphore, #tpu.memory_space<semaphore_mem>>) src(%dma_wait3A_200 : memref<72xi32, #tpu.memory_space<hbm>>) dst(%arg11 : memref<72xi32, #tpu.memory_space<vmem>>)
      %dma_wait3A_201 = arith.constant 0 : i32
      %dma_wait3A_202 = tpu.memref_slice %arg4[%dma_wait3A_201] : memref<322704xi32, #tpu.memory_space<hbm>> -> memref<72xi32, #tpu.memory_space<hbm>>
      %dma_wait3A_203 = arith.constant 0 : i32
      %dma_wait3A_204 = tpu.memref_slice %arg4[%dma_wait3A_203] : memref<322704xi32, #tpu.memory_space<hbm>> -> memref<72xi32, #tpu.memory_space<hbm>>
      tpu.wait_dma2 semaphore(%arg25 : memref<!tpu.dma_semaphore, #tpu.memory_space<semaphore_mem>>) src(%dma_wait3A_204 : memref<72xi32, #tpu.memory_space<hbm>>) dst(%arg15 : memref<72xi32, #tpu.memory_space<vmem>>)
      %dma_start3A_205 = arith.constant 0 : i32
      %dma_start3A_206 = arith.constant 0 : i32
      %dma_start3A_207 = tpu.memref_slice %arg2[%dma_start3A_205, %dma_start3A_206] : memref<10000x128xf32, #tpu.memory_space<hbm>> -> memref<10000x128xf32, #tpu.memory_space<hbm>>
      tpu.enqueue_indirect_dma source(%dma_start3A_207 : memref<10000x128xf32, #tpu.memory_space<hbm>>) target(%arg17 : memref<72x128xf32, #tpu.memory_space<vmem>>) offsets(%arg11 : memref<72xi32, #tpu.memory_space<vmem>>) semaphore(%arg19 : memref<!tpu.dma_semaphore, #tpu.memory_space<semaphore_mem>>)
      %dma_wait3A_208 = arith.constant 0 : i32
      %dma_wait3A_209 = arith.constant 0 : i32
      %dma_wait3A_210 = tpu.memref_slice %arg2[%dma_wait3A_208, %dma_wait3A_209] : memref<10000x128xf32, #tpu.memory_space<hbm>> -> memref<10000x128xf32, #tpu.memory_space<hbm>>
      tpu.wait_indirect_dma semaphore(%arg19 : memref<!tpu.dma_semaphore, #tpu.memory_space<semaphore_mem>>) src(%dma_wait3A_210 : memref<10000x128xf32, #tpu.memory_space<hbm>>) dst(%arg17 : memref<72x128xf32, #tpu.memory_space<vmem>>)
      %dma_start3A_211 = arith.constant 0 : i32
      %dma_start3A_212 = arith.constant 0 : i32
      %dma_start3A_213 = tpu.memref_slice %arg7[%dma_start3A_211, %dma_start3A_212] : memref<10112x128xf32, #tpu.memory_space<vmem_shared>> -> memref<10112x128xf32, #tpu.memory_space<vmem_shared>>
      tpu.enqueue_indirect_dma source(%arg17 : memref<72x128xf32, #tpu.memory_space<vmem>>) target(%dma_start3A_213 : memref<10112x128xf32, #tpu.memory_space<vmem_shared>>) offsets(%arg15 : memref<72xi32, #tpu.memory_space<vmem>>) semaphore(%arg21 : memref<!tpu.dma_semaphore, #tpu.memory_space<semaphore_mem>>) {add = true}
    }
    %dma_wait3A = arith.constant 0 : i32
    %dma_wait3A_56 = arith.constant 0 : i32
    %dma_wait3A_57 = tpu.memref_slice %arg7[%dma_wait3A, %dma_wait3A_56] : memref<10112x128xf32, #tpu.memory_space<vmem_shared>> -> memref<10112x128xf32, #tpu.memory_space<vmem_shared>>
    tpu.wait_indirect_dma semaphore(%arg20 : memref<!tpu.dma_semaphore, #tpu.memory_space<semaphore_mem>>) src(%arg16 : memref<72x128xf32, #tpu.memory_space<vmem>>) dst(%dma_wait3A_57 : memref<10112x128xf32, #tpu.memory_space<vmem_shared>>)
    %dma_wait3A_58 = arith.constant 0 : i32
    %dma_wait3A_59 = arith.constant 0 : i32
    %dma_wait3A_60 = tpu.memref_slice %arg7[%dma_wait3A_58, %dma_wait3A_59] : memref<10112x128xf32, #tpu.memory_space<vmem_shared>> -> memref<10112x128xf32, #tpu.memory_space<vmem_shared>>
    tpu.wait_indirect_dma semaphore(%arg21 : memref<!tpu.dma_semaphore, #tpu.memory_space<semaphore_mem>>) src(%arg17 : memref<72x128xf32, #tpu.memory_space<vmem>>) dst(%dma_wait3A_60 : memref<10112x128xf32, #tpu.memory_space<vmem_shared>>)
    %dma_wait3A_61 = arith.constant 0 : i32
    %dma_wait3A_62 = tpu.memref_slice %arg3[%dma_wait3A_61] : memref<322704xi32, #tpu.memory_space<hbm>> -> memref<72xi32, #tpu.memory_space<hbm>>
    %dma_wait3A_63 = arith.constant 0 : i32
    %dma_wait3A_64 = tpu.memref_slice %arg3[%dma_wait3A_63] : memref<322704xi32, #tpu.memory_space<hbm>> -> memref<72xi32, #tpu.memory_space<hbm>>
    tpu.wait_dma2 semaphore(%arg22 : memref<!tpu.dma_semaphore, #tpu.memory_space<semaphore_mem>>) src(%dma_wait3A_64 : memref<72xi32, #tpu.memory_space<hbm>>) dst(%arg8 : memref<72xi32, #tpu.memory_space<vmem>>)
    %dma_wait3A_65 = arith.constant 0 : i32
    %dma_wait3A_66 = tpu.memref_slice %arg4[%dma_wait3A_65] : memref<322704xi32, #tpu.memory_space<hbm>> -> memref<72xi32, #tpu.memory_space<hbm>>
    %dma_wait3A_67 = arith.constant 0 : i32
    %dma_wait3A_68 = tpu.memref_slice %arg4[%dma_wait3A_67] : memref<322704xi32, #tpu.memory_space<hbm>> -> memref<72xi32, #tpu.memory_space<hbm>>
    tpu.wait_dma2 semaphore(%arg22 : memref<!tpu.dma_semaphore, #tpu.memory_space<semaphore_mem>>) src(%dma_wait3A_68 : memref<72xi32, #tpu.memory_space<hbm>>) dst(%arg12 : memref<72xi32, #tpu.memory_space<vmem>>)
    %dma_wait3A_69 = arith.constant 0 : i32
    %dma_wait3A_70 = tpu.memref_slice %arg3[%dma_wait3A_69] : memref<322704xi32, #tpu.memory_space<hbm>> -> memref<72xi32, #tpu.memory_space<hbm>>
    %dma_wait3A_71 = arith.constant 0 : i32
    %dma_wait3A_72 = tpu.memref_slice %arg3[%dma_wait3A_71] : memref<322704xi32, #tpu.memory_space<hbm>> -> memref<72xi32, #tpu.memory_space<hbm>>
    tpu.wait_dma2 semaphore(%arg23 : memref<!tpu.dma_semaphore, #tpu.memory_space<semaphore_mem>>) src(%dma_wait3A_72 : memref<72xi32, #tpu.memory_space<hbm>>) dst(%arg9 : memref<72xi32, #tpu.memory_space<vmem>>)
    %dma_wait3A_73 = arith.constant 0 : i32
    %dma_wait3A_74 = tpu.memref_slice %arg4[%dma_wait3A_73] : memref<322704xi32, #tpu.memory_space<hbm>> -> memref<72xi32, #tpu.memory_space<hbm>>
    %dma_wait3A_75 = arith.constant 0 : i32
    %dma_wait3A_76 = tpu.memref_slice %arg4[%dma_wait3A_75] : memref<322704xi32, #tpu.memory_space<hbm>> -> memref<72xi32, #tpu.memory_space<hbm>>
    tpu.wait_dma2 semaphore(%arg23 : memref<!tpu.dma_semaphore, #tpu.memory_space<semaphore_mem>>) src(%dma_wait3A_76 : memref<72xi32, #tpu.memory_space<hbm>>) dst(%arg13 : memref<72xi32, #tpu.memory_space<vmem>>)
    %barrier3A_77 = arith.constant 0 : index
    tpu.barrier barrier_id(%barrier3A_77)
    %add3A_78 = arith.constant 0 : i32
    %add3A_79 = arith.addi %mul3A_2, %add3A_78 : i32
    "tpu.region"() ({
      %run_scoped3A = tpu.sem_alloc : memref<!tpu.dma_semaphore, #tpu.memory_space<semaphore_mem>>
      %dma_start3A_98 = arith.constant 0 : i32
      %dma_start3A_99 = arith.constant 0 : i32
      %dma_start3A_100 = tpu.memref_slice %arg18[%dma_start3A_98, %dma_start3A_99] : memref<128x128xf32, #tpu.memory_space<vmem>> -> memref<128x128xf32, #tpu.memory_space<vmem>>
      %dma_start3A_101 = arith.constant 0 : i32
      %dma_start3A_102 = tpu.memref_slice %arg7[%add3A_79, %dma_start3A_101] : memref<10112x128xf32, #tpu.memory_space<vmem_shared>> -> memref<128x128xf32, #tpu.memory_space<vmem_shared>>
      %dma_start3A_103 = arith.constant 0 : i32
      %dma_start3A_104 = arith.constant 0 : i32
      %dma_start3A_105 = tpu.memref_slice %arg18[%dma_start3A_103, %dma_start3A_104] : memref<128x128xf32, #tpu.memory_space<vmem>> -> memref<128x128xf32, #tpu.memory_space<vmem>>
      %dma_start3A_106 = arith.constant 0 : i32
      %dma_start3A_107 = tpu.memref_slice %arg7[%add3A_79, %dma_start3A_106] : memref<10112x128xf32, #tpu.memory_space<vmem_shared>> -> memref<128x128xf32, #tpu.memory_space<vmem_shared>>
      tpu.enqueue_dma source(%dma_start3A_107 : memref<128x128xf32, #tpu.memory_space<vmem_shared>>) target(%dma_start3A_105 : memref<128x128xf32, #tpu.memory_space<vmem>>) target_semaphore(%run_scoped3A : memref<!tpu.dma_semaphore, #tpu.memory_space<semaphore_mem>>)
      %dma_wait3A_108 = arith.constant 0 : i32
      %dma_wait3A_109 = arith.constant 0 : i32
      %dma_wait3A_110 = tpu.memref_slice %arg18[%dma_wait3A_108, %dma_wait3A_109] : memref<128x128xf32, #tpu.memory_space<vmem>> -> memref<128x128xf32, #tpu.memory_space<vmem>>
      %dma_wait3A_111 = arith.constant 0 : i32
      %dma_wait3A_112 = tpu.memref_slice %arg7[%add3A_79, %dma_wait3A_111] : memref<10112x128xf32, #tpu.memory_space<vmem_shared>> -> memref<128x128xf32, #tpu.memory_space<vmem_shared>>
      %dma_wait3A_113 = arith.constant 0 : i32
      %dma_wait3A_114 = arith.constant 0 : i32
      %dma_wait3A_115 = tpu.memref_slice %arg18[%dma_wait3A_113, %dma_wait3A_114] : memref<128x128xf32, #tpu.memory_space<vmem>> -> memref<128x128xf32, #tpu.memory_space<vmem>>
      %dma_wait3A_116 = arith.constant 0 : i32
      %dma_wait3A_117 = tpu.memref_slice %arg7[%add3A_79, %dma_wait3A_116] : memref<10112x128xf32, #tpu.memory_space<vmem_shared>> -> memref<128x128xf32, #tpu.memory_space<vmem_shared>>
      tpu.wait_dma2 semaphore(%run_scoped3A : memref<!tpu.dma_semaphore, #tpu.memory_space<semaphore_mem>>) src(%dma_wait3A_117 : memref<128x128xf32, #tpu.memory_space<vmem_shared>>) dst(%dma_wait3A_115 : memref<128x128xf32, #tpu.memory_space<vmem>>)
      tpu.yield
    }) : () -> ()
    %add3A_80 = arith.constant 0 : i32
    %add3A_81 = arith.addi %mul3A_2, %add3A_80 : i32
    "tpu.region"() ({
      %run_scoped3A = tpu.sem_alloc : memref<!tpu.dma_semaphore, #tpu.memory_space<semaphore_mem>>
      %dma_start3A_98 = arith.constant 0 : i32
      %dma_start3A_99 = arith.constant 0 : i32
      %dma_start3A_100 = tpu.memref_slice %arg18[%dma_start3A_98, %dma_start3A_99] : memref<128x128xf32, #tpu.memory_space<vmem>> -> memref<128x128xf32, #tpu.memory_space<vmem>>
      %dma_start3A_101 = arith.constant 0 : i32
      %dma_start3A_102 = tpu.memref_slice %arg6[%arg0, %add3A_81, %dma_start3A_101] : memref<2x10112x128xf32, #tpu.memory_space<hbm>> -> memref<1x128x128xf32, #tpu.memory_space<hbm>>
      %dma_start3A_103 = tpu.memref_squeeze %dma_start3A_102 : memref<1x128x128xf32, #tpu.memory_space<hbm>> -> memref<128x128xf32, #tpu.memory_space<hbm>>
      %dma_start3A_104 = arith.constant 0 : i32
      %dma_start3A_105 = tpu.memref_slice %arg6[%arg0, %add3A_81, %dma_start3A_104] : memref<2x10112x128xf32, #tpu.memory_space<hbm>> -> memref<1x128x128xf32, #tpu.memory_space<hbm>>
      %dma_start3A_106 = tpu.memref_squeeze %dma_start3A_105 : memref<1x128x128xf32, #tpu.memory_space<hbm>> -> memref<128x128xf32, #tpu.memory_space<hbm>>
      %dma_start3A_107 = arith.constant 0 : i32
      %dma_start3A_108 = arith.constant 0 : i32
      %dma_start3A_109 = tpu.memref_slice %arg18[%dma_start3A_107, %dma_start3A_108] : memref<128x128xf32, #tpu.memory_space<vmem>> -> memref<128x128xf32, #tpu.memory_space<vmem>>
      tpu.enqueue_dma source(%dma_start3A_109 : memref<128x128xf32, #tpu.memory_space<vmem>>) target(%dma_start3A_106 : memref<128x128xf32, #tpu.memory_space<hbm>>) target_semaphore(%run_scoped3A : memref<!tpu.dma_semaphore, #tpu.memory_space<semaphore_mem>>)
      %dma_wait3A_110 = arith.constant 0 : i32
      %dma_wait3A_111 = arith.constant 0 : i32
      %dma_wait3A_112 = tpu.memref_slice %arg18[%dma_wait3A_110, %dma_wait3A_111] : memref<128x128xf32, #tpu.memory_space<vmem>> -> memref<128x128xf32, #tpu.memory_space<vmem>>
      %dma_wait3A_113 = arith.constant 0 : i32
      %dma_wait3A_114 = tpu.memref_slice %arg6[%arg0, %add3A_81, %dma_wait3A_113] : memref<2x10112x128xf32, #tpu.memory_space<hbm>> -> memref<1x128x128xf32, #tpu.memory_space<hbm>>
      %dma_wait3A_115 = tpu.memref_squeeze %dma_wait3A_114 : memref<1x128x128xf32, #tpu.memory_space<hbm>> -> memref<128x128xf32, #tpu.memory_space<hbm>>
      %dma_wait3A_116 = arith.constant 0 : i32
      %dma_wait3A_117 = tpu.memref_slice %arg6[%arg0, %add3A_81, %dma_wait3A_116] : memref<2x10112x128xf32, #tpu.memory_space<hbm>> -> memref<1x128x128xf32, #tpu.memory_space<hbm>>
      %dma_wait3A_118 = tpu.memref_squeeze %dma_wait3A_117 : memref<1x128x128xf32, #tpu.memory_space<hbm>> -> memref<128x128xf32, #tpu.memory_space<hbm>>
      %dma_wait3A_119 = arith.constant 0 : i32
      %dma_wait3A_120 = arith.constant 0 : i32
      %dma_wait3A_121 = tpu.memref_slice %arg18[%dma_wait3A_119, %dma_wait3A_120] : memref<128x128xf32, #tpu.memory_space<vmem>> -> memref<128x128xf32, #tpu.memory_space<vmem>>
      tpu.wait_dma2 semaphore(%run_scoped3A : memref<!tpu.dma_semaphore, #tpu.memory_space<semaphore_mem>>) src(%dma_wait3A_121 : memref<128x128xf32, #tpu.memory_space<vmem>>) dst(%dma_wait3A_118 : memref<128x128xf32, #tpu.memory_space<hbm>>)
      tpu.yield
    }) : () -> ()
    %add3A_82 = arith.constant 128 : i32
    %add3A_83 = arith.addi %mul3A_2, %add3A_82 : i32
    "tpu.region"() ({
      %run_scoped3A = tpu.sem_alloc : memref<!tpu.dma_semaphore, #tpu.memory_space<semaphore_mem>>
      %dma_start3A_98 = arith.constant 0 : i32
      %dma_start3A_99 = arith.constant 0 : i32
      %dma_start3A_100 = tpu.memref_slice %arg18[%dma_start3A_98, %dma_start3A_99] : memref<128x128xf32, #tpu.memory_space<vmem>> -> memref<128x128xf32, #tpu.memory_space<vmem>>
      %dma_start3A_101 = arith.constant 0 : i32
      %dma_start3A_102 = tpu.memref_slice %arg7[%add3A_83, %dma_start3A_101] : memref<10112x128xf32, #tpu.memory_space<vmem_shared>> -> memref<128x128xf32, #tpu.memory_space<vmem_shared>>
      %dma_start3A_103 = arith.constant 0 : i32
      %dma_start3A_104 = arith.constant 0 : i32
      %dma_start3A_105 = tpu.memref_slice %arg18[%dma_start3A_103, %dma_start3A_104] : memref<128x128xf32, #tpu.memory_space<vmem>> -> memref<128x128xf32, #tpu.memory_space<vmem>>
      %dma_start3A_106 = arith.constant 0 : i32
      %dma_start3A_107 = tpu.memref_slice %arg7[%add3A_83, %dma_start3A_106] : memref<10112x128xf32, #tpu.memory_space<vmem_shared>> -> memref<128x128xf32, #tpu.memory_space<vmem_shared>>
      tpu.enqueue_dma source(%dma_start3A_107 : memref<128x128xf32, #tpu.memory_space<vmem_shared>>) target(%dma_start3A_105 : memref<128x128xf32, #tpu.memory_space<vmem>>) target_semaphore(%run_scoped3A : memref<!tpu.dma_semaphore, #tpu.memory_space<semaphore_mem>>)
      %dma_wait3A_108 = arith.constant 0 : i32
      %dma_wait3A_109 = arith.constant 0 : i32
      %dma_wait3A_110 = tpu.memref_slice %arg18[%dma_wait3A_108, %dma_wait3A_109] : memref<128x128xf32, #tpu.memory_space<vmem>> -> memref<128x128xf32, #tpu.memory_space<vmem>>
      %dma_wait3A_111 = arith.constant 0 : i32
      %dma_wait3A_112 = tpu.memref_slice %arg7[%add3A_83, %dma_wait3A_111] : memref<10112x128xf32, #tpu.memory_space<vmem_shared>> -> memref<128x128xf32, #tpu.memory_space<vmem_shared>>
      %dma_wait3A_113 = arith.constant 0 : i32
      %dma_wait3A_114 = arith.constant 0 : i32
      %dma_wait3A_115 = tpu.memref_slice %arg18[%dma_wait3A_113, %dma_wait3A_114] : memref<128x128xf32, #tpu.memory_space<vmem>> -> memref<128x128xf32, #tpu.memory_space<vmem>>
      %dma_wait3A_116 = arith.constant 0 : i32
      %dma_wait3A_117 = tpu.memref_slice %arg7[%add3A_83, %dma_wait3A_116] : memref<10112x128xf32, #tpu.memory_space<vmem_shared>> -> memref<128x128xf32, #tpu.memory_space<vmem_shared>>
      tpu.wait_dma2 semaphore(%run_scoped3A : memref<!tpu.dma_semaphore, #tpu.memory_space<semaphore_mem>>) src(%dma_wait3A_117 : memref<128x128xf32, #tpu.memory_space<vmem_shared>>) dst(%dma_wait3A_115 : memref<128x128xf32, #tpu.memory_space<vmem>>)
      tpu.yield
    }) : () -> ()
    %add3A_84 = arith.constant 128 : i32
    %add3A_85 = arith.addi %mul3A_2, %add3A_84 : i32
    "tpu.region"() ({
      %run_scoped3A = tpu.sem_alloc : memref<!tpu.dma_semaphore, #tpu.memory_space<semaphore_mem>>
      %dma_start3A_98 = arith.constant 0 : i32
      %dma_start3A_99 = arith.constant 0 : i32
      %dma_start3A_100 = tpu.memref_slice %arg18[%dma_start3A_98, %dma_start3A_99] : memref<128x128xf32, #tpu.memory_space<vmem>> -> memref<128x128xf32, #tpu.memory_space<vmem>>
      %dma_start3A_101 = arith.constant 0 : i32
      %dma_start3A_102 = tpu.memref_slice %arg6[%arg0, %add3A_85, %dma_start3A_101] : memref<2x10112x128xf32, #tpu.memory_space<hbm>> -> memref<1x128x128xf32, #tpu.memory_space<hbm>>
      %dma_start3A_103 = tpu.memref_squeeze %dma_start3A_102 : memref<1x128x128xf32, #tpu.memory_space<hbm>> -> memref<128x128xf32, #tpu.memory_space<hbm>>
      %dma_start3A_104 = arith.constant 0 : i32
      %dma_start3A_105 = tpu.memref_slice %arg6[%arg0, %add3A_85, %dma_start3A_104] : memref<2x10112x128xf32, #tpu.memory_space<hbm>> -> memref<1x128x128xf32, #tpu.memory_space<hbm>>
      %dma_start3A_106 = tpu.memref_squeeze %dma_start3A_105 : memref<1x128x128xf32, #tpu.memory_space<hbm>> -> memref<128x128xf32, #tpu.memory_space<hbm>>
      %dma_start3A_107 = arith.constant 0 : i32
      %dma_start3A_108 = arith.constant 0 : i32
      %dma_start3A_109 = tpu.memref_slice %arg18[%dma_start3A_107, %dma_start3A_108] : memref<128x128xf32, #tpu.memory_space<vmem>> -> memref<128x128xf32, #tpu.memory_space<vmem>>
      tpu.enqueue_dma source(%dma_start3A_109 : memref<128x128xf32, #tpu.memory_space<vmem>>) target(%dma_start3A_106 : memref<128x128xf32, #tpu.memory_space<hbm>>) target_semaphore(%run_scoped3A : memref<!tpu.dma_semaphore, #tpu.memory_space<semaphore_mem>>)
      %dma_wait3A_110 = arith.constant 0 : i32
      %dma_wait3A_111 = arith.constant 0 : i32
      %dma_wait3A_112 = tpu.memref_slice %arg18[%dma_wait3A_110, %dma_wait3A_111] : memref<128x128xf32, #tpu.memory_space<vmem>> -> memref<128x128xf32, #tpu.memory_space<vmem>>
      %dma_wait3A_113 = arith.constant 0 : i32
      %dma_wait3A_114 = tpu.memref_slice %arg6[%arg0, %add3A_85, %dma_wait3A_113] : memref<2x10112x128xf32, #tpu.memory_space<hbm>> -> memref<1x128x128xf32, #tpu.memory_space<hbm>>
      %dma_wait3A_115 = tpu.memref_squeeze %dma_wait3A_114 : memref<1x128x128xf32, #tpu.memory_space<hbm>> -> memref<128x128xf32, #tpu.memory_space<hbm>>
      %dma_wait3A_116 = arith.constant 0 : i32
      %dma_wait3A_117 = tpu.memref_slice %arg6[%arg0, %add3A_85, %dma_wait3A_116] : memref<2x10112x128xf32, #tpu.memory_space<hbm>> -> memref<1x128x128xf32, #tpu.memory_space<hbm>>
      %dma_wait3A_118 = tpu.memref_squeeze %dma_wait3A_117 : memref<1x128x128xf32, #tpu.memory_space<hbm>> -> memref<128x128xf32, #tpu.memory_space<hbm>>
      %dma_wait3A_119 = arith.constant 0 : i32
      %dma_wait3A_120 = arith.constant 0 : i32
      %dma_wait3A_121 = tpu.memref_slice %arg18[%dma_wait3A_119, %dma_wait3A_120] : memref<128x128xf32, #tpu.memory_space<vmem>> -> memref<128x128xf32, #tpu.memory_space<vmem>>
      tpu.wait_dma2 semaphore(%run_scoped3A : memref<!tpu.dma_semaphore, #tpu.memory_space<semaphore_mem>>) src(%dma_wait3A_121 : memref<128x128xf32, #tpu.memory_space<vmem>>) dst(%dma_wait3A_118 : memref<128x128xf32, #tpu.memory_space<hbm>>)
      tpu.yield
    }) : () -> ()
    %add3A_86 = arith.constant 256 : i32
    %add3A_87 = arith.addi %mul3A_2, %add3A_86 : i32
    "tpu.region"() ({
      %run_scoped3A = tpu.sem_alloc : memref<!tpu.dma_semaphore, #tpu.memory_space<semaphore_mem>>
      %dma_start3A_98 = arith.constant 0 : i32
      %dma_start3A_99 = arith.constant 0 : i32
      %dma_start3A_100 = tpu.memref_slice %arg18[%dma_start3A_98, %dma_start3A_99] : memref<128x128xf32, #tpu.memory_space<vmem>> -> memref<128x128xf32, #tpu.memory_space<vmem>>
      %dma_start3A_101 = arith.constant 0 : i32
      %dma_start3A_102 = tpu.memref_slice %arg7[%add3A_87, %dma_start3A_101] : memref<10112x128xf32, #tpu.memory_space<vmem_shared>> -> memref<128x128xf32, #tpu.memory_space<vmem_shared>>
      %dma_start3A_103 = arith.constant 0 : i32
      %dma_start3A_104 = arith.constant 0 : i32
      %dma_start3A_105 = tpu.memref_slice %arg18[%dma_start3A_103, %dma_start3A_104] : memref<128x128xf32, #tpu.memory_space<vmem>> -> memref<128x128xf32, #tpu.memory_space<vmem>>
      %dma_start3A_106 = arith.constant 0 : i32
      %dma_start3A_107 = tpu.memref_slice %arg7[%add3A_87, %dma_start3A_106] : memref<10112x128xf32, #tpu.memory_space<vmem_shared>> -> memref<128x128xf32, #tpu.memory_space<vmem_shared>>
      tpu.enqueue_dma source(%dma_start3A_107 : memref<128x128xf32, #tpu.memory_space<vmem_shared>>) target(%dma_start3A_105 : memref<128x128xf32, #tpu.memory_space<vmem>>) target_semaphore(%run_scoped3A : memref<!tpu.dma_semaphore, #tpu.memory_space<semaphore_mem>>)
      %dma_wait3A_108 = arith.constant 0 : i32
      %dma_wait3A_109 = arith.constant 0 : i32
      %dma_wait3A_110 = tpu.memref_slice %arg18[%dma_wait3A_108, %dma_wait3A_109] : memref<128x128xf32, #tpu.memory_space<vmem>> -> memref<128x128xf32, #tpu.memory_space<vmem>>
      %dma_wait3A_111 = arith.constant 0 : i32
      %dma_wait3A_112 = tpu.memref_slice %arg7[%add3A_87, %dma_wait3A_111] : memref<10112x128xf32, #tpu.memory_space<vmem_shared>> -> memref<128x128xf32, #tpu.memory_space<vmem_shared>>
      %dma_wait3A_113 = arith.constant 0 : i32
      %dma_wait3A_114 = arith.constant 0 : i32
      %dma_wait3A_115 = tpu.memref_slice %arg18[%dma_wait3A_113, %dma_wait3A_114] : memref<128x128xf32, #tpu.memory_space<vmem>> -> memref<128x128xf32, #tpu.memory_space<vmem>>
      %dma_wait3A_116 = arith.constant 0 : i32
      %dma_wait3A_117 = tpu.memref_slice %arg7[%add3A_87, %dma_wait3A_116] : memref<10112x128xf32, #tpu.memory_space<vmem_shared>> -> memref<128x128xf32, #tpu.memory_space<vmem_shared>>
      tpu.wait_dma2 semaphore(%run_scoped3A : memref<!tpu.dma_semaphore, #tpu.memory_space<semaphore_mem>>) src(%dma_wait3A_117 : memref<128x128xf32, #tpu.memory_space<vmem_shared>>) dst(%dma_wait3A_115 : memref<128x128xf32, #tpu.memory_space<vmem>>)
      tpu.yield
    }) : () -> ()
    %add3A_88 = arith.constant 256 : i32
    %add3A_89 = arith.addi %mul3A_2, %add3A_88 : i32
    "tpu.region"() ({
      %run_scoped3A = tpu.sem_alloc : memref<!tpu.dma_semaphore, #tpu.memory_space<semaphore_mem>>
      %dma_start3A_98 = arith.constant 0 : i32
      %dma_start3A_99 = arith.constant 0 : i32
      %dma_start3A_100 = tpu.memref_slice %arg18[%dma_start3A_98, %dma_start3A_99] : memref<128x128xf32, #tpu.memory_space<vmem>> -> memref<128x128xf32, #tpu.memory_space<vmem>>
      %dma_start3A_101 = arith.constant 0 : i32
      %dma_start3A_102 = tpu.memref_slice %arg6[%arg0, %add3A_89, %dma_start3A_101] : memref<2x10112x128xf32, #tpu.memory_space<hbm>> -> memref<1x128x128xf32, #tpu.memory_space<hbm>>
      %dma_start3A_103 = tpu.memref_squeeze %dma_start3A_102 : memref<1x128x128xf32, #tpu.memory_space<hbm>> -> memref<128x128xf32, #tpu.memory_space<hbm>>
      %dma_start3A_104 = arith.constant 0 : i32
      %dma_start3A_105 = tpu.memref_slice %arg6[%arg0, %add3A_89, %dma_start3A_104] : memref<2x10112x128xf32, #tpu.memory_space<hbm>> -> memref<1x128x128xf32, #tpu.memory_space<hbm>>
      %dma_start3A_106 = tpu.memref_squeeze %dma_start3A_105 : memref<1x128x128xf32, #tpu.memory_space<hbm>> -> memref<128x128xf32, #tpu.memory_space<hbm>>
      %dma_start3A_107 = arith.constant 0 : i32
      %dma_start3A_108 = arith.constant 0 : i32
      %dma_start3A_109 = tpu.memref_slice %arg18[%dma_start3A_107, %dma_start3A_108] : memref<128x128xf32, #tpu.memory_space<vmem>> -> memref<128x128xf32, #tpu.memory_space<vmem>>
      tpu.enqueue_dma source(%dma_start3A_109 : memref<128x128xf32, #tpu.memory_space<vmem>>) target(%dma_start3A_106 : memref<128x128xf32, #tpu.memory_space<hbm>>) target_semaphore(%run_scoped3A : memref<!tpu.dma_semaphore, #tpu.memory_space<semaphore_mem>>)
      %dma_wait3A_110 = arith.constant 0 : i32
      %dma_wait3A_111 = arith.constant 0 : i32
      %dma_wait3A_112 = tpu.memref_slice %arg18[%dma_wait3A_110, %dma_wait3A_111] : memref<128x128xf32, #tpu.memory_space<vmem>> -> memref<128x128xf32, #tpu.memory_space<vmem>>
      %dma_wait3A_113 = arith.constant 0 : i32
      %dma_wait3A_114 = tpu.memref_slice %arg6[%arg0, %add3A_89, %dma_wait3A_113] : memref<2x10112x128xf32, #tpu.memory_space<hbm>> -> memref<1x128x128xf32, #tpu.memory_space<hbm>>
      %dma_wait3A_115 = tpu.memref_squeeze %dma_wait3A_114 : memref<1x128x128xf32, #tpu.memory_space<hbm>> -> memref<128x128xf32, #tpu.memory_space<hbm>>
      %dma_wait3A_116 = arith.constant 0 : i32
      %dma_wait3A_117 = tpu.memref_slice %arg6[%arg0, %add3A_89, %dma_wait3A_116] : memref<2x10112x128xf32, #tpu.memory_space<hbm>> -> memref<1x128x128xf32, #tpu.memory_space<hbm>>
      %dma_wait3A_118 = tpu.memref_squeeze %dma_wait3A_117 : memref<1x128x128xf32, #tpu.memory_space<hbm>> -> memref<128x128xf32, #tpu.memory_space<hbm>>
      %dma_wait3A_119 = arith.constant 0 : i32
      %dma_wait3A_120 = arith.constant 0 : i32
      %dma_wait3A_121 = tpu.memref_slice %arg18[%dma_wait3A_119, %dma_wait3A_120] : memref<128x128xf32, #tpu.memory_space<vmem>> -> memref<128x128xf32, #tpu.memory_space<vmem>>
      tpu.wait_dma2 semaphore(%run_scoped3A : memref<!tpu.dma_semaphore, #tpu.memory_space<semaphore_mem>>) src(%dma_wait3A_121 : memref<128x128xf32, #tpu.memory_space<vmem>>) dst(%dma_wait3A_118 : memref<128x128xf32, #tpu.memory_space<hbm>>)
      tpu.yield
    }) : () -> ()
    %add3A_90 = arith.constant 384 : i32
    %add3A_91 = arith.addi %mul3A_2, %add3A_90 : i32
    "tpu.region"() ({
      %run_scoped3A = tpu.sem_alloc : memref<!tpu.dma_semaphore, #tpu.memory_space<semaphore_mem>>
      %dma_start3A_98 = arith.constant 0 : i32
      %dma_start3A_99 = arith.constant 0 : i32
      %dma_start3A_100 = tpu.memref_slice %arg18[%dma_start3A_98, %dma_start3A_99] : memref<128x128xf32, #tpu.memory_space<vmem>> -> memref<128x128xf32, #tpu.memory_space<vmem>>
      %dma_start3A_101 = arith.constant 0 : i32
      %dma_start3A_102 = tpu.memref_slice %arg7[%add3A_91, %dma_start3A_101] : memref<10112x128xf32, #tpu.memory_space<vmem_shared>> -> memref<128x128xf32, #tpu.memory_space<vmem_shared>>
      %dma_start3A_103 = arith.constant 0 : i32
      %dma_start3A_104 = arith.constant 0 : i32
      %dma_start3A_105 = tpu.memref_slice %arg18[%dma_start3A_103, %dma_start3A_104] : memref<128x128xf32, #tpu.memory_space<vmem>> -> memref<128x128xf32, #tpu.memory_space<vmem>>
      %dma_start3A_106 = arith.constant 0 : i32
      %dma_start3A_107 = tpu.memref_slice %arg7[%add3A_91, %dma_start3A_106] : memref<10112x128xf32, #tpu.memory_space<vmem_shared>> -> memref<128x128xf32, #tpu.memory_space<vmem_shared>>
      tpu.enqueue_dma source(%dma_start3A_107 : memref<128x128xf32, #tpu.memory_space<vmem_shared>>) target(%dma_start3A_105 : memref<128x128xf32, #tpu.memory_space<vmem>>) target_semaphore(%run_scoped3A : memref<!tpu.dma_semaphore, #tpu.memory_space<semaphore_mem>>)
      %dma_wait3A_108 = arith.constant 0 : i32
      %dma_wait3A_109 = arith.constant 0 : i32
      %dma_wait3A_110 = tpu.memref_slice %arg18[%dma_wait3A_108, %dma_wait3A_109] : memref<128x128xf32, #tpu.memory_space<vmem>> -> memref<128x128xf32, #tpu.memory_space<vmem>>
      %dma_wait3A_111 = arith.constant 0 : i32
      %dma_wait3A_112 = tpu.memref_slice %arg7[%add3A_91, %dma_wait3A_111] : memref<10112x128xf32, #tpu.memory_space<vmem_shared>> -> memref<128x128xf32, #tpu.memory_space<vmem_shared>>
      %dma_wait3A_113 = arith.constant 0 : i32
      %dma_wait3A_114 = arith.constant 0 : i32
      %dma_wait3A_115 = tpu.memref_slice %arg18[%dma_wait3A_113, %dma_wait3A_114] : memref<128x128xf32, #tpu.memory_space<vmem>> -> memref<128x128xf32, #tpu.memory_space<vmem>>
      %dma_wait3A_116 = arith.constant 0 : i32
      %dma_wait3A_117 = tpu.memref_slice %arg7[%add3A_91, %dma_wait3A_116] : memref<10112x128xf32, #tpu.memory_space<vmem_shared>> -> memref<128x128xf32, #tpu.memory_space<vmem_shared>>
      tpu.wait_dma2 semaphore(%run_scoped3A : memref<!tpu.dma_semaphore, #tpu.memory_space<semaphore_mem>>) src(%dma_wait3A_117 : memref<128x128xf32, #tpu.memory_space<vmem_shared>>) dst(%dma_wait3A_115 : memref<128x128xf32, #tpu.memory_space<vmem>>)
      tpu.yield
    }) : () -> ()
    %add3A_92 = arith.constant 384 : i32
    %add3A_93 = arith.addi %mul3A_2, %add3A_92 : i32
    "tpu.region"() ({
      %run_scoped3A = tpu.sem_alloc : memref<!tpu.dma_semaphore, #tpu.memory_space<semaphore_mem>>
      %dma_start3A_98 = arith.constant 0 : i32
      %dma_start3A_99 = arith.constant 0 : i32
      %dma_start3A_100 = tpu.memref_slice %arg18[%dma_start3A_98, %dma_start3A_99] : memref<128x128xf32, #tpu.memory_space<vmem>> -> memref<128x128xf32, #tpu.memory_space<vmem>>
      %dma_start3A_101 = arith.constant 0 : i32
      %dma_start3A_102 = tpu.memref_slice %arg6[%arg0, %add3A_93, %dma_start3A_101] : memref<2x10112x128xf32, #tpu.memory_space<hbm>> -> memref<1x128x128xf32, #tpu.memory_space<hbm>>
      %dma_start3A_103 = tpu.memref_squeeze %dma_start3A_102 : memref<1x128x128xf32, #tpu.memory_space<hbm>> -> memref<128x128xf32, #tpu.memory_space<hbm>>
      %dma_start3A_104 = arith.constant 0 : i32
      %dma_start3A_105 = tpu.memref_slice %arg6[%arg0, %add3A_93, %dma_start3A_104] : memref<2x10112x128xf32, #tpu.memory_space<hbm>> -> memref<1x128x128xf32, #tpu.memory_space<hbm>>
      %dma_start3A_106 = tpu.memref_squeeze %dma_start3A_105 : memref<1x128x128xf32, #tpu.memory_space<hbm>> -> memref<128x128xf32, #tpu.memory_space<hbm>>
      %dma_start3A_107 = arith.constant 0 : i32
      %dma_start3A_108 = arith.constant 0 : i32
      %dma_start3A_109 = tpu.memref_slice %arg18[%dma_start3A_107, %dma_start3A_108] : memref<128x128xf32, #tpu.memory_space<vmem>> -> memref<128x128xf32, #tpu.memory_space<vmem>>
      tpu.enqueue_dma source(%dma_start3A_109 : memref<128x128xf32, #tpu.memory_space<vmem>>) target(%dma_start3A_106 : memref<128x128xf32, #tpu.memory_space<hbm>>) target_semaphore(%run_scoped3A : memref<!tpu.dma_semaphore, #tpu.memory_space<semaphore_mem>>)
      %dma_wait3A_110 = arith.constant 0 : i32
      %dma_wait3A_111 = arith.constant 0 : i32
      %dma_wait3A_112 = tpu.memref_slice %arg18[%dma_wait3A_110, %dma_wait3A_111] : memref<128x128xf32, #tpu.memory_space<vmem>> -> memref<128x128xf32, #tpu.memory_space<vmem>>
      %dma_wait3A_113 = arith.constant 0 : i32
      %dma_wait3A_114 = tpu.memref_slice %arg6[%arg0, %add3A_93, %dma_wait3A_113] : memref<2x10112x128xf32, #tpu.memory_space<hbm>> -> memref<1x128x128xf32, #tpu.memory_space<hbm>>
      %dma_wait3A_115 = tpu.memref_squeeze %dma_wait3A_114 : memref<1x128x128xf32, #tpu.memory_space<hbm>> -> memref<128x128xf32, #tpu.memory_space<hbm>>
      %dma_wait3A_116 = arith.constant 0 : i32
      %dma_wait3A_117 = tpu.memref_slice %arg6[%arg0, %add3A_93, %dma_wait3A_116] : memref<2x10112x128xf32, #tpu.memory_space<hbm>> -> memref<1x128x128xf32, #tpu.memory_space<hbm>>
      %dma_wait3A_118 = tpu.memref_squeeze %dma_wait3A_117 : memref<1x128x128xf32, #tpu.memory_space<hbm>> -> memref<128x128xf32, #tpu.memory_space<hbm>>
      %dma_wait3A_119 = arith.constant 0 : i32
      %dma_wait3A_120 = arith.constant 0 : i32
      %dma_wait3A_121 = tpu.memref_slice %arg18[%dma_wait3A_119, %dma_wait3A_120] : memref<128x128xf32, #tpu.memory_space<vmem>> -> memref<128x128xf32, #tpu.memory_space<vmem>>
      tpu.wait_dma2 semaphore(%run_scoped3A : memref<!tpu.dma_semaphore, #tpu.memory_space<semaphore_mem>>) src(%dma_wait3A_121 : memref<128x128xf32, #tpu.memory_space<vmem>>) dst(%dma_wait3A_118 : memref<128x128xf32, #tpu.memory_space<hbm>>)
      tpu.yield
    }) : () -> ()
    %add3A_94 = arith.constant 512 : i32
    %add3A_95 = arith.addi %mul3A_2, %add3A_94 : i32
    "tpu.region"() ({
      %run_scoped3A = tpu.sem_alloc : memref<!tpu.dma_semaphore, #tpu.memory_space<semaphore_mem>>
      %dma_start3A_98 = arith.constant 0 : i32
      %dma_start3A_99 = arith.constant 0 : i32
      %dma_start3A_100 = tpu.memref_slice %arg18[%dma_start3A_98, %dma_start3A_99] : memref<128x128xf32, #tpu.memory_space<vmem>> -> memref<120x128xf32, #tpu.memory_space<vmem>>
      %dma_start3A_101 = arith.constant 0 : i32
      %dma_start3A_102 = tpu.memref_slice %arg7[%add3A_95, %dma_start3A_101] : memref<10112x128xf32, #tpu.memory_space<vmem_shared>> -> memref<120x128xf32, #tpu.memory_space<vmem_shared>>
      %dma_start3A_103 = arith.constant 0 : i32
      %dma_start3A_104 = arith.constant 0 : i32
      %dma_start3A_105 = tpu.memref_slice %arg18[%dma_start3A_103, %dma_start3A_104] : memref<128x128xf32, #tpu.memory_space<vmem>> -> memref<120x128xf32, #tpu.memory_space<vmem>>
      %dma_start3A_106 = arith.constant 0 : i32
      %dma_start3A_107 = tpu.memref_slice %arg7[%add3A_95, %dma_start3A_106] : memref<10112x128xf32, #tpu.memory_space<vmem_shared>> -> memref<120x128xf32, #tpu.memory_space<vmem_shared>>
      tpu.enqueue_dma source(%dma_start3A_107 : memref<120x128xf32, #tpu.memory_space<vmem_shared>>) target(%dma_start3A_105 : memref<120x128xf32, #tpu.memory_space<vmem>>) target_semaphore(%run_scoped3A : memref<!tpu.dma_semaphore, #tpu.memory_space<semaphore_mem>>)
      %dma_wait3A_108 = arith.constant 0 : i32
      %dma_wait3A_109 = arith.constant 0 : i32
      %dma_wait3A_110 = tpu.memref_slice %arg18[%dma_wait3A_108, %dma_wait3A_109] : memref<128x128xf32, #tpu.memory_space<vmem>> -> memref<120x128xf32, #tpu.memory_space<vmem>>
      %dma_wait3A_111 = arith.constant 0 : i32
      %dma_wait3A_112 = tpu.memref_slice %arg7[%add3A_95, %dma_wait3A_111] : memref<10112x128xf32, #tpu.memory_space<vmem_shared>> -> memref<120x128xf32, #tpu.memory_space<vmem_shared>>
      %dma_wait3A_113 = arith.constant 0 : i32
      %dma_wait3A_114 = arith.constant 0 : i32
      %dma_wait3A_115 = tpu.memref_slice %arg18[%dma_wait3A_113, %dma_wait3A_114] : memref<128x128xf32, #tpu.memory_space<vmem>> -> memref<120x128xf32, #tpu.memory_space<vmem>>
      %dma_wait3A_116 = arith.constant 0 : i32
      %dma_wait3A_117 = tpu.memref_slice %arg7[%add3A_95, %dma_wait3A_116] : memref<10112x128xf32, #tpu.memory_space<vmem_shared>> -> memref<120x128xf32, #tpu.memory_space<vmem_shared>>
      tpu.wait_dma2 semaphore(%run_scoped3A : memref<!tpu.dma_semaphore, #tpu.memory_space<semaphore_mem>>) src(%dma_wait3A_117 : memref<120x128xf32, #tpu.memory_space<vmem_shared>>) dst(%dma_wait3A_115 : memref<120x128xf32, #tpu.memory_space<vmem>>)
      tpu.yield
    }) : () -> ()
    %add3A_96 = arith.constant 512 : i32
    %add3A_97 = arith.addi %mul3A_2, %add3A_96 : i32
    "tpu.region"() ({
      %run_scoped3A = tpu.sem_alloc : memref<!tpu.dma_semaphore, #tpu.memory_space<semaphore_mem>>
      %dma_start3A_98 = arith.constant 0 : i32
      %dma_start3A_99 = arith.constant 0 : i32
      %dma_start3A_100 = tpu.memref_slice %arg18[%dma_start3A_98, %dma_start3A_99] : memref<128x128xf32, #tpu.memory_space<vmem>> -> memref<120x128xf32, #tpu.memory_space<vmem>>
      %dma_start3A_101 = arith.constant 0 : i32
      %dma_start3A_102 = tpu.memref_slice %arg6[%arg0, %add3A_97, %dma_start3A_101] : memref<2x10112x128xf32, #tpu.memory_space<hbm>> -> memref<1x120x128xf32, #tpu.memory_space<hbm>>
      %dma_start3A_103 = tpu.memref_squeeze %dma_start3A_102 : memref<1x120x128xf32, #tpu.memory_space<hbm>> -> memref<120x128xf32, #tpu.memory_space<hbm>>
      %dma_start3A_104 = arith.constant 0 : i32
      %dma_start3A_105 = tpu.memref_slice %arg6[%arg0, %add3A_97, %dma_start3A_104] : memref<2x10112x128xf32, #tpu.memory_space<hbm>> -> memref<1x120x128xf32, #tpu.memory_space<hbm>>
      %dma_start3A_106 = tpu.memref_squeeze %dma_start3A_105 : memref<1x120x128xf32, #tpu.memory_space<hbm>> -> memref<120x128xf32, #tpu.memory_space<hbm>>
      %dma_start3A_107 = arith.constant 0 : i32
      %dma_start3A_108 = arith.constant 0 : i32
      %dma_start3A_109 = tpu.memref_slice %arg18[%dma_start3A_107, %dma_start3A_108] : memref<128x128xf32, #tpu.memory_space<vmem>> -> memref<120x128xf32, #tpu.memory_space<vmem>>
      tpu.enqueue_dma source(%dma_start3A_109 : memref<120x128xf32, #tpu.memory_space<vmem>>) target(%dma_start3A_106 : memref<120x128xf32, #tpu.memory_space<hbm>>) target_semaphore(%run_scoped3A : memref<!tpu.dma_semaphore, #tpu.memory_space<semaphore_mem>>)
      %dma_wait3A_110 = arith.constant 0 : i32
      %dma_wait3A_111 = arith.constant 0 : i32
      %dma_wait3A_112 = tpu.memref_slice %arg18[%dma_wait3A_110, %dma_wait3A_111] : memref<128x128xf32, #tpu.memory_space<vmem>> -> memref<120x128xf32, #tpu.memory_space<vmem>>
      %dma_wait3A_113 = arith.constant 0 : i32
      %dma_wait3A_114 = tpu.memref_slice %arg6[%arg0, %add3A_97, %dma_wait3A_113] : memref<2x10112x128xf32, #tpu.memory_space<hbm>> -> memref<1x120x128xf32, #tpu.memory_space<hbm>>
      %dma_wait3A_115 = tpu.memref_squeeze %dma_wait3A_114 : memref<1x120x128xf32, #tpu.memory_space<hbm>> -> memref<120x128xf32, #tpu.memory_space<hbm>>
      %dma_wait3A_116 = arith.constant 0 : i32
      %dma_wait3A_117 = tpu.memref_slice %arg6[%arg0, %add3A_97, %dma_wait3A_116] : memref<2x10112x128xf32, #tpu.memory_space<hbm>> -> memref<1x120x128xf32, #tpu.memory_space<hbm>>
      %dma_wait3A_118 = tpu.memref_squeeze %dma_wait3A_117 : memref<1x120x128xf32, #tpu.memory_space<hbm>> -> memref<120x128xf32, #tpu.memory_space<hbm>>
      %dma_wait3A_119 = arith.constant 0 : i32
      %dma_wait3A_120 = arith.constant 0 : i32
      %dma_wait3A_121 = tpu.memref_slice %arg18[%dma_wait3A_119, %dma_wait3A_120] : memref<128x128xf32, #tpu.memory_space<vmem>> -> memref<120x128xf32, #tpu.memory_space<vmem>>
      tpu.wait_dma2 semaphore(%run_scoped3A : memref<!tpu.dma_semaphore, #tpu.memory_space<semaphore_mem>>) src(%dma_wait3A_121 : memref<120x128xf32, #tpu.memory_space<vmem>>) dst(%dma_wait3A_118 : memref<120x128xf32, #tpu.memory_space<hbm>>)
      tpu.yield
    }) : () -> ()
    return
  }
}

module attributes {stable_mosaic.version = 14 : i64} {
  func.func @_tc_mid_body(%arg0: memref<2x10112x128xf32, #tpu.memory_space<vmem>>, %arg1: memref<2x10112x128xf32, #tpu.memory_space<vmem>>, %arg2: memref<10000x128xf32, #tpu.memory_space<vmem>>, %arg3: memref<1x128xf32, #tpu.memory_space<vmem>>, %arg4: memref<1x128xf32, #tpu.memory_space<vmem>>, %arg5: memref<128x128xf32, #tpu.memory_space<vmem>>, %arg6: memref<128x128xf32, #tpu.memory_space<vmem>>, %arg7: memref<1x128xf32, #tpu.memory_space<vmem>>, %arg8: memref<10000x128xf32, #tpu.memory_space<vmem>>, %arg9: memref<10000x128xf32, #tpu.memory_space<vmem>>) attributes {dimension_semantics = [], scalar_prefetch = 0 : i64, scratch_operands = 0 : i64, tpu.core_type = #tpu.core_type<tc>} {
    %get3A = arith.constant 0 : index
    %get3A_0 = arith.constant 0 : index
    %get3A_1 = arith.constant 0 : index
    %get3A_2 = vector.load %arg0[%get3A, %get3A_0, %get3A_1] : memref<2x10112x128xf32, #tpu.memory_space<vmem>>, vector<2x10112x128xf32>
    %get3A_3 = arith.constant 0 : index
    %get3A_4 = arith.constant 0 : index
    %get3A_5 = arith.constant 0 : index
    %get3A_6 = vector.load %arg1[%get3A_3, %get3A_4, %get3A_5] : memref<2x10112x128xf32, #tpu.memory_space<vmem>>, vector<2x10112x128xf32>
    %slice3A = vector.extract_strided_slice %get3A_6 {offsets = [0, 0, 0], sizes = [1, 10000, 1], strides = [1, 1, 1]} : vector<2x10112x128xf32> to vector<1x10000x1xf32>
    %squeeze3A = vector.shape_cast %slice3A : vector<1x10000x1xf32> to vector<10000x1xf32>
    %slice3A_7 = vector.extract_strided_slice %get3A_6 {offsets = [1, 0, 0], sizes = [1, 10000, 1], strides = [1, 1, 1]} : vector<2x10112x128xf32> to vector<1x10000x1xf32>
    %squeeze3A_8 = vector.shape_cast %slice3A_7 : vector<1x10000x1xf32> to vector<10000x1xf32>
    %add3A = arith.addf %squeeze3A, %squeeze3A_8 : vector<10000x1xf32>
    %slice3A_9 = vector.extract_strided_slice %get3A_2 {offsets = [0, 0, 0], sizes = [1, 10000, 128], strides = [1, 1, 1]} : vector<2x10112x128xf32> to vector<1x10000x128xf32>
    %squeeze3A_10 = vector.shape_cast %slice3A_9 : vector<1x10000x128xf32> to vector<10000x128xf32>
    %slice3A_11 = vector.extract_strided_slice %get3A_2 {offsets = [1, 0, 0], sizes = [1, 10000, 128], strides = [1, 1, 1]} : vector<2x10112x128xf32> to vector<1x10000x128xf32>
    %squeeze3A_12 = vector.shape_cast %slice3A_11 : vector<1x10000x128xf32> to vector<10000x128xf32>
    %add3A_13 = arith.addf %squeeze3A_10, %squeeze3A_12 : vector<10000x128xf32>
    %max3A = arith.constant 1.000000e+00 : f32
    %max3A_14 = vector.broadcast %max3A : f32 to vector<10000x1xf32>
    %max3A_15 = arith.maximumf %add3A, %max3A_14 : vector<10000x1xf32>
    %div3A = vector.broadcast %max3A_15 : vector<10000x1xf32> to vector<10000x128xf32>
    %div3A_16 = arith.divf %add3A_13, %div3A : vector<10000x128xf32>
    %get3A_17 = arith.constant 0 : index
    %get3A_18 = arith.constant 0 : index
    %get3A_19 = vector.load %arg2[%get3A_17, %get3A_18] : memref<10000x128xf32, #tpu.memory_space<vmem>>, vector<10000x128xf32>
    %add3A_20 = arith.addf %div3A_16, %get3A_19 : vector<10000x128xf32>
    %reduce_sum3A = arith.constant dense<0.000000e+00> : vector<128xf32>
    %reduce_sum3A_21 = vector.multi_reduction <add>, %add3A_20, %reduce_sum3A [0] : vector<10000x128xf32> to vector<128xf32>
    %broadcast_in_dim3A = vector.shape_cast %reduce_sum3A_21 : vector<128xf32> to vector<1x128xf32>
    %div3A_22 = arith.constant 1.000000e+04 : f32
    %div3A_23 = vector.broadcast %div3A_22 : f32 to vector<1x128xf32>
    %div3A_24 = arith.divf %broadcast_in_dim3A, %div3A_23 : vector<1x128xf32>
    %sub3A = vector.broadcast %div3A_24 : vector<1x128xf32> to vector<10000x128xf32>
    %sub3A_25 = arith.subf %add3A_20, %sub3A : vector<10000x128xf32>
    %integer_pow3A = arith.mulf %sub3A_25, %sub3A_25 : vector<10000x128xf32>
    %reduce_sum3A_26 = arith.constant dense<0.000000e+00> : vector<128xf32>
    %reduce_sum3A_27 = vector.multi_reduction <add>, %integer_pow3A, %reduce_sum3A_26 [0] : vector<10000x128xf32> to vector<128xf32>
    %broadcast_in_dim3A_28 = vector.shape_cast %reduce_sum3A_27 : vector<128xf32> to vector<1x128xf32>
    %div3A_29 = arith.constant 1.000000e+04 : f32
    %div3A_30 = vector.broadcast %div3A_29 : f32 to vector<1x128xf32>
    %div3A_31 = arith.divf %broadcast_in_dim3A_28, %div3A_30 : vector<1x128xf32>
    %sub3A_32 = vector.broadcast %div3A_24 : vector<1x128xf32> to vector<10000x128xf32>
    %sub3A_33 = arith.subf %add3A_20, %sub3A_32 : vector<10000x128xf32>
    %add3A_34 = arith.constant 9.99999974E-6 : f32
    %add3A_35 = vector.broadcast %add3A_34 : f32 to vector<1x128xf32>
    %add3A_36 = arith.addf %div3A_31, %add3A_35 : vector<1x128xf32>
    %rsqrt3A = math.rsqrt %add3A_36 : vector<1x128xf32>
    %mul3A = vector.broadcast %rsqrt3A : vector<1x128xf32> to vector<10000x128xf32>
    %mul3A_37 = arith.mulf %sub3A_33, %mul3A : vector<10000x128xf32>
    %get3A_38 = arith.constant 0 : index
    %get3A_39 = arith.constant 0 : index
    %get3A_40 = vector.load %arg3[%get3A_38, %get3A_39] : memref<1x128xf32, #tpu.memory_space<vmem>>, vector<1x128xf32>
    %mul3A_41 = vector.broadcast %get3A_40 : vector<1x128xf32> to vector<10000x128xf32>
    %mul3A_42 = arith.mulf %mul3A_37, %mul3A_41 : vector<10000x128xf32>
    %get3A_43 = arith.constant 0 : index
    %get3A_44 = arith.constant 0 : index
    %get3A_45 = vector.load %arg4[%get3A_43, %get3A_44] : memref<1x128xf32, #tpu.memory_space<vmem>>, vector<1x128xf32>
    %add3A_46 = vector.broadcast %get3A_45 : vector<1x128xf32> to vector<10000x128xf32>
    %add3A_47 = arith.addf %mul3A_42, %add3A_46 : vector<10000x128xf32>
    %max3A_48 = arith.constant 0.000000e+00 : f32
    %max3A_49 = vector.broadcast %max3A_48 : f32 to vector<10000x128xf32>
    %max3A_50 = arith.maximumf %add3A_47, %max3A_49 : vector<10000x128xf32>
    %abs3A = math.absf %add3A_47 : vector<10000x128xf32>
    %neg3A = arith.constant 0.000000e+00 : f32
    %neg3A_51 = vector.broadcast %neg3A : f32 to vector<10000x128xf32>
    %neg3A_52 = arith.subf %neg3A_51, %abs3A : vector<10000x128xf32>
    %exp3A = math.exp %neg3A_52 : vector<10000x128xf32>
    %add3A_53 = arith.constant 1.000000e+00 : f32
    %add3A_54 = vector.broadcast %add3A_53 : f32 to vector<10000x128xf32>
    %add3A_55 = arith.addf %add3A_54, %exp3A : vector<10000x128xf32>
    %log3A = math.log %add3A_55 : vector<10000x128xf32>
    %add3A_56 = arith.addf %max3A_50, %log3A : vector<10000x128xf32>
    %tanh3A = math.tanh %add3A_56 : vector<10000x128xf32>
    %mul3A_57 = arith.mulf %add3A_47, %tanh3A : vector<10000x128xf32>
    %get3A_58 = arith.constant 0 : index
    %get3A_59 = arith.constant 0 : index
    %get3A_60 = vector.load %arg5[%get3A_58, %get3A_59] : memref<128x128xf32, #tpu.memory_space<vmem>>, vector<128x128xf32>
    %dot_general3A = arith.constant dense<0.000000e+00> : vector<10000x128xf32>
    %dot_general3A_61 = tpu.matmul %mul3A_57, %get3A_60, %dot_general3A {dimension_numbers = #tpu.dot_dimension_numbers<[1], [0], [0], [1], [0, 0, 1, 1], [], []>, transpose_lhs_hint = false} : vector<10000x128xf32>, vector<128x128xf32>, vector<10000x128xf32> -> vector<10000x128xf32>
    %swap3A = arith.constant 0 : index
    %swap3A_62 = arith.constant 0 : index
    %swap3A_63 = vector.load %arg8[%swap3A, %swap3A_62] : memref<10000x128xf32, #tpu.memory_space<vmem>>, vector<10000x128xf32>
    tpu.vector_store %arg8[%swap3A, %swap3A_62], %dot_general3A_61 {strides = array<i32>} : memref<10000x128xf32, #tpu.memory_space<vmem>>, vector<10000x128xf32>,
    %get3A_64 = arith.constant 0 : index
    %get3A_65 = arith.constant 0 : index
    %get3A_66 = vector.load %arg6[%get3A_64, %get3A_65] : memref<128x128xf32, #tpu.memory_space<vmem>>, vector<128x128xf32>
    %dot_general3A_67 = arith.constant dense<0.000000e+00> : vector<10000x128xf32>
    %dot_general3A_68 = tpu.matmul %mul3A_57, %get3A_66, %dot_general3A_67 {dimension_numbers = #tpu.dot_dimension_numbers<[1], [0], [0], [1], [0, 0, 1, 1], [], []>, transpose_lhs_hint = false} : vector<10000x128xf32>, vector<128x128xf32>, vector<10000x128xf32> -> vector<10000x128xf32>
    %get3A_69 = arith.constant 0 : index
    %get3A_70 = arith.constant 0 : index
    %get3A_71 = vector.load %arg7[%get3A_69, %get3A_70] : memref<1x128xf32, #tpu.memory_space<vmem>>, vector<1x128xf32>
    %add3A_72 = vector.broadcast %get3A_71 : vector<1x128xf32> to vector<10000x128xf32>
    %add3A_73 = arith.addf %dot_general3A_68, %add3A_72 : vector<10000x128xf32>
    %swap3A_74 = arith.constant 0 : index
    %swap3A_75 = arith.constant 0 : index
    %swap3A_76 = vector.load %arg9[%swap3A_74, %swap3A_75] : memref<10000x128xf32, #tpu.memory_space<vmem>>, vector<10000x128xf32>
    tpu.vector_store %arg9[%swap3A_74, %swap3A_75], %add3A_73 {strides = array<i32>} : memref<10000x128xf32, #tpu.memory_space<vmem>>, vector<10000x128xf32>,
    return
  }
}

module attributes {stable_mosaic.version = 14 : i64} {
  func.func @_tc_prep_body(%arg0: memref<10000x128xf32, #tpu.memory_space<vmem>>, %arg1: memref<128x128xf32, #tpu.memory_space<vmem>>, %arg2: memref<128x128xf32, #tpu.memory_space<vmem>>, %arg3: memref<1x128xf32, #tpu.memory_space<vmem>>, %arg4: memref<10000x128xf32, #tpu.memory_space<vmem>>, %arg5: memref<10000x128xf32, #tpu.memory_space<vmem>>) attributes {dimension_semantics = [], scalar_prefetch = 0 : i64, scratch_operands = 0 : i64, tpu.core_type = #tpu.core_type<tc>} {
    %get3A = arith.constant 0 : index
    %get3A_0 = arith.constant 0 : index
    %get3A_1 = vector.load %arg0[%get3A, %get3A_0] : memref<10000x128xf32, #tpu.memory_space<vmem>>, vector<10000x128xf32>
    %get3A_2 = arith.constant 0 : index
    %get3A_3 = arith.constant 0 : index
    %get3A_4 = vector.load %arg1[%get3A_2, %get3A_3] : memref<128x128xf32, #tpu.memory_space<vmem>>, vector<128x128xf32>
    %dot_general3A = arith.constant dense<0.000000e+00> : vector<10000x128xf32>
    %dot_general3A_5 = tpu.matmul %get3A_1, %get3A_4, %dot_general3A {dimension_numbers = #tpu.dot_dimension_numbers<[1], [0], [0], [1], [0, 0, 1, 1], [], []>, transpose_lhs_hint = false} : vector<10000x128xf32>, vector<128x128xf32>, vector<10000x128xf32> -> vector<10000x128xf32>
    %swap3A = arith.constant 0 : index
    %swap3A_6 = arith.constant 0 : index
    %swap3A_7 = vector.load %arg4[%swap3A, %swap3A_6] : memref<10000x128xf32, #tpu.memory_space<vmem>>, vector<10000x128xf32>
    tpu.vector_store %arg4[%swap3A, %swap3A_6], %dot_general3A_5 {strides = array<i32>} : memref<10000x128xf32, #tpu.memory_space<vmem>>, vector<10000x128xf32>,
    %get3A_8 = arith.constant 0 : index
    %get3A_9 = arith.constant 0 : index
    %get3A_10 = vector.load %arg2[%get3A_8, %get3A_9] : memref<128x128xf32, #tpu.memory_space<vmem>>, vector<128x128xf32>
    %dot_general3A_11 = arith.constant dense<0.000000e+00> : vector<10000x128xf32>
    %dot_general3A_12 = tpu.matmul %get3A_1, %get3A_10, %dot_general3A_11 {dimension_numbers = #tpu.dot_dimension_numbers<[1], [0], [0], [1], [0, 0, 1, 1], [], []>, transpose_lhs_hint = false} : vector<10000x128xf32>, vector<128x128xf32>, vector<10000x128xf32> -> vector<10000x128xf32>
    %get3A_13 = arith.constant 0 : index
    %get3A_14 = arith.constant 0 : index
    %get3A_15 = vector.load %arg3[%get3A_13, %get3A_14] : memref<1x128xf32, #tpu.memory_space<vmem>>, vector<1x128xf32>
    %add3A = vector.broadcast %get3A_15 : vector<1x128xf32> to vector<10000x128xf32>
    %add3A_16 = arith.addf %dot_general3A_12, %add3A : vector<10000x128xf32>
    %swap3A_17 = arith.constant 0 : index
    %swap3A_18 = arith.constant 0 : index
    %swap3A_19 = vector.load %arg5[%swap3A_17, %swap3A_18] : memref<10000x128xf32, #tpu.memory_space<vmem>>, vector<10000x128xf32>
    tpu.vector_store %arg5[%swap3A_17, %swap3A_18], %add3A_16 {strides = array<i32>} : memref<10000x128xf32, #tpu.memory_space<vmem>>, vector<10000x128xf32>,
    return
  }
}

module attributes {stable_mosaic.version = 14 : i64} {
  func.func @_tc_mid_body(%arg0: memref<2x10112x128xf32, #tpu.memory_space<vmem>>, %arg1: memref<2x10112x128xf32, #tpu.memory_space<vmem>>, %arg2: memref<10000x128xf32, #tpu.memory_space<vmem>>, %arg3: memref<1x128xf32, #tpu.memory_space<vmem>>, %arg4: memref<1x128xf32, #tpu.memory_space<vmem>>, %arg5: memref<128x128xf32, #tpu.memory_space<vmem>>, %arg6: memref<128x64xf32, #tpu.memory_space<vmem>>, %arg7: memref<1x64xf32, #tpu.memory_space<vmem>>, %arg8: memref<10000x128xf32, #tpu.memory_space<vmem>>, %arg9: memref<10000x64xf32, #tpu.memory_space<vmem>>) attributes {dimension_semantics = [], scalar_prefetch = 0 : i64, scratch_operands = 0 : i64, tpu.core_type = #tpu.core_type<tc>} {
    %get3A = arith.constant 0 : index
    %get3A_0 = arith.constant 0 : index
    %get3A_1 = arith.constant 0 : index
    %get3A_2 = vector.load %arg0[%get3A, %get3A_0, %get3A_1] : memref<2x10112x128xf32, #tpu.memory_space<vmem>>, vector<2x10112x128xf32>
    %get3A_3 = arith.constant 0 : index
    %get3A_4 = arith.constant 0 : index
    %get3A_5 = arith.constant 0 : index
    %get3A_6 = vector.load %arg1[%get3A_3, %get3A_4, %get3A_5] : memref<2x10112x128xf32, #tpu.memory_space<vmem>>, vector<2x10112x128xf32>
    %slice3A = vector.extract_strided_slice %get3A_6 {offsets = [0, 0, 0], sizes = [1, 10000, 1], strides = [1, 1, 1]} : vector<2x10112x128xf32> to vector<1x10000x1xf32>
    %squeeze3A = vector.shape_cast %slice3A : vector<1x10000x1xf32> to vector<10000x1xf32>
    %slice3A_7 = vector.extract_strided_slice %get3A_6 {offsets = [1, 0, 0], sizes = [1, 10000, 1], strides = [1, 1, 1]} : vector<2x10112x128xf32> to vector<1x10000x1xf32>
    %squeeze3A_8 = vector.shape_cast %slice3A_7 : vector<1x10000x1xf32> to vector<10000x1xf32>
    %add3A = arith.addf %squeeze3A, %squeeze3A_8 : vector<10000x1xf32>
    %slice3A_9 = vector.extract_strided_slice %get3A_2 {offsets = [0, 0, 0], sizes = [1, 10000, 128], strides = [1, 1, 1]} : vector<2x10112x128xf32> to vector<1x10000x128xf32>
    %squeeze3A_10 = vector.shape_cast %slice3A_9 : vector<1x10000x128xf32> to vector<10000x128xf32>
    %slice3A_11 = vector.extract_strided_slice %get3A_2 {offsets = [1, 0, 0], sizes = [1, 10000, 128], strides = [1, 1, 1]} : vector<2x10112x128xf32> to vector<1x10000x128xf32>
    %squeeze3A_12 = vector.shape_cast %slice3A_11 : vector<1x10000x128xf32> to vector<10000x128xf32>
    %add3A_13 = arith.addf %squeeze3A_10, %squeeze3A_12 : vector<10000x128xf32>
    %max3A = arith.constant 1.000000e+00 : f32
    %max3A_14 = vector.broadcast %max3A : f32 to vector<10000x1xf32>
    %max3A_15 = arith.maximumf %add3A, %max3A_14 : vector<10000x1xf32>
    %div3A = vector.broadcast %max3A_15 : vector<10000x1xf32> to vector<10000x128xf32>
    %div3A_16 = arith.divf %add3A_13, %div3A : vector<10000x128xf32>
    %get3A_17 = arith.constant 0 : index
    %get3A_18 = arith.constant 0 : index
    %get3A_19 = vector.load %arg2[%get3A_17, %get3A_18] : memref<10000x128xf32, #tpu.memory_space<vmem>>, vector<10000x128xf32>
    %add3A_20 = arith.addf %div3A_16, %get3A_19 : vector<10000x128xf32>
    %reduce_sum3A = arith.constant dense<0.000000e+00> : vector<128xf32>
    %reduce_sum3A_21 = vector.multi_reduction <add>, %add3A_20, %reduce_sum3A [0] : vector<10000x128xf32> to vector<128xf32>
    %broadcast_in_dim3A = vector.shape_cast %reduce_sum3A_21 : vector<128xf32> to vector<1x128xf32>
    %div3A_22 = arith.constant 1.000000e+04 : f32
    %div3A_23 = vector.broadcast %div3A_22 : f32 to vector<1x128xf32>
    %div3A_24 = arith.divf %broadcast_in_dim3A, %div3A_23 : vector<1x128xf32>
    %sub3A = vector.broadcast %div3A_24 : vector<1x128xf32> to vector<10000x128xf32>
    %sub3A_25 = arith.subf %add3A_20, %sub3A : vector<10000x128xf32>
    %integer_pow3A = arith.mulf %sub3A_25, %sub3A_25 : vector<10000x128xf32>
    %reduce_sum3A_26 = arith.constant dense<0.000000e+00> : vector<128xf32>
    %reduce_sum3A_27 = vector.multi_reduction <add>, %integer_pow3A, %reduce_sum3A_26 [0] : vector<10000x128xf32> to vector<128xf32>
    %broadcast_in_dim3A_28 = vector.shape_cast %reduce_sum3A_27 : vector<128xf32> to vector<1x128xf32>
    %div3A_29 = arith.constant 1.000000e+04 : f32
    %div3A_30 = vector.broadcast %div3A_29 : f32 to vector<1x128xf32>
    %div3A_31 = arith.divf %broadcast_in_dim3A_28, %div3A_30 : vector<1x128xf32>
    %sub3A_32 = vector.broadcast %div3A_24 : vector<1x128xf32> to vector<10000x128xf32>
    %sub3A_33 = arith.subf %add3A_20, %sub3A_32 : vector<10000x128xf32>
    %add3A_34 = arith.constant 9.99999974E-6 : f32
    %add3A_35 = vector.broadcast %add3A_34 : f32 to vector<1x128xf32>
    %add3A_36 = arith.addf %div3A_31, %add3A_35 : vector<1x128xf32>
    %rsqrt3A = math.rsqrt %add3A_36 : vector<1x128xf32>
    %mul3A = vector.broadcast %rsqrt3A : vector<1x128xf32> to vector<10000x128xf32>
    %mul3A_37 = arith.mulf %sub3A_33, %mul3A : vector<10000x128xf32>
    %get3A_38 = arith.constant 0 : index
    %get3A_39 = arith.constant 0 : index
    %get3A_40 = vector.load %arg3[%get3A_38, %get3A_39] : memref<1x128xf32, #tpu.memory_space<vmem>>, vector<1x128xf32>
    %mul3A_41 = vector.broadcast %get3A_40 : vector<1x128xf32> to vector<10000x128xf32>
    %mul3A_42 = arith.mulf %mul3A_37, %mul3A_41 : vector<10000x128xf32>
    %get3A_43 = arith.constant 0 : index
    %get3A_44 = arith.constant 0 : index
    %get3A_45 = vector.load %arg4[%get3A_43, %get3A_44] : memref<1x128xf32, #tpu.memory_space<vmem>>, vector<1x128xf32>
    %add3A_46 = vector.broadcast %get3A_45 : vector<1x128xf32> to vector<10000x128xf32>
    %add3A_47 = arith.addf %mul3A_42, %add3A_46 : vector<10000x128xf32>
    %max3A_48 = arith.constant 0.000000e+00 : f32
    %max3A_49 = vector.broadcast %max3A_48 : f32 to vector<10000x128xf32>
    %max3A_50 = arith.maximumf %add3A_47, %max3A_49 : vector<10000x128xf32>
    %abs3A = math.absf %add3A_47 : vector<10000x128xf32>
    %neg3A = arith.constant 0.000000e+00 : f32
    %neg3A_51 = vector.broadcast %neg3A : f32 to vector<10000x128xf32>
    %neg3A_52 = arith.subf %neg3A_51, %abs3A : vector<10000x128xf32>
    %exp3A = math.exp %neg3A_52 : vector<10000x128xf32>
    %add3A_53 = arith.constant 1.000000e+00 : f32
    %add3A_54 = vector.broadcast %add3A_53 : f32 to vector<10000x128xf32>
    %add3A_55 = arith.addf %add3A_54, %exp3A : vector<10000x128xf32>
    %log3A = math.log %add3A_55 : vector<10000x128xf32>
    %add3A_56 = arith.addf %max3A_50, %log3A : vector<10000x128xf32>
    %tanh3A = math.tanh %add3A_56 : vector<10000x128xf32>
    %mul3A_57 = arith.mulf %add3A_47, %tanh3A : vector<10000x128xf32>
    %get3A_58 = arith.constant 0 : index
    %get3A_59 = arith.constant 0 : index
    %get3A_60 = vector.load %arg5[%get3A_58, %get3A_59] : memref<128x128xf32, #tpu.memory_space<vmem>>, vector<128x128xf32>
    %dot_general3A = arith.constant dense<0.000000e+00> : vector<10000x128xf32>
    %dot_general3A_61 = tpu.matmul %mul3A_57, %get3A_60, %dot_general3A {dimension_numbers = #tpu.dot_dimension_numbers<[1], [0], [0], [1], [0, 0, 1, 1], [], []>, transpose_lhs_hint = false} : vector<10000x128xf32>, vector<128x128xf32>, vector<10000x128xf32> -> vector<10000x128xf32>
    %swap3A = arith.constant 0 : index
    %swap3A_62 = arith.constant 0 : index
    %swap3A_63 = vector.load %arg8[%swap3A, %swap3A_62] : memref<10000x128xf32, #tpu.memory_space<vmem>>, vector<10000x128xf32>
    tpu.vector_store %arg8[%swap3A, %swap3A_62], %dot_general3A_61 {strides = array<i32>} : memref<10000x128xf32, #tpu.memory_space<vmem>>, vector<10000x128xf32>,
    %get3A_64 = arith.constant 0 : index
    %get3A_65 = arith.constant 0 : index
    %get3A_66 = vector.load %arg6[%get3A_64, %get3A_65] : memref<128x64xf32, #tpu.memory_space<vmem>>, vector<128x64xf32>
    %dot_general3A_67 = arith.constant dense<0.000000e+00> : vector<10000x64xf32>
    %dot_general3A_68 = tpu.matmul %mul3A_57, %get3A_66, %dot_general3A_67 {dimension_numbers = #tpu.dot_dimension_numbers<[1], [0], [0], [1], [0, 0, 1, 1], [], []>, transpose_lhs_hint = false} : vector<10000x128xf32>, vector<128x64xf32>, vector<10000x64xf32> -> vector<10000x64xf32>
    %get3A_69 = arith.constant 0 : index
    %get3A_70 = arith.constant 0 : index
    %get3A_71 = vector.load %arg7[%get3A_69, %get3A_70] : memref<1x64xf32, #tpu.memory_space<vmem>>, vector<1x64xf32>
    %add3A_72 = vector.broadcast %get3A_71 : vector<1x64xf32> to vector<10000x64xf32>
    %add3A_73 = arith.addf %dot_general3A_68, %add3A_72 : vector<10000x64xf32>
    %swap3A_74 = arith.constant 0 : index
    %swap3A_75 = arith.constant 0 : index
    %swap3A_76 = vector.load %arg9[%swap3A_74, %swap3A_75] : memref<10000x64xf32, #tpu.memory_space<vmem>>, vector<10000x64xf32>
    tpu.vector_store %arg9[%swap3A_74, %swap3A_75], %add3A_73 {strides = array<i32>} : memref<10000x64xf32, #tpu.memory_space<vmem>>, vector<10000x64xf32>,
    return
  }
}

module attributes {stable_mosaic.version = 14 : i64} {
  func.func @_tc_fin_body(%arg0: memref<2x10112x128xf32, #tpu.memory_space<vmem>>, %arg1: memref<2x10112x128xf32, #tpu.memory_space<vmem>>, %arg2: memref<10000x64xf32, #tpu.memory_space<vmem>>, %arg3: memref<1x64xf32, #tpu.memory_space<vmem>>, %arg4: memref<1x64xf32, #tpu.memory_space<vmem>>, %arg5: memref<64x128xf32, #tpu.memory_space<vmem>>, %arg6: memref<1x128xf32, #tpu.memory_space<vmem>>, %arg7: memref<128x1xf32, #tpu.memory_space<vmem>>, %arg8: memref<1x1xf32, #tpu.memory_space<vmem>>, %arg9: memref<64x64xf32, #tpu.memory_space<vmem>>, %arg10: memref<1x64xf32, #tpu.memory_space<vmem>>, %arg11: memref<64x1xf32, #tpu.memory_space<vmem>>, %arg12: memref<1x1xf32, #tpu.memory_space<vmem>>, %arg13: memref<10000x1xf32, #tpu.memory_space<vmem>>, %arg14: memref<10000x64xf32, #tpu.memory_space<vmem>>, %arg15: memref<10000x1xf32, #tpu.memory_space<vmem>>) attributes {dimension_semantics = [], scalar_prefetch = 0 : i64, scratch_operands = 0 : i64, tpu.core_type = #tpu.core_type<tc>} {
    %get3A = arith.constant 0 : index
    %get3A_0 = arith.constant 0 : index
    %get3A_1 = arith.constant 0 : index
    %get3A_2 = vector.load %arg0[%get3A, %get3A_0, %get3A_1] : memref<2x10112x128xf32, #tpu.memory_space<vmem>>, vector<2x10112x128xf32>
    %get3A_3 = arith.constant 0 : index
    %get3A_4 = arith.constant 0 : index
    %get3A_5 = arith.constant 0 : index
    %get3A_6 = vector.load %arg1[%get3A_3, %get3A_4, %get3A_5] : memref<2x10112x128xf32, #tpu.memory_space<vmem>>, vector<2x10112x128xf32>
    %slice3A = vector.extract_strided_slice %get3A_6 {offsets = [0, 0, 0], sizes = [1, 10000, 1], strides = [1, 1, 1]} : vector<2x10112x128xf32> to vector<1x10000x1xf32>
    %squeeze3A = vector.shape_cast %slice3A : vector<1x10000x1xf32> to vector<10000x1xf32>
    %slice3A_7 = vector.extract_strided_slice %get3A_6 {offsets = [1, 0, 0], sizes = [1, 10000, 1], strides = [1, 1, 1]} : vector<2x10112x128xf32> to vector<1x10000x1xf32>
    %squeeze3A_8 = vector.shape_cast %slice3A_7 : vector<1x10000x1xf32> to vector<10000x1xf32>
    %add3A = arith.addf %squeeze3A, %squeeze3A_8 : vector<10000x1xf32>
    %slice3A_9 = vector.extract_strided_slice %get3A_2 {offsets = [0, 0, 0], sizes = [1, 10000, 64], strides = [1, 1, 1]} : vector<2x10112x128xf32> to vector<1x10000x64xf32>
    %squeeze3A_10 = vector.shape_cast %slice3A_9 : vector<1x10000x64xf32> to vector<10000x64xf32>
    %slice3A_11 = vector.extract_strided_slice %get3A_2 {offsets = [1, 0, 0], sizes = [1, 10000, 64], strides = [1, 1, 1]} : vector<2x10112x128xf32> to vector<1x10000x64xf32>
    %squeeze3A_12 = vector.shape_cast %slice3A_11 : vector<1x10000x64xf32> to vector<10000x64xf32>
    %add3A_13 = arith.addf %squeeze3A_10, %squeeze3A_12 : vector<10000x64xf32>
    %max3A = arith.constant 1.000000e+00 : f32
    %max3A_14 = vector.broadcast %max3A : f32 to vector<10000x1xf32>
    %max3A_15 = arith.maximumf %add3A, %max3A_14 : vector<10000x1xf32>
    %div3A = vector.broadcast %max3A_15 : vector<10000x1xf32> to vector<10000x64xf32>
    %div3A_16 = arith.divf %add3A_13, %div3A : vector<10000x64xf32>
    %get3A_17 = arith.constant 0 : index
    %get3A_18 = arith.constant 0 : index
    %get3A_19 = vector.load %arg2[%get3A_17, %get3A_18] : memref<10000x64xf32, #tpu.memory_space<vmem>>, vector<10000x64xf32>
    %add3A_20 = arith.addf %div3A_16, %get3A_19 : vector<10000x64xf32>
    %reduce_sum3A = arith.constant dense<0.000000e+00> : vector<64xf32>
    %reduce_sum3A_21 = vector.multi_reduction <add>, %add3A_20, %reduce_sum3A [0] : vector<10000x64xf32> to vector<64xf32>
    %broadcast_in_dim3A = vector.shape_cast %reduce_sum3A_21 : vector<64xf32> to vector<1x64xf32>
    %div3A_22 = arith.constant 1.000000e+04 : f32
    %div3A_23 = vector.broadcast %div3A_22 : f32 to vector<1x64xf32>
    %div3A_24 = arith.divf %broadcast_in_dim3A, %div3A_23 : vector<1x64xf32>
    %sub3A = vector.broadcast %div3A_24 : vector<1x64xf32> to vector<10000x64xf32>
    %sub3A_25 = arith.subf %add3A_20, %sub3A : vector<10000x64xf32>
    %integer_pow3A = arith.mulf %sub3A_25, %sub3A_25 : vector<10000x64xf32>
    %reduce_sum3A_26 = arith.constant dense<0.000000e+00> : vector<64xf32>
    %reduce_sum3A_27 = vector.multi_reduction <add>, %integer_pow3A, %reduce_sum3A_26 [0] : vector<10000x64xf32> to vector<64xf32>
    %broadcast_in_dim3A_28 = vector.shape_cast %reduce_sum3A_27 : vector<64xf32> to vector<1x64xf32>
    %div3A_29 = arith.constant 1.000000e+04 : f32
    %div3A_30 = vector.broadcast %div3A_29 : f32 to vector<1x64xf32>
    %div3A_31 = arith.divf %broadcast_in_dim3A_28, %div3A_30 : vector<1x64xf32>
    %sub3A_32 = vector.broadcast %div3A_24 : vector<1x64xf32> to vector<10000x64xf32>
    %sub3A_33 = arith.subf %add3A_20, %sub3A_32 : vector<10000x64xf32>
    %add3A_34 = arith.constant 9.99999974E-6 : f32
    %add3A_35 = vector.broadcast %add3A_34 : f32 to vector<1x64xf32>
    %add3A_36 = arith.addf %div3A_31, %add3A_35 : vector<1x64xf32>
    %rsqrt3A = math.rsqrt %add3A_36 : vector<1x64xf32>
    %mul3A = vector.broadcast %rsqrt3A : vector<1x64xf32> to vector<10000x64xf32>
    %mul3A_37 = arith.mulf %sub3A_33, %mul3A : vector<10000x64xf32>
    %get3A_38 = arith.constant 0 : index
    %get3A_39 = arith.constant 0 : index
    %get3A_40 = vector.load %arg3[%get3A_38, %get3A_39] : memref<1x64xf32, #tpu.memory_space<vmem>>, vector<1x64xf32>
    %mul3A_41 = vector.broadcast %get3A_40 : vector<1x64xf32> to vector<10000x64xf32>
    %mul3A_42 = arith.mulf %mul3A_37, %mul3A_41 : vector<10000x64xf32>
    %get3A_43 = arith.constant 0 : index
    %get3A_44 = arith.constant 0 : index
    %get3A_45 = vector.load %arg4[%get3A_43, %get3A_44] : memref<1x64xf32, #tpu.memory_space<vmem>>, vector<1x64xf32>
    %add3A_46 = vector.broadcast %get3A_45 : vector<1x64xf32> to vector<10000x64xf32>
    %add3A_47 = arith.addf %mul3A_42, %add3A_46 : vector<10000x64xf32>
    %swap3A = arith.constant 0 : index
    %swap3A_48 = arith.constant 0 : index
    %swap3A_49 = vector.load %arg14[%swap3A, %swap3A_48] : memref<10000x64xf32, #tpu.memory_space<vmem>>, vector<10000x64xf32>
    tpu.vector_store %arg14[%swap3A, %swap3A_48], %add3A_47 {strides = array<i32>} : memref<10000x64xf32, #tpu.memory_space<vmem>>, vector<10000x64xf32>,
    %get3A_50 = arith.constant 0 : index
    %get3A_51 = arith.constant 0 : index
    %get3A_52 = vector.load %arg5[%get3A_50, %get3A_51] : memref<64x128xf32, #tpu.memory_space<vmem>>, vector<64x128xf32>
    %dot_general3A = arith.constant dense<0.000000e+00> : vector<10000x128xf32>
    %dot_general3A_53 = tpu.matmul %add3A_47, %get3A_52, %dot_general3A {dimension_numbers = #tpu.dot_dimension_numbers<[1], [0], [0], [1], [0, 0, 1, 1], [], []>, transpose_lhs_hint = false} : vector<10000x64xf32>, vector<64x128xf32>, vector<10000x128xf32> -> vector<10000x128xf32>
    %get3A_54 = arith.constant 0 : index
    %get3A_55 = arith.constant 0 : index
    %get3A_56 = vector.load %arg6[%get3A_54, %get3A_55] : memref<1x128xf32, #tpu.memory_space<vmem>>, vector<1x128xf32>
    %add3A_57 = vector.broadcast %get3A_56 : vector<1x128xf32> to vector<10000x128xf32>
    %add3A_58 = arith.addf %dot_general3A_53, %add3A_57 : vector<10000x128xf32>
    %max3A_59 = arith.constant 0.000000e+00 : f32
    %max3A_60 = vector.broadcast %max3A_59 : f32 to vector<10000x128xf32>
    %max3A_61 = arith.maximumf %add3A_58, %max3A_60 : vector<10000x128xf32>
    %abs3A = math.absf %add3A_58 : vector<10000x128xf32>
    %neg3A = arith.constant 0.000000e+00 : f32
    %neg3A_62 = vector.broadcast %neg3A : f32 to vector<10000x128xf32>
    %neg3A_63 = arith.subf %neg3A_62, %abs3A : vector<10000x128xf32>
    %exp3A = math.exp %neg3A_63 : vector<10000x128xf32>
    %add3A_64 = arith.constant 1.000000e+00 : f32
    %add3A_65 = vector.broadcast %add3A_64 : f32 to vector<10000x128xf32>
    %add3A_66 = arith.addf %add3A_65, %exp3A : vector<10000x128xf32>
    %log3A = math.log %add3A_66 : vector<10000x128xf32>
    %add3A_67 = arith.addf %max3A_61, %log3A : vector<10000x128xf32>
    %tanh3A = math.tanh %add3A_67 : vector<10000x128xf32>
    %mul3A_68 = arith.mulf %add3A_58, %tanh3A : vector<10000x128xf32>
    %get3A_69 = arith.constant 0 : index
    %get3A_70 = arith.constant 0 : index
    %get3A_71 = vector.load %arg7[%get3A_69, %get3A_70] : memref<128x1xf32, #tpu.memory_space<vmem>>, vector<128x1xf32>
    %dot_general3A_72 = arith.constant dense<0.000000e+00> : vector<10000x1xf32>
    %dot_general3A_73 = tpu.matmul %mul3A_68, %get3A_71, %dot_general3A_72 {dimension_numbers = #tpu.dot_dimension_numbers<[1], [0], [0], [1], [0, 0, 1, 1], [], []>, transpose_lhs_hint = false} : vector<10000x128xf32>, vector<128x1xf32>, vector<10000x1xf32> -> vector<10000x1xf32>
    %get3A_74 = arith.constant 0 : index
    %get3A_75 = arith.constant 0 : index
    %get3A_76 = vector.load %arg8[%get3A_74, %get3A_75] : memref<1x1xf32, #tpu.memory_space<vmem>>, vector<1x1xf32>
    %add3A_77 = vector.broadcast %get3A_76 : vector<1x1xf32> to vector<10000x1xf32>
    %add3A_78 = arith.addf %dot_general3A_73, %add3A_77 : vector<10000x1xf32>
    %swap3A_79 = arith.constant 0 : index
    %swap3A_80 = arith.constant 0 : index
    %swap3A_81 = vector.load %arg13[%swap3A_79, %swap3A_80] : memref<10000x1xf32, #tpu.memory_space<vmem>>, vector<10000x1xf32>
    tpu.vector_store %arg13[%swap3A_79, %swap3A_80], %add3A_78 {strides = array<i32>} : memref<10000x1xf32, #tpu.memory_space<vmem>>, vector<10000x1xf32>,
    %get3A_82 = arith.constant 0 : index
    %get3A_83 = arith.constant 0 : index
    %get3A_84 = vector.load %arg9[%get3A_82, %get3A_83] : memref<64x64xf32, #tpu.memory_space<vmem>>, vector<64x64xf32>
    %dot_general3A_85 = arith.constant dense<0.000000e+00> : vector<10000x64xf32>
    %dot_general3A_86 = tpu.matmul %add3A_47, %get3A_84, %dot_general3A_85 {dimension_numbers = #tpu.dot_dimension_numbers<[1], [0], [0], [1], [0, 0, 1, 1], [], []>, transpose_lhs_hint = false} : vector<10000x64xf32>, vector<64x64xf32>, vector<10000x64xf32> -> vector<10000x64xf32>
    %get3A_87 = arith.constant 0 : index
    %get3A_88 = arith.constant 0 : index
    %get3A_89 = vector.load %arg10[%get3A_87, %get3A_88] : memref<1x64xf32, #tpu.memory_space<vmem>>, vector<1x64xf32>
    %add3A_90 = vector.broadcast %get3A_89 : vector<1x64xf32> to vector<10000x64xf32>
    %add3A_91 = arith.addf %dot_general3A_86, %add3A_90 : vector<10000x64xf32>
    %max3A_92 = arith.constant 0.000000e+00 : f32
    %max3A_93 = vector.broadcast %max3A_92 : f32 to vector<10000x64xf32>
    %max3A_94 = arith.maximumf %add3A_91, %max3A_93 : vector<10000x64xf32>
    %abs3A_95 = math.absf %add3A_91 : vector<10000x64xf32>
    %neg3A_96 = arith.constant 0.000000e+00 : f32
    %neg3A_97 = vector.broadcast %neg3A_96 : f32 to vector<10000x64xf32>
    %neg3A_98 = arith.subf %neg3A_97, %abs3A_95 : vector<10000x64xf32>
    %exp3A_99 = math.exp %neg3A_98 : vector<10000x64xf32>
    %add3A_100 = arith.constant 1.000000e+00 : f32
    %add3A_101 = vector.broadcast %add3A_100 : f32 to vector<10000x64xf32>
    %add3A_102 = arith.addf %add3A_101, %exp3A_99 : vector<10000x64xf32>
    %log3A_103 = math.log %add3A_102 : vector<10000x64xf32>
    %add3A_104 = arith.addf %max3A_94, %log3A_103 : vector<10000x64xf32>
    %tanh3A_105 = math.tanh %add3A_104 : vector<10000x64xf32>
    %mul3A_106 = arith.mulf %add3A_91, %tanh3A_105 : vector<10000x64xf32>
    %get3A_107 = arith.constant 0 : index
    %get3A_108 = arith.constant 0 : index
    %get3A_109 = vector.load %arg11[%get3A_107, %get3A_108] : memref<64x1xf32, #tpu.memory_space<vmem>>, vector<64x1xf32>
    %dot_general3A_110 = arith.constant dense<0.000000e+00> : vector<10000x1xf32>
    %dot_general3A_111 = tpu.matmul %mul3A_106, %get3A_109, %dot_general3A_110 {dimension_numbers = #tpu.dot_dimension_numbers<[1], [0], [0], [1], [0, 0, 1, 1], [], []>, transpose_lhs_hint = false} : vector<10000x64xf32>, vector<64x1xf32>, vector<10000x1xf32> -> vector<10000x1xf32>
    %get3A_112 = arith.constant 0 : index
    %get3A_113 = arith.constant 0 : index
    %get3A_114 = vector.load %arg12[%get3A_112, %get3A_113] : memref<1x1xf32, #tpu.memory_space<vmem>>, vector<1x1xf32>
    %add3A_115 = vector.broadcast %get3A_114 : vector<1x1xf32> to vector<10000x1xf32>
    %add3A_116 = arith.addf %dot_general3A_111, %add3A_115 : vector<10000x1xf32>
    %swap3A_117 = arith.constant 0 : index
    %swap3A_118 = arith.constant 0 : index
    %swap3A_119 = vector.load %arg15[%swap3A_117, %swap3A_118] : memref<10000x1xf32, #tpu.memory_space<vmem>>, vector<10000x1xf32>
    tpu.vector_store %arg15[%swap3A_117, %swap3A_118], %add3A_116 {strides = array<i32>} : memref<10000x1xf32, #tpu.memory_space<vmem>>, vector<10000x1xf32>,
    return
  }
}

</mosaic_0001>

<sc_bundles>
// kernel: kernel.10.cloned.1.call-start
scs
__scs_entry_jumppad:
0x0: {  	(pc) =	sbr.rel $0x88, $3  }
0x1: {  	(tag) =	ssettag $0x0;
	lr =	simm.s32 $0x1  }
0x2: {  	[smem:$0x3F88] =	sst lr;
	_ =	strace $0xD0000000  }
0x3: {  	_ = 	snop  }
0x4: {  	_ = 	snop  }
0x5: {  	_ = 	snop  }
0x6: {  	_ = 	snop  }
0x7: {  	_ = 	snop  }
__scs_overlays_trampoline_lowered:
0x8: {  	[smem:$0x3F97] =	sst s0  }
0x9: {  	[smem:$0x3F98] =	sst s1  }
0xa: {  	[smem:$0x3F99] =	sst s2  }
0xb: {  	[smem:$0x3F9A] =	sst s3  }
0xc: {  	[smem:$0x3F9B] =	sst s4  }
0xd: {  	[smem:$0x3F9C] =	sst s5  }
0xe: {  	[smem:$0x3F9D] =	sst s6  }
0xf: {  	[smem:$0x3F9E] =	sst s7  }
0x10: {  	[smem:$0x3F9F] =	sst s8  }
0x11: {  	[smem:$0x3FA0] =	sst s9;
	s0 =	simm.s32 @!p0 $0x0  }
0x12: {  	s1 =	sld [smem:$0x3F86];
	s0 =	simm.s32 @p0 $0x1  }
0x13: {  	[smem:$0x3FA1] =	sst s0;
	s0 =	simm.s32 @!p1 $0x0  }
0x14: {  	s2 =	sld [smem:$0x3F85];
	s0 =	simm.s32 @p1 $0x1  }
0x15: {  	[smem:$0x3FA2] =	sst s0;
	s0 =	simm.s32 @!p2 $0x0  }
0x16: {  	s3 =	sld [smem:$0x3FDB];
	s0 =	simm.s32 @p2 $0x1  }
0x17: {  	s4 =	simm.s32 $0x1BF5;
	[smem:$0x3FA4] =	sst s0  }
0x18: {  	s0 =	sld [smem:$0x3F87];
	_ =	swait.ge [sflag:s4], $0x0  }
0x19: {  	s7 =	sld [smem:$0x3F88]  }
0x1a: {  	s8 =	sadd.s32 $0xFFFFE003, lr  }
0x1b: {  	s9 =	sadd.s32 $0xFFFFFEF7, lr;
	s5 =	simm.s32 $0xFFFFFFFF;
	p2 =	slt.u32 s8, $0xFFFFF086  }
0x1c: {  	p1 =	slt.u32 s9, $0xF7A;
	s5 =	simm.s32 @!p2 $0x0  }
0x1d: {  	s5 =	simm.s32 @p1 $0x1;
	p0 =	seq.s32 s7, s2  }
0x1e: {  	s7 =	smul.u32 @!p0 $0xF7A, s2;
	p2 =	seq.s32 @!p0 s5, $0x0  }
0x1f: {  	s9 =	smul.u32 $0xF7A, s1;
	s8 =	simm.s32 @!p0 $0x1BF5;
	p2 =	por !p2, p0  }
0x20: {  	[sflag:s8] =	ssyncset.s32 @!p0 $0xFFFFF086;
	s6 =	sadd.s32 @!p0 s3, s7;
	s7 =	simm.s32 @!p0 $0x108  }
0x21: {  	s3 =	sadd.s32 s3, s9;
	s6 =	sadd.s32 @!p0 $0x88, s6;
	s7 =	simm.s32 @p2 $0x1082  }
0x22: {  	[simem:s7], [sflag:s8] =	dma.local @!p0 [hbm:s6], $0xF7A  }
0x23: {  	s9 =	sor.u32 $0xD0000000, s2;
	s6 =	simm.s32 $0x108;
	_ =	swait.ge @!p0 [sflag:s8], $0x0  }
0x24: {  	s3 =	sadd.s32 $0x88, s3;
	s6 =	simm.s32 @!p1 $0x1082;
	[sflag:s4] =	ssyncset.s32 $0xFFFFF086  }
0x25: {  	[simem:s6], [sflag:s4] =	dma.local [hbm:s3], $0xF7A  }
0x26: {  	[smem:$0x3F88] =	sst s1;
	(tag) =	ssettag s2;
	_ =	strace s9  }
0x27: {  	s1 =	sld [smem:$0x3F98]  }
0x28: {  	s2 =	sld [smem:$0x3F99]  }
0x29: {  	s4 =	sld [smem:$0x3F9B]  }
0x2a: {  	p0 =	seq.s32 s5, $0x0;
	s5 =	sld [smem:$0x3F9C]  }
0x2b: {  	s6 =	sld [smem:$0x3F9D]  }
0x2c: {  	s7 =	sld [smem:$0x3F9E]  }
0x2d: {  	s3 =	simm.s32 $0x108;
	s8 =	sld [smem:$0x3F9F]  }
0x2e: {  	s3 =	simm.s32 @!p0 $0x1082;
	s9 =	sld [smem:$0x3FA0]  }
0x2f: {  	lr =	sadd.s32 s0, s3;
	s0 =	sld [smem:$0x3F97]  }
0x30: {  	s3 =	sld [smem:$0x3F9A]  }
0x31: {  	[smem:$0x3FA3] =	sst s10  }
0x32: {  	s10 =	sld [smem:$0x3FA1];
	_ =	sdelay $0x3  }
0x33: {  	p0 =	seq.s32 s10, $0x1;
	s10 =	sld [smem:$0x3FA3];
	_ =	sdelay $0x3  }
0x34: {  	[smem:$0x3FA3] =	sst s10  }
0x35: {  	s10 =	sld [smem:$0x3FA2];
	_ =	sdelay $0x3  }
0x36: {  	p1 =	seq.s32 s10, $0x1;
	s10 =	sld [smem:$0x3FA3];
	_ =	sdelay $0x3  }
0x37: {  	[smem:$0x3FA3] =	sst s10  }
0x38: {  	s10 =	sld [smem:$0x3FA4]  }
0x39: {  	_ = 	snop;
	(pc) =	sbr.ind lr, $3  }
0x3a: {  	_ = 	snop  }
0x3b: {  	_ = 	snop  }
0x3c: {  	p2 =	seq.s32 s10, $0x1;
	s10 =	sld [smem:$0x3FA3]  }
0x3d: {  	_ =	shalt  }
0x3e: {  	_ =	shalt  }
0x3f: {  	_ =	shalt  }
0x40: {  	_ =	shalt  }
0x41: {  	_ =	shalt  }
0x42: {  	_ =	shalt  }
0x43: {  	_ =	shalt  }
0x44: {  	_ =	shalt  }
0x45: {  	_ =	shalt  }
0x46: {  	_ =	shalt  }
0x47: {  	_ =	shalt  }
0x48: {  	_ =	shalt  }
0x49: {  	_ =	shalt  }
0x4a: {  	_ =	shalt  }
0x4b: {  	_ =	shalt  }
0x4c: {  	_ =	shalt  }
0x4d: {  	_ =	shalt  }
0x4e: {  	_ =	shalt  }
0x4f: {  	_ =	shalt  }
0x50: {  	_ =	shalt  }
0x51: {  	_ =	shalt  }
0x52: {  	_ =	shalt  }
0x53: {  	_ =	shalt  }
0x54: {  	_ =	shalt  }
0x55: {  	_ =	shalt  }
0x56: {  	_ =	shalt  }
0x57: {  	_ =	shalt  }
0x58: {  	_ =	shalt  }
0x59: {  	_ =	shalt  }
0x5a: {  	_ =	shalt  }
0x5b: {  	_ =	shalt  }
0x5c: {  	_ =	shalt  }
0x5d: {  	_ =	shalt  }
0x5e: {  	_ =	shalt  }
0x5f: {  	_ =	shalt  }
0x60: {  	_ =	shalt  }
0x61: {  	_ =	shalt  }
0x62: {  	_ =	shalt  }
0x63: {  	_ =	shalt  }
0x64: {  	_ =	shalt  }
0x65: {  	_ =	shalt  }
0x66: {  	_ =	shalt  }
0x67: {  	_ =	shalt  }
0x68: {  	_ =	shalt  }
0x69: {  	_ =	shalt  }
0x6a: {  	_ =	shalt  }
0x6b: {  	_ =	shalt  }
0x6c: {  	_ =	shalt  }
0x6d: {  	_ =	shalt  }
0x6e: {  	_ =	shalt  }
0x6f: {  	_ =	shalt  }
0x70: {  	_ =	shalt  }
0x71: {  	_ =	shalt  }
0x72: {  	_ =	shalt  }
0x73: {  	_ =	shalt  }
0x74: {  	_ =	shalt  }
0x75: {  	_ =	shalt  }
0x76: {  	_ =	shalt  }
0x77: {  	_ =	shalt  }
0x78: {  	_ =	shalt  }
0x79: {  	_ =	shalt  }
0x7a: {  	_ =	shalt  }
0x7b: {  	_ =	shalt  }
0x7c: {  	_ =	shalt  }
0x7d: {  	_ =	shalt  }
0x7e: {  	_ =	shalt  }
0x7f: {  	_ =	shalt  }
0x80: {  	_ =	shalt  }
0x81: {  	_ =	shalt  }
0x82: {  	_ =	shalt  }
0x83: {  	_ =	shalt  }
0x84: {  	_ =	shalt  }
0x85: {  	_ =	shalt  }
0x86: {  	_ =	shalt  }
0x87: {  	_ =	shalt  }
.Lfunc_end0:
.L_simem_size_0:
called_computation_lowered:
.L_overlay_start_0:
0x88: {  	s2 =	sld [smem:$0x3FD9]  }
0x89: {  	s3 =	sld [smem:$0x3FFE];
	_ =	sdelay $0x1  }
0x8a: {  	s1 =	srdreg.scid  }
0x8b: {  	s0 =	sand.u32 $0x1, s1  }
0x8c: {  	s15 =	sshll.u32 s0, $0xA;
	s2 =	sadd.s32 s3, s2  }
0x8d: {  	s2 =	sadd.s32 s2, s15  }
0x8e: {  	[smem:$0x3FAF] =	sst s2  }
0x8f: {  	_ = 	snop  }
0x90: {  	s2 =	sld [smem:$0x3FD0];
	_ =	sdelay $0x2  }
0x91: {  	s16 =	simm.s32 $0xB;
	s4 =	simm.s32 $0x10  }
0x92: {  	[smem:s4], [sflag:s16] =	dma.local [hbm:s2], $0x1  }
0x93: {  	_ =	swait.eq [sflag:s16], $0x1  }
0x94: {  	[sflag:s16] =	ssyncset.done $0x0  }
0x95: {  	[sflag:s16] =	ssyncadd.s32 $0xFFFFFFFF  }
0x96: {  	s17 =	sld [smem:$0x12];
	(tm) =	ssettm $0x1  }
0x97: {  	s18 =	sld [smem:$0x3FFB];
	_ =	sdelay $0x3  }
0x98: {  	_ =	strace s18  }
0x99: {  	s2 =	sld [smem:$0x3FFC];
	_ =	sdelay $0x3  }
0x9a: {  	_ =	strace s2  }
0x9b: {  	s2 =	sld [smem:$0x3FFD];
	_ =	sdelay $0x3  }
0x9c: {  	_ =	strace s2  }
0x9d: {  	_ =	strace $0x8FFFFFFF  }
0x9e: {  	s19 =	sld [smem:$0x3FDB];
	_ =	sdelay $0x1  }
0x9f: {  	s20 =	simm.s32 $_scs_section_size  }
0xa0: {  	s5 =	simm.s32 $_size__tile_overlayer_lowered;
	s6 =	simm.s32 $_tile_overlayer_lowered  }
0xa1: {  	s7 =	simm.s32 $0x1BFF;
	s21 =	sshll.u32 s6, $0x1;
	s4 =	sadd.s32 s20, s19  }
0xa2: {  	s22 =	simm.s32 $0x0;
	s5 =	sshll.u32 s5, $0x1;
	s6 =	sadd.s32 s21, s4  }
0xa3: {  	[timem:s22], [sflag:s7] =	dma.local [hbm:s6], s5  }
0xa4: {  	_ =	swait.ge [sflag:s7], s5  }
0xa5: {  	s5 =	ssub.s32 $0x0, s5;
	[sflag:s7] =	ssyncset.done $0x0  }
0xa6: {  	[sflag:s7] =	ssyncadd.s32 s5;
	_ =	sdelay $0x1  }
0xa7: {  	s23 =	simm.s32 $0x1B8B  }
0xa8: {  	_ =	swait.ge [sflag:s23], $0x1  }
0xa9: {  	[sflag:s23] =	ssyncset.done $0x0  }
0xaa: {  	[sflag:s23] =	ssyncadd.s32 $0xFFFFFFFF  }
0xab: {  	s5 =	sld [smem:$0x0]  }
0xac: {  	s6 =	sand.u32 $0xFFFFFFFE, s1  }
0xad: {  	p0 =	sne.s32 s1, s6  }
0xae: {  	s6 =	sshll.u32 @p0 s6, $0xE  }
0xaf: {  	s6 =	sadd.s32 @p0 $0x11B8D, s6;
	s7 =	sshll.u32 @p0 s5, $0x11  }
0xb0: {  	s6 =	sor.u32 @p0 s7, s6  }
0xb1: {  	[sflag:s6] =	ssyncadd.remote.s32 @p0 $0x1;
	_ =	sdelay $0x1  }
0xb2: {  	s6 =	simm.s32 @p0 $0x1B8D  }
0xb3: {  	_ =	swait.eq @p0 [sflag:s6], $0x1  }
0xb4: {  	[sflag:s6] =	ssyncadd.s32 @p0 $0xFFFFFFFF  }
0xb5: {  	s7 =	sshll.u32 @!p0 s1, $0xE  }
0xb6: {  	s7 =	sor.u32 @!p0 $0x4000, s7;
	s6 =	simm.s32 @!p0 $0x1B8D  }
0xb7: {  	s5 =	sshll.u32 @!p0 s5, $0x11;
	s7 =	sadd.s32 @!p0 $0x11B8D, s7;
	_ =	swait.eq @!p0 [sflag:s6], $0x1  }
0xb8: {  	s5 =	sor.u32 @!p0 s5, s7;
	[sflag:s6] =	ssyncadd.s32 @!p0 $0xFFFFFFFF  }
0xb9: {  	s25 =	simm.s32 $0x1B8E;
	s24 =	sld [smem:$0x3FFE];
	[sflag:s5] =	ssyncadd.remote.s32 @!p0 $0x1  }
0xba: {  	s26 =	simm.s32 $execute0_lowered;
	[smem:$0x3FD2] =	sst s25  }
0xbb: {  	s6 =	sshll.u32 s26, $0x1;
	_ =	strace $0x80000049;
	[dreg:$0x1] =	wrdreg $0xFFFFFFFF  }
0xbc: {  	s28 =	simm.s32 $_size_execute0_lowered;
	s4 =	sadd.s32 s4, s6;
	[dreg:$0x0] =	wrdreg $0x0  }
0xbd: {  	s6 =	sshll.u32 s28, $0x1;
	[dreg:$0x2] =	wrdreg s4  }
0xbe: {  	[dreg:$0x3] =	wrdreg s6  }
0xbf: {  	[dreg:$0x4] =	wrdreg $0xC0  }
0xc0: {  	_ =	task [dreg:s22], $0x5FFFF  }
0xc1: {  	[dreg:$0x1] =	wrdreg $0xFFFFFFFF  }
0xc2: {  	[dreg:$0x0] =	wrdreg $0x60  }
0xc3: {  	[dreg:$0x2] =	wrdreg s24  }
0xc4: {  	[dreg:$0x3] =	wrdreg s17  }
0xc5: {  	[dreg:$0x4] =	wrdreg $0x0  }
0xc6: {  	[dreg:$0x5] =	wrdreg $0x9  }
0xc7: {  	_ =	task.clear_ibuf [dreg:s22], $0x6FFFF;
	_ =	strace $0x90000049  }
0xc8: {  	s29 =	simm.s32 $0x9;
	_ =	strace $0x8000004B  }
0xc9: {  	_ =	swait.ge [sflag:s29], $0x1  }
0xca: {  	[sflag:s29] =	ssyncadd.s32 $0xFFFFFFFF  }
0xcb: {  	_ =	strace $0x9000004B  }
0xcc: {  	_ =	sfence  }
0xcd: {  	s30 =	sld [smem:$0x0];
	_ =	sdelay $0x2  }
0xce: {  	s31 =	sshll.u32 s1, $0xD;
	s1 =	sshrl.u32 s1, $0x2  }
0xcf: {  	s4 =	sand.u32 $0x4000, s31;
	s1 =	sadd.s32 s1, s30  }
0xd0: {  	s0 =	sor.u32 s4, s0;
	s1 =	sshll.u32 s1, $0x11  }
0xd1: {  	s0 =	sor.u32 s1, s0  }
0xd2: {  	s0 =	sadd.s32 $0x8F2B, s0  }
0xd3: {  	[sflag:s0] =	ssyncadd.remote.s32 $0x1  }
0xd4: {  	_ =	sfence.sel $0xFFFF  }
0xd5: {  	[dreg:$0x0] =	wrdreg $0xFFFFFFFF;
	(pc) =	sbr.abs _section_cstart, $3  }
0xd6: {  	[dreg:$0x1] =	wrdreg $0xFFFFFFFF  }
0xd7: {  	_ =	task.clear_ibuf [dreg:s22], $0x2FFFF;
	_ =	strace $0x9FFFFFFF  }
0xd8: {  	(tm) =	ssettm $0x7FFFFFFF  }
0xd9: {  	_ =	shalt  }
tec
execute0_lowered:
.L_overlay_start_1:
0x0: {  	(tag) =	ssettag $0x1  }
0x1: {  	s0 =	rddreg [dreg:$0x0]  }
0x2: {  	s2 =	rddreg [dreg:$0x2]  }
0x3: {  	s4 =	simm.s32 $0x0;
	s1 =	srdreg.scid;
	s20 =	stileid.u32  }
0x4: {  	s28 =	simm.s32 $0x16200;
	s29 =	simm.s32 $0x7;
	s30 =	simm.s32 $0x13E00  }
0x5: {  	s31 =	simm.s32 $0x13C00;
	[smem:$0x7FF] =	sst s4;
	s6 =	smul.u32 $0x4F000, s20  }
0x6: {  	s1 =	sand.u32 $0x1, s1;
	s3 =	sadd.s32 $0x4200, s0;
	s11 =	smul.u32 $0x13C00, s20  }
0x7: {  	s7 =	sadd.s32 $0x35200, s0;
	s0 =	sadd.s32 $0xABA00, s0;
	s26 =	smul.u32 $0x2760, s20  }
0x8: {  	_ =	strace $0x8000004A;
	s5 =	ssub.s32 $0x2, s1;
	s19 =	smul.u32 $0x13C000, s1  }
0x9: {  	[dreg:$0x4] =	wrdreg s7;
	s17 =	sshll.u32 s1, $0x4;
	s1 =	smul.u32 $0x27600, s1  }
0xa: {  	s16 =	sshrl.u32 s5, $0x1;
	s8 =	sor.u32 s20, s17;
	s6 =	sshrl.u32 s6, $0x2  }
0xb: {  	s12 =	sadd.s32 $0x4000, s11;
	s13 =	sadd.s32 $0x8000, s11;
	s14 =	sadd.s32 $0xC000, s11  }
0xc: {  	s15 =	sadd.s32 $0x10000, s11;
	s5 =	ssub.s32 s5, s16;
	s6 =	sadd.s32 s6, s2  }
0xd: {  	s7 =	sadd.s32 s12, s2;
	s16 =	smul.u32 $0x2760, s8;
	s8 =	sadd.s32 s13, s2  }
0xe: {  	s9 =	sadd.s32 s14, s2;
	s10 =	sadd.s32 s15, s2;
	s11 =	sadd.s32 s11, s19  }
0xf: {  	s23 =	sadd.s32 s19, s12;
	s25 =	sadd.s32 s19, s13;
	s14 =	sadd.s32 s19, s14  }
0x10: {  	s1 =	sadd.s32 s26, s1;
	s13 =	simm.s32 $0x2;
	s11 =	sshrl.u32 s11, $0x3  }
0x11: {  	s12 =	sshrl.u32 s25, $0x3;
	s26 =	smax.u32 s5, $0x1;
	s5 =	simm.s32 $0x1  }
0x12: {  	s17 =	sshrl.u32 s16, $0x3;
	s18 =	sadd.s32 $0x48, s16;
	s21 =	sadd.s32 $0xD8, s16  }
0x13: {  	s16 =	sadd.s32 $0x168, s16;
	s11 =	sadd.s32 s0, s11;
	[dreg:$0xe] =	wrdreg s26  }
0x14: {  	s24 =	sadd.s32 s3, s17;
	s18 =	sshrl.u32 s18, $0x3;
	s22 =	sshrl.u32 s21, $0x3  }
0x15: {  	[dreg:$0x7] =	wrdreg s11;
	s11 =	sshrl.u32 s23, $0x3;
	s20 =	sshrl.u32 s16, $0x3  }
0x16: {  	s23 =	sadd.s32 $0x1F8, s1;
	s16 =	simm.s32 $0x4;
	s17 =	sadd.s32 s3, s18  }
0x17: {  	s11 =	sadd.s32 s0, s11;
	s18 =	sadd.s32 s19, s15;
	s19 =	sadd.s32 $0x288, s1  }
0x18: {  	s21 =	sadd.s32 s3, s20;
	s25 =	sadd.s32 $0x12, s24;
	[dreg:$0x5] =	wrdreg s17  }
0x19: {  	s26 =	sadd.s32 $0x24, s24;
	s15 =	simm.s32 $0x3;
	[dreg:$0x8] =	wrdreg s11  }
0x1a: {  	s17 =	sadd.s32 s3, s22;
	s11 =	sadd.s32 s0, s12;
	[dreg:$0xc] =	wrdreg s21  }
0x1b: {  	s12 =	sshrl.u32 s19, $0x3;
	s22 =	sadd.s32 $0x240, s1;
	[dreg:$0xd] =	wrdreg s25  }
0x1c: {  	s1 =	sadd.s32 $0x1B0, s1;
	s25 =	smov.u32 s24;
	[dreg:$0x6] =	wrdreg s17  }
0x1d: {  	[dreg:$0x9] =	wrdreg s11;
	s17 =	sshrl.u32 s14, $0x3;
	s20 =	sadd.s32 s12, s3  }
0x1e: {  	s1 =	sshrl.u32 s1, $0x3;
	s12 =	simm.s32 $0x48;
	s11 =	sadd.s32 s0, s17  }
0x1f: {  	s14 =	simm.s32 $0x5;
	[dreg:$0xa] =	wrdreg s11;
	s11 =	sshrl.u32 s18, $0x3  }
0x20: {  	s17 =	simm.s32 $0x0;
	s0 =	sadd.s32 s0, s11;
	s11 =	sshrl.u32 s23, $0x3  }
0x21: {  	s23 =	sadd.s32 s1, s3;
	s1 =	simm.s32 $0x13D80;
	[dreg:$0xb] =	wrdreg s0  }
0x22: {  	s0 =	sshrl.u32 s22, $0x3;
	s22 =	sadd.s32 s11, s3;
	s11 =	simm.s32 $0x6  }
0x23: {  	s21 =	sadd.s32 s0, s3;
	s0 =	simm.s32 $0x13C80;
	s3 =	simm.s32 $0x13D00  }
.LBB2_1:
0x24: {  	s18 =	rddreg [dreg:$0x4]  }
0x25: {  	[tilespmem:s28], [sflag:$0x7] =	stream.linear.gather [hbm4b:s18+s4], $0x4000, $0x38;
	[tilespmem:$0x1A200] =	vst v63  }
0x26: {  	_ =	swait.ge [sflag:s29], $0x4000  }
0x27: {  	[sflag:s29] =	ssyncset.done $0x0  }
0x28: {  	[sflag:s29] =	ssyncadd.s32 $0xFFFFC000  }
0x29: {  	[spmem:s6] =	stream.linear.scatter [tilespmem:s28], [sflag:$0x7], $0x4000, $0x38;
	[tilespmem:$0x1A200] =	vst v63  }
0x2a: {  	_ =	swait.ge [sflag:s29], $0x4000  }
0x2b: {  	[sflag:s29] =	ssyncset.done $0x0  }
0x2c: {  	[sflag:s29] =	ssyncadd.s32 $0xFFFFC000  }
0x2d: {  	[spmem:s7] =	stream.linear.scatter [tilespmem:s28], [sflag:$0x7], $0x4000, $0x38;
	[tilespmem:$0x1A200] =	vst v63  }
0x2e: {  	_ =	swait.ge [sflag:s29], $0x4000  }
0x2f: {  	[sflag:s29] =	ssyncset.done $0x0  }
0x30: {  	[sflag:s29] =	ssyncadd.s32 $0xFFFFC000  }
0x31: {  	[spmem:s8] =	stream.linear.scatter [tilespmem:s28], [sflag:$0x7], $0x4000, $0x38;
	[tilespmem:$0x1A200] =	vst v63  }
0x32: {  	_ =	swait.ge [sflag:s29], $0x4000  }
0x33: {  	[sflag:s29] =	ssyncset.done $0x0  }
0x34: {  	[sflag:s29] =	ssyncadd.s32 $0xFFFFC000  }
0x35: {  	[spmem:s9] =	stream.linear.scatter [tilespmem:s28], [sflag:$0x7], $0x4000, $0x38;
	[tilespmem:$0x1A200] =	vst v63  }
0x36: {  	_ =	swait.ge [sflag:s29], $0x4000  }
0x37: {  	[sflag:s29] =	ssyncset.done $0x0  }
0x38: {  	[sflag:s29] =	ssyncadd.s32 $0xFFFFC000  }
0x39: {  	[spmem:s10] =	stream.linear.scatter [tilespmem:s28], [sflag:$0x7], $0x3C00, $0x38;
	[tilespmem:$0x1A200] =	vst v63  }
0x3a: {  	_ =	swait.ge [sflag:s29], $0x3C00  }
0x3b: {  	[sflag:s29] =	ssyncset.done $0x0  }
0x3c: {  	[sflag:s29] =	ssyncadd.s32 $0xFFFFC400  }
0x3d: {  	s24 =	rddreg [dreg:$0x1]  }
0x3e: {  	[tilespmem:s30], [sflag:$0x7] =	stream.linear.gather [hbm4b:s24+s4], $0x2400, $0x38;
	[tilespmem:$0x1A200] =	vst v63  }
0x3f: {  	_ =	swait.ge [sflag:s29], $0x2400  }
0x40: {  	[sflag:s29] =	ssyncset.done $0x0  }
0x41: {  	[sflag:s29] =	ssyncadd.s32 $0xFFFFDC00  }
0x42: {  	[bflag:$0x0] =	sbarrier.arrive $0xFFFF  }
0x43: {  	[tilespmem:s31], [sflag:$0x1] =	stream.linear.gather [hbm4b:s25+s4], $0x48, $0x38;
	[tilespmem:$0x1A200] =	vst v63  }
0x44: {  	s19 =	rddreg [dreg:$0x5]  }
0x45: {  	[tilespmem:s0], [sflag:$0x2] =	stream.linear.gather [hbm4b:s19+s4], $0x48, $0x38;
	[tilespmem:$0x1A200] =	vst v63  }
0x46: {  	s24 =	rddreg [dreg:$0xd]  }
0x47: {  	[tilespmem:s3], [sflag:$0x3] =	stream.linear.gather [hbm4b:s24+s4], $0x48, $0x38;
	[tilespmem:$0x1A200] =	vst v63  }
0x48: {  	s19 =	rddreg [dreg:$0x6]  }
0x49: {  	[tilespmem:s1], [sflag:$0x4] =	stream.linear.gather [hbm4b:s19+s4], $0x48, $0x38;
	[tilespmem:$0x1A200] =	vst v63  }
0x4a: {  	_ =	swait.ge [sflag:s5], $0x48  }
0x4b: {  	[sflag:s5] =	ssyncset.done $0x0  }
0x4c: {  	[sflag:s5] =	ssyncadd.s32 $0xFFFFFFB8  }
0x4d: {  	[spmem:s2] =	stream.indirect.scatter.add.f32 [tilespmem:s30], [sflag:$0x5], $0x80, s31, s12, $0xb8;
	[tilespmem:$0x1A200] =	vst v63  }
0x4e: {  	_ =	swait.ge [sflag:s13], $0x48  }
0x4f: {  	[sflag:s13] =	ssyncset.done $0x0  }
0x50: {  	[sflag:s13] =	ssyncadd.s32 $0xFFFFFFB8  }
0x51: {  	[spmem:s2] =	stream.indirect.scatter.add.f32 [tilespmem:s30], [sflag:$0x6], $0x80, s0, s12, $0xb8;
	[tilespmem:$0x1A200] =	vst v63  }
0x52: {  	_ =	swait.ge [sflag:s14], $0x2400  }
0x53: {  	[sflag:s14] =	ssyncset.done $0x0  }
0x54: {  	[sflag:s14] =	ssyncadd.s32 $0xFFFFDC00  }
0x55: {  	[tilespmem:s31], [sflag:$0x1] =	stream.linear.gather [hbm4b:s26+s4], $0x48, $0x38;
	[tilespmem:$0x1A200] =	vst v63  }
0x56: {  	_ =	swait.ge [sflag:s15], $0x48  }
0x57: {  	[sflag:s15] =	ssyncset.done $0x0  }
0x58: {  	[sflag:s15] =	ssyncadd.s32 $0xFFFFFFB8  }
0x59: {  	[spmem:s2] =	stream.indirect.scatter.add.f32 [tilespmem:s30], [sflag:$0x5], $0x80, s3, s12, $0xb8;
	[tilespmem:$0x1A200] =	vst v63  }
0x5a: {  	_ =	swait.ge [sflag:s11], $0x2400  }
0x5b: {  	[sflag:s11] =	ssyncset.done $0x0  }
0x5c: {  	s24 =	rddreg [dreg:$0xc];
	[sflag:s11] =	ssyncadd.s32 $0xFFFFDC00  }
0x5d: {  	[tilespmem:s0], [sflag:$0x2] =	stream.linear.gather [hbm4b:s24+s4], $0x48, $0x38;
	[tilespmem:$0x1A200] =	vst v63  }
0x5e: {  	_ =	swait.ge [sflag:s16], $0x48  }
0x5f: {  	[sflag:s16] =	ssyncset.done $0x0  }
0x60: {  	[sflag:s16] =	ssyncadd.s32 $0xFFFFFFB8  }
0x61: {  	[spmem:s2] =	stream.indirect.scatter.add.f32 [tilespmem:s30], [sflag:$0x6], $0x80, s1, s12, $0xb8;
	[tilespmem:$0x1A200] =	vst v63  }
0x62: {  	_ =	swait.ge [sflag:s14], $0x2400  }
0x63: {  	[sflag:s14] =	ssyncset.done $0x0  }
0x64: {  	s19 =	sadd.s32 $0x0, s23;
	[sflag:s14] =	ssyncadd.s32 $0xFFFFDC00  }
0x65: {  	[tilespmem:s3], [sflag:$0x3] =	stream.linear.gather [hbm4b:s19+s4], $0x48, $0x38;
	[tilespmem:$0x1A200] =	vst v63  }
0x66: {  	_ =	swait.ge [sflag:s5], $0x48  }
0x67: {  	[sflag:s5] =	ssyncset.done $0x0  }
0x68: {  	[sflag:s5] =	ssyncadd.s32 $0xFFFFFFB8  }
0x69: {  	[spmem:s2] =	stream.indirect.scatter.add.f32 [tilespmem:s30], [sflag:$0x5], $0x80, s31, s12, $0xb8;
	[tilespmem:$0x1A200] =	vst v63  }
0x6a: {  	_ =	swait.ge [sflag:s11], $0x2400  }
0x6b: {  	[sflag:s11] =	ssyncset.done $0x0  }
0x6c: {  	s24 =	sadd.s32 $0x0, s22;
	[sflag:s11] =	ssyncadd.s32 $0xFFFFDC00  }
0x6d: {  	[tilespmem:s1], [sflag:$0x4] =	stream.linear.gather [hbm4b:s24+s4], $0x48, $0x38;
	[tilespmem:$0x1A200] =	vst v63  }
0x6e: {  	_ =	swait.ge [sflag:s13], $0x48  }
0x6f: {  	[sflag:s13] =	ssyncset.done $0x0  }
0x70: {  	[sflag:s13] =	ssyncadd.s32 $0xFFFFFFB8  }
0x71: {  	[spmem:s2] =	stream.indirect.scatter.add.f32 [tilespmem:s30], [sflag:$0x6], $0x80, s0, s12, $0xb8;
	[tilespmem:$0x1A200] =	vst v63  }
0x72: {  	_ =	swait.ge [sflag:s14], $0x2400  }
0x73: {  	[sflag:s14] =	ssyncset.done $0x0  }
0x74: {  	s19 =	sadd.s32 $0x0, s21;
	[sflag:s14] =	ssyncadd.s32 $0xFFFFDC00  }
0x75: {  	[tilespmem:s31], [sflag:$0x1] =	stream.linear.gather [hbm4b:s19+s4], $0x48, $0x38;
	[tilespmem:$0x1A200] =	vst v63  }
0x76: {  	_ =	swait.ge [sflag:s15], $0x48  }
0x77: {  	[sflag:s15] =	ssyncset.done $0x0  }
0x78: {  	[sflag:s15] =	ssyncadd.s32 $0xFFFFFFB8  }
0x79: {  	[spmem:s2] =	stream.indirect.scatter.add.f32 [tilespmem:s30], [sflag:$0x5], $0x80, s3, s12, $0xb8;
	[tilespmem:$0x1A200] =	vst v63  }
0x7a: {  	_ =	swait.ge [sflag:s11], $0x2400  }
0x7b: {  	[sflag:s11] =	ssyncset.done $0x0  }
0x7c: {  	s24 =	sadd.s32 $0x0, s20;
	[sflag:s11] =	ssyncadd.s32 $0xFFFFDC00  }
0x7d: {  	[tilespmem:s0], [sflag:$0x2] =	stream.linear.gather [hbm4b:s24+s4], $0x48, $0x38;
	[tilespmem:$0x1A200] =	vst v63  }
0x7e: {  	_ =	swait.ge [sflag:s16], $0x48  }
0x7f: {  	[sflag:s16] =	ssyncset.done $0x0  }
0x80: {  	s18 =	simm.s32 $0x24;
	[sflag:s16] =	ssyncadd.s32 $0xFFFFFFB8  }
.LBB2_2:
0x81: {  	[spmem:s2] =	stream.indirect.scatter.add.f32 [tilespmem:s30], [sflag:$0x6], $0x80, s1, s12, $0xb8;
	[tilespmem:$0x1A200] =	vst v63  }
0x82: {  	s19 =	smov.u32 s18  }
0x83: {  	p0 =	sne.s32 s18, $0x4A4;
	s18 =	sadd.s32 $0x24, s18;
	_ =	swait.ge [sflag:s14], $0x2400  }
0x84: {  	[sflag:s14] =	ssyncset.done $0x0  }
0x85: {  	s24 =	sadd.s32 s19, s23;
	[sflag:s14] =	ssyncadd.s32 $0xFFFFDC00  }
0x86: {  	[tilespmem:s3], [sflag:$0x3] =	stream.linear.gather [hbm4b:s24+s4], $0x48, $0x38;
	[tilespmem:$0x1A200] =	vst v63  }
0x87: {  	_ =	swait.ge [sflag:s5], $0x48  }
0x88: {  	[sflag:s5] =	ssyncset.done $0x0  }
0x89: {  	[sflag:s5] =	ssyncadd.s32 $0xFFFFFFB8  }
0x8a: {  	[spmem:s2] =	stream.indirect.scatter.add.f32 [tilespmem:s30], [sflag:$0x5], $0x80, s31, s12, $0xb8;
	[tilespmem:$0x1A200] =	vst v63  }
0x8b: {  	_ =	swait.ge [sflag:s11], $0x2400  }
0x8c: {  	[sflag:s11] =	ssyncset.done $0x0  }
0x8d: {  	s24 =	sadd.s32 s19, s22;
	[sflag:s11] =	ssyncadd.s32 $0xFFFFDC00  }
0x8e: {  	[tilespmem:s1], [sflag:$0x4] =	stream.linear.gather [hbm4b:s24+s4], $0x48, $0x38;
	[tilespmem:$0x1A200] =	vst v63  }
0x8f: {  	_ =	swait.ge [sflag:s13], $0x48  }
0x90: {  	[sflag:s13] =	ssyncset.done $0x0  }
0x91: {  	[sflag:s13] =	ssyncadd.s32 $0xFFFFFFB8  }
0x92: {  	[spmem:s2] =	stream.indirect.scatter.add.f32 [tilespmem:s30], [sflag:$0x6], $0x80, s0, s12, $0xb8;
	[tilespmem:$0x1A200] =	vst v63  }
0x93: {  	_ =	swait.ge [sflag:s14], $0x2400  }
0x94: {  	[sflag:s14] =	ssyncset.done $0x0  }
0x95: {  	s24 =	sadd.s32 s19, s21;
	[sflag:s14] =	ssyncadd.s32 $0xFFFFDC00  }
0x96: {  	[tilespmem:s31], [sflag:$0x1] =	stream.linear.gather [hbm4b:s24+s4], $0x48, $0x38;
	[tilespmem:$0x1A200] =	vst v63  }
0x97: {  	_ =	swait.ge [sflag:s15], $0x48  }
0x98: {  	[sflag:s15] =	ssyncset.done $0x0  }
0x99: {  	[sflag:s15] =	ssyncadd.s32 $0xFFFFFFB8  }
0x9a: {  	[spmem:s2] =	stream.indirect.scatter.add.f32 [tilespmem:s30], [sflag:$0x5], $0x80, s3, s12, $0xb8;
	[tilespmem:$0x1A200] =	vst v63  }
0x9b: {  	_ =	swait.ge [sflag:s11], $0x2400  }
0x9c: {  	[sflag:s11] =	ssyncset.done $0x0  }
.Ltmp0:
0x9d: {  	s19 =	sadd.s32 s19, s20;
	[sflag:s11] =	ssyncadd.s32 $0xFFFFDC00;
	(pc) =	sbr.rel @p0 .LBB2_2-.Ltmp0, $4  }
0x9e: {  	[tilespmem:s0], [sflag:$0x2] =	stream.linear.gather [hbm4b:s19+s4], $0x48, $0x38;
	[tilespmem:$0x1A200] =	vst v63  }
0x9f: {  	_ =	swait.ge [sflag:s16], $0x48  }
0xa0: {  	[sflag:s16] =	ssyncset.done $0x0  }
0xa1: {  	[sflag:s16] =	ssyncadd.s32 $0xFFFFFFB8  }
0xa2: {  	[spmem:s2] =	stream.indirect.scatter.add.f32 [tilespmem:s30], [sflag:$0x6], $0x80, s1, s12, $0xb8;
	[tilespmem:$0x1A200] =	vst v63  }
0xa3: {  	_ =	swait.ge [sflag:s14], $0x2400  }
0xa4: {  	[sflag:s14] =	ssyncset.done $0x0  }
0xa5: {  	[sflag:s14] =	ssyncadd.s32 $0xFFFFDC00  }
0xa6: {  	_ =	swait.ge [sflag:s11], $0x2400  }
0xa7: {  	[sflag:s11] =	ssyncset.done $0x0  }
0xa8: {  	[sflag:s11] =	ssyncadd.s32 $0xFFFFDC00  }
0xa9: {  	_ =	swait.ge [sflag:s5], $0x48  }
0xaa: {  	[sflag:s5] =	ssyncset.done $0x0  }
0xab: {  	[sflag:s5] =	ssyncadd.s32 $0xFFFFFFB8  }
0xac: {  	_ =	swait.ge [sflag:s13], $0x48  }
0xad: {  	[sflag:s13] =	ssyncset.done $0x0  }
0xae: {  	[sflag:s13] =	ssyncadd.s32 $0xFFFFFFB8  }
0xaf: {  	[bflag:$0x0] =	sbarrier.arrive $0xFFFF  }
0xb0: {  	[tilespmem:s28], [sflag:$0x7] =	stream.linear.gather [spmem:s6], $0x4000, $0x38;
	[tilespmem:$0x1A200] =	vst v63  }
0xb1: {  	_ =	swait.ge [sflag:s29], $0x4000  }
0xb2: {  	[sflag:s29] =	ssyncset.done $0x0  }
0xb3: {  	s18 =	rddreg [dreg:$0x7];
	[sflag:s29] =	ssyncadd.s32 $0xFFFFC000  }
0xb4: {  	[hbm4b:s18+s4] =	stream.linear.scatter [tilespmem:s28], [sflag:$0x7], $0x4000, $0x38;
	[tilespmem:$0x1A200] =	vst v63  }
0xb5: {  	_ =	swait.ge [sflag:s29], $0x4000  }
0xb6: {  	[sflag:s29] =	ssyncset.done $0x0  }
0xb7: {  	[sflag:s29] =	ssyncadd.s32 $0xFFFFC000  }
0xb8: {  	[tilespmem:s28], [sflag:$0x7] =	stream.linear.gather [spmem:s7], $0x4000, $0x38;
	[tilespmem:$0x1A200] =	vst v63  }
0xb9: {  	_ =	swait.ge [sflag:s29], $0x4000  }
0xba: {  	[sflag:s29] =	ssyncset.done $0x0  }
0xbb: {  	s24 =	rddreg [dreg:$0x8];
	[sflag:s29] =	ssyncadd.s32 $0xFFFFC000  }
0xbc: {  	[hbm4b:s24+s4] =	stream.linear.scatter [tilespmem:s28], [sflag:$0x7], $0x4000, $0x38;
	[tilespmem:$0x1A200] =	vst v63  }
0xbd: {  	_ =	swait.ge [sflag:s29], $0x4000  }
0xbe: {  	[sflag:s29] =	ssyncset.done $0x0  }
0xbf: {  	[sflag:s29] =	ssyncadd.s32 $0xFFFFC000  }
0xc0: {  	[tilespmem:s28], [sflag:$0x7] =	stream.linear.gather [spmem:s8], $0x4000, $0x38;
	[tilespmem:$0x1A200] =	vst v63  }
0xc1: {  	_ =	swait.ge [sflag:s29], $0x4000  }
0xc2: {  	[sflag:s29] =	ssyncset.done $0x0  }
0xc3: {  	s19 =	rddreg [dreg:$0x9];
	[sflag:s29] =	ssyncadd.s32 $0xFFFFC000  }
0xc4: {  	[hbm4b:s19+s4] =	stream.linear.scatter [tilespmem:s28], [sflag:$0x7], $0x4000, $0x38;
	[tilespmem:$0x1A200] =	vst v63  }
0xc5: {  	_ =	swait.ge [sflag:s29], $0x4000  }
0xc6: {  	[sflag:s29] =	ssyncset.done $0x0  }
0xc7: {  	[sflag:s29] =	ssyncadd.s32 $0xFFFFC000  }
0xc8: {  	[tilespmem:s28], [sflag:$0x7] =	stream.linear.gather [spmem:s9], $0x4000, $0x38;
	[tilespmem:$0x1A200] =	vst v63  }
0xc9: {  	_ =	swait.ge [sflag:s29], $0x4000  }
0xca: {  	[sflag:s29] =	ssyncset.done $0x0  }
0xcb: {  	s24 =	rddreg [dreg:$0xa];
	[sflag:s29] =	ssyncadd.s32 $0xFFFFC000  }
0xcc: {  	[hbm4b:s24+s4] =	stream.linear.scatter [tilespmem:s28], [sflag:$0x7], $0x4000, $0x38;
	[tilespmem:$0x1A200] =	vst v63  }
0xcd: {  	_ =	swait.ge [sflag:s29], $0x4000  }
0xce: {  	[sflag:s29] =	ssyncset.done $0x0  }
0xcf: {  	[sflag:s29] =	ssyncadd.s32 $0xFFFFC000  }
0xd0: {  	[tilespmem:s28], [sflag:$0x7] =	stream.linear.gather [spmem:s10], $0x3C00, $0x38;
	[tilespmem:$0x1A200] =	vst v63  }
0xd1: {  	_ =	swait.ge [sflag:s29], $0x3C00  }
0xd2: {  	[sflag:s29] =	ssyncset.done $0x0  }
0xd3: {  	s19 =	rddreg [dreg:$0xb];
	[sflag:s29] =	ssyncadd.s32 $0xFFFFC400  }
0xd4: {  	[hbm4b:s19+s4] =	stream.linear.scatter [tilespmem:s28], [sflag:$0x7], $0x3C00, $0x38;
	[tilespmem:$0x1A200] =	vst v63  }
0xd5: {  	_ =	swait.ge [sflag:s29], $0x3C00  }
0xd6: {  	s17 =	sadd.s32 $0x1, s17;
	s24 =	rddreg [dreg:$0xe]  }
0xd7: {  	p0 =	sne.s32 s17, s24  }
.Ltmp1:
0xd8: {  	_ = 	snop;
	(pc) =	sbr.rel @p0 .LBB2_1-.Ltmp1, $3  }
0xd9: {  	_ =	sdelay $0x1  }
0xda: {  	[sflag:s29] =	ssyncset.done $0x0  }
0xdb: {  	[sflag:s29] =	ssyncadd.s32 $0xFFFFC400  }
0xdc: {  	_ =	sfence.sel $0x180000  }
0xdd: {  	[bflag:$0x0] =	sbarrier.arrive $0xFFFF  }
0xde: {  	_ =	strace $0x9000004A  }
0xdf: {  	s0 =	stileid.u32;
	[bflag:$0x2] =	sbarrier.arrive $0xFFFF  }
0xe0: {  	p0 =	sne.s32 s0, $0x0;
	s0 =	rddreg [dreg:$0x3]  }
0xe1: {  	s0 =	sadd.s32 @!p0 $0x100000, s0  }
0xe2: {  	[sflag:s0] =	ssyncadd.tile.s32 @!p0 $0x1;
	_ =	shalt  }
.Lfunc_end2:
_tile_overlayer_lowered:
.L_overlay_start_2:
0xe3: {  	(tag) =	ssettag $0x2  }
0xe4: {  	s0 =	rddreg [dreg:$0x0];
	s2 =	stileid.u32  }
0xe5: {  	s1 =	rddreg [dreg:$0x1];
	p0 =	sne.s32 s2, $0x0  }
0xe6: {  	s3 =	rddreg [dreg:$0x2];
	[bflag:$0x3] =	sbarrier.arrive $0xFFFF;
	s2 =	simm.s32 @!p0 $0x1C07  }
0xe7: {  	[timem:s3], [sflag:s2] =	dma.local @!p0 [hbm:s0], s1  }
0xe8: {  	s0 =	simm.s32 @!p0 $0x7  }
0xe9: {  	_ =	swait.ge @!p0 [sflag:s0], s1  }
0xea: {  	s1 =	ssub.s32 @!p0 $0x0, s1;
	[sflag:s0] =	ssyncset.done @!p0 $0x0  }
0xeb: {  	[sflag:s0] =	ssyncadd.s32 @!p0 s1  }
0xec: {  	[bflag:$0x3] =	sbarrier.arrive $0xFFFF  }
0xed: {  	_ =	shalt  }

// kernel: kernel.13.cloned.1.call-start
scs
__scs_entry_jumppad:
0x0: {  	(pc) =	sbr.rel $0x88, $3  }
0x1: {  	(tag) =	ssettag $0x0;
	lr =	simm.s32 $0x1  }
0x2: {  	[smem:$0x3F88] =	sst lr;
	_ =	strace $0xD0000000  }
0x3: {  	_ = 	snop  }
0x4: {  	_ = 	snop  }
0x5: {  	_ = 	snop  }
0x6: {  	_ = 	snop  }
0x7: {  	_ = 	snop  }
__scs_overlays_trampoline_lowered:
0x8: {  	[smem:$0x3F97] =	sst s0  }
0x9: {  	[smem:$0x3F98] =	sst s1  }
0xa: {  	[smem:$0x3F99] =	sst s2  }
0xb: {  	[smem:$0x3F9A] =	sst s3  }
0xc: {  	[smem:$0x3F9B] =	sst s4  }
0xd: {  	[smem:$0x3F9C] =	sst s5  }
0xe: {  	[smem:$0x3F9D] =	sst s6  }
0xf: {  	[smem:$0x3F9E] =	sst s7  }
0x10: {  	[smem:$0x3F9F] =	sst s8  }
0x11: {  	[smem:$0x3FA0] =	sst s9;
	s0 =	simm.s32 @!p0 $0x0  }
0x12: {  	s1 =	sld [smem:$0x3F86];
	s0 =	simm.s32 @p0 $0x1  }
0x13: {  	[smem:$0x3FA1] =	sst s0;
	s0 =	simm.s32 @!p1 $0x0  }
0x14: {  	s2 =	sld [smem:$0x3F85];
	s0 =	simm.s32 @p1 $0x1  }
0x15: {  	[smem:$0x3FA2] =	sst s0;
	s0 =	simm.s32 @!p2 $0x0  }
0x16: {  	s3 =	sld [smem:$0x3FDB];
	s0 =	simm.s32 @p2 $0x1  }
0x17: {  	s4 =	simm.s32 $0x1BF5;
	[smem:$0x3FA4] =	sst s0  }
0x18: {  	s0 =	sld [smem:$0x3F87];
	_ =	swait.ge [sflag:s4], $0x0  }
0x19: {  	s7 =	sld [smem:$0x3F88]  }
0x1a: {  	s8 =	sadd.s32 $0xFFFFE003, lr  }
0x1b: {  	s9 =	sadd.s32 $0xFFFFFEF7, lr;
	s5 =	simm.s32 $0xFFFFFFFF;
	p2 =	slt.u32 s8, $0xFFFFF086  }
0x1c: {  	p1 =	slt.u32 s9, $0xF7A;
	s5 =	simm.s32 @!p2 $0x0  }
0x1d: {  	s5 =	simm.s32 @p1 $0x1;
	p0 =	seq.s32 s7, s2  }
0x1e: {  	s7 =	smul.u32 @!p0 $0xF7A, s2;
	p2 =	seq.s32 @!p0 s5, $0x0  }
0x1f: {  	s9 =	smul.u32 $0xF7A, s1;
	s8 =	simm.s32 @!p0 $0x1BF5;
	p2 =	por !p2, p0  }
0x20: {  	[sflag:s8] =	ssyncset.s32 @!p0 $0xFFFFF086;
	s6 =	sadd.s32 @!p0 s3, s7;
	s7 =	simm.s32 @!p0 $0x108  }
0x21: {  	s3 =	sadd.s32 s3, s9;
	s6 =	sadd.s32 @!p0 $0x88, s6;
	s7 =	simm.s32 @p2 $0x1082  }
0x22: {  	[simem:s7], [sflag:s8] =	dma.local @!p0 [hbm:s6], $0xF7A  }
0x23: {  	s9 =	sor.u32 $0xD0000000, s2;
	s6 =	simm.s32 $0x108;
	_ =	swait.ge @!p0 [sflag:s8], $0x0  }
0x24: {  	s3 =	sadd.s32 $0x88, s3;
	s6 =	simm.s32 @!p1 $0x1082;
	[sflag:s4] =	ssyncset.s32 $0xFFFFF086  }
0x25: {  	[simem:s6], [sflag:s4] =	dma.local [hbm:s3], $0xF7A  }
0x26: {  	[smem:$0x3F88] =	sst s1;
	(tag) =	ssettag s2;
	_ =	strace s9  }
0x27: {  	s1 =	sld [smem:$0x3F98]  }
0x28: {  	s2 =	sld [smem:$0x3F99]  }
0x29: {  	s4 =	sld [smem:$0x3F9B]  }
0x2a: {  	p0 =	seq.s32 s5, $0x0;
	s5 =	sld [smem:$0x3F9C]  }
0x2b: {  	s6 =	sld [smem:$0x3F9D]  }
0x2c: {  	s7 =	sld [smem:$0x3F9E]  }
0x2d: {  	s3 =	simm.s32 $0x108;
	s8 =	sld [smem:$0x3F9F]  }
0x2e: {  	s3 =	simm.s32 @!p0 $0x1082;
	s9 =	sld [smem:$0x3FA0]  }
0x2f: {  	lr =	sadd.s32 s0, s3;
	s0 =	sld [smem:$0x3F97]  }
0x30: {  	s3 =	sld [smem:$0x3F9A]  }
0x31: {  	[smem:$0x3FA3] =	sst s10  }
0x32: {  	s10 =	sld [smem:$0x3FA1];
	_ =	sdelay $0x3  }
0x33: {  	p0 =	seq.s32 s10, $0x1;
	s10 =	sld [smem:$0x3FA3];
	_ =	sdelay $0x3  }
0x34: {  	[smem:$0x3FA3] =	sst s10  }
0x35: {  	s10 =	sld [smem:$0x3FA2];
	_ =	sdelay $0x3  }
0x36: {  	p1 =	seq.s32 s10, $0x1;
	s10 =	sld [smem:$0x3FA3];
	_ =	sdelay $0x3  }
0x37: {  	[smem:$0x3FA3] =	sst s10  }
0x38: {  	s10 =	sld [smem:$0x3FA4]  }
0x39: {  	_ = 	snop;
	(pc) =	sbr.ind lr, $3  }
0x3a: {  	_ = 	snop  }
0x3b: {  	_ = 	snop  }
0x3c: {  	p2 =	seq.s32 s10, $0x1;
	s10 =	sld [smem:$0x3FA3]  }
0x3d: {  	_ =	shalt  }
0x3e: {  	_ =	shalt  }
0x3f: {  	_ =	shalt  }
0x40: {  	_ =	shalt  }
0x41: {  	_ =	shalt  }
0x42: {  	_ =	shalt  }
0x43: {  	_ =	shalt  }
0x44: {  	_ =	shalt  }
0x45: {  	_ =	shalt  }
0x46: {  	_ =	shalt  }
0x47: {  	_ =	shalt  }
0x48: {  	_ =	shalt  }
0x49: {  	_ =	shalt  }
0x4a: {  	_ =	shalt  }
0x4b: {  	_ =	shalt  }
0x4c: {  	_ =	shalt  }
0x4d: {  	_ =	shalt  }
0x4e: {  	_ =	shalt  }
0x4f: {  	_ =	shalt  }
0x50: {  	_ =	shalt  }
0x51: {  	_ =	shalt  }
0x52: {  	_ =	shalt  }
0x53: {  	_ =	shalt  }
0x54: {  	_ =	shalt  }
0x55: {  	_ =	shalt  }
0x56: {  	_ =	shalt  }
0x57: {  	_ =	shalt  }
0x58: {  	_ =	shalt  }
0x59: {  	_ =	shalt  }
0x5a: {  	_ =	shalt  }
0x5b: {  	_ =	shalt  }
0x5c: {  	_ =	shalt  }
0x5d: {  	_ =	shalt  }
0x5e: {  	_ =	shalt  }
0x5f: {  	_ =	shalt  }
0x60: {  	_ =	shalt  }
0x61: {  	_ =	shalt  }
0x62: {  	_ =	shalt  }
0x63: {  	_ =	shalt  }
0x64: {  	_ =	shalt  }
0x65: {  	_ =	shalt  }
0x66: {  	_ =	shalt  }
0x67: {  	_ =	shalt  }
0x68: {  	_ =	shalt  }
0x69: {  	_ =	shalt  }
0x6a: {  	_ =	shalt  }
0x6b: {  	_ =	shalt  }
0x6c: {  	_ =	shalt  }
0x6d: {  	_ =	shalt  }
0x6e: {  	_ =	shalt  }
0x6f: {  	_ =	shalt  }
0x70: {  	_ =	shalt  }
0x71: {  	_ =	shalt  }
0x72: {  	_ =	shalt  }
0x73: {  	_ =	shalt  }
0x74: {  	_ =	shalt  }
0x75: {  	_ =	shalt  }
0x76: {  	_ =	shalt  }
0x77: {  	_ =	shalt  }
0x78: {  	_ =	shalt  }
0x79: {  	_ =	shalt  }
0x7a: {  	_ =	shalt  }
0x7b: {  	_ =	shalt  }
0x7c: {  	_ =	shalt  }
0x7d: {  	_ =	shalt  }
0x7e: {  	_ =	shalt  }
0x7f: {  	_ =	shalt  }
0x80: {  	_ =	shalt  }
0x81: {  	_ =	shalt  }
0x82: {  	_ =	shalt  }
0x83: {  	_ =	shalt  }
0x84: {  	_ =	shalt  }
0x85: {  	_ =	shalt  }
0x86: {  	_ =	shalt  }
0x87: {  	_ =	shalt  }
.Lfunc_end0:
.L_simem_size_0:
called_computation.1_lowered:
.L_overlay_start_0:
0x88: {  	s2 =	sld [smem:$0x3FD9]  }
0x89: {  	s3 =	sld [smem:$0x3FFE];
	_ =	sdelay $0x1  }
0x8a: {  	s1 =	srdreg.scid  }
0x8b: {  	s0 =	sand.u32 $0x1, s1  }
0x8c: {  	s14 =	sshll.u32 s0, $0xA;
	s2 =	sadd.s32 s3, s2  }
0x8d: {  	s2 =	sadd.s32 s2, s14  }
0x8e: {  	[smem:$0x3FAF] =	sst s2  }
0x8f: {  	_ = 	snop  }
0x90: {  	s2 =	sld [smem:$0x3FD0];
	_ =	sdelay $0x2  }
0x91: {  	s15 =	simm.s32 $0xB;
	s4 =	simm.s32 $0x10  }
0x92: {  	[smem:s4], [sflag:s15] =	dma.local [hbm:s2], $0x1  }
0x93: {  	_ =	swait.eq [sflag:s15], $0x1  }
0x94: {  	[sflag:s15] =	ssyncset.done $0x0  }
0x95: {  	[sflag:s15] =	ssyncadd.s32 $0xFFFFFFFF  }
0x96: {  	s16 =	sld [smem:$0x11];
	(tm) =	ssettm $0x1  }
0x97: {  	s17 =	sld [smem:$0x3FFB];
	_ =	sdelay $0x3  }
0x98: {  	_ =	strace s17  }
0x99: {  	s3 =	sld [smem:$0x3FFC];
	_ =	sdelay $0x3  }
0x9a: {  	_ =	strace s3  }
0x9b: {  	s3 =	sld [smem:$0x3FFD];
	_ =	sdelay $0x3  }
0x9c: {  	_ =	strace s3  }
0x9d: {  	_ =	strace $0x8FFFFFFF  }
0x9e: {  	s18 =	sld [smem:$0x3FDB];
	_ =	sdelay $0x1  }
0x9f: {  	s19 =	simm.s32 $_scs_section_size  }
0xa0: {  	s5 =	simm.s32 $_size__tile_overlayer_lowered;
	s6 =	simm.s32 $_tile_overlayer_lowered  }
0xa1: {  	s22 =	simm.s32 $0x1BFF;
	s21 =	sshll.u32 s6, $0x1;
	s3 =	sadd.s32 s19, s18  }
0xa2: {  	s7 =	simm.s32 $0x0;
	s20 =	sshll.u32 s5, $0x1;
	s5 =	sadd.s32 s21, s3  }
0xa3: {  	[timem:s7], [sflag:s22] =	dma.local [hbm:s5], s20  }
0xa4: {  	_ =	swait.ge [sflag:s22], s20  }
0xa5: {  	s4 =	ssub.s32 $0x0, s20;
	[sflag:s22] =	ssyncset.done $0x0  }
0xa6: {  	[sflag:s22] =	ssyncadd.s32 s4;
	_ =	sdelay $0x1  }
0xa7: {  	s23 =	simm.s32 $0x1B8B  }
0xa8: {  	_ =	swait.ge [sflag:s23], $0x1  }
0xa9: {  	[sflag:s23] =	ssyncset.done $0x0  }
0xaa: {  	s25 =	simm.s32 $0x1B8E;
	s24 =	sld [smem:$0x3FFE];
	[sflag:s23] =	ssyncadd.s32 $0xFFFFFFFF  }
0xab: {  	s26 =	simm.s32 $execute0_lowered;
	[smem:$0x3FD2] =	sst s25  }
0xac: {  	s5 =	sshll.u32 s26, $0x1;
	_ =	strace $0x80000046;
	[dreg:$0x1] =	wrdreg $0xFFFFFFFF  }
0xad: {  	s28 =	simm.s32 $_size_execute0_lowered;
	s3 =	sadd.s32 s3, s5;
	[dreg:$0x0] =	wrdreg $0x0  }
0xae: {  	s5 =	sshll.u32 s28, $0x1;
	[dreg:$0x2] =	wrdreg s3  }
0xaf: {  	[dreg:$0x3] =	wrdreg s5  }
0xb0: {  	[dreg:$0x4] =	wrdreg $0xC0  }
0xb1: {  	_ =	task [dreg:s7], $0x5FFFF  }
0xb2: {  	[dreg:$0x1] =	wrdreg $0xFFFFFFFF  }
0xb3: {  	[dreg:$0x0] =	wrdreg $0x60  }
0xb4: {  	[dreg:$0x2] =	wrdreg s24  }
0xb5: {  	[dreg:$0x3] =	wrdreg s16  }
0xb6: {  	[dreg:$0x4] =	wrdreg $0x0  }
0xb7: {  	[dreg:$0x5] =	wrdreg $0xA  }
0xb8: {  	_ =	task.clear_ibuf [dreg:s7], $0x6FFFF;
	_ =	strace $0x90000046  }
0xb9: {  	s29 =	simm.s32 $0xA;
	_ =	strace $0x80000048  }
0xba: {  	_ =	swait.ge [sflag:s29], $0x1  }
0xbb: {  	[sflag:s29] =	ssyncadd.s32 $0xFFFFFFFF  }
0xbc: {  	_ =	strace $0x90000048  }
0xbd: {  	_ =	sfence  }
0xbe: {  	s30 =	sld [smem:$0x0];
	_ =	sdelay $0x2  }
0xbf: {  	s31 =	sshll.u32 s1, $0xD;
	s1 =	sshrl.u32 s1, $0x2  }
0xc0: {  	s3 =	sand.u32 $0x4000, s31;
	s1 =	sadd.s32 s1, s30  }
0xc1: {  	s0 =	sor.u32 s3, s0;
	s1 =	sshll.u32 s1, $0x11  }
0xc2: {  	s0 =	sor.u32 s1, s0  }
0xc3: {  	s0 =	sadd.s32 $0x8F2B, s0  }
0xc4: {  	[sflag:s0] =	ssyncadd.remote.s32 $0x1  }
0xc5: {  	_ =	sfence.sel $0xFFFF  }
0xc6: {  	[dreg:$0x0] =	wrdreg $0xFFFFFFFF;
	(pc) =	sbr.abs _section_cstart, $3  }
0xc7: {  	[dreg:$0x1] =	wrdreg $0xFFFFFFFF  }
0xc8: {  	_ =	task.clear_ibuf [dreg:s7], $0x2FFFF;
	_ =	strace $0x9FFFFFFF  }
0xc9: {  	(tm) =	ssettm $0x7FFFFFFF  }
tec
execute0_lowered:
.L_overlay_start_1:
0x0: {  	(tag) =	ssettag $0x1  }
0x1: {  	s0 =	rddreg [dreg:$0x0]  }
0x2: {  	s10 =	rddreg [dreg:$0x1]  }
0x3: {  	s2 =	rddreg [dreg:$0x2];
	s4 =	simm.s32 $0x0;
	s1 =	srdreg.scid  }
0x4: {  	s14 =	stileid.u32;
	s15 =	simm.s32 $0x3840;
	s30 =	simm.s32 $0x18800  }
0x5: {  	s28 =	simm.s32 $0x6;
	s29 =	simm.s32 $0x3;
	s3 =	smul.u32 $0x4F000, s14  }
0x6: {  	[smem:$0x7FF] =	sst s4;
	s5 =	sadd.s32 $0xE000, s0;
	s7 =	smul.u32 $0x13C00, s14  }
0x7: {  	s1 =	sand.u32 $0x1, s1;
	s11 =	sadd.s32 $0x4200, s0;
	s12 =	smul.u32 $0x1680, s14  }
0x8: {  	s8 =	sadd.s32 $0x35200, s0;
	s0 =	sadd.s32 $0x5CA00, s0;
	s14 =	smul.u32 $0x3840, s14  }
0x9: {  	_ =	strace $0x80000047;
	s6 =	ssub.s32 $0x2, s1;
	[dreg:$0x7] =	wrdreg s8  }
0xa: {  	p0 =	seq.s32 s1, $0x0;
	s1 =	smul.u32 $0x13C000, s1;
	s24 =	sshrl.u32 s6, $0x1  }
0xb: {  	s3 =	sshrl.u32 s3, $0x2;
	s25 =	sadd.s32 $0x4000, s7;
	s26 =	sadd.s32 $0x8000, s7  }
0xc: {  	s9 =	sadd.s32 $0xC000, s7;
	s13 =	sadd.s32 $0x10000, s7;
	s12 =	sadd.s32 $0x38400, s12  }
0xd: {  	s15 =	simm.s32 @!p0 $0x1680;
	s6 =	ssub.s32 s6, s24;
	s31 =	sadd.s32 s3, s2  }
0xe: {  	s18 =	sadd.s32 s25, s2;
	s19 =	sadd.s32 s26, s2;
	s20 =	sadd.s32 s9, s2  }
0xf: {  	s21 =	sadd.s32 s13, s2;
	s12 =	smov.u32 @p0 s14;
	[dreg:$0x6] =	wrdreg s15  }
0x10: {  	s7 =	sadd.s32 s7, s1;
	s8 =	sadd.s32 s1, s25;
	s3 =	sadd.s32 s1, s26  }
0x11: {  	s9 =	sadd.s32 s1, s9;
	s1 =	sadd.s32 s1, s13;
	s13 =	simm.s32 $0x13E80  }
0x12: {  	s14 =	sshrl.u32 s12, $0x3;
	s16 =	sadd.s32 $0x120, s12;
	[dreg:$0x8] =	wrdreg s31  }
0x13: {  	s17 =	sadd.s32 $0x168, s12;
	s22 =	sadd.s32 $0x48, s12;
	[dreg:$0x4] =	wrdreg s16  }
0x14: {  	s7 =	sshrl.u32 s7, $0x3;
	s16 =	sadd.s32 s10, s14;
	[dreg:$0x5] =	wrdreg s17  }
0x15: {  	s8 =	sshrl.u32 s8, $0x3;
	s23 =	sadd.s32 s11, s14;
	[dreg:$0xd] =	wrdreg s16  }
0x16: {  	s12 =	sadd.s32 $0xD8, s12;
	s7 =	sadd.s32 s0, s7;
	[dreg:$0xe] =	wrdreg s23  }
0x17: {  	s3 =	sshrl.u32 s3, $0x3;
	s15 =	sadd.s32 s0, s8;
	[dreg:$0x11] =	wrdreg s7  }
0x18: {  	s1 =	sshrl.u32 s1, $0x3;
	s3 =	sadd.s32 s0, s3;
	[dreg:$0x12] =	wrdreg s15  }
0x19: {  	s24 =	sshrl.u32 s22, $0x3;
	s22 =	smax.u32 s6, $0x1;
	[dreg:$0x13] =	wrdreg s3  }
0x1a: {  	s17 =	sadd.s32 $0x12, s14;
	s6 =	smov.u32 s18;
	[dreg:$0x17] =	wrdreg s22  }
0x1b: {  	s14 =	smov.u32 s21;
	s8 =	simm.s32 $0x7;
	[dreg:$0x9] =	wrdreg s6  }
0x1c: {  	s18 =	simm.s32 $0x13D80;
	s25 =	sadd.s32 s10, s24;
	[dreg:$0xc] =	wrdreg s14  }
0x1d: {  	s26 =	sadd.s32 s11, s24;
	s16 =	sshrl.u32 s9, $0x3;
	[dreg:$0xf] =	wrdreg s25  }
0x1e: {  	s9 =	smov.u32 s19;
	s21 =	sadd.s32 s10, s17;
	[dreg:$0x10] =	wrdreg s26  }
0x1f: {  	s24 =	sshrl.u32 s12, $0x3;
	s23 =	sadd.s32 s11, s17;
	[dreg:$0x16] =	wrdreg s21  }
0x20: {  	s12 =	smov.u32 s20;
	s15 =	simm.s32 $0x8;
	[dreg:$0x18] =	wrdreg s23  }
0x21: {  	s3 =	simm.s32 $0x13E00;
	s7 =	simm.s32 $0x13C80;
	[dreg:$0xa] =	wrdreg s9  }
0x22: {  	s20 =	simm.s32 $0x48;
	s19 =	sadd.s32 s0, s16;
	[dreg:$0xb] =	wrdreg s12  }
0x23: {  	s22 =	simm.s32 $0x1;
	s0 =	sadd.s32 s0, s1;
	[dreg:$0x14] =	wrdreg s19  }
0x24: {  	s25 =	sadd.s32 s10, s24;
	s26 =	sadd.s32 s11, s24;
	[dreg:$0x15] =	wrdreg s0  }
0x25: {  	s21 =	simm.s32 $0x14000;
	s23 =	simm.s32 $0x5;
	[dreg:$0x19] =	wrdreg s25  }
0x26: {  	s16 =	simm.s32 $0x0;
	[dreg:$0x1a] =	wrdreg s26;
	s0 =	simm.s32 $0x13C00  }
0x27: {  	s19 =	simm.s32 $0x4;
	s25 =	simm.s32 $0x16400;
	s26 =	simm.s32 $0x2  }
.LBB2_1:
0x28: {  	[dreg:$0x1b] =	wrdreg s16  }
0x29: {  	s1 =	rddreg [dreg:$0x7]  }
0x2a: {  	[tilespmem:s30], [sflag:$0x8] =	stream.linear.gather [hbm4b:s1+s4], $0x4000, $0x38;
	[tilespmem:$0x1C800] =	vst v63  }
0x2b: {  	_ =	swait.ge [sflag:s15], $0x4000  }
0x2c: {  	[sflag:s15] =	ssyncset.done $0x0  }
0x2d: {  	[sflag:s15] =	ssyncadd.s32 $0xFFFFC000  }
0x2e: {  	[spmem:s31] =	stream.linear.scatter [tilespmem:s30], [sflag:$0x8], $0x4000, $0x38;
	[tilespmem:$0x1C800] =	vst v63  }
0x2f: {  	_ =	swait.ge [sflag:s15], $0x4000  }
0x30: {  	[sflag:s15] =	ssyncset.done $0x0  }
0x31: {  	[sflag:s15] =	ssyncadd.s32 $0xFFFFC000  }
0x32: {  	[spmem:s6] =	stream.linear.scatter [tilespmem:s30], [sflag:$0x8], $0x4000, $0x38;
	[tilespmem:$0x1C800] =	vst v63  }
0x33: {  	_ =	swait.ge [sflag:s15], $0x4000  }
0x34: {  	[sflag:s15] =	ssyncset.done $0x0  }
0x35: {  	[sflag:s15] =	ssyncadd.s32 $0xFFFFC000  }
0x36: {  	[spmem:s9] =	stream.linear.scatter [tilespmem:s30], [sflag:$0x8], $0x4000, $0x38;
	[tilespmem:$0x1C800] =	vst v63  }
0x37: {  	_ =	swait.ge [sflag:s15], $0x4000  }
0x38: {  	[sflag:s15] =	ssyncset.done $0x0  }
0x39: {  	[sflag:s15] =	ssyncadd.s32 $0xFFFFC000  }
0x3a: {  	[spmem:s12] =	stream.linear.scatter [tilespmem:s30], [sflag:$0x8], $0x4000, $0x38;
	[tilespmem:$0x1C800] =	vst v63  }
0x3b: {  	_ =	swait.ge [sflag:s15], $0x4000  }
0x3c: {  	[sflag:s15] =	ssyncset.done $0x0  }
0x3d: {  	[sflag:s15] =	ssyncadd.s32 $0xFFFFC000  }
0x3e: {  	[spmem:s14] =	stream.linear.scatter [tilespmem:s30], [sflag:$0x8], $0x3C00, $0x38;
	[tilespmem:$0x1C800] =	vst v63  }
0x3f: {  	_ =	swait.ge [sflag:s15], $0x3C00  }
0x40: {  	[sflag:s15] =	ssyncset.done $0x0  }
0x41: {  	[sflag:s15] =	ssyncadd.s32 $0xFFFFC400  }
0x42: {  	[bflag:$0x0] =	sbarrier.arrive $0xFFFF  }
0x43: {  	s15 =	rddreg [dreg:$0xd]  }
0x44: {  	[tilespmem:s0], [sflag:$0x4] =	stream.linear.gather [hbm4b:s15+s4], $0x48, $0x38;
	[tilespmem:$0x1C800] =	vst v63  }
0x45: {  	s16 =	rddreg [dreg:$0xe]  }
0x46: {  	[tilespmem:s3], [sflag:$0x4] =	stream.linear.gather [hbm4b:s16+s4], $0x48, $0x38;
	[tilespmem:$0x1C800] =	vst v63  }
0x47: {  	s30 =	rddreg [dreg:$0xf]  }
0x48: {  	[tilespmem:s7], [sflag:$0x5] =	stream.linear.gather [hbm4b:s30+s4], $0x48, $0x38;
	[tilespmem:$0x1C800] =	vst v63  }
0x49: {  	s6 =	rddreg [dreg:$0x10]  }
0x4a: {  	[tilespmem:s13], [sflag:$0x5] =	stream.linear.gather [hbm4b:s6+s4], $0x48, $0x38;
	[tilespmem:$0x1C800] =	vst v63  }
0x4b: {  	s9 =	rddreg [dreg:$0x16];
	s15 =	simm.s32 $0x13D00  }
0x4c: {  	[tilespmem:s15], [sflag:$0x6] =	stream.linear.gather [hbm4b:s9+s4], $0x48, $0x38;
	[tilespmem:$0x1C800] =	vst v63  }
0x4d: {  	s12 =	rddreg [dreg:$0x18];
	s16 =	simm.s32 $0x13F00  }
0x4e: {  	[tilespmem:s16], [sflag:$0x6] =	stream.linear.gather [hbm4b:s12+s4], $0x48, $0x38;
	[tilespmem:$0x1C800] =	vst v63  }
0x4f: {  	s1 =	smov.u32 s10;
	s31 =	simm.s32 $0x13F80;
	s14 =	rddreg [dreg:$0x19]  }
0x50: {  	[tilespmem:s18], [sflag:$0x7] =	stream.linear.gather [hbm4b:s14+s4], $0x48, $0x38;
	[tilespmem:$0x1C800] =	vst v63  }
0x51: {  	s30 =	rddreg [dreg:$0x1a];
	s6 =	smov.u32 s11;
	s12 =	simm.s32 $0x0  }
0x52: {  	[tilespmem:s31], [sflag:$0x7] =	stream.linear.gather [hbm4b:s30+s4], $0x48, $0x38;
	[tilespmem:$0x1C800] =	vst v63  }
.LBB2_2:
0x53: {  	p0 =	seq.s32 s12, $0x0  }
0x54: {  	s9 =	simm.s32 @!p0 $0x2  }
0x55: {  	_ =	swait.ge @!p0 [sflag:s9], $0x2400  }
0x56: {  	s30 =	simm.s32 @!p0 $0x0;
	[sflag:s9] =	ssyncset.done @!p0 $0x0  }
0x57: {  	s14 =	simm.s32 @!p0 $0x13D00;
	[sflag:s9] =	ssyncadd.s32 @!p0 $0xFFFFDC00;
	s9 =	sadd.s32 @!p0 s1, s17  }
0x58: {  	[tilespmem:s14], [sflag:$0x6] =	stream.linear.gather @!p0 [hbm4b:s9+s30], $0x48, $0x38;
	[tilespmem:$0x1C800] =	vst v63  }
0x59: {  	s9 =	sadd.s32 @!p0 s6, s17;
	s14 =	simm.s32 @!p0 $0x13F00  }
0x5a: {  	[tilespmem:s14], [sflag:$0x6] =	stream.linear.gather @!p0 [hbm4b:s9+s30], $0x48, $0x38;
	[tilespmem:$0x1C800] =	vst v63  }
0x5b: {  	_ =	swait.ge [sflag:s19], $0x48  }
0x5c: {  	[sflag:s19] =	ssyncset.done $0x0  }
0x5d: {  	[sflag:s19] =	ssyncadd.s32 $0xFFFFFFB8  }
0x5e: {  	_ =	swait.ge [sflag:s19], $0x48  }
0x5f: {  	[sflag:s19] =	ssyncset.done $0x0  }
0x60: {  	[sflag:s19] =	ssyncadd.s32 $0xFFFFFFB8  }
0x61: {  	[tilespmem:s21], [sflag:$0x1] =	stream.indirect.gather [hbm4b:s5+s20], $0x80, s0, s20, $0xb8;
	[tilespmem:$0x1C800] =	vst v63  }
0x62: {  	_ =	swait.ge [sflag:s22], $0x2400  }
0x63: {  	[sflag:s22] =	ssyncset.done $0x0  }
0x64: {  	s9 =	simm.s32 @!p0 $0x3;
	[sflag:s22] =	ssyncadd.s32 $0xFFFFDC00  }
0x65: {  	[spmem:s2] =	stream.indirect.scatter.add.f32 [tilespmem:s21], [sflag:$0x2], $0x80, s3, s20, $0xb8;
	[tilespmem:$0x1C800] =	vst v63  }
0x66: {  	_ =	swait.ge @!p0 [sflag:s9], $0x2400  }
0x67: {  	[sflag:s9] =	ssyncset.done @!p0 $0x0  }
0x68: {  	s14 =	simm.s32 @!p0 $0x13D80;
	[sflag:s9] =	ssyncadd.s32 @!p0 $0xFFFFDC00;
	s9 =	sadd.s32 @!p0 s1, s24  }
0x69: {  	[tilespmem:s14], [sflag:$0x7] =	stream.linear.gather @!p0 [hbm4b:s9+s30], $0x48, $0x38;
	[tilespmem:$0x1C800] =	vst v63  }
0x6a: {  	s9 =	sadd.s32 @!p0 s6, s24;
	s14 =	simm.s32 @!p0 $0x13F80  }
0x6b: {  	[tilespmem:s14], [sflag:$0x7] =	stream.linear.gather @!p0 [hbm4b:s9+s30], $0x48, $0x38;
	[tilespmem:$0x1C800] =	vst v63  }
0x6c: {  	_ =	swait.ge [sflag:s23], $0x48  }
0x6d: {  	[sflag:s23] =	ssyncset.done $0x0  }
0x6e: {  	[sflag:s23] =	ssyncadd.s32 $0xFFFFFFB8  }
0x6f: {  	_ =	swait.ge [sflag:s23], $0x48  }
0x70: {  	[sflag:s23] =	ssyncset.done $0x0  }
0x71: {  	[sflag:s23] =	ssyncadd.s32 $0xFFFFFFB8  }
0x72: {  	[tilespmem:s25], [sflag:$0x1] =	stream.indirect.gather [hbm4b:s5+s20], $0x80, s7, s20, $0xb8;
	[tilespmem:$0x1C800] =	vst v63  }
0x73: {  	_ =	swait.ge [sflag:s22], $0x2400  }
0x74: {  	[sflag:s22] =	ssyncset.done $0x0  }
0x75: {  	[sflag:s22] =	ssyncadd.s32 $0xFFFFDC00  }
0x76: {  	[spmem:s2] =	stream.indirect.scatter.add.f32 [tilespmem:s25], [sflag:$0x3], $0x80, s13, s20, $0xb8;
	[tilespmem:$0x1C800] =	vst v63  }
0x77: {  	s14 =	smov.u32 s12;
	_ =	swait.ge [sflag:s26], $0x2400  }
0x78: {  	s14 =	simm.s32 @p0 $0x0;
	s30 =	rddreg [dreg:$0x4]  }
0x79: {  	s9 =	sadd.s32 s14, s30  }
0x7a: {  	[sflag:s26] =	ssyncset.done $0x0;
	s9 =	sshrl.u32 s9, $0x3  }
0x7b: {  	[sflag:s26] =	ssyncadd.s32 $0xFFFFDC00;
	s30 =	sadd.s32 s10, s9  }
0x7c: {  	[tilespmem:s0], [sflag:$0x4] =	stream.linear.gather [hbm4b:s30+s4], $0x48, $0x38;
	[tilespmem:$0x1C800] =	vst v63  }
0x7d: {  	s9 =	sadd.s32 s11, s9  }
0x7e: {  	[tilespmem:s3], [sflag:$0x4] =	stream.linear.gather [hbm4b:s9+s4], $0x48, $0x38;
	[tilespmem:$0x1C800] =	vst v63  }
0x7f: {  	_ =	swait.ge [sflag:s28], $0x48  }
0x80: {  	[sflag:s28] =	ssyncset.done $0x0  }
0x81: {  	[sflag:s28] =	ssyncadd.s32 $0xFFFFFFB8  }
0x82: {  	_ =	swait.ge [sflag:s28], $0x48  }
0x83: {  	[sflag:s28] =	ssyncset.done $0x0  }
0x84: {  	[sflag:s28] =	ssyncadd.s32 $0xFFFFFFB8  }
0x85: {  	[tilespmem:s21], [sflag:$0x1] =	stream.indirect.gather [hbm4b:s5+s20], $0x80, s15, s20, $0xb8;
	[tilespmem:$0x1C800] =	vst v63  }
0x86: {  	_ =	swait.ge [sflag:s22], $0x2400  }
0x87: {  	[sflag:s22] =	ssyncset.done $0x0  }
0x88: {  	[sflag:s22] =	ssyncadd.s32 $0xFFFFDC00  }
0x89: {  	[spmem:s2] =	stream.indirect.scatter.add.f32 [tilespmem:s21], [sflag:$0x2], $0x80, s16, s20, $0xb8;
	[tilespmem:$0x1C800] =	vst v63  }
0x8a: {  	_ =	swait.ge [sflag:s29], $0x2400  }
0x8b: {  	s30 =	rddreg [dreg:$0x5]  }
0x8c: {  	s9 =	sadd.s32 s14, s30  }
0x8d: {  	[sflag:s29] =	ssyncset.done $0x0;
	s9 =	sshrl.u32 s9, $0x3  }
0x8e: {  	[sflag:s29] =	ssyncadd.s32 $0xFFFFDC00;
	s30 =	sadd.s32 s10, s9  }
0x8f: {  	[tilespmem:s7], [sflag:$0x5] =	stream.linear.gather [hbm4b:s30+s4], $0x48, $0x38;
	[tilespmem:$0x1C800] =	vst v63  }
0x90: {  	s9 =	sadd.s32 s11, s9  }
0x91: {  	[tilespmem:s13], [sflag:$0x5] =	stream.linear.gather [hbm4b:s9+s4], $0x48, $0x38;
	[tilespmem:$0x1C800] =	vst v63  }
0x92: {  	_ =	swait.ge [sflag:s8], $0x48  }
0x93: {  	[sflag:s8] =	ssyncset.done $0x0  }
0x94: {  	[sflag:s8] =	ssyncadd.s32 $0xFFFFFFB8  }
0x95: {  	_ =	swait.ge [sflag:s8], $0x48  }
0x96: {  	[sflag:s8] =	ssyncset.done $0x0  }
0x97: {  	[sflag:s8] =	ssyncadd.s32 $0xFFFFFFB8  }
0x98: {  	[tilespmem:s25], [sflag:$0x1] =	stream.indirect.gather [hbm4b:s5+s20], $0x80, s18, s20, $0xb8;
	[tilespmem:$0x1C800] =	vst v63  }
0x99: {  	_ =	swait.ge [sflag:s22], $0x2400  }
0x9a: {  	s12 =	sadd.s32 $0x120, s12;
	s30 =	rddreg [dreg:$0x6]  }
0x9b: {  	p0 =	sne.s32 s30, s12  }
.Ltmp0:
0x9c: {  	_ = 	snop;
	(pc) =	sbr.rel @p0 .LBB2_2-.Ltmp0, $4  }
0x9d: {  	_ = 	snop  }
0x9e: {  	[sflag:s22] =	ssyncset.done $0x0  }
0x9f: {  	s1 =	sadd.s32 $0x24, s1;
	s6 =	sadd.s32 $0x24, s6;
	[sflag:s22] =	ssyncadd.s32 $0xFFFFDC00  }
0xa0: {  	[spmem:s2] =	stream.indirect.scatter.add.f32 [tilespmem:s25], [sflag:$0x3], $0x80, s31, s20, $0xb8;
	[tilespmem:$0x1C800] =	vst v63  }
0xa1: {  	_ =	swait.ge [sflag:s26], $0x2400  }
0xa2: {  	[sflag:s26] =	ssyncset.done $0x0  }
0xa3: {  	[sflag:s26] =	ssyncadd.s32 $0xFFFFDC00  }
0xa4: {  	_ =	swait.ge [sflag:s29], $0x2400  }
0xa5: {  	[sflag:s29] =	ssyncset.done $0x0  }
0xa6: {  	[sflag:s29] =	ssyncadd.s32 $0xFFFFDC00  }
0xa7: {  	_ =	swait.ge [sflag:s19], $0x48  }
0xa8: {  	[sflag:s19] =	ssyncset.done $0x0  }
0xa9: {  	[sflag:s19] =	ssyncadd.s32 $0xFFFFFFB8  }
0xaa: {  	_ =	swait.ge [sflag:s19], $0x48  }
0xab: {  	[sflag:s19] =	ssyncset.done $0x0  }
0xac: {  	[sflag:s19] =	ssyncadd.s32 $0xFFFFFFB8  }
0xad: {  	_ =	swait.ge [sflag:s23], $0x48  }
0xae: {  	[sflag:s23] =	ssyncset.done $0x0  }
0xaf: {  	[sflag:s23] =	ssyncadd.s32 $0xFFFFFFB8  }
0xb0: {  	_ =	swait.ge [sflag:s23], $0x48  }
0xb1: {  	[sflag:s23] =	ssyncset.done $0x0  }
0xb2: {  	[sflag:s23] =	ssyncadd.s32 $0xFFFFFFB8  }
0xb3: {  	[bflag:$0x0] =	sbarrier.arrive $0xFFFF  }
0xb4: {  	s30 =	simm.s32 $0x18800;
	s15 =	simm.s32 $0x8;
	s31 =	rddreg [dreg:$0x8]  }
0xb5: {  	[tilespmem:s30], [sflag:$0x8] =	stream.linear.gather [spmem:s31], $0x4000, $0x38;
	[tilespmem:$0x1C800] =	vst v63  }
0xb6: {  	_ =	swait.ge [sflag:s15], $0x4000  }
0xb7: {  	[sflag:s15] =	ssyncset.done $0x0  }
0xb8: {  	s1 =	rddreg [dreg:$0x11];
	[sflag:s15] =	ssyncadd.s32 $0xFFFFC000  }
0xb9: {  	[hbm4b:s1+s4] =	stream.linear.scatter [tilespmem:s30], [sflag:$0x8], $0x4000, $0x38;
	[tilespmem:$0x1C800] =	vst v63  }
0xba: {  	_ =	swait.ge [sflag:s15], $0x4000  }
0xbb: {  	[sflag:s15] =	ssyncset.done $0x0  }
0xbc: {  	s6 =	rddreg [dreg:$0x9];
	[sflag:s15] =	ssyncadd.s32 $0xFFFFC000  }
0xbd: {  	[tilespmem:s30], [sflag:$0x8] =	stream.linear.gather [spmem:s6], $0x4000, $0x38;
	[tilespmem:$0x1C800] =	vst v63  }
0xbe: {  	_ =	swait.ge [sflag:s15], $0x4000  }
0xbf: {  	[sflag:s15] =	ssyncset.done $0x0  }
0xc0: {  	s9 =	rddreg [dreg:$0x12];
	[sflag:s15] =	ssyncadd.s32 $0xFFFFC000  }
0xc1: {  	[hbm4b:s9+s4] =	stream.linear.scatter [tilespmem:s30], [sflag:$0x8], $0x4000, $0x38;
	[tilespmem:$0x1C800] =	vst v63  }
0xc2: {  	_ =	swait.ge [sflag:s15], $0x4000  }
0xc3: {  	[sflag:s15] =	ssyncset.done $0x0  }
0xc4: {  	s9 =	rddreg [dreg:$0xa];
	[sflag:s15] =	ssyncadd.s32 $0xFFFFC000  }
0xc5: {  	[tilespmem:s30], [sflag:$0x8] =	stream.linear.gather [spmem:s9], $0x4000, $0x38;
	[tilespmem:$0x1C800] =	vst v63  }
0xc6: {  	_ =	swait.ge [sflag:s15], $0x4000  }
0xc7: {  	[sflag:s15] =	ssyncset.done $0x0  }
0xc8: {  	s12 =	rddreg [dreg:$0x13];
	[sflag:s15] =	ssyncadd.s32 $0xFFFFC000  }
0xc9: {  	[hbm4b:s12+s4] =	stream.linear.scatter [tilespmem:s30], [sflag:$0x8], $0x4000, $0x38;
	[tilespmem:$0x1C800] =	vst v63  }
0xca: {  	_ =	swait.ge [sflag:s15], $0x4000  }
0xcb: {  	[sflag:s15] =	ssyncset.done $0x0  }
0xcc: {  	s12 =	rddreg [dreg:$0xb];
	[sflag:s15] =	ssyncadd.s32 $0xFFFFC000  }
0xcd: {  	[tilespmem:s30], [sflag:$0x8] =	stream.linear.gather [spmem:s12], $0x4000, $0x38;
	[tilespmem:$0x1C800] =	vst v63  }
0xce: {  	_ =	swait.ge [sflag:s15], $0x4000  }
0xcf: {  	[sflag:s15] =	ssyncset.done $0x0  }
0xd0: {  	s14 =	rddreg [dreg:$0x14];
	[sflag:s15] =	ssyncadd.s32 $0xFFFFC000  }
0xd1: {  	[hbm4b:s14+s4] =	stream.linear.scatter [tilespmem:s30], [sflag:$0x8], $0x4000, $0x38;
	[tilespmem:$0x1C800] =	vst v63  }
0xd2: {  	_ =	swait.ge [sflag:s15], $0x4000  }
0xd3: {  	[sflag:s15] =	ssyncset.done $0x0  }
0xd4: {  	s14 =	rddreg [dreg:$0xc];
	[sflag:s15] =	ssyncadd.s32 $0xFFFFC000  }
0xd5: {  	[tilespmem:s30], [sflag:$0x8] =	stream.linear.gather [spmem:s14], $0x3C00, $0x38;
	[tilespmem:$0x1C800] =	vst v63  }
0xd6: {  	_ =	swait.ge [sflag:s15], $0x3C00  }
0xd7: {  	[sflag:s15] =	ssyncset.done $0x0  }
0xd8: {  	s16 =	rddreg [dreg:$0x15];
	[sflag:s15] =	ssyncadd.s32 $0xFFFFC400  }
0xd9: {  	[hbm4b:s16+s4] =	stream.linear.scatter [tilespmem:s30], [sflag:$0x8], $0x3C00, $0x38;
	[tilespmem:$0x1C800] =	vst v63  }
0xda: {  	_ =	swait.ge [sflag:s15], $0x3C00  }
0xdb: {  	s16 =	rddreg [dreg:$0x1b]  }
0xdc: {  	s1 =	rddreg [dreg:$0x17];
	s16 =	sadd.s32 $0x1, s16  }
0xdd: {  	p0 =	sne.s32 s16, s1  }
.Ltmp1:
0xde: {  	_ = 	snop;
	(pc) =	sbr.rel @p0 .LBB2_1-.Ltmp1, $3  }
0xdf: {  	_ =	sdelay $0x1  }
0xe0: {  	[sflag:s15] =	ssyncset.done $0x0  }
0xe1: {  	[sflag:s15] =	ssyncadd.s32 $0xFFFFC400  }
0xe2: {  	_ =	sfence.sel $0x180000  }
0xe3: {  	[bflag:$0x0] =	sbarrier.arrive $0xFFFF  }
0xe4: {  	_ =	strace $0x90000047  }
0xe5: {  	s0 =	stileid.u32;
	[bflag:$0x2] =	sbarrier.arrive $0xFFFF  }
0xe6: {  	p0 =	sne.s32 s0, $0x0;
	s0 =	rddreg [dreg:$0x3]  }
0xe7: {  	s0 =	sadd.s32 @!p0 $0x100000, s0  }
0xe8: {  	[sflag:s0] =	ssyncadd.tile.s32 @!p0 $0x1;
	_ =	shalt  }
.Lfunc_end2:
_tile_overlayer_lowered:
.L_overlay_start_2:
0xe9: {  	(tag) =	ssettag $0x2  }
0xea: {  	s0 =	rddreg [dreg:$0x0];
	s2 =	stileid.u32  }
0xeb: {  	s1 =	rddreg [dreg:$0x1];
	p0 =	sne.s32 s2, $0x0  }
0xec: {  	s3 =	rddreg [dreg:$0x2];
	[bflag:$0x3] =	sbarrier.arrive $0xFFFF;
	s2 =	simm.s32 @!p0 $0x1C08  }
0xed: {  	[timem:s3], [sflag:s2] =	dma.local @!p0 [hbm:s0], s1  }
0xee: {  	s0 =	simm.s32 @!p0 $0x8  }
0xef: {  	_ =	swait.ge @!p0 [sflag:s0], s1  }
0xf0: {  	s1 =	ssub.s32 @!p0 $0x0, s1;
	[sflag:s0] =	ssyncset.done @!p0 $0x0  }
0xf1: {  	[sflag:s0] =	ssyncadd.s32 @!p0 s1  }
0xf2: {  	[bflag:$0x3] =	sbarrier.arrive $0xFFFF  }
0xf3: {  	_ =	shalt  }

// kernel: kernel.16.cloned.1.call-start
scs
__scs_entry_jumppad:
0x0: {  	(pc) =	sbr.rel $0x88, $3  }
0x1: {  	(tag) =	ssettag $0x0;
	lr =	simm.s32 $0x1  }
0x2: {  	[smem:$0x3F88] =	sst lr;
	_ =	strace $0xD0000000  }
0x3: {  	_ = 	snop  }
0x4: {  	_ = 	snop  }
0x5: {  	_ = 	snop  }
0x6: {  	_ = 	snop  }
0x7: {  	_ = 	snop  }
__scs_overlays_trampoline_lowered:
0x8: {  	[smem:$0x3F97] =	sst s0  }
0x9: {  	[smem:$0x3F98] =	sst s1  }
0xa: {  	[smem:$0x3F99] =	sst s2  }
0xb: {  	[smem:$0x3F9A] =	sst s3  }
0xc: {  	[smem:$0x3F9B] =	sst s4  }
0xd: {  	[smem:$0x3F9C] =	sst s5  }
0xe: {  	[smem:$0x3F9D] =	sst s6  }
0xf: {  	[smem:$0x3F9E] =	sst s7  }
0x10: {  	[smem:$0x3F9F] =	sst s8  }
0x11: {  	[smem:$0x3FA0] =	sst s9;
	s0 =	simm.s32 @!p0 $0x0  }
0x12: {  	s1 =	sld [smem:$0x3F86];
	s0 =	simm.s32 @p0 $0x1  }
0x13: {  	[smem:$0x3FA1] =	sst s0;
	s0 =	simm.s32 @!p1 $0x0  }
0x14: {  	s2 =	sld [smem:$0x3F85];
	s0 =	simm.s32 @p1 $0x1  }
0x15: {  	[smem:$0x3FA2] =	sst s0;
	s0 =	simm.s32 @!p2 $0x0  }
0x16: {  	s3 =	sld [smem:$0x3FDB];
	s0 =	simm.s32 @p2 $0x1  }
0x17: {  	s4 =	simm.s32 $0x1BF5;
	[smem:$0x3FA4] =	sst s0  }
0x18: {  	s0 =	sld [smem:$0x3F87];
	_ =	swait.ge [sflag:s4], $0x0  }
0x19: {  	s7 =	sld [smem:$0x3F88]  }
0x1a: {  	s8 =	sadd.s32 $0xFFFFE003, lr  }
0x1b: {  	s9 =	sadd.s32 $0xFFFFFEF7, lr;
	s5 =	simm.s32 $0xFFFFFFFF;
	p2 =	slt.u32 s8, $0xFFFFF086  }
0x1c: {  	p1 =	slt.u32 s9, $0xF7A;
	s5 =	simm.s32 @!p2 $0x0  }
0x1d: {  	s5 =	simm.s32 @p1 $0x1;
	p0 =	seq.s32 s7, s2  }
0x1e: {  	s7 =	smul.u32 @!p0 $0xF7A, s2;
	p2 =	seq.s32 @!p0 s5, $0x0  }
0x1f: {  	s9 =	smul.u32 $0xF7A, s1;
	s8 =	simm.s32 @!p0 $0x1BF5;
	p2 =	por !p2, p0  }
0x20: {  	[sflag:s8] =	ssyncset.s32 @!p0 $0xFFFFF086;
	s6 =	sadd.s32 @!p0 s3, s7;
	s7 =	simm.s32 @!p0 $0x108  }
0x21: {  	s3 =	sadd.s32 s3, s9;
	s6 =	sadd.s32 @!p0 $0x88, s6;
	s7 =	simm.s32 @p2 $0x1082  }
0x22: {  	[simem:s7], [sflag:s8] =	dma.local @!p0 [hbm:s6], $0xF7A  }
0x23: {  	s9 =	sor.u32 $0xD0000000, s2;
	s6 =	simm.s32 $0x108;
	_ =	swait.ge @!p0 [sflag:s8], $0x0  }
0x24: {  	s3 =	sadd.s32 $0x88, s3;
	s6 =	simm.s32 @!p1 $0x1082;
	[sflag:s4] =	ssyncset.s32 $0xFFFFF086  }
0x25: {  	[simem:s6], [sflag:s4] =	dma.local [hbm:s3], $0xF7A  }
0x26: {  	[smem:$0x3F88] =	sst s1;
	(tag) =	ssettag s2;
	_ =	strace s9  }
0x27: {  	s1 =	sld [smem:$0x3F98]  }
0x28: {  	s2 =	sld [smem:$0x3F99]  }
0x29: {  	s4 =	sld [smem:$0x3F9B]  }
0x2a: {  	p0 =	seq.s32 s5, $0x0;
	s5 =	sld [smem:$0x3F9C]  }
0x2b: {  	s6 =	sld [smem:$0x3F9D]  }
0x2c: {  	s7 =	sld [smem:$0x3F9E]  }
0x2d: {  	s3 =	simm.s32 $0x108;
	s8 =	sld [smem:$0x3F9F]  }
0x2e: {  	s3 =	simm.s32 @!p0 $0x1082;
	s9 =	sld [smem:$0x3FA0]  }
0x2f: {  	lr =	sadd.s32 s0, s3;
	s0 =	sld [smem:$0x3F97]  }
0x30: {  	s3 =	sld [smem:$0x3F9A]  }
0x31: {  	[smem:$0x3FA3] =	sst s10  }
0x32: {  	s10 =	sld [smem:$0x3FA1];
	_ =	sdelay $0x3  }
0x33: {  	p0 =	seq.s32 s10, $0x1;
	s10 =	sld [smem:$0x3FA3];
	_ =	sdelay $0x3  }
0x34: {  	[smem:$0x3FA3] =	sst s10  }
0x35: {  	s10 =	sld [smem:$0x3FA2];
	_ =	sdelay $0x3  }
0x36: {  	p1 =	seq.s32 s10, $0x1;
	s10 =	sld [smem:$0x3FA3];
	_ =	sdelay $0x3  }
0x37: {  	[smem:$0x3FA3] =	sst s10  }
0x38: {  	s10 =	sld [smem:$0x3FA4]  }
0x39: {  	_ = 	snop;
	(pc) =	sbr.ind lr, $3  }
0x3a: {  	_ = 	snop  }
0x3b: {  	_ = 	snop  }
0x3c: {  	p2 =	seq.s32 s10, $0x1;
	s10 =	sld [smem:$0x3FA3]  }
0x3d: {  	_ =	shalt  }
0x3e: {  	_ =	shalt  }
0x3f: {  	_ =	shalt  }
0x40: {  	_ =	shalt  }
0x41: {  	_ =	shalt  }
0x42: {  	_ =	shalt  }
0x43: {  	_ =	shalt  }
0x44: {  	_ =	shalt  }
0x45: {  	_ =	shalt  }
0x46: {  	_ =	shalt  }
0x47: {  	_ =	shalt  }
0x48: {  	_ =	shalt  }
0x49: {  	_ =	shalt  }
0x4a: {  	_ =	shalt  }
0x4b: {  	_ =	shalt  }
0x4c: {  	_ =	shalt  }
0x4d: {  	_ =	shalt  }
0x4e: {  	_ =	shalt  }
0x4f: {  	_ =	shalt  }
0x50: {  	_ =	shalt  }
0x51: {  	_ =	shalt  }
0x52: {  	_ =	shalt  }
0x53: {  	_ =	shalt  }
0x54: {  	_ =	shalt  }
0x55: {  	_ =	shalt  }
0x56: {  	_ =	shalt  }
0x57: {  	_ =	shalt  }
0x58: {  	_ =	shalt  }
0x59: {  	_ =	shalt  }
0x5a: {  	_ =	shalt  }
0x5b: {  	_ =	shalt  }
0x5c: {  	_ =	shalt  }
0x5d: {  	_ =	shalt  }
0x5e: {  	_ =	shalt  }
0x5f: {  	_ =	shalt  }
0x60: {  	_ =	shalt  }
0x61: {  	_ =	shalt  }
0x62: {  	_ =	shalt  }
0x63: {  	_ =	shalt  }
0x64: {  	_ =	shalt  }
0x65: {  	_ =	shalt  }
0x66: {  	_ =	shalt  }
0x67: {  	_ =	shalt  }
0x68: {  	_ =	shalt  }
0x69: {  	_ =	shalt  }
0x6a: {  	_ =	shalt  }
0x6b: {  	_ =	shalt  }
0x6c: {  	_ =	shalt  }
0x6d: {  	_ =	shalt  }
0x6e: {  	_ =	shalt  }
0x6f: {  	_ =	shalt  }
0x70: {  	_ =	shalt  }
0x71: {  	_ =	shalt  }
0x72: {  	_ =	shalt  }
0x73: {  	_ =	shalt  }
0x74: {  	_ =	shalt  }
0x75: {  	_ =	shalt  }
0x76: {  	_ =	shalt  }
0x77: {  	_ =	shalt  }
0x78: {  	_ =	shalt  }
0x79: {  	_ =	shalt  }
0x7a: {  	_ =	shalt  }
0x7b: {  	_ =	shalt  }
0x7c: {  	_ =	shalt  }
0x7d: {  	_ =	shalt  }
0x7e: {  	_ =	shalt  }
0x7f: {  	_ =	shalt  }
0x80: {  	_ =	shalt  }
0x81: {  	_ =	shalt  }
0x82: {  	_ =	shalt  }
0x83: {  	_ =	shalt  }
0x84: {  	_ =	shalt  }
0x85: {  	_ =	shalt  }
0x86: {  	_ =	shalt  }
0x87: {  	_ =	shalt  }
.Lfunc_end0:
.L_simem_size_0:
called_computation.2_lowered:
.L_overlay_start_0:
0x88: {  	s2 =	sld [smem:$0x3FD9]  }
0x89: {  	s3 =	sld [smem:$0x3FFE];
	_ =	sdelay $0x1  }
0x8a: {  	s1 =	srdreg.scid  }
0x8b: {  	s0 =	sand.u32 $0x1, s1  }
0x8c: {  	s14 =	sshll.u32 s0, $0xA;
	s2 =	sadd.s32 s3, s2  }
0x8d: {  	s2 =	sadd.s32 s2, s14  }
0x8e: {  	[smem:$0x3FAF] =	sst s2  }
0x8f: {  	_ = 	snop  }
0x90: {  	s2 =	sld [smem:$0x3FD0];
	_ =	sdelay $0x2  }
0x91: {  	s15 =	simm.s32 $0xB;
	s4 =	simm.s32 $0x10  }
0x92: {  	[smem:s4], [sflag:s15] =	dma.local [hbm:s2], $0x1  }
0x93: {  	_ =	swait.eq [sflag:s15], $0x1  }
0x94: {  	[sflag:s15] =	ssyncset.done $0x0  }
0x95: {  	[sflag:s15] =	ssyncadd.s32 $0xFFFFFFFF  }
0x96: {  	s16 =	sld [smem:$0x11];
	(tm) =	ssettm $0x1  }
0x97: {  	s17 =	sld [smem:$0x3FFB];
	_ =	sdelay $0x3  }
0x98: {  	_ =	strace s17  }
0x99: {  	s3 =	sld [smem:$0x3FFC];
	_ =	sdelay $0x3  }
0x9a: {  	_ =	strace s3  }
0x9b: {  	s3 =	sld [smem:$0x3FFD];
	_ =	sdelay $0x3  }
0x9c: {  	_ =	strace s3  }
0x9d: {  	_ =	strace $0x8FFFFFFF  }
0x9e: {  	s18 =	sld [smem:$0x3FDB];
	_ =	sdelay $0x1  }
0x9f: {  	s19 =	simm.s32 $_scs_section_size  }
0xa0: {  	s5 =	simm.s32 $_size__tile_overlayer_lowered;
	s6 =	simm.s32 $_tile_overlayer_lowered  }
0xa1: {  	s22 =	simm.s32 $0x1BFF;
	s21 =	sshll.u32 s6, $0x1;
	s3 =	sadd.s32 s19, s18  }
0xa2: {  	s7 =	simm.s32 $0x0;
	s20 =	sshll.u32 s5, $0x1;
	s5 =	sadd.s32 s21, s3  }
0xa3: {  	[timem:s7], [sflag:s22] =	dma.local [hbm:s5], s20  }
0xa4: {  	_ =	swait.ge [sflag:s22], s20  }
0xa5: {  	s4 =	ssub.s32 $0x0, s20;
	[sflag:s22] =	ssyncset.done $0x0  }
0xa6: {  	[sflag:s22] =	ssyncadd.s32 s4;
	_ =	sdelay $0x1  }
0xa7: {  	s23 =	simm.s32 $0x1B8B  }
0xa8: {  	_ =	swait.ge [sflag:s23], $0x1  }
0xa9: {  	[sflag:s23] =	ssyncset.done $0x0  }
0xaa: {  	s25 =	simm.s32 $0x1B8E;
	s24 =	sld [smem:$0x3FFE];
	[sflag:s23] =	ssyncadd.s32 $0xFFFFFFFF  }
0xab: {  	s26 =	simm.s32 $execute0_lowered;
	[smem:$0x3FD2] =	sst s25  }
0xac: {  	s5 =	sshll.u32 s26, $0x1;
	_ =	strace $0x8000004C;
	[dreg:$0x1] =	wrdreg $0xFFFFFFFF  }
0xad: {  	s28 =	simm.s32 $_size_execute0_lowered;
	s3 =	sadd.s32 s3, s5;
	[dreg:$0x0] =	wrdreg $0x0  }
0xae: {  	s5 =	sshll.u32 s28, $0x1;
	[dreg:$0x2] =	wrdreg s3  }
0xaf: {  	[dreg:$0x3] =	wrdreg s5  }
0xb0: {  	[dreg:$0x4] =	wrdreg $0xC0  }
0xb1: {  	_ =	task [dreg:s7], $0x5FFFF  }
0xb2: {  	[dreg:$0x1] =	wrdreg $0xFFFFFFFF  }
0xb3: {  	[dreg:$0x0] =	wrdreg $0x60  }
0xb4: {  	[dreg:$0x2] =	wrdreg s24  }
0xb5: {  	[dreg:$0x3] =	wrdreg s16  }
0xb6: {  	[dreg:$0x4] =	wrdreg $0x0  }
0xb7: {  	[dreg:$0x5] =	wrdreg $0x9  }
0xb8: {  	_ =	task.clear_ibuf [dreg:s7], $0x6FFFF;
	_ =	strace $0x9000004C  }
0xb9: {  	s29 =	simm.s32 $0x9;
	_ =	strace $0x8000004E  }
0xba: {  	_ =	swait.ge [sflag:s29], $0x1  }
0xbb: {  	[sflag:s29] =	ssyncadd.s32 $0xFFFFFFFF  }
0xbc: {  	_ =	strace $0x9000004E  }
0xbd: {  	_ =	sfence  }
0xbe: {  	s30 =	sld [smem:$0x0];
	_ =	sdelay $0x2  }
0xbf: {  	s31 =	sshll.u32 s1, $0xD;
	s1 =	sshrl.u32 s1, $0x2  }
0xc0: {  	s3 =	sand.u32 $0x4000, s31;
	s1 =	sadd.s32 s1, s30  }
0xc1: {  	s0 =	sor.u32 s3, s0;
	s1 =	sshll.u32 s1, $0x11  }
0xc2: {  	s0 =	sor.u32 s1, s0  }
0xc3: {  	s0 =	sadd.s32 $0x8F2B, s0  }
0xc4: {  	[sflag:s0] =	ssyncadd.remote.s32 $0x1  }
0xc5: {  	_ =	sfence.sel $0xFFFF  }
0xc6: {  	[dreg:$0x0] =	wrdreg $0xFFFFFFFF;
	(pc) =	sbr.abs _section_cstart, $3  }
0xc7: {  	[dreg:$0x1] =	wrdreg $0xFFFFFFFF  }
0xc8: {  	_ =	task.clear_ibuf [dreg:s7], $0x2FFFF;
	_ =	strace $0x9FFFFFFF  }
0xc9: {  	(tm) =	ssettm $0x7FFFFFFF  }
tec
execute0_lowered:
.L_overlay_start_1:
0x0: {  	(tag) =	ssettag $0x1  }
0x1: {  	s0 =	rddreg [dreg:$0x0]  }
0x2: {  	s10 =	rddreg [dreg:$0x1]  }
0x3: {  	s2 =	rddreg [dreg:$0x2];
	s4 =	simm.s32 $0x0;
	s1 =	srdreg.scid  }
0x4: {  	s14 =	stileid.u32;
	s15 =	simm.s32 $0x3840;
	s30 =	simm.s32 $0x18800  }
0x5: {  	s28 =	simm.s32 $0x6;
	s29 =	simm.s32 $0x3;
	s3 =	smul.u32 $0x4F000, s14  }
0x6: {  	[smem:$0x7FF] =	sst s4;
	s5 =	sadd.s32 $0xE000, s0;
	s7 =	smul.u32 $0x13C00, s14  }
0x7: {  	s1 =	sand.u32 $0x1, s1;
	s11 =	sadd.s32 $0x4200, s0;
	s12 =	smul.u32 $0x1680, s14  }
0x8: {  	s8 =	sadd.s32 $0x35200, s0;
	s0 =	sadd.s32 $0x5CA00, s0;
	s14 =	smul.u32 $0x3840, s14  }
0x9: {  	_ =	strace $0x8000004D;
	s6 =	ssub.s32 $0x2, s1;
	[dreg:$0x7] =	wrdreg s8  }
0xa: {  	p0 =	seq.s32 s1, $0x0;
	s1 =	smul.u32 $0x13C000, s1;
	s24 =	sshrl.u32 s6, $0x1  }
0xb: {  	s3 =	sshrl.u32 s3, $0x2;
	s25 =	sadd.s32 $0x4000, s7;
	s26 =	sadd.s32 $0x8000, s7  }
0xc: {  	s9 =	sadd.s32 $0xC000, s7;
	s13 =	sadd.s32 $0x10000, s7;
	s12 =	sadd.s32 $0x38400, s12  }
0xd: {  	s15 =	simm.s32 @!p0 $0x1680;
	s6 =	ssub.s32 s6, s24;
	s31 =	sadd.s32 s3, s2  }
0xe: {  	s18 =	sadd.s32 s25, s2;
	s19 =	sadd.s32 s26, s2;
	s20 =	sadd.s32 s9, s2  }
0xf: {  	s21 =	sadd.s32 s13, s2;
	s12 =	smov.u32 @p0 s14;
	[dreg:$0x6] =	wrdreg s15  }
0x10: {  	s7 =	sadd.s32 s7, s1;
	s8 =	sadd.s32 s1, s25;
	s3 =	sadd.s32 s1, s26  }
0x11: {  	s9 =	sadd.s32 s1, s9;
	s1 =	sadd.s32 s1, s13;
	s13 =	simm.s32 $0x13E80  }
0x12: {  	s14 =	sshrl.u32 s12, $0x3;
	s16 =	sadd.s32 $0x120, s12;
	[dreg:$0x8] =	wrdreg s31  }
0x13: {  	s17 =	sadd.s32 $0x168, s12;
	s22 =	sadd.s32 $0x48, s12;
	[dreg:$0x4] =	wrdreg s16  }
0x14: {  	s7 =	sshrl.u32 s7, $0x3;
	s16 =	sadd.s32 s10, s14;
	[dreg:$0x5] =	wrdreg s17  }
0x15: {  	s8 =	sshrl.u32 s8, $0x3;
	s23 =	sadd.s32 s11, s14;
	[dreg:$0xd] =	wrdreg s16  }
0x16: {  	s12 =	sadd.s32 $0xD8, s12;
	s7 =	sadd.s32 s0, s7;
	[dreg:$0xe] =	wrdreg s23  }
0x17: {  	s3 =	sshrl.u32 s3, $0x3;
	s15 =	sadd.s32 s0, s8;
	[dreg:$0x11] =	wrdreg s7  }
0x18: {  	s1 =	sshrl.u32 s1, $0x3;
	s3 =	sadd.s32 s0, s3;
	[dreg:$0x12] =	wrdreg s15  }
0x19: {  	s24 =	sshrl.u32 s22, $0x3;
	s22 =	smax.u32 s6, $0x1;
	[dreg:$0x13] =	wrdreg s3  }
0x1a: {  	s17 =	sadd.s32 $0x12, s14;
	s6 =	smov.u32 s18;
	[dreg:$0x17] =	wrdreg s22  }
0x1b: {  	s14 =	smov.u32 s21;
	s8 =	simm.s32 $0x7;
	[dreg:$0x9] =	wrdreg s6  }
0x1c: {  	s18 =	simm.s32 $0x13D80;
	s25 =	sadd.s32 s10, s24;
	[dreg:$0xc] =	wrdreg s14  }
0x1d: {  	s26 =	sadd.s32 s11, s24;
	s16 =	sshrl.u32 s9, $0x3;
	[dreg:$0xf] =	wrdreg s25  }
0x1e: {  	s9 =	smov.u32 s19;
	s21 =	sadd.s32 s10, s17;
	[dreg:$0x10] =	wrdreg s26  }
0x1f: {  	s24 =	sshrl.u32 s12, $0x3;
	s23 =	sadd.s32 s11, s17;
	[dreg:$0x16] =	wrdreg s21  }
0x20: {  	s12 =	smov.u32 s20;
	s15 =	simm.s32 $0x8;
	[dreg:$0x18] =	wrdreg s23  }
0x21: {  	s3 =	simm.s32 $0x13E00;
	s7 =	simm.s32 $0x13C80;
	[dreg:$0xa] =	wrdreg s9  }
0x22: {  	s20 =	simm.s32 $0x48;
	s19 =	sadd.s32 s0, s16;
	[dreg:$0xb] =	wrdreg s12  }
0x23: {  	s22 =	simm.s32 $0x1;
	s0 =	sadd.s32 s0, s1;
	[dreg:$0x14] =	wrdreg s19  }
0x24: {  	s25 =	sadd.s32 s10, s24;
	s26 =	sadd.s32 s11, s24;
	[dreg:$0x15] =	wrdreg s0  }
0x25: {  	s21 =	simm.s32 $0x14000;
	s23 =	simm.s32 $0x5;
	[dreg:$0x19] =	wrdreg s25  }
0x26: {  	s16 =	simm.s32 $0x0;
	[dreg:$0x1a] =	wrdreg s26;
	s0 =	simm.s32 $0x13C00  }
0x27: {  	s19 =	simm.s32 $0x4;
	s25 =	simm.s32 $0x16400;
	s26 =	simm.s32 $0x2  }
.LBB2_1:
0x28: {  	[dreg:$0x1b] =	wrdreg s16  }
0x29: {  	s1 =	rddreg [dreg:$0x7]  }
0x2a: {  	[tilespmem:s30], [sflag:$0x8] =	stream.linear.gather [hbm4b:s1+s4], $0x4000, $0x38;
	[tilespmem:$0x1C800] =	vst v63  }
0x2b: {  	_ =	swait.ge [sflag:s15], $0x4000  }
0x2c: {  	[sflag:s15] =	ssyncset.done $0x0  }
0x2d: {  	[sflag:s15] =	ssyncadd.s32 $0xFFFFC000  }
0x2e: {  	[spmem:s31] =	stream.linear.scatter [tilespmem:s30], [sflag:$0x8], $0x4000, $0x38;
	[tilespmem:$0x1C800] =	vst v63  }
0x2f: {  	_ =	swait.ge [sflag:s15], $0x4000  }
0x30: {  	[sflag:s15] =	ssyncset.done $0x0  }
0x31: {  	[sflag:s15] =	ssyncadd.s32 $0xFFFFC000  }
0x32: {  	[spmem:s6] =	stream.linear.scatter [tilespmem:s30], [sflag:$0x8], $0x4000, $0x38;
	[tilespmem:$0x1C800] =	vst v63  }
0x33: {  	_ =	swait.ge [sflag:s15], $0x4000  }
0x34: {  	[sflag:s15] =	ssyncset.done $0x0  }
0x35: {  	[sflag:s15] =	ssyncadd.s32 $0xFFFFC000  }
0x36: {  	[spmem:s9] =	stream.linear.scatter [tilespmem:s30], [sflag:$0x8], $0x4000, $0x38;
	[tilespmem:$0x1C800] =	vst v63  }
0x37: {  	_ =	swait.ge [sflag:s15], $0x4000  }
0x38: {  	[sflag:s15] =	ssyncset.done $0x0  }
0x39: {  	[sflag:s15] =	ssyncadd.s32 $0xFFFFC000  }
0x3a: {  	[spmem:s12] =	stream.linear.scatter [tilespmem:s30], [sflag:$0x8], $0x4000, $0x38;
	[tilespmem:$0x1C800] =	vst v63  }
0x3b: {  	_ =	swait.ge [sflag:s15], $0x4000  }
0x3c: {  	[sflag:s15] =	ssyncset.done $0x0  }
0x3d: {  	[sflag:s15] =	ssyncadd.s32 $0xFFFFC000  }
0x3e: {  	[spmem:s14] =	stream.linear.scatter [tilespmem:s30], [sflag:$0x8], $0x3C00, $0x38;
	[tilespmem:$0x1C800] =	vst v63  }
0x3f: {  	_ =	swait.ge [sflag:s15], $0x3C00  }
0x40: {  	[sflag:s15] =	ssyncset.done $0x0  }
0x41: {  	[sflag:s15] =	ssyncadd.s32 $0xFFFFC400  }
0x42: {  	[bflag:$0x0] =	sbarrier.arrive $0xFFFF  }
0x43: {  	s15 =	rddreg [dreg:$0xd]  }
0x44: {  	[tilespmem:s0], [sflag:$0x4] =	stream.linear.gather [hbm4b:s15+s4], $0x48, $0x38;
	[tilespmem:$0x1C800] =	vst v63  }
0x45: {  	s16 =	rddreg [dreg:$0xe]  }
0x46: {  	[tilespmem:s3], [sflag:$0x4] =	stream.linear.gather [hbm4b:s16+s4], $0x48, $0x38;
	[tilespmem:$0x1C800] =	vst v63  }
0x47: {  	s30 =	rddreg [dreg:$0xf]  }
0x48: {  	[tilespmem:s7], [sflag:$0x5] =	stream.linear.gather [hbm4b:s30+s4], $0x48, $0x38;
	[tilespmem:$0x1C800] =	vst v63  }
0x49: {  	s6 =	rddreg [dreg:$0x10]  }
0x4a: {  	[tilespmem:s13], [sflag:$0x5] =	stream.linear.gather [hbm4b:s6+s4], $0x48, $0x38;
	[tilespmem:$0x1C800] =	vst v63  }
0x4b: {  	s9 =	rddreg [dreg:$0x16];
	s15 =	simm.s32 $0x13D00  }
0x4c: {  	[tilespmem:s15], [sflag:$0x6] =	stream.linear.gather [hbm4b:s9+s4], $0x48, $0x38;
	[tilespmem:$0x1C800] =	vst v63  }
0x4d: {  	s12 =	rddreg [dreg:$0x18];
	s16 =	simm.s32 $0x13F00  }
0x4e: {  	[tilespmem:s16], [sflag:$0x6] =	stream.linear.gather [hbm4b:s12+s4], $0x48, $0x38;
	[tilespmem:$0x1C800] =	vst v63  }
0x4f: {  	s1 =	smov.u32 s10;
	s31 =	simm.s32 $0x13F80;
	s14 =	rddreg [dreg:$0x19]  }
0x50: {  	[tilespmem:s18], [sflag:$0x7] =	stream.linear.gather [hbm4b:s14+s4], $0x48, $0x38;
	[tilespmem:$0x1C800] =	vst v63  }
0x51: {  	s30 =	rddreg [dreg:$0x1a];
	s6 =	smov.u32 s11;
	s12 =	simm.s32 $0x0  }
0x52: {  	[tilespmem:s31], [sflag:$0x7] =	stream.linear.gather [hbm4b:s30+s4], $0x48, $0x38;
	[tilespmem:$0x1C800] =	vst v63  }
.LBB2_2:
0x53: {  	p0 =	seq.s32 s12, $0x0  }
0x54: {  	s9 =	simm.s32 @!p0 $0x2  }
0x55: {  	_ =	swait.ge @!p0 [sflag:s9], $0x2400  }
0x56: {  	s30 =	simm.s32 @!p0 $0x0;
	[sflag:s9] =	ssyncset.done @!p0 $0x0  }
0x57: {  	s14 =	simm.s32 @!p0 $0x13D00;
	[sflag:s9] =	ssyncadd.s32 @!p0 $0xFFFFDC00;
	s9 =	sadd.s32 @!p0 s1, s17  }
0x58: {  	[tilespmem:s14], [sflag:$0x6] =	stream.linear.gather @!p0 [hbm4b:s9+s30], $0x48, $0x38;
	[tilespmem:$0x1C800] =	vst v63  }
0x59: {  	s9 =	sadd.s32 @!p0 s6, s17;
	s14 =	simm.s32 @!p0 $0x13F00  }
0x5a: {  	[tilespmem:s14], [sflag:$0x6] =	stream.linear.gather @!p0 [hbm4b:s9+s30], $0x48, $0x38;
	[tilespmem:$0x1C800] =	vst v63  }
0x5b: {  	_ =	swait.ge [sflag:s19], $0x48  }
0x5c: {  	[sflag:s19] =	ssyncset.done $0x0  }
0x5d: {  	[sflag:s19] =	ssyncadd.s32 $0xFFFFFFB8  }
0x5e: {  	_ =	swait.ge [sflag:s19], $0x48  }
0x5f: {  	[sflag:s19] =	ssyncset.done $0x0  }
0x60: {  	[sflag:s19] =	ssyncadd.s32 $0xFFFFFFB8  }
0x61: {  	[tilespmem:s21], [sflag:$0x1] =	stream.indirect.gather [hbm4b:s5+s20], $0x80, s0, s20, $0xb8;
	[tilespmem:$0x1C800] =	vst v63  }
0x62: {  	_ =	swait.ge [sflag:s22], $0x2400  }
0x63: {  	[sflag:s22] =	ssyncset.done $0x0  }
0x64: {  	s9 =	simm.s32 @!p0 $0x3;
	[sflag:s22] =	ssyncadd.s32 $0xFFFFDC00  }
0x65: {  	[spmem:s2] =	stream.indirect.scatter.add.f32 [tilespmem:s21], [sflag:$0x2], $0x80, s3, s20, $0xb8;
	[tilespmem:$0x1C800] =	vst v63  }
0x66: {  	_ =	swait.ge @!p0 [sflag:s9], $0x2400  }
0x67: {  	[sflag:s9] =	ssyncset.done @!p0 $0x0  }
0x68: {  	s14 =	simm.s32 @!p0 $0x13D80;
	[sflag:s9] =	ssyncadd.s32 @!p0 $0xFFFFDC00;
	s9 =	sadd.s32 @!p0 s1, s24  }
0x69: {  	[tilespmem:s14], [sflag:$0x7] =	stream.linear.gather @!p0 [hbm4b:s9+s30], $0x48, $0x38;
	[tilespmem:$0x1C800] =	vst v63  }
0x6a: {  	s9 =	sadd.s32 @!p0 s6, s24;
	s14 =	simm.s32 @!p0 $0x13F80  }
0x6b: {  	[tilespmem:s14], [sflag:$0x7] =	stream.linear.gather @!p0 [hbm4b:s9+s30], $0x48, $0x38;
	[tilespmem:$0x1C800] =	vst v63  }
0x6c: {  	_ =	swait.ge [sflag:s23], $0x48  }
0x6d: {  	[sflag:s23] =	ssyncset.done $0x0  }
0x6e: {  	[sflag:s23] =	ssyncadd.s32 $0xFFFFFFB8  }
0x6f: {  	_ =	swait.ge [sflag:s23], $0x48  }
0x70: {  	[sflag:s23] =	ssyncset.done $0x0  }
0x71: {  	[sflag:s23] =	ssyncadd.s32 $0xFFFFFFB8  }
0x72: {  	[tilespmem:s25], [sflag:$0x1] =	stream.indirect.gather [hbm4b:s5+s20], $0x80, s7, s20, $0xb8;
	[tilespmem:$0x1C800] =	vst v63  }
0x73: {  	_ =	swait.ge [sflag:s22], $0x2400  }
0x74: {  	[sflag:s22] =	ssyncset.done $0x0  }
0x75: {  	[sflag:s22] =	ssyncadd.s32 $0xFFFFDC00  }
0x76: {  	[spmem:s2] =	stream.indirect.scatter.add.f32 [tilespmem:s25], [sflag:$0x3], $0x80, s13, s20, $0xb8;
	[tilespmem:$0x1C800] =	vst v63  }
0x77: {  	s14 =	smov.u32 s12;
	_ =	swait.ge [sflag:s26], $0x2400  }
0x78: {  	s14 =	simm.s32 @p0 $0x0;
	s30 =	rddreg [dreg:$0x4]  }
0x79: {  	s9 =	sadd.s32 s14, s30  }
0x7a: {  	[sflag:s26] =	ssyncset.done $0x0;
	s9 =	sshrl.u32 s9, $0x3  }
0x7b: {  	[sflag:s26] =	ssyncadd.s32 $0xFFFFDC00;
	s30 =	sadd.s32 s10, s9  }
0x7c: {  	[tilespmem:s0], [sflag:$0x4] =	stream.linear.gather [hbm4b:s30+s4], $0x48, $0x38;
	[tilespmem:$0x1C800] =	vst v63  }
0x7d: {  	s9 =	sadd.s32 s11, s9  }
0x7e: {  	[tilespmem:s3], [sflag:$0x4] =	stream.linear.gather [hbm4b:s9+s4], $0x48, $0x38;
	[tilespmem:$0x1C800] =	vst v63  }
0x7f: {  	_ =	swait.ge [sflag:s28], $0x48  }
0x80: {  	[sflag:s28] =	ssyncset.done $0x0  }
0x81: {  	[sflag:s28] =	ssyncadd.s32 $0xFFFFFFB8  }
0x82: {  	_ =	swait.ge [sflag:s28], $0x48  }
0x83: {  	[sflag:s28] =	ssyncset.done $0x0  }
0x84: {  	[sflag:s28] =	ssyncadd.s32 $0xFFFFFFB8  }
0x85: {  	[tilespmem:s21], [sflag:$0x1] =	stream.indirect.gather [hbm4b:s5+s20], $0x80, s15, s20, $0xb8;
	[tilespmem:$0x1C800] =	vst v63  }
0x86: {  	_ =	swait.ge [sflag:s22], $0x2400  }
0x87: {  	[sflag:s22] =	ssyncset.done $0x0  }
0x88: {  	[sflag:s22] =	ssyncadd.s32 $0xFFFFDC00  }
0x89: {  	[spmem:s2] =	stream.indirect.scatter.add.f32 [tilespmem:s21], [sflag:$0x2], $0x80, s16, s20, $0xb8;
	[tilespmem:$0x1C800] =	vst v63  }
0x8a: {  	_ =	swait.ge [sflag:s29], $0x2400  }
0x8b: {  	s30 =	rddreg [dreg:$0x5]  }
0x8c: {  	s9 =	sadd.s32 s14, s30  }
0x8d: {  	[sflag:s29] =	ssyncset.done $0x0;
	s9 =	sshrl.u32 s9, $0x3  }
0x8e: {  	[sflag:s29] =	ssyncadd.s32 $0xFFFFDC00;
	s30 =	sadd.s32 s10, s9  }
0x8f: {  	[tilespmem:s7], [sflag:$0x5] =	stream.linear.gather [hbm4b:s30+s4], $0x48, $0x38;
	[tilespmem:$0x1C800] =	vst v63  }
0x90: {  	s9 =	sadd.s32 s11, s9  }
0x91: {  	[tilespmem:s13], [sflag:$0x5] =	stream.linear.gather [hbm4b:s9+s4], $0x48, $0x38;
	[tilespmem:$0x1C800] =	vst v63  }
0x92: {  	_ =	swait.ge [sflag:s8], $0x48  }
0x93: {  	[sflag:s8] =	ssyncset.done $0x0  }
0x94: {  	[sflag:s8] =	ssyncadd.s32 $0xFFFFFFB8  }
0x95: {  	_ =	swait.ge [sflag:s8], $0x48  }
0x96: {  	[sflag:s8] =	ssyncset.done $0x0  }
0x97: {  	[sflag:s8] =	ssyncadd.s32 $0xFFFFFFB8  }
0x98: {  	[tilespmem:s25], [sflag:$0x1] =	stream.indirect.gather [hbm4b:s5+s20], $0x80, s18, s20, $0xb8;
	[tilespmem:$0x1C800] =	vst v63  }
0x99: {  	_ =	swait.ge [sflag:s22], $0x2400  }
0x9a: {  	s12 =	sadd.s32 $0x120, s12;
	s30 =	rddreg [dreg:$0x6]  }
0x9b: {  	p0 =	sne.s32 s30, s12  }
.Ltmp0:
0x9c: {  	_ = 	snop;
	(pc) =	sbr.rel @p0 .LBB2_2-.Ltmp0, $4  }
0x9d: {  	_ = 	snop  }
0x9e: {  	[sflag:s22] =	ssyncset.done $0x0  }
0x9f: {  	s1 =	sadd.s32 $0x24, s1;
	s6 =	sadd.s32 $0x24, s6;
	[sflag:s22] =	ssyncadd.s32 $0xFFFFDC00  }
0xa0: {  	[spmem:s2] =	stream.indirect.scatter.add.f32 [tilespmem:s25], [sflag:$0x3], $0x80, s31, s20, $0xb8;
	[tilespmem:$0x1C800] =	vst v63  }
0xa1: {  	_ =	swait.ge [sflag:s26], $0x2400  }
0xa2: {  	[sflag:s26] =	ssyncset.done $0x0  }
0xa3: {  	[sflag:s26] =	ssyncadd.s32 $0xFFFFDC00  }
0xa4: {  	_ =	swait.ge [sflag:s29], $0x2400  }
0xa5: {  	[sflag:s29] =	ssyncset.done $0x0  }
0xa6: {  	[sflag:s29] =	ssyncadd.s32 $0xFFFFDC00  }
0xa7: {  	_ =	swait.ge [sflag:s19], $0x48  }
0xa8: {  	[sflag:s19] =	ssyncset.done $0x0  }
0xa9: {  	[sflag:s19] =	ssyncadd.s32 $0xFFFFFFB8  }
0xaa: {  	_ =	swait.ge [sflag:s19], $0x48  }
0xab: {  	[sflag:s19] =	ssyncset.done $0x0  }
0xac: {  	[sflag:s19] =	ssyncadd.s32 $0xFFFFFFB8  }
0xad: {  	_ =	swait.ge [sflag:s23], $0x48  }
0xae: {  	[sflag:s23] =	ssyncset.done $0x0  }
0xaf: {  	[sflag:s23] =	ssyncadd.s32 $0xFFFFFFB8  }
0xb0: {  	_ =	swait.ge [sflag:s23], $0x48  }
0xb1: {  	[sflag:s23] =	ssyncset.done $0x0  }
0xb2: {  	[sflag:s23] =	ssyncadd.s32 $0xFFFFFFB8  }
0xb3: {  	[bflag:$0x0] =	sbarrier.arrive $0xFFFF  }
0xb4: {  	s30 =	simm.s32 $0x18800;
	s15 =	simm.s32 $0x8;
	s31 =	rddreg [dreg:$0x8]  }
0xb5: {  	[tilespmem:s30], [sflag:$0x8] =	stream.linear.gather [spmem:s31], $0x4000, $0x38;
	[tilespmem:$0x1C800] =	vst v63  }
0xb6: {  	_ =	swait.ge [sflag:s15], $0x4000  }
0xb7: {  	[sflag:s15] =	ssyncset.done $0x0  }
0xb8: {  	s1 =	rddreg [dreg:$0x11];
	[sflag:s15] =	ssyncadd.s32 $0xFFFFC000  }
0xb9: {  	[hbm4b:s1+s4] =	stream.linear.scatter [tilespmem:s30], [sflag:$0x8], $0x4000, $0x38;
	[tilespmem:$0x1C800] =	vst v63  }
0xba: {  	_ =	swait.ge [sflag:s15], $0x4000  }
0xbb: {  	[sflag:s15] =	ssyncset.done $0x0  }
0xbc: {  	s6 =	rddreg [dreg:$0x9];
	[sflag:s15] =	ssyncadd.s32 $0xFFFFC000  }
0xbd: {  	[tilespmem:s30], [sflag:$0x8] =	stream.linear.gather [spmem:s6], $0x4000, $0x38;
	[tilespmem:$0x1C800] =	vst v63  }
0xbe: {  	_ =	swait.ge [sflag:s15], $0x4000  }
0xbf: {  	[sflag:s15] =	ssyncset.done $0x0  }
0xc0: {  	s9 =	rddreg [dreg:$0x12];
	[sflag:s15] =	ssyncadd.s32 $0xFFFFC000  }
0xc1: {  	[hbm4b:s9+s4] =	stream.linear.scatter [tilespmem:s30], [sflag:$0x8], $0x4000, $0x38;
	[tilespmem:$0x1C800] =	vst v63  }
0xc2: {  	_ =	swait.ge [sflag:s15], $0x4000  }
0xc3: {  	[sflag:s15] =	ssyncset.done $0x0  }
0xc4: {  	s9 =	rddreg [dreg:$0xa];
	[sflag:s15] =	ssyncadd.s32 $0xFFFFC000  }
0xc5: {  	[tilespmem:s30], [sflag:$0x8] =	stream.linear.gather [spmem:s9], $0x4000, $0x38;
	[tilespmem:$0x1C800] =	vst v63  }
0xc6: {  	_ =	swait.ge [sflag:s15], $0x4000  }
0xc7: {  	[sflag:s15] =	ssyncset.done $0x0  }
0xc8: {  	s12 =	rddreg [dreg:$0x13];
	[sflag:s15] =	ssyncadd.s32 $0xFFFFC000  }
0xc9: {  	[hbm4b:s12+s4] =	stream.linear.scatter [tilespmem:s30], [sflag:$0x8], $0x4000, $0x38;
	[tilespmem:$0x1C800] =	vst v63  }
0xca: {  	_ =	swait.ge [sflag:s15], $0x4000  }
0xcb: {  	[sflag:s15] =	ssyncset.done $0x0  }
0xcc: {  	s12 =	rddreg [dreg:$0xb];
	[sflag:s15] =	ssyncadd.s32 $0xFFFFC000  }
0xcd: {  	[tilespmem:s30], [sflag:$0x8] =	stream.linear.gather [spmem:s12], $0x4000, $0x38;
	[tilespmem:$0x1C800] =	vst v63  }
0xce: {  	_ =	swait.ge [sflag:s15], $0x4000  }
0xcf: {  	[sflag:s15] =	ssyncset.done $0x0  }
0xd0: {  	s14 =	rddreg [dreg:$0x14];
	[sflag:s15] =	ssyncadd.s32 $0xFFFFC000  }
0xd1: {  	[hbm4b:s14+s4] =	stream.linear.scatter [tilespmem:s30], [sflag:$0x8], $0x4000, $0x38;
	[tilespmem:$0x1C800] =	vst v63  }
0xd2: {  	_ =	swait.ge [sflag:s15], $0x4000  }
0xd3: {  	[sflag:s15] =	ssyncset.done $0x0  }
0xd4: {  	s14 =	rddreg [dreg:$0xc];
	[sflag:s15] =	ssyncadd.s32 $0xFFFFC000  }
0xd5: {  	[tilespmem:s30], [sflag:$0x8] =	stream.linear.gather [spmem:s14], $0x3C00, $0x38;
	[tilespmem:$0x1C800] =	vst v63  }
0xd6: {  	_ =	swait.ge [sflag:s15], $0x3C00  }
0xd7: {  	[sflag:s15] =	ssyncset.done $0x0  }
0xd8: {  	s16 =	rddreg [dreg:$0x15];
	[sflag:s15] =	ssyncadd.s32 $0xFFFFC400  }
0xd9: {  	[hbm4b:s16+s4] =	stream.linear.scatter [tilespmem:s30], [sflag:$0x8], $0x3C00, $0x38;
	[tilespmem:$0x1C800] =	vst v63  }
0xda: {  	_ =	swait.ge [sflag:s15], $0x3C00  }
0xdb: {  	s16 =	rddreg [dreg:$0x1b]  }
0xdc: {  	s1 =	rddreg [dreg:$0x17];
	s16 =	sadd.s32 $0x1, s16  }
0xdd: {  	p0 =	sne.s32 s16, s1  }
.Ltmp1:
0xde: {  	_ = 	snop;
	(pc) =	sbr.rel @p0 .LBB2_1-.Ltmp1, $3  }
0xdf: {  	_ =	sdelay $0x1  }
0xe0: {  	[sflag:s15] =	ssyncset.done $0x0  }
0xe1: {  	[sflag:s15] =	ssyncadd.s32 $0xFFFFC400  }
0xe2: {  	_ =	sfence.sel $0x180000  }
0xe3: {  	[bflag:$0x0] =	sbarrier.arrive $0xFFFF  }
0xe4: {  	_ =	strace $0x9000004D  }
0xe5: {  	s0 =	stileid.u32;
	[bflag:$0x2] =	sbarrier.arrive $0xFFFF  }
0xe6: {  	p0 =	sne.s32 s0, $0x0;
	s0 =	rddreg [dreg:$0x3]  }
0xe7: {  	s0 =	sadd.s32 @!p0 $0x100000, s0  }
0xe8: {  	[sflag:s0] =	ssyncadd.tile.s32 @!p0 $0x1;
	_ =	shalt  }
.Lfunc_end2:
_tile_overlayer_lowered:
.L_overlay_start_2:
0xe9: {  	(tag) =	ssettag $0x2  }
0xea: {  	s0 =	rddreg [dreg:$0x0];
	s2 =	stileid.u32  }
0xeb: {  	s1 =	rddreg [dreg:$0x1];
	p0 =	sne.s32 s2, $0x0  }
0xec: {  	s3 =	rddreg [dreg:$0x2];
	[bflag:$0x3] =	sbarrier.arrive $0xFFFF;
	s2 =	simm.s32 @!p0 $0x1C08  }
0xed: {  	[timem:s3], [sflag:s2] =	dma.local @!p0 [hbm:s0], s1  }
0xee: {  	s0 =	simm.s32 @!p0 $0x8  }
0xef: {  	_ =	swait.ge @!p0 [sflag:s0], s1  }
0xf0: {  	s1 =	ssub.s32 @!p0 $0x0, s1;
	[sflag:s0] =	ssyncset.done @!p0 $0x0  }
0xf1: {  	[sflag:s0] =	ssyncadd.s32 @!p0 s1  }
0xf2: {  	[bflag:$0x3] =	sbarrier.arrive $0xFFFF  }
0xf3: {  	_ =	shalt  }

// kernel: kernel.19.cloned.1.call-start
scs
__scs_entry_jumppad:
0x0: {  	(pc) =	sbr.rel $0x88, $3  }
0x1: {  	(tag) =	ssettag $0x0;
	lr =	simm.s32 $0x1  }
0x2: {  	[smem:$0x3F88] =	sst lr;
	_ =	strace $0xD0000000  }
0x3: {  	_ = 	snop  }
0x4: {  	_ = 	snop  }
0x5: {  	_ = 	snop  }
0x6: {  	_ = 	snop  }
0x7: {  	_ = 	snop  }
__scs_overlays_trampoline_lowered:
0x8: {  	[smem:$0x3F97] =	sst s0  }
0x9: {  	[smem:$0x3F98] =	sst s1  }
0xa: {  	[smem:$0x3F99] =	sst s2  }
0xb: {  	[smem:$0x3F9A] =	sst s3  }
0xc: {  	[smem:$0x3F9B] =	sst s4  }
0xd: {  	[smem:$0x3F9C] =	sst s5  }
0xe: {  	[smem:$0x3F9D] =	sst s6  }
0xf: {  	[smem:$0x3F9E] =	sst s7  }
0x10: {  	[smem:$0x3F9F] =	sst s8  }
0x11: {  	[smem:$0x3FA0] =	sst s9;
	s0 =	simm.s32 @!p0 $0x0  }
0x12: {  	s1 =	sld [smem:$0x3F86];
	s0 =	simm.s32 @p0 $0x1  }
0x13: {  	[smem:$0x3FA1] =	sst s0;
	s0 =	simm.s32 @!p1 $0x0  }
0x14: {  	s2 =	sld [smem:$0x3F85];
	s0 =	simm.s32 @p1 $0x1  }
0x15: {  	[smem:$0x3FA2] =	sst s0;
	s0 =	simm.s32 @!p2 $0x0  }
0x16: {  	s3 =	sld [smem:$0x3FDB];
	s0 =	simm.s32 @p2 $0x1  }
0x17: {  	s4 =	simm.s32 $0x1BF5;
	[smem:$0x3FA4] =	sst s0  }
0x18: {  	s0 =	sld [smem:$0x3F87];
	_ =	swait.ge [sflag:s4], $0x0  }
0x19: {  	s7 =	sld [smem:$0x3F88]  }
0x1a: {  	s8 =	sadd.s32 $0xFFFFE003, lr  }
0x1b: {  	s9 =	sadd.s32 $0xFFFFFEF7, lr;
	s5 =	simm.s32 $0xFFFFFFFF;
	p2 =	slt.u32 s8, $0xFFFFF086  }
0x1c: {  	p1 =	slt.u32 s9, $0xF7A;
	s5 =	simm.s32 @!p2 $0x0  }
0x1d: {  	s5 =	simm.s32 @p1 $0x1;
	p0 =	seq.s32 s7, s2  }
0x1e: {  	s7 =	smul.u32 @!p0 $0xF7A, s2;
	p2 =	seq.s32 @!p0 s5, $0x0  }
0x1f: {  	s9 =	smul.u32 $0xF7A, s1;
	s8 =	simm.s32 @!p0 $0x1BF5;
	p2 =	por !p2, p0  }
0x20: {  	[sflag:s8] =	ssyncset.s32 @!p0 $0xFFFFF086;
	s6 =	sadd.s32 @!p0 s3, s7;
	s7 =	simm.s32 @!p0 $0x108  }
0x21: {  	s3 =	sadd.s32 s3, s9;
	s6 =	sadd.s32 @!p0 $0x88, s6;
	s7 =	simm.s32 @p2 $0x1082  }
0x22: {  	[simem:s7], [sflag:s8] =	dma.local @!p0 [hbm:s6], $0xF7A  }
0x23: {  	s9 =	sor.u32 $0xD0000000, s2;
	s6 =	simm.s32 $0x108;
	_ =	swait.ge @!p0 [sflag:s8], $0x0  }
0x24: {  	s3 =	sadd.s32 $0x88, s3;
	s6 =	simm.s32 @!p1 $0x1082;
	[sflag:s4] =	ssyncset.s32 $0xFFFFF086  }
0x25: {  	[simem:s6], [sflag:s4] =	dma.local [hbm:s3], $0xF7A  }
0x26: {  	[smem:$0x3F88] =	sst s1;
	(tag) =	ssettag s2;
	_ =	strace s9  }
0x27: {  	s1 =	sld [smem:$0x3F98]  }
0x28: {  	s2 =	sld [smem:$0x3F99]  }
0x29: {  	s4 =	sld [smem:$0x3F9B]  }
0x2a: {  	p0 =	seq.s32 s5, $0x0;
	s5 =	sld [smem:$0x3F9C]  }
0x2b: {  	s6 =	sld [smem:$0x3F9D]  }
0x2c: {  	s7 =	sld [smem:$0x3F9E]  }
0x2d: {  	s3 =	simm.s32 $0x108;
	s8 =	sld [smem:$0x3F9F]  }
0x2e: {  	s3 =	simm.s32 @!p0 $0x1082;
	s9 =	sld [smem:$0x3FA0]  }
0x2f: {  	lr =	sadd.s32 s0, s3;
	s0 =	sld [smem:$0x3F97]  }
0x30: {  	s3 =	sld [smem:$0x3F9A]  }
0x31: {  	[smem:$0x3FA3] =	sst s10  }
0x32: {  	s10 =	sld [smem:$0x3FA1];
	_ =	sdelay $0x3  }
0x33: {  	p0 =	seq.s32 s10, $0x1;
	s10 =	sld [smem:$0x3FA3];
	_ =	sdelay $0x3  }
0x34: {  	[smem:$0x3FA3] =	sst s10  }
0x35: {  	s10 =	sld [smem:$0x3FA2];
	_ =	sdelay $0x3  }
0x36: {  	p1 =	seq.s32 s10, $0x1;
	s10 =	sld [smem:$0x3FA3];
	_ =	sdelay $0x3  }
0x37: {  	[smem:$0x3FA3] =	sst s10  }
0x38: {  	s10 =	sld [smem:$0x3FA4]  }
0x39: {  	_ = 	snop;
	(pc) =	sbr.ind lr, $3  }
0x3a: {  	_ = 	snop  }
0x3b: {  	_ = 	snop  }
0x3c: {  	p2 =	seq.s32 s10, $0x1;
	s10 =	sld [smem:$0x3FA3]  }
0x3d: {  	_ =	shalt  }
0x3e: {  	_ =	shalt  }
0x3f: {  	_ =	shalt  }
0x40: {  	_ =	shalt  }
0x41: {  	_ =	shalt  }
0x42: {  	_ =	shalt  }
0x43: {  	_ =	shalt  }
0x44: {  	_ =	shalt  }
0x45: {  	_ =	shalt  }
0x46: {  	_ =	shalt  }
0x47: {  	_ =	shalt  }
0x48: {  	_ =	shalt  }
0x49: {  	_ =	shalt  }
0x4a: {  	_ =	shalt  }
0x4b: {  	_ =	shalt  }
0x4c: {  	_ =	shalt  }
0x4d: {  	_ =	shalt  }
0x4e: {  	_ =	shalt  }
0x4f: {  	_ =	shalt  }
0x50: {  	_ =	shalt  }
0x51: {  	_ =	shalt  }
0x52: {  	_ =	shalt  }
0x53: {  	_ =	shalt  }
0x54: {  	_ =	shalt  }
0x55: {  	_ =	shalt  }
0x56: {  	_ =	shalt  }
0x57: {  	_ =	shalt  }
0x58: {  	_ =	shalt  }
0x59: {  	_ =	shalt  }
0x5a: {  	_ =	shalt  }
0x5b: {  	_ =	shalt  }
0x5c: {  	_ =	shalt  }
0x5d: {  	_ =	shalt  }
0x5e: {  	_ =	shalt  }
0x5f: {  	_ =	shalt  }
0x60: {  	_ =	shalt  }
0x61: {  	_ =	shalt  }
0x62: {  	_ =	shalt  }
0x63: {  	_ =	shalt  }
0x64: {  	_ =	shalt  }
0x65: {  	_ =	shalt  }
0x66: {  	_ =	shalt  }
0x67: {  	_ =	shalt  }
0x68: {  	_ =	shalt  }
0x69: {  	_ =	shalt  }
0x6a: {  	_ =	shalt  }
0x6b: {  	_ =	shalt  }
0x6c: {  	_ =	shalt  }
0x6d: {  	_ =	shalt  }
0x6e: {  	_ =	shalt  }
0x6f: {  	_ =	shalt  }
0x70: {  	_ =	shalt  }
0x71: {  	_ =	shalt  }
0x72: {  	_ =	shalt  }
0x73: {  	_ =	shalt  }
0x74: {  	_ =	shalt  }
0x75: {  	_ =	shalt  }
0x76: {  	_ =	shalt  }
0x77: {  	_ =	shalt  }
0x78: {  	_ =	shalt  }
0x79: {  	_ =	shalt  }
0x7a: {  	_ =	shalt  }
0x7b: {  	_ =	shalt  }
0x7c: {  	_ =	shalt  }
0x7d: {  	_ =	shalt  }
0x7e: {  	_ =	shalt  }
0x7f: {  	_ =	shalt  }
0x80: {  	_ =	shalt  }
0x81: {  	_ =	shalt  }
0x82: {  	_ =	shalt  }
0x83: {  	_ =	shalt  }
0x84: {  	_ =	shalt  }
0x85: {  	_ =	shalt  }
0x86: {  	_ =	shalt  }
0x87: {  	_ =	shalt  }
.Lfunc_end0:
.L_simem_size_0:
called_computation.3_lowered:
.L_overlay_start_0:
0x88: {  	s2 =	sld [smem:$0x3FD9]  }
0x89: {  	s3 =	sld [smem:$0x3FFE];
	_ =	sdelay $0x1  }
0x8a: {  	s1 =	srdreg.scid  }
0x8b: {  	s0 =	sand.u32 $0x1, s1  }
0x8c: {  	s14 =	sshll.u32 s0, $0xA;
	s2 =	sadd.s32 s3, s2  }
0x8d: {  	s2 =	sadd.s32 s2, s14  }
0x8e: {  	[smem:$0x3FAF] =	sst s2  }
0x8f: {  	_ = 	snop  }
0x90: {  	s2 =	sld [smem:$0x3FD0];
	_ =	sdelay $0x2  }
0x91: {  	s15 =	simm.s32 $0xB;
	s4 =	simm.s32 $0x10  }
0x92: {  	[smem:s4], [sflag:s15] =	dma.local [hbm:s2], $0x1  }
0x93: {  	_ =	swait.eq [sflag:s15], $0x1  }
0x94: {  	[sflag:s15] =	ssyncset.done $0x0  }
0x95: {  	[sflag:s15] =	ssyncadd.s32 $0xFFFFFFFF  }
0x96: {  	s16 =	sld [smem:$0x11];
	(tm) =	ssettm $0x1  }
0x97: {  	s17 =	sld [smem:$0x3FFB];
	_ =	sdelay $0x3  }
0x98: {  	_ =	strace s17  }
0x99: {  	s3 =	sld [smem:$0x3FFC];
	_ =	sdelay $0x3  }
0x9a: {  	_ =	strace s3  }
0x9b: {  	s3 =	sld [smem:$0x3FFD];
	_ =	sdelay $0x3  }
0x9c: {  	_ =	strace s3  }
0x9d: {  	_ =	strace $0x8FFFFFFF  }
0x9e: {  	s18 =	sld [smem:$0x3FDB];
	_ =	sdelay $0x1  }
0x9f: {  	s19 =	simm.s32 $_scs_section_size  }
0xa0: {  	s5 =	simm.s32 $_size__tile_overlayer_lowered;
	s6 =	simm.s32 $_tile_overlayer_lowered  }
0xa1: {  	s22 =	simm.s32 $0x1BFF;
	s21 =	sshll.u32 s6, $0x1;
	s3 =	sadd.s32 s19, s18  }
0xa2: {  	s7 =	simm.s32 $0x0;
	s20 =	sshll.u32 s5, $0x1;
	s5 =	sadd.s32 s21, s3  }
0xa3: {  	[timem:s7], [sflag:s22] =	dma.local [hbm:s5], s20  }
0xa4: {  	_ =	swait.ge [sflag:s22], s20  }
0xa5: {  	s4 =	ssub.s32 $0x0, s20;
	[sflag:s22] =	ssyncset.done $0x0  }
0xa6: {  	[sflag:s22] =	ssyncadd.s32 s4;
	_ =	sdelay $0x1  }
0xa7: {  	s23 =	simm.s32 $0x1B8B  }
0xa8: {  	_ =	swait.ge [sflag:s23], $0x1  }
0xa9: {  	[sflag:s23] =	ssyncset.done $0x0  }
0xaa: {  	s25 =	simm.s32 $0x1B8E;
	s24 =	sld [smem:$0x3FFE];
	[sflag:s23] =	ssyncadd.s32 $0xFFFFFFFF  }
0xab: {  	s26 =	simm.s32 $execute0_lowered;
	[smem:$0x3FD2] =	sst s25  }
0xac: {  	s5 =	sshll.u32 s26, $0x1;
	_ =	strace $0x8000004F;
	[dreg:$0x1] =	wrdreg $0xFFFFFFFF  }
0xad: {  	s28 =	simm.s32 $_size_execute0_lowered;
	s3 =	sadd.s32 s3, s5;
	[dreg:$0x0] =	wrdreg $0x0  }
0xae: {  	s5 =	sshll.u32 s28, $0x1;
	[dreg:$0x2] =	wrdreg s3  }
0xaf: {  	[dreg:$0x3] =	wrdreg s5  }
0xb0: {  	[dreg:$0x4] =	wrdreg $0xC0  }
0xb1: {  	_ =	task [dreg:s7], $0x5FFFF  }
0xb2: {  	[dreg:$0x1] =	wrdreg $0xFFFFFFFF  }
0xb3: {  	[dreg:$0x0] =	wrdreg $0x60  }
0xb4: {  	[dreg:$0x2] =	wrdreg s24  }
0xb5: {  	[dreg:$0x3] =	wrdreg s16  }
0xb6: {  	[dreg:$0x4] =	wrdreg $0x0  }
0xb7: {  	[dreg:$0x5] =	wrdreg $0x9  }
0xb8: {  	_ =	task.clear_ibuf [dreg:s7], $0x6FFFF;
	_ =	strace $0x9000004F  }
0xb9: {  	s29 =	simm.s32 $0x9;
	_ =	strace $0x80000051  }
0xba: {  	_ =	swait.ge [sflag:s29], $0x1  }
0xbb: {  	[sflag:s29] =	ssyncadd.s32 $0xFFFFFFFF  }
0xbc: {  	_ =	strace $0x90000051  }
0xbd: {  	_ =	sfence  }
0xbe: {  	s30 =	sld [smem:$0x0];
	_ =	sdelay $0x2  }
0xbf: {  	s31 =	sshll.u32 s1, $0xD;
	s1 =	sshrl.u32 s1, $0x2  }
0xc0: {  	s3 =	sand.u32 $0x4000, s31;
	s1 =	sadd.s32 s1, s30  }
0xc1: {  	s0 =	sor.u32 s3, s0;
	s1 =	sshll.u32 s1, $0x11  }
0xc2: {  	s0 =	sor.u32 s1, s0  }
0xc3: {  	s0 =	sadd.s32 $0x8F2B, s0  }
0xc4: {  	[sflag:s0] =	ssyncadd.remote.s32 $0x1  }
0xc5: {  	_ =	sfence.sel $0xFFFF  }
0xc6: {  	[dreg:$0x0] =	wrdreg $0xFFFFFFFF;
	(pc) =	sbr.abs _section_cstart, $3  }
0xc7: {  	[dreg:$0x1] =	wrdreg $0xFFFFFFFF  }
0xc8: {  	_ =	task.clear_ibuf [dreg:s7], $0x2FFFF;
	_ =	strace $0x9FFFFFFF  }
0xc9: {  	(tm) =	ssettm $0x7FFFFFFF  }
tec
execute0_lowered:
.L_overlay_start_1:
0x0: {  	(tag) =	ssettag $0x1  }
0x1: {  	s0 =	rddreg [dreg:$0x0]  }
0x2: {  	s10 =	rddreg [dreg:$0x1]  }
0x3: {  	s2 =	rddreg [dreg:$0x2];
	s4 =	simm.s32 $0x0;
	s1 =	srdreg.scid  }
0x4: {  	s14 =	stileid.u32;
	s15 =	simm.s32 $0x3840;
	s30 =	simm.s32 $0x18800  }
0x5: {  	s28 =	simm.s32 $0x6;
	s29 =	simm.s32 $0x3;
	s3 =	smul.u32 $0x4F000, s14  }
0x6: {  	[smem:$0x7FF] =	sst s4;
	s5 =	sadd.s32 $0xE000, s0;
	s7 =	smul.u32 $0x13C00, s14  }
0x7: {  	s1 =	sand.u32 $0x1, s1;
	s11 =	sadd.s32 $0x4200, s0;
	s12 =	smul.u32 $0x1680, s14  }
0x8: {  	s8 =	sadd.s32 $0x35200, s0;
	s0 =	sadd.s32 $0x5CA00, s0;
	s14 =	smul.u32 $0x3840, s14  }
0x9: {  	_ =	strace $0x80000050;
	s6 =	ssub.s32 $0x2, s1;
	[dreg:$0x7] =	wrdreg s8  }
0xa: {  	p0 =	seq.s32 s1, $0x0;
	s1 =	smul.u32 $0x13C000, s1;
	s24 =	sshrl.u32 s6, $0x1  }
0xb: {  	s3 =	sshrl.u32 s3, $0x2;
	s25 =	sadd.s32 $0x4000, s7;
	s26 =	sadd.s32 $0x8000, s7  }
0xc: {  	s9 =	sadd.s32 $0xC000, s7;
	s13 =	sadd.s32 $0x10000, s7;
	s12 =	sadd.s32 $0x38400, s12  }
0xd: {  	s15 =	simm.s32 @!p0 $0x1680;
	s6 =	ssub.s32 s6, s24;
	s31 =	sadd.s32 s3, s2  }
0xe: {  	s18 =	sadd.s32 s25, s2;
	s19 =	sadd.s32 s26, s2;
	s20 =	sadd.s32 s9, s2  }
0xf: {  	s21 =	sadd.s32 s13, s2;
	s12 =	smov.u32 @p0 s14;
	[dreg:$0x6] =	wrdreg s15  }
0x10: {  	s7 =	sadd.s32 s7, s1;
	s8 =	sadd.s32 s1, s25;
	s3 =	sadd.s32 s1, s26  }
0x11: {  	s9 =	sadd.s32 s1, s9;
	s1 =	sadd.s32 s1, s13;
	s13 =	simm.s32 $0x13E80  }
0x12: {  	s14 =	sshrl.u32 s12, $0x3;
	s16 =	sadd.s32 $0x120, s12;
	[dreg:$0x8] =	wrdreg s31  }
0x13: {  	s17 =	sadd.s32 $0x168, s12;
	s22 =	sadd.s32 $0x48, s12;
	[dreg:$0x4] =	wrdreg s16  }
0x14: {  	s7 =	sshrl.u32 s7, $0x3;
	s16 =	sadd.s32 s10, s14;
	[dreg:$0x5] =	wrdreg s17  }
0x15: {  	s8 =	sshrl.u32 s8, $0x3;
	s23 =	sadd.s32 s11, s14;
	[dreg:$0xd] =	wrdreg s16  }
0x16: {  	s12 =	sadd.s32 $0xD8, s12;
	s7 =	sadd.s32 s0, s7;
	[dreg:$0xe] =	wrdreg s23  }
0x17: {  	s3 =	sshrl.u32 s3, $0x3;
	s15 =	sadd.s32 s0, s8;
	[dreg:$0x11] =	wrdreg s7  }
0x18: {  	s1 =	sshrl.u32 s1, $0x3;
	s3 =	sadd.s32 s0, s3;
	[dreg:$0x12] =	wrdreg s15  }
0x19: {  	s24 =	sshrl.u32 s22, $0x3;
	s22 =	smax.u32 s6, $0x1;
	[dreg:$0x13] =	wrdreg s3  }
0x1a: {  	s17 =	sadd.s32 $0x12, s14;
	s6 =	smov.u32 s18;
	[dreg:$0x17] =	wrdreg s22  }
0x1b: {  	s14 =	smov.u32 s21;
	s8 =	simm.s32 $0x7;
	[dreg:$0x9] =	wrdreg s6  }
0x1c: {  	s18 =	simm.s32 $0x13D80;
	s25 =	sadd.s32 s10, s24;
	[dreg:$0xc] =	wrdreg s14  }
0x1d: {  	s26 =	sadd.s32 s11, s24;
	s16 =	sshrl.u32 s9, $0x3;
	[dreg:$0xf] =	wrdreg s25  }
0x1e: {  	s9 =	smov.u32 s19;
	s21 =	sadd.s32 s10, s17;
	[dreg:$0x10] =	wrdreg s26  }
0x1f: {  	s24 =	sshrl.u32 s12, $0x3;
	s23 =	sadd.s32 s11, s17;
	[dreg:$0x16] =	wrdreg s21  }
0x20: {  	s12 =	smov.u32 s20;
	s15 =	simm.s32 $0x8;
	[dreg:$0x18] =	wrdreg s23  }
0x21: {  	s3 =	simm.s32 $0x13E00;
	s7 =	simm.s32 $0x13C80;
	[dreg:$0xa] =	wrdreg s9  }
0x22: {  	s20 =	simm.s32 $0x48;
	s19 =	sadd.s32 s0, s16;
	[dreg:$0xb] =	wrdreg s12  }
0x23: {  	s22 =	simm.s32 $0x1;
	s0 =	sadd.s32 s0, s1;
	[dreg:$0x14] =	wrdreg s19  }
0x24: {  	s25 =	sadd.s32 s10, s24;
	s26 =	sadd.s32 s11, s24;
	[dreg:$0x15] =	wrdreg s0  }
0x25: {  	s21 =	simm.s32 $0x14000;
	s23 =	simm.s32 $0x5;
	[dreg:$0x19] =	wrdreg s25  }
0x26: {  	s16 =	simm.s32 $0x0;
	[dreg:$0x1a] =	wrdreg s26;
	s0 =	simm.s32 $0x13C00  }
0x27: {  	s19 =	simm.s32 $0x4;
	s25 =	simm.s32 $0x16400;
	s26 =	simm.s32 $0x2  }
.LBB2_1:
0x28: {  	[dreg:$0x1b] =	wrdreg s16  }
0x29: {  	s1 =	rddreg [dreg:$0x7]  }
0x2a: {  	[tilespmem:s30], [sflag:$0x8] =	stream.linear.gather [hbm4b:s1+s4], $0x4000, $0x38;
	[tilespmem:$0x1C800] =	vst v63  }
0x2b: {  	_ =	swait.ge [sflag:s15], $0x4000  }
0x2c: {  	[sflag:s15] =	ssyncset.done $0x0  }
0x2d: {  	[sflag:s15] =	ssyncadd.s32 $0xFFFFC000  }
0x2e: {  	[spmem:s31] =	stream.linear.scatter [tilespmem:s30], [sflag:$0x8], $0x4000, $0x38;
	[tilespmem:$0x1C800] =	vst v63  }
0x2f: {  	_ =	swait.ge [sflag:s15], $0x4000  }
0x30: {  	[sflag:s15] =	ssyncset.done $0x0  }
0x31: {  	[sflag:s15] =	ssyncadd.s32 $0xFFFFC000  }
0x32: {  	[spmem:s6] =	stream.linear.scatter [tilespmem:s30], [sflag:$0x8], $0x4000, $0x38;
	[tilespmem:$0x1C800] =	vst v63  }
0x33: {  	_ =	swait.ge [sflag:s15], $0x4000  }
0x34: {  	[sflag:s15] =	ssyncset.done $0x0  }
0x35: {  	[sflag:s15] =	ssyncadd.s32 $0xFFFFC000  }
0x36: {  	[spmem:s9] =	stream.linear.scatter [tilespmem:s30], [sflag:$0x8], $0x4000, $0x38;
	[tilespmem:$0x1C800] =	vst v63  }
0x37: {  	_ =	swait.ge [sflag:s15], $0x4000  }
0x38: {  	[sflag:s15] =	ssyncset.done $0x0  }
0x39: {  	[sflag:s15] =	ssyncadd.s32 $0xFFFFC000  }
0x3a: {  	[spmem:s12] =	stream.linear.scatter [tilespmem:s30], [sflag:$0x8], $0x4000, $0x38;
	[tilespmem:$0x1C800] =	vst v63  }
0x3b: {  	_ =	swait.ge [sflag:s15], $0x4000  }
0x3c: {  	[sflag:s15] =	ssyncset.done $0x0  }
0x3d: {  	[sflag:s15] =	ssyncadd.s32 $0xFFFFC000  }
0x3e: {  	[spmem:s14] =	stream.linear.scatter [tilespmem:s30], [sflag:$0x8], $0x3C00, $0x38;
	[tilespmem:$0x1C800] =	vst v63  }
0x3f: {  	_ =	swait.ge [sflag:s15], $0x3C00  }
0x40: {  	[sflag:s15] =	ssyncset.done $0x0  }
0x41: {  	[sflag:s15] =	ssyncadd.s32 $0xFFFFC400  }
0x42: {  	[bflag:$0x0] =	sbarrier.arrive $0xFFFF  }
0x43: {  	s15 =	rddreg [dreg:$0xd]  }
0x44: {  	[tilespmem:s0], [sflag:$0x4] =	stream.linear.gather [hbm4b:s15+s4], $0x48, $0x38;
	[tilespmem:$0x1C800] =	vst v63  }
0x45: {  	s16 =	rddreg [dreg:$0xe]  }
0x46: {  	[tilespmem:s3], [sflag:$0x4] =	stream.linear.gather [hbm4b:s16+s4], $0x48, $0x38;
	[tilespmem:$0x1C800] =	vst v63  }
0x47: {  	s30 =	rddreg [dreg:$0xf]  }
0x48: {  	[tilespmem:s7], [sflag:$0x5] =	stream.linear.gather [hbm4b:s30+s4], $0x48, $0x38;
	[tilespmem:$0x1C800] =	vst v63  }
0x49: {  	s6 =	rddreg [dreg:$0x10]  }
0x4a: {  	[tilespmem:s13], [sflag:$0x5] =	stream.linear.gather [hbm4b:s6+s4], $0x48, $0x38;
	[tilespmem:$0x1C800] =	vst v63  }
0x4b: {  	s9 =	rddreg [dreg:$0x16];
	s15 =	simm.s32 $0x13D00  }
0x4c: {  	[tilespmem:s15], [sflag:$0x6] =	stream.linear.gather [hbm4b:s9+s4], $0x48, $0x38;
	[tilespmem:$0x1C800] =	vst v63  }
0x4d: {  	s12 =	rddreg [dreg:$0x18];
	s16 =	simm.s32 $0x13F00  }
0x4e: {  	[tilespmem:s16], [sflag:$0x6] =	stream.linear.gather [hbm4b:s12+s4], $0x48, $0x38;
	[tilespmem:$0x1C800] =	vst v63  }
0x4f: {  	s1 =	smov.u32 s10;
	s31 =	simm.s32 $0x13F80;
	s14 =	rddreg [dreg:$0x19]  }
0x50: {  	[tilespmem:s18], [sflag:$0x7] =	stream.linear.gather [hbm4b:s14+s4], $0x48, $0x38;
	[tilespmem:$0x1C800] =	vst v63  }
0x51: {  	s30 =	rddreg [dreg:$0x1a];
	s6 =	smov.u32 s11;
	s12 =	simm.s32 $0x0  }
0x52: {  	[tilespmem:s31], [sflag:$0x7] =	stream.linear.gather [hbm4b:s30+s4], $0x48, $0x38;
	[tilespmem:$0x1C800] =	vst v63  }
.LBB2_2:
0x53: {  	p0 =	seq.s32 s12, $0x0  }
0x54: {  	s9 =	simm.s32 @!p0 $0x2  }
0x55: {  	_ =	swait.ge @!p0 [sflag:s9], $0x2400  }
0x56: {  	s30 =	simm.s32 @!p0 $0x0;
	[sflag:s9] =	ssyncset.done @!p0 $0x0  }
0x57: {  	s14 =	simm.s32 @!p0 $0x13D00;
	[sflag:s9] =	ssyncadd.s32 @!p0 $0xFFFFDC00;
	s9 =	sadd.s32 @!p0 s1, s17  }
0x58: {  	[tilespmem:s14], [sflag:$0x6] =	stream.linear.gather @!p0 [hbm4b:s9+s30], $0x48, $0x38;
	[tilespmem:$0x1C800] =	vst v63  }
0x59: {  	s9 =	sadd.s32 @!p0 s6, s17;
	s14 =	simm.s32 @!p0 $0x13F00  }
0x5a: {  	[tilespmem:s14], [sflag:$0x6] =	stream.linear.gather @!p0 [hbm4b:s9+s30], $0x48, $0x38;
	[tilespmem:$0x1C800] =	vst v63  }
0x5b: {  	_ =	swait.ge [sflag:s19], $0x48  }
0x5c: {  	[sflag:s19] =	ssyncset.done $0x0  }
0x5d: {  	[sflag:s19] =	ssyncadd.s32 $0xFFFFFFB8  }
0x5e: {  	_ =	swait.ge [sflag:s19], $0x48  }
0x5f: {  	[sflag:s19] =	ssyncset.done $0x0  }
0x60: {  	[sflag:s19] =	ssyncadd.s32 $0xFFFFFFB8  }
0x61: {  	[tilespmem:s21], [sflag:$0x1] =	stream.indirect.gather [hbm4b:s5+s20], $0x80, s0, s20, $0xb8;
	[tilespmem:$0x1C800] =	vst v63  }
0x62: {  	_ =	swait.ge [sflag:s22], $0x2400  }
0x63: {  	[sflag:s22] =	ssyncset.done $0x0  }
0x64: {  	s9 =	simm.s32 @!p0 $0x3;
	[sflag:s22] =	ssyncadd.s32 $0xFFFFDC00  }
0x65: {  	[spmem:s2] =	stream.indirect.scatter.add.f32 [tilespmem:s21], [sflag:$0x2], $0x80, s3, s20, $0xb8;
	[tilespmem:$0x1C800] =	vst v63  }
0x66: {  	_ =	swait.ge @!p0 [sflag:s9], $0x2400  }
0x67: {  	[sflag:s9] =	ssyncset.done @!p0 $0x0  }
0x68: {  	s14 =	simm.s32 @!p0 $0x13D80;
	[sflag:s9] =	ssyncadd.s32 @!p0 $0xFFFFDC00;
	s9 =	sadd.s32 @!p0 s1, s24  }
0x69: {  	[tilespmem:s14], [sflag:$0x7] =	stream.linear.gather @!p0 [hbm4b:s9+s30], $0x48, $0x38;
	[tilespmem:$0x1C800] =	vst v63  }
0x6a: {  	s9 =	sadd.s32 @!p0 s6, s24;
	s14 =	simm.s32 @!p0 $0x13F80  }
0x6b: {  	[tilespmem:s14], [sflag:$0x7] =	stream.linear.gather @!p0 [hbm4b:s9+s30], $0x48, $0x38;
	[tilespmem:$0x1C800] =	vst v63  }
0x6c: {  	_ =	swait.ge [sflag:s23], $0x48  }
0x6d: {  	[sflag:s23] =	ssyncset.done $0x0  }
0x6e: {  	[sflag:s23] =	ssyncadd.s32 $0xFFFFFFB8  }
0x6f: {  	_ =	swait.ge [sflag:s23], $0x48  }
0x70: {  	[sflag:s23] =	ssyncset.done $0x0  }
0x71: {  	[sflag:s23] =	ssyncadd.s32 $0xFFFFFFB8  }
0x72: {  	[tilespmem:s25], [sflag:$0x1] =	stream.indirect.gather [hbm4b:s5+s20], $0x80, s7, s20, $0xb8;
	[tilespmem:$0x1C800] =	vst v63  }
0x73: {  	_ =	swait.ge [sflag:s22], $0x2400  }
0x74: {  	[sflag:s22] =	ssyncset.done $0x0  }
0x75: {  	[sflag:s22] =	ssyncadd.s32 $0xFFFFDC00  }
0x76: {  	[spmem:s2] =	stream.indirect.scatter.add.f32 [tilespmem:s25], [sflag:$0x3], $0x80, s13, s20, $0xb8;
	[tilespmem:$0x1C800] =	vst v63  }
0x77: {  	s14 =	smov.u32 s12;
	_ =	swait.ge [sflag:s26], $0x2400  }
0x78: {  	s14 =	simm.s32 @p0 $0x0;
	s30 =	rddreg [dreg:$0x4]  }
0x79: {  	s9 =	sadd.s32 s14, s30  }
0x7a: {  	[sflag:s26] =	ssyncset.done $0x0;
	s9 =	sshrl.u32 s9, $0x3  }
0x7b: {  	[sflag:s26] =	ssyncadd.s32 $0xFFFFDC00;
	s30 =	sadd.s32 s10, s9  }
0x7c: {  	[tilespmem:s0], [sflag:$0x4] =	stream.linear.gather [hbm4b:s30+s4], $0x48, $0x38;
	[tilespmem:$0x1C800] =	vst v63  }
0x7d: {  	s9 =	sadd.s32 s11, s9  }
0x7e: {  	[tilespmem:s3], [sflag:$0x4] =	stream.linear.gather [hbm4b:s9+s4], $0x48, $0x38;
	[tilespmem:$0x1C800] =	vst v63  }
0x7f: {  	_ =	swait.ge [sflag:s28], $0x48  }
0x80: {  	[sflag:s28] =	ssyncset.done $0x0  }
0x81: {  	[sflag:s28] =	ssyncadd.s32 $0xFFFFFFB8  }
0x82: {  	_ =	swait.ge [sflag:s28], $0x48  }
0x83: {  	[sflag:s28] =	ssyncset.done $0x0  }
0x84: {  	[sflag:s28] =	ssyncadd.s32 $0xFFFFFFB8  }
0x85: {  	[tilespmem:s21], [sflag:$0x1] =	stream.indirect.gather [hbm4b:s5+s20], $0x80, s15, s20, $0xb8;
	[tilespmem:$0x1C800] =	vst v63  }
0x86: {  	_ =	swait.ge [sflag:s22], $0x2400  }
0x87: {  	[sflag:s22] =	ssyncset.done $0x0  }
0x88: {  	[sflag:s22] =	ssyncadd.s32 $0xFFFFDC00  }
0x89: {  	[spmem:s2] =	stream.indirect.scatter.add.f32 [tilespmem:s21], [sflag:$0x2], $0x80, s16, s20, $0xb8;
	[tilespmem:$0x1C800] =	vst v63  }
0x8a: {  	_ =	swait.ge [sflag:s29], $0x2400  }
0x8b: {  	s30 =	rddreg [dreg:$0x5]  }
0x8c: {  	s9 =	sadd.s32 s14, s30  }
0x8d: {  	[sflag:s29] =	ssyncset.done $0x0;
	s9 =	sshrl.u32 s9, $0x3  }
0x8e: {  	[sflag:s29] =	ssyncadd.s32 $0xFFFFDC00;
	s30 =	sadd.s32 s10, s9  }
0x8f: {  	[tilespmem:s7], [sflag:$0x5] =	stream.linear.gather [hbm4b:s30+s4], $0x48, $0x38;
	[tilespmem:$0x1C800] =	vst v63  }
0x90: {  	s9 =	sadd.s32 s11, s9  }
0x91: {  	[tilespmem:s13], [sflag:$0x5] =	stream.linear.gather [hbm4b:s9+s4], $0x48, $0x38;
	[tilespmem:$0x1C800] =	vst v63  }
0x92: {  	_ =	swait.ge [sflag:s8], $0x48  }
0x93: {  	[sflag:s8] =	ssyncset.done $0x0  }
0x94: {  	[sflag:s8] =	ssyncadd.s32 $0xFFFFFFB8  }
0x95: {  	_ =	swait.ge [sflag:s8], $0x48  }
0x96: {  	[sflag:s8] =	ssyncset.done $0x0  }
0x97: {  	[sflag:s8] =	ssyncadd.s32 $0xFFFFFFB8  }
0x98: {  	[tilespmem:s25], [sflag:$0x1] =	stream.indirect.gather [hbm4b:s5+s20], $0x80, s18, s20, $0xb8;
	[tilespmem:$0x1C800] =	vst v63  }
0x99: {  	_ =	swait.ge [sflag:s22], $0x2400  }
0x9a: {  	s12 =	sadd.s32 $0x120, s12;
	s30 =	rddreg [dreg:$0x6]  }
0x9b: {  	p0 =	sne.s32 s30, s12  }
.Ltmp0:
0x9c: {  	_ = 	snop;
	(pc) =	sbr.rel @p0 .LBB2_2-.Ltmp0, $4  }
0x9d: {  	_ = 	snop  }
0x9e: {  	[sflag:s22] =	ssyncset.done $0x0  }
0x9f: {  	s1 =	sadd.s32 $0x24, s1;
	s6 =	sadd.s32 $0x24, s6;
	[sflag:s22] =	ssyncadd.s32 $0xFFFFDC00  }
0xa0: {  	[spmem:s2] =	stream.indirect.scatter.add.f32 [tilespmem:s25], [sflag:$0x3], $0x80, s31, s20, $0xb8;
	[tilespmem:$0x1C800] =	vst v63  }
0xa1: {  	_ =	swait.ge [sflag:s26], $0x2400  }
0xa2: {  	[sflag:s26] =	ssyncset.done $0x0  }
0xa3: {  	[sflag:s26] =	ssyncadd.s32 $0xFFFFDC00  }
0xa4: {  	_ =	swait.ge [sflag:s29], $0x2400  }
0xa5: {  	[sflag:s29] =	ssyncset.done $0x0  }
0xa6: {  	[sflag:s29] =	ssyncadd.s32 $0xFFFFDC00  }
0xa7: {  	_ =	swait.ge [sflag:s19], $0x48  }
0xa8: {  	[sflag:s19] =	ssyncset.done $0x0  }
0xa9: {  	[sflag:s19] =	ssyncadd.s32 $0xFFFFFFB8  }
0xaa: {  	_ =	swait.ge [sflag:s19], $0x48  }
0xab: {  	[sflag:s19] =	ssyncset.done $0x0  }
0xac: {  	[sflag:s19] =	ssyncadd.s32 $0xFFFFFFB8  }
0xad: {  	_ =	swait.ge [sflag:s23], $0x48  }
0xae: {  	[sflag:s23] =	ssyncset.done $0x0  }
0xaf: {  	[sflag:s23] =	ssyncadd.s32 $0xFFFFFFB8  }
0xb0: {  	_ =	swait.ge [sflag:s23], $0x48  }
0xb1: {  	[sflag:s23] =	ssyncset.done $0x0  }
0xb2: {  	[sflag:s23] =	ssyncadd.s32 $0xFFFFFFB8  }
0xb3: {  	[bflag:$0x0] =	sbarrier.arrive $0xFFFF  }
0xb4: {  	s30 =	simm.s32 $0x18800;
	s15 =	simm.s32 $0x8;
	s31 =	rddreg [dreg:$0x8]  }
0xb5: {  	[tilespmem:s30], [sflag:$0x8] =	stream.linear.gather [spmem:s31], $0x4000, $0x38;
	[tilespmem:$0x1C800] =	vst v63  }
0xb6: {  	_ =	swait.ge [sflag:s15], $0x4000  }
0xb7: {  	[sflag:s15] =	ssyncset.done $0x0  }
0xb8: {  	s1 =	rddreg [dreg:$0x11];
	[sflag:s15] =	ssyncadd.s32 $0xFFFFC000  }
0xb9: {  	[hbm4b:s1+s4] =	stream.linear.scatter [tilespmem:s30], [sflag:$0x8], $0x4000, $0x38;
	[tilespmem:$0x1C800] =	vst v63  }
0xba: {  	_ =	swait.ge [sflag:s15], $0x4000  }
0xbb: {  	[sflag:s15] =	ssyncset.done $0x0  }
0xbc: {  	s6 =	rddreg [dreg:$0x9];
	[sflag:s15] =	ssyncadd.s32 $0xFFFFC000  }
0xbd: {  	[tilespmem:s30], [sflag:$0x8] =	stream.linear.gather [spmem:s6], $0x4000, $0x38;
	[tilespmem:$0x1C800] =	vst v63  }
0xbe: {  	_ =	swait.ge [sflag:s15], $0x4000  }
0xbf: {  	[sflag:s15] =	ssyncset.done $0x0  }
0xc0: {  	s9 =	rddreg [dreg:$0x12];
	[sflag:s15] =	ssyncadd.s32 $0xFFFFC000  }
0xc1: {  	[hbm4b:s9+s4] =	stream.linear.scatter [tilespmem:s30], [sflag:$0x8], $0x4000, $0x38;
	[tilespmem:$0x1C800] =	vst v63  }
0xc2: {  	_ =	swait.ge [sflag:s15], $0x4000  }
0xc3: {  	[sflag:s15] =	ssyncset.done $0x0  }
0xc4: {  	s9 =	rddreg [dreg:$0xa];
	[sflag:s15] =	ssyncadd.s32 $0xFFFFC000  }
0xc5: {  	[tilespmem:s30], [sflag:$0x8] =	stream.linear.gather [spmem:s9], $0x4000, $0x38;
	[tilespmem:$0x1C800] =	vst v63  }
0xc6: {  	_ =	swait.ge [sflag:s15], $0x4000  }
0xc7: {  	[sflag:s15] =	ssyncset.done $0x0  }
0xc8: {  	s12 =	rddreg [dreg:$0x13];
	[sflag:s15] =	ssyncadd.s32 $0xFFFFC000  }
0xc9: {  	[hbm4b:s12+s4] =	stream.linear.scatter [tilespmem:s30], [sflag:$0x8], $0x4000, $0x38;
	[tilespmem:$0x1C800] =	vst v63  }
0xca: {  	_ =	swait.ge [sflag:s15], $0x4000  }
0xcb: {  	[sflag:s15] =	ssyncset.done $0x0  }
0xcc: {  	s12 =	rddreg [dreg:$0xb];
	[sflag:s15] =	ssyncadd.s32 $0xFFFFC000  }
0xcd: {  	[tilespmem:s30], [sflag:$0x8] =	stream.linear.gather [spmem:s12], $0x4000, $0x38;
	[tilespmem:$0x1C800] =	vst v63  }
0xce: {  	_ =	swait.ge [sflag:s15], $0x4000  }
0xcf: {  	[sflag:s15] =	ssyncset.done $0x0  }
0xd0: {  	s14 =	rddreg [dreg:$0x14];
	[sflag:s15] =	ssyncadd.s32 $0xFFFFC000  }
0xd1: {  	[hbm4b:s14+s4] =	stream.linear.scatter [tilespmem:s30], [sflag:$0x8], $0x4000, $0x38;
	[tilespmem:$0x1C800] =	vst v63  }
0xd2: {  	_ =	swait.ge [sflag:s15], $0x4000  }
0xd3: {  	[sflag:s15] =	ssyncset.done $0x0  }
0xd4: {  	s14 =	rddreg [dreg:$0xc];
	[sflag:s15] =	ssyncadd.s32 $0xFFFFC000  }
0xd5: {  	[tilespmem:s30], [sflag:$0x8] =	stream.linear.gather [spmem:s14], $0x3C00, $0x38;
	[tilespmem:$0x1C800] =	vst v63  }
0xd6: {  	_ =	swait.ge [sflag:s15], $0x3C00  }
0xd7: {  	[sflag:s15] =	ssyncset.done $0x0  }
0xd8: {  	s16 =	rddreg [dreg:$0x15];
	[sflag:s15] =	ssyncadd.s32 $0xFFFFC400  }
0xd9: {  	[hbm4b:s16+s4] =	stream.linear.scatter [tilespmem:s30], [sflag:$0x8], $0x3C00, $0x38;
	[tilespmem:$0x1C800] =	vst v63  }
0xda: {  	_ =	swait.ge [sflag:s15], $0x3C00  }
0xdb: {  	s16 =	rddreg [dreg:$0x1b]  }
0xdc: {  	s1 =	rddreg [dreg:$0x17];
	s16 =	sadd.s32 $0x1, s16  }
0xdd: {  	p0 =	sne.s32 s16, s1  }
.Ltmp1:
0xde: {  	_ = 	snop;
	(pc) =	sbr.rel @p0 .LBB2_1-.Ltmp1, $3  }
0xdf: {  	_ =	sdelay $0x1  }
0xe0: {  	[sflag:s15] =	ssyncset.done $0x0  }
0xe1: {  	[sflag:s15] =	ssyncadd.s32 $0xFFFFC400  }
0xe2: {  	_ =	sfence.sel $0x180000  }
0xe3: {  	[bflag:$0x0] =	sbarrier.arrive $0xFFFF  }
0xe4: {  	_ =	strace $0x90000050  }
0xe5: {  	s0 =	stileid.u32;
	[bflag:$0x2] =	sbarrier.arrive $0xFFFF  }
0xe6: {  	p0 =	sne.s32 s0, $0x0;
	s0 =	rddreg [dreg:$0x3]  }
0xe7: {  	s0 =	sadd.s32 @!p0 $0x100000, s0  }
0xe8: {  	[sflag:s0] =	ssyncadd.tile.s32 @!p0 $0x1;
	_ =	shalt  }
.Lfunc_end2:
_tile_overlayer_lowered:
.L_overlay_start_2:
0xe9: {  	(tag) =	ssettag $0x2  }
0xea: {  	s0 =	rddreg [dreg:$0x0];
	s2 =	stileid.u32  }
0xeb: {  	s1 =	rddreg [dreg:$0x1];
	p0 =	sne.s32 s2, $0x0  }
0xec: {  	s3 =	rddreg [dreg:$0x2];
	[bflag:$0x3] =	sbarrier.arrive $0xFFFF;
	s2 =	simm.s32 @!p0 $0x1C08  }
0xed: {  	[timem:s3], [sflag:s2] =	dma.local @!p0 [hbm:s0], s1  }
0xee: {  	s0 =	simm.s32 @!p0 $0x8  }
0xef: {  	_ =	swait.ge @!p0 [sflag:s0], s1  }
0xf0: {  	s1 =	ssub.s32 @!p0 $0x0, s1;
	[sflag:s0] =	ssyncset.done @!p0 $0x0  }
0xf1: {  	[sflag:s0] =	ssyncadd.s32 @!p0 s1  }
0xf2: {  	[bflag:$0x3] =	sbarrier.arrive $0xFFFF  }
0xf3: {  	_ =	shalt  }

</sc_bundles>
